<compile_context>
chip_gen: v7x
topology: tpu7x:2x2x1
jax: 0.10.2.dev20260603
libtpu: 0.0.44.dev20260713+nightly
codegen_flags: <defaults>
</compile_context>

<pallas_src>
import functools

import jax
import jax.numpy as jnp
from jax import lax
from jax.experimental import pallas as pl
from jax.experimental.pallas import tpu as pltpu
from jax.experimental.pallas import tpu_sc as plsc

N_NODES = 10000
N_EDGES = 320000
D = 128

NC = 2
NS = 16
CHUNK = 64
NBUF = 4
IDX_BLOCK = 32
TOTAL_CHUNKS = N_EDGES // CHUNK
CHUNKS_PER_TILE = 160
TAIL_CHUNKS = TOTAL_CHUNKS - 31 * CHUNKS_PER_TILE
N_PAD = 10240
STRIPE = N_PAD // NS
ZROWS = 64

_sc_mesh = plsc.VectorSubcoreMesh(
    core_axis_name="c", subcore_axis_name="s", num_cores=NC, num_subcores=NS)


@functools.partial(
    pl.kernel,
    out_type=jax.ShapeDtypeStruct((NC, N_PAD, D), jnp.float32),
    mesh=_sc_mesh,
    scratch_types=[
        pltpu.VMEM((IDX_BLOCK * CHUNK,), jnp.int32),
        pltpu.VMEM((IDX_BLOCK * CHUNK,), jnp.int32),
        pltpu.VMEM((IDX_BLOCK, CHUNK), jnp.int32),
        [pltpu.VMEM((CHUNK, D), jnp.float32)] * NBUF,
        pltpu.VMEM((ZROWS, D), jnp.float32),
        pltpu.VMEM_SHARED((N_PAD, D), jnp.float32),
        [pltpu.SemaphoreType.DMA] * NBUF,
    ],
)
def _sc_segment_sum(x_hbm, edge_hbm, out_hbm,
                    src_v, dst_1, dst_v, rows, zbuf, accum, sems):
    c = lax.axis_index("c")
    s = lax.axis_index("s")
    w = c * NS + s

    with jax.named_scope("zero"):
        def _zero_row(i, carry):
            for cc in range(D // 16):
                zbuf[i, pl.ds(cc * 16, 16)] = jnp.zeros((16,), jnp.float32)
            return carry
        lax.fori_loop(0, ZROWS, _zero_row, 0)
        for t in range(STRIPE // ZROWS):
            pltpu.sync_copy(zbuf, accum.at[pl.ds(s * STRIPE + t * ZROWS, ZROWS)])
        plsc.subcore_barrier()

    def _run_block(chunk0, nchunks):
        n = nchunks * CHUNK
        pltpu.sync_copy(edge_hbm.at[0].at[pl.ds(chunk0 * CHUNK, n)],
                        src_v.at[pl.ds(0, n)])
        pltpu.sync_copy(edge_hbm.at[1].at[pl.ds(chunk0 * CHUNK, n)],
                        dst_1.at[pl.ds(0, n)])
        def _rearr(i, carry):
            for q in range(CHUNK // 16):
                dst_v[i, pl.ds(q * 16, 16)] = dst_1[pl.ds(i * CHUNK + q * 16, 16)]
            return carry
        lax.fori_loop(0, nchunks, _rearr, 0)

        def _gather(j, k):
            idx = src_v.at[pl.ds(j * CHUNK, CHUNK)]
            return pltpu.make_async_copy(x_hbm.at[idx], rows[k], sems[k])

        for k in range(NBUF):
            _gather(k, k).start()

        def _step(t, carry):
            j0 = NBUF * t
            for k in range(NBUF):
                j = j0 + k
                _gather(j, k).wait()
                pltpu.sync_copy(rows[k], accum.at[dst_v.at[j]], add=True)
                _gather(j + NBUF, k).start()
            return carry
        lax.fori_loop(0, nchunks // NBUF - 1, _step, 0)

        for k in range(NBUF):
            j = nchunks - NBUF + k
            _gather(j, k).wait()
            pltpu.sync_copy(rows[k], accum.at[dst_v.at[j]], add=True)

    with jax.named_scope("edges"):
        @pl.when(w < NC * NS - 1)
        def _():
            for bb in range(CHUNKS_PER_TILE // IDX_BLOCK):
                _run_block(w * CHUNKS_PER_TILE + bb * IDX_BLOCK, IDX_BLOCK)

        @pl.when(w == NC * NS - 1)
        def _():
            base = (NC * NS - 1) * CHUNKS_PER_TILE
            _run_block(base, IDX_BLOCK)
            _run_block(base + IDX_BLOCK, TAIL_CHUNKS - IDX_BLOCK)

    with jax.named_scope("readout"):
        plsc.subcore_barrier()
        for t in range(STRIPE // ZROWS):
            off = s * STRIPE + t * ZROWS
            pltpu.sync_copy(accum.at[pl.ds(off, ZROWS)], zbuf)
            pltpu.sync_copy(zbuf, out_hbm.at[c].at[pl.ds(off, ZROWS)])


def _tc_body(p0_ref, p1_ref, w_ref, b_ref, o_ref):
    acc = p0_ref[0] + p1_ref[0]
    h = lax.dot_general(acc, w_ref[...], (((1,), (1,)), ((), ())),
                        preferred_element_type=jnp.float32)
    o_ref[...] = jnp.maximum(h + b_ref[...], 0.0)


_ROWS_BLK = 2000


def _tc_linear(partials, W, b2d):
    return pl.pallas_call(
        _tc_body,
        grid=(N_NODES // _ROWS_BLK,),
        in_specs=[
            pl.BlockSpec((1, _ROWS_BLK, D), lambda i: (0, i, 0)),
            pl.BlockSpec((1, _ROWS_BLK, D), lambda i: (1, i, 0)),
            pl.BlockSpec((D, D), lambda i: (0, 0)),
            pl.BlockSpec((1, D), lambda i: (0, 0)),
        ],
        out_specs=pl.BlockSpec((_ROWS_BLK, D), lambda i: (i, 0)),
        out_shape=jax.ShapeDtypeStruct((N_NODES, D), jnp.float32),
    )(partials, partials, W, b2d)


def kernel(x, edge_index, W, b):
    partials = _sc_segment_sum(x, edge_index)
    return _tc_linear(partials, W, b.reshape(1, D))

# --- scband reference (transcript-rebuilt; emitter-appended) ---
"""Pipeline reference for scband-gcn-26190710571570 (READ-ONLY COPY).

The authoritative reference and input builder live on the scoring server;
editing this copy changes nothing except your own understanding.
"""

import jax, jax.numpy as jnp
import numpy as np

N_NODES = 10000
N_EDGES = 320000
D_IN = 128
D_OUT = 128


def setup_inputs(seed: int = 0) -> dict:
    key = jax.random.key(seed)
    k1, k2, k3, k4 = jax.random.split(key, 4)
    x = jax.random.normal(k1, (N_NODES, D_IN), dtype=jnp.float32)
    edge_index = jax.random.randint(k2, (2, N_EDGES), 0, N_NODES, dtype=jnp.int32)
    # nn.Linear(in_feats, out_feats) parameters
    W = (jax.random.normal(k3, (D_OUT, D_IN), dtype=jnp.float32) * (1.0 / np.sqrt(D_IN)))
    b = (jax.random.uniform(k4, (D_OUT,), dtype=jnp.float32) - 0.5) * (2.0 / np.sqrt(D_IN))
    return {"x": x, "edge_index": edge_index, "W": W, "b": b}


def reference(x, edge_index, W, b):
    # DGL update_all('from_src', 'sum', NodeUpdateModule):
    # 1) message: copy source node features along each edge (gather)
    src = edge_index[0]
    dst = edge_index[1]
    msgs = jnp.take(x, src, axis=0)
    # 2) reduce: sum messages into destination nodes (scatter-add / segment_sum)
    accum = jax.ops.segment_sum(msgs, dst, num_segments=x.shape[0])
    # 3) apply: NodeUpdateModule -> linear + activation
    h = accum @ W.T + b
    h = jax.nn.relu(h)
    return h

if __name__ == "__main__":
    import jax
    _d = setup_inputs()
    print(jax.jit(kernel)(*tuple(_d.values())))

</pallas_src>

<mosaic_0001>
#map = affine_map<(d0, d1) -> (0, 0)>
#map1 = affine_map<(d0, d1) -> (0, 0, 0)>
module attributes {stable_mosaic.version = 14 : i64} {
  func.func @_sc_segment_sum(%arg0: i32, %arg1: i32, %arg2: memref<10000x128xf32, #tpu.memory_space<hbm>>, %arg3: memref<2x320000xi32, #tpu.memory_space<hbm>>, %arg4: memref<2x10240x128xf32, #tpu.memory_space<hbm>>, %arg5: memref<2048xi32, #tpu.memory_space<vmem>>, %arg6: memref<2048xi32, #tpu.memory_space<vmem>>, %arg7: memref<32x64xi32, #tpu.memory_space<vmem>>, %arg8: memref<64x128xf32, #tpu.memory_space<vmem>>, %arg9: memref<64x128xf32, #tpu.memory_space<vmem>>, %arg10: memref<64x128xf32, #tpu.memory_space<vmem>>, %arg11: memref<64x128xf32, #tpu.memory_space<vmem>>, %arg12: memref<64x128xf32, #tpu.memory_space<vmem>>, %arg13: memref<10240x128xf32, #tpu.memory_space<vmem_shared>>, %arg14: memref<!tpu.dma_semaphore, #tpu.memory_space<semaphore_mem>>, %arg15: memref<!tpu.dma_semaphore, #tpu.memory_space<semaphore_mem>>, %arg16: memref<!tpu.dma_semaphore, #tpu.memory_space<semaphore_mem>>, %arg17: memref<!tpu.dma_semaphore, #tpu.memory_space<semaphore_mem>>) attributes {dimension_semantics = [#tpu.dimension_semantics<core_parallel>, #tpu.dimension_semantics<subcore_parallel>], iteration_bounds = array<i64: 2, 16>, scalar_prefetch = 0 : i64, scratch_operands = 13 : i64, tpu.core_type = #tpu.core_type<sc_vector_subcore>, window_params = [{transform_indices = #map}, {transform_indices = #map}, {transform_indices = #map1}]} {
    %mul3A = arith.constant 16 : i32
    %mul3A_0 = arith.muli %arg0, %mul3A : i32
    %add3A = arith.addi %mul3A_0, %arg1 : i32
    "tpu.trace_start"() <{level = 10 : i32, message = "zero"}> : () -> ()
    %scan3A = arith.constant 0 : i32
    %scan3A_1 = arith.constant 0 : i32
    %scan3A_2 = arith.constant 64 : i32
    %scan3A_3 = arith.addi %scan3A_1, %scan3A_2 : i32
    %scan3A_4 = arith.constant 1 : i32
    scf.for %scan3A_93 = %scan3A_1 to %scan3A_3 step %scan3A_4  : i32 {
      %broadcast_in_dim3A = arith.constant 0.000000e+00 : f32
      %broadcast_in_dim3A_94 = vector.broadcast %broadcast_in_dim3A : f32 to vector<16xf32>
      %swap3A = arith.index_cast %scan3A_93 : i32 to index
      %swap3A_95 = arith.constant 0 : index
      %swap3A_96 = tpu.vector_load %arg12[%swap3A, %swap3A_95] {strides = array<i32>} : memref<64x128xf32, #tpu.memory_space<vmem>>, vector<1x16xf32>,
      %swap3A_97 = vector.shape_cast %swap3A_96 : vector<1x16xf32> to vector<16xf32>
      %swap3A_98 = vector.shape_cast %broadcast_in_dim3A_94 : vector<16xf32> to vector<1x16xf32>
      tpu.vector_store %arg12[%swap3A, %swap3A_95], %swap3A_98 {strides = array<i32>} : memref<64x128xf32, #tpu.memory_space<vmem>>, vector<1x16xf32>,
      %broadcast_in_dim3A_99 = arith.constant 0.000000e+00 : f32
      %broadcast_in_dim3A_100 = vector.broadcast %broadcast_in_dim3A_99 : f32 to vector<16xf32>
      %swap3A_101 = arith.index_cast %scan3A_93 : i32 to index
      %swap3A_102 = arith.constant 16 : index
      %swap3A_103 = tpu.vector_load %arg12[%swap3A_101, %swap3A_102] {strides = array<i32>} : memref<64x128xf32, #tpu.memory_space<vmem>>, vector<1x16xf32>,
      %swap3A_104 = vector.shape_cast %swap3A_103 : vector<1x16xf32> to vector<16xf32>
      %swap3A_105 = vector.shape_cast %broadcast_in_dim3A_100 : vector<16xf32> to vector<1x16xf32>
      tpu.vector_store %arg12[%swap3A_101, %swap3A_102], %swap3A_105 {strides = array<i32>} : memref<64x128xf32, #tpu.memory_space<vmem>>, vector<1x16xf32>,
      %broadcast_in_dim3A_106 = arith.constant 0.000000e+00 : f32
      %broadcast_in_dim3A_107 = vector.broadcast %broadcast_in_dim3A_106 : f32 to vector<16xf32>
      %swap3A_108 = arith.index_cast %scan3A_93 : i32 to index
      %swap3A_109 = arith.constant 32 : index
      %swap3A_110 = tpu.vector_load %arg12[%swap3A_108, %swap3A_109] {strides = array<i32>} : memref<64x128xf32, #tpu.memory_space<vmem>>, vector<1x16xf32>,
      %swap3A_111 = vector.shape_cast %swap3A_110 : vector<1x16xf32> to vector<16xf32>
      %swap3A_112 = vector.shape_cast %broadcast_in_dim3A_107 : vector<16xf32> to vector<1x16xf32>
      tpu.vector_store %arg12[%swap3A_108, %swap3A_109], %swap3A_112 {strides = array<i32>} : memref<64x128xf32, #tpu.memory_space<vmem>>, vector<1x16xf32>,
      %broadcast_in_dim3A_113 = arith.constant 0.000000e+00 : f32
      %broadcast_in_dim3A_114 = vector.broadcast %broadcast_in_dim3A_113 : f32 to vector<16xf32>
      %swap3A_115 = arith.index_cast %scan3A_93 : i32 to index
      %swap3A_116 = arith.constant 48 : index
      %swap3A_117 = tpu.vector_load %arg12[%swap3A_115, %swap3A_116] {strides = array<i32>} : memref<64x128xf32, #tpu.memory_space<vmem>>, vector<1x16xf32>,
      %swap3A_118 = vector.shape_cast %swap3A_117 : vector<1x16xf32> to vector<16xf32>
      %swap3A_119 = vector.shape_cast %broadcast_in_dim3A_114 : vector<16xf32> to vector<1x16xf32>
      tpu.vector_store %arg12[%swap3A_115, %swap3A_116], %swap3A_119 {strides = array<i32>} : memref<64x128xf32, #tpu.memory_space<vmem>>, vector<1x16xf32>,
      %broadcast_in_dim3A_120 = arith.constant 0.000000e+00 : f32
      %broadcast_in_dim3A_121 = vector.broadcast %broadcast_in_dim3A_120 : f32 to vector<16xf32>
      %swap3A_122 = arith.index_cast %scan3A_93 : i32 to index
      %swap3A_123 = arith.constant 64 : index
      %swap3A_124 = tpu.vector_load %arg12[%swap3A_122, %swap3A_123] {strides = array<i32>} : memref<64x128xf32, #tpu.memory_space<vmem>>, vector<1x16xf32>,
      %swap3A_125 = vector.shape_cast %swap3A_124 : vector<1x16xf32> to vector<16xf32>
      %swap3A_126 = vector.shape_cast %broadcast_in_dim3A_121 : vector<16xf32> to vector<1x16xf32>
      tpu.vector_store %arg12[%swap3A_122, %swap3A_123], %swap3A_126 {strides = array<i32>} : memref<64x128xf32, #tpu.memory_space<vmem>>, vector<1x16xf32>,
      %broadcast_in_dim3A_127 = arith.constant 0.000000e+00 : f32
      %broadcast_in_dim3A_128 = vector.broadcast %broadcast_in_dim3A_127 : f32 to vector<16xf32>
      %swap3A_129 = arith.index_cast %scan3A_93 : i32 to index
      %swap3A_130 = arith.constant 80 : index
      %swap3A_131 = tpu.vector_load %arg12[%swap3A_129, %swap3A_130] {strides = array<i32>} : memref<64x128xf32, #tpu.memory_space<vmem>>, vector<1x16xf32>,
      %swap3A_132 = vector.shape_cast %swap3A_131 : vector<1x16xf32> to vector<16xf32>
      %swap3A_133 = vector.shape_cast %broadcast_in_dim3A_128 : vector<16xf32> to vector<1x16xf32>
      tpu.vector_store %arg12[%swap3A_129, %swap3A_130], %swap3A_133 {strides = array<i32>} : memref<64x128xf32, #tpu.memory_space<vmem>>, vector<1x16xf32>,
      %broadcast_in_dim3A_134 = arith.constant 0.000000e+00 : f32
      %broadcast_in_dim3A_135 = vector.broadcast %broadcast_in_dim3A_134 : f32 to vector<16xf32>
      %swap3A_136 = arith.index_cast %scan3A_93 : i32 to index
      %swap3A_137 = arith.constant 96 : index
      %swap3A_138 = tpu.vector_load %arg12[%swap3A_136, %swap3A_137] {strides = array<i32>} : memref<64x128xf32, #tpu.memory_space<vmem>>, vector<1x16xf32>,
      %swap3A_139 = vector.shape_cast %swap3A_138 : vector<1x16xf32> to vector<16xf32>
      %swap3A_140 = vector.shape_cast %broadcast_in_dim3A_135 : vector<16xf32> to vector<1x16xf32>
      tpu.vector_store %arg12[%swap3A_136, %swap3A_137], %swap3A_140 {strides = array<i32>} : memref<64x128xf32, #tpu.memory_space<vmem>>, vector<1x16xf32>,
      %broadcast_in_dim3A_141 = arith.constant 0.000000e+00 : f32
      %broadcast_in_dim3A_142 = vector.broadcast %broadcast_in_dim3A_141 : f32 to vector<16xf32>
      %swap3A_143 = arith.index_cast %scan3A_93 : i32 to index
      %swap3A_144 = arith.constant 112 : index
      %swap3A_145 = tpu.vector_load %arg12[%swap3A_143, %swap3A_144] {strides = array<i32>} : memref<64x128xf32, #tpu.memory_space<vmem>>, vector<1x16xf32>,
      %swap3A_146 = vector.shape_cast %swap3A_145 : vector<1x16xf32> to vector<16xf32>
      %swap3A_147 = vector.shape_cast %broadcast_in_dim3A_142 : vector<16xf32> to vector<1x16xf32>
      tpu.vector_store %arg12[%swap3A_143, %swap3A_144], %swap3A_147 {strides = array<i32>} : memref<64x128xf32, #tpu.memory_space<vmem>>, vector<1x16xf32>,
    }
    %scan3A_5 = arith.constant 64 : i32
    %mul3A_6 = arith.constant 640 : i32
    %mul3A_7 = arith.muli %arg1, %mul3A_6 : i32
    %add3A_8 = arith.constant 0 : i32
    %add3A_9 = arith.addi %mul3A_7, %add3A_8 : i32
    "tpu.region"() ({
      %run_scoped3A = tpu.sem_alloc : memref<!tpu.dma_semaphore, #tpu.memory_space<semaphore_mem>>
      %dma_start3A = arith.constant 0 : i32
      %dma_start3A_93 = tpu.memref_slice %arg13[%add3A_9, %dma_start3A] : memref<10240x128xf32, #tpu.memory_space<vmem_shared>> -> memref<64x128xf32, #tpu.memory_space<vmem_shared>>
      %dma_start3A_94 = arith.constant 0 : i32
      %dma_start3A_95 = tpu.memref_slice %arg13[%add3A_9, %dma_start3A_94] : memref<10240x128xf32, #tpu.memory_space<vmem_shared>> -> memref<64x128xf32, #tpu.memory_space<vmem_shared>>
      tpu.enqueue_dma source(%arg12 : memref<64x128xf32, #tpu.memory_space<vmem>>) target(%dma_start3A_95 : memref<64x128xf32, #tpu.memory_space<vmem_shared>>) target_semaphore(%run_scoped3A : memref<!tpu.dma_semaphore, #tpu.memory_space<semaphore_mem>>)
      %dma_wait3A = arith.constant 0 : i32
      %dma_wait3A_96 = tpu.memref_slice %arg13[%add3A_9, %dma_wait3A] : memref<10240x128xf32, #tpu.memory_space<vmem_shared>> -> memref<64x128xf32, #tpu.memory_space<vmem_shared>>
      %dma_wait3A_97 = arith.constant 0 : i32
      %dma_wait3A_98 = tpu.memref_slice %arg13[%add3A_9, %dma_wait3A_97] : memref<10240x128xf32, #tpu.memory_space<vmem_shared>> -> memref<64x128xf32, #tpu.memory_space<vmem_shared>>
      tpu.wait_dma2 semaphore(%run_scoped3A : memref<!tpu.dma_semaphore, #tpu.memory_space<semaphore_mem>>) src(%arg12 : memref<64x128xf32, #tpu.memory_space<vmem>>) dst(%dma_wait3A_98 : memref<64x128xf32, #tpu.memory_space<vmem_shared>>)
      tpu.yield
    }) : () -> ()
    %mul3A_10 = arith.constant 640 : i32
    %mul3A_11 = arith.muli %arg1, %mul3A_10 : i32
    %add3A_12 = arith.constant 64 : i32
    %add3A_13 = arith.addi %mul3A_11, %add3A_12 : i32
    "tpu.region"() ({
      %run_scoped3A = tpu.sem_alloc : memref<!tpu.dma_semaphore, #tpu.memory_space<semaphore_mem>>
      %dma_start3A = arith.constant 0 : i32
      %dma_start3A_93 = tpu.memref_slice %arg13[%add3A_13, %dma_start3A] : memref<10240x128xf32, #tpu.memory_space<vmem_shared>> -> memref<64x128xf32, #tpu.memory_space<vmem_shared>>
      %dma_start3A_94 = arith.constant 0 : i32
      %dma_start3A_95 = tpu.memref_slice %arg13[%add3A_13, %dma_start3A_94] : memref<10240x128xf32, #tpu.memory_space<vmem_shared>> -> memref<64x128xf32, #tpu.memory_space<vmem_shared>>
      tpu.enqueue_dma source(%arg12 : memref<64x128xf32, #tpu.memory_space<vmem>>) target(%dma_start3A_95 : memref<64x128xf32, #tpu.memory_space<vmem_shared>>) target_semaphore(%run_scoped3A : memref<!tpu.dma_semaphore, #tpu.memory_space<semaphore_mem>>)
      %dma_wait3A = arith.constant 0 : i32
      %dma_wait3A_96 = tpu.memref_slice %arg13[%add3A_13, %dma_wait3A] : memref<10240x128xf32, #tpu.memory_space<vmem_shared>> -> memref<64x128xf32, #tpu.memory_space<vmem_shared>>
      %dma_wait3A_97 = arith.constant 0 : i32
      %dma_wait3A_98 = tpu.memref_slice %arg13[%add3A_13, %dma_wait3A_97] : memref<10240x128xf32, #tpu.memory_space<vmem_shared>> -> memref<64x128xf32, #tpu.memory_space<vmem_shared>>
      tpu.wait_dma2 semaphore(%run_scoped3A : memref<!tpu.dma_semaphore, #tpu.memory_space<semaphore_mem>>) src(%arg12 : memref<64x128xf32, #tpu.memory_space<vmem>>) dst(%dma_wait3A_98 : memref<64x128xf32, #tpu.memory_space<vmem_shared>>)
      tpu.yield
    }) : () -> ()
    %mul3A_14 = arith.constant 640 : i32
    %mul3A_15 = arith.muli %arg1, %mul3A_14 : i32
    %add3A_16 = arith.constant 128 : i32
    %add3A_17 = arith.addi %mul3A_15, %add3A_16 : i32
    "tpu.region"() ({
      %run_scoped3A = tpu.sem_alloc : memref<!tpu.dma_semaphore, #tpu.memory_space<semaphore_mem>>
      %dma_start3A = arith.constant 0 : i32
      %dma_start3A_93 = tpu.memref_slice %arg13[%add3A_17, %dma_start3A] : memref<10240x128xf32, #tpu.memory_space<vmem_shared>> -> memref<64x128xf32, #tpu.memory_space<vmem_shared>>
      %dma_start3A_94 = arith.constant 0 : i32
      %dma_start3A_95 = tpu.memref_slice %arg13[%add3A_17, %dma_start3A_94] : memref<10240x128xf32, #tpu.memory_space<vmem_shared>> -> memref<64x128xf32, #tpu.memory_space<vmem_shared>>
      tpu.enqueue_dma source(%arg12 : memref<64x128xf32, #tpu.memory_space<vmem>>) target(%dma_start3A_95 : memref<64x128xf32, #tpu.memory_space<vmem_shared>>) target_semaphore(%run_scoped3A : memref<!tpu.dma_semaphore, #tpu.memory_space<semaphore_mem>>)
      %dma_wait3A = arith.constant 0 : i32
      %dma_wait3A_96 = tpu.memref_slice %arg13[%add3A_17, %dma_wait3A] : memref<10240x128xf32, #tpu.memory_space<vmem_shared>> -> memref<64x128xf32, #tpu.memory_space<vmem_shared>>
      %dma_wait3A_97 = arith.constant 0 : i32
      %dma_wait3A_98 = tpu.memref_slice %arg13[%add3A_17, %dma_wait3A_97] : memref<10240x128xf32, #tpu.memory_space<vmem_shared>> -> memref<64x128xf32, #tpu.memory_space<vmem_shared>>
      tpu.wait_dma2 semaphore(%run_scoped3A : memref<!tpu.dma_semaphore, #tpu.memory_space<semaphore_mem>>) src(%arg12 : memref<64x128xf32, #tpu.memory_space<vmem>>) dst(%dma_wait3A_98 : memref<64x128xf32, #tpu.memory_space<vmem_shared>>)
      tpu.yield
    }) : () -> ()
    %mul3A_18 = arith.constant 640 : i32
    %mul3A_19 = arith.muli %arg1, %mul3A_18 : i32
    %add3A_20 = arith.constant 192 : i32
    %add3A_21 = arith.addi %mul3A_19, %add3A_20 : i32
    "tpu.region"() ({
      %run_scoped3A = tpu.sem_alloc : memref<!tpu.dma_semaphore, #tpu.memory_space<semaphore_mem>>
      %dma_start3A = arith.constant 0 : i32
      %dma_start3A_93 = tpu.memref_slice %arg13[%add3A_21, %dma_start3A] : memref<10240x128xf32, #tpu.memory_space<vmem_shared>> -> memref<64x128xf32, #tpu.memory_space<vmem_shared>>
      %dma_start3A_94 = arith.constant 0 : i32
      %dma_start3A_95 = tpu.memref_slice %arg13[%add3A_21, %dma_start3A_94] : memref<10240x128xf32, #tpu.memory_space<vmem_shared>> -> memref<64x128xf32, #tpu.memory_space<vmem_shared>>
      tpu.enqueue_dma source(%arg12 : memref<64x128xf32, #tpu.memory_space<vmem>>) target(%dma_start3A_95 : memref<64x128xf32, #tpu.memory_space<vmem_shared>>) target_semaphore(%run_scoped3A : memref<!tpu.dma_semaphore, #tpu.memory_space<semaphore_mem>>)
      %dma_wait3A = arith.constant 0 : i32
      %dma_wait3A_96 = tpu.memref_slice %arg13[%add3A_21, %dma_wait3A] : memref<10240x128xf32, #tpu.memory_space<vmem_shared>> -> memref<64x128xf32, #tpu.memory_space<vmem_shared>>
      %dma_wait3A_97 = arith.constant 0 : i32
      %dma_wait3A_98 = tpu.memref_slice %arg13[%add3A_21, %dma_wait3A_97] : memref<10240x128xf32, #tpu.memory_space<vmem_shared>> -> memref<64x128xf32, #tpu.memory_space<vmem_shared>>
      tpu.wait_dma2 semaphore(%run_scoped3A : memref<!tpu.dma_semaphore, #tpu.memory_space<semaphore_mem>>) src(%arg12 : memref<64x128xf32, #tpu.memory_space<vmem>>) dst(%dma_wait3A_98 : memref<64x128xf32, #tpu.memory_space<vmem_shared>>)
      tpu.yield
    }) : () -> ()
    %mul3A_22 = arith.constant 640 : i32
    %mul3A_23 = arith.muli %arg1, %mul3A_22 : i32
    %add3A_24 = arith.constant 256 : i32
    %add3A_25 = arith.addi %mul3A_23, %add3A_24 : i32
    "tpu.region"() ({
      %run_scoped3A = tpu.sem_alloc : memref<!tpu.dma_semaphore, #tpu.memory_space<semaphore_mem>>
      %dma_start3A = arith.constant 0 : i32
      %dma_start3A_93 = tpu.memref_slice %arg13[%add3A_25, %dma_start3A] : memref<10240x128xf32, #tpu.memory_space<vmem_shared>> -> memref<64x128xf32, #tpu.memory_space<vmem_shared>>
      %dma_start3A_94 = arith.constant 0 : i32
      %dma_start3A_95 = tpu.memref_slice %arg13[%add3A_25, %dma_start3A_94] : memref<10240x128xf32, #tpu.memory_space<vmem_shared>> -> memref<64x128xf32, #tpu.memory_space<vmem_shared>>
      tpu.enqueue_dma source(%arg12 : memref<64x128xf32, #tpu.memory_space<vmem>>) target(%dma_start3A_95 : memref<64x128xf32, #tpu.memory_space<vmem_shared>>) target_semaphore(%run_scoped3A : memref<!tpu.dma_semaphore, #tpu.memory_space<semaphore_mem>>)
      %dma_wait3A = arith.constant 0 : i32
      %dma_wait3A_96 = tpu.memref_slice %arg13[%add3A_25, %dma_wait3A] : memref<10240x128xf32, #tpu.memory_space<vmem_shared>> -> memref<64x128xf32, #tpu.memory_space<vmem_shared>>
      %dma_wait3A_97 = arith.constant 0 : i32
      %dma_wait3A_98 = tpu.memref_slice %arg13[%add3A_25, %dma_wait3A_97] : memref<10240x128xf32, #tpu.memory_space<vmem_shared>> -> memref<64x128xf32, #tpu.memory_space<vmem_shared>>
      tpu.wait_dma2 semaphore(%run_scoped3A : memref<!tpu.dma_semaphore, #tpu.memory_space<semaphore_mem>>) src(%arg12 : memref<64x128xf32, #tpu.memory_space<vmem>>) dst(%dma_wait3A_98 : memref<64x128xf32, #tpu.memory_space<vmem_shared>>)
      tpu.yield
    }) : () -> ()
    %mul3A_26 = arith.constant 640 : i32
    %mul3A_27 = arith.muli %arg1, %mul3A_26 : i32
    %add3A_28 = arith.constant 320 : i32
    %add3A_29 = arith.addi %mul3A_27, %add3A_28 : i32
    "tpu.region"() ({
      %run_scoped3A = tpu.sem_alloc : memref<!tpu.dma_semaphore, #tpu.memory_space<semaphore_mem>>
      %dma_start3A = arith.constant 0 : i32
      %dma_start3A_93 = tpu.memref_slice %arg13[%add3A_29, %dma_start3A] : memref<10240x128xf32, #tpu.memory_space<vmem_shared>> -> memref<64x128xf32, #tpu.memory_space<vmem_shared>>
      %dma_start3A_94 = arith.constant 0 : i32
      %dma_start3A_95 = tpu.memref_slice %arg13[%add3A_29, %dma_start3A_94] : memref<10240x128xf32, #tpu.memory_space<vmem_shared>> -> memref<64x128xf32, #tpu.memory_space<vmem_shared>>
      tpu.enqueue_dma source(%arg12 : memref<64x128xf32, #tpu.memory_space<vmem>>) target(%dma_start3A_95 : memref<64x128xf32, #tpu.memory_space<vmem_shared>>) target_semaphore(%run_scoped3A : memref<!tpu.dma_semaphore, #tpu.memory_space<semaphore_mem>>)
      %dma_wait3A = arith.constant 0 : i32
      %dma_wait3A_96 = tpu.memref_slice %arg13[%add3A_29, %dma_wait3A] : memref<10240x128xf32, #tpu.memory_space<vmem_shared>> -> memref<64x128xf32, #tpu.memory_space<vmem_shared>>
      %dma_wait3A_97 = arith.constant 0 : i32
      %dma_wait3A_98 = tpu.memref_slice %arg13[%add3A_29, %dma_wait3A_97] : memref<10240x128xf32, #tpu.memory_space<vmem_shared>> -> memref<64x128xf32, #tpu.memory_space<vmem_shared>>
      tpu.wait_dma2 semaphore(%run_scoped3A : memref<!tpu.dma_semaphore, #tpu.memory_space<semaphore_mem>>) src(%arg12 : memref<64x128xf32, #tpu.memory_space<vmem>>) dst(%dma_wait3A_98 : memref<64x128xf32, #tpu.memory_space<vmem_shared>>)
      tpu.yield
    }) : () -> ()
    %mul3A_30 = arith.constant 640 : i32
    %mul3A_31 = arith.muli %arg1, %mul3A_30 : i32
    %add3A_32 = arith.constant 384 : i32
    %add3A_33 = arith.addi %mul3A_31, %add3A_32 : i32
    "tpu.region"() ({
      %run_scoped3A = tpu.sem_alloc : memref<!tpu.dma_semaphore, #tpu.memory_space<semaphore_mem>>
      %dma_start3A = arith.constant 0 : i32
      %dma_start3A_93 = tpu.memref_slice %arg13[%add3A_33, %dma_start3A] : memref<10240x128xf32, #tpu.memory_space<vmem_shared>> -> memref<64x128xf32, #tpu.memory_space<vmem_shared>>
      %dma_start3A_94 = arith.constant 0 : i32
      %dma_start3A_95 = tpu.memref_slice %arg13[%add3A_33, %dma_start3A_94] : memref<10240x128xf32, #tpu.memory_space<vmem_shared>> -> memref<64x128xf32, #tpu.memory_space<vmem_shared>>
      tpu.enqueue_dma source(%arg12 : memref<64x128xf32, #tpu.memory_space<vmem>>) target(%dma_start3A_95 : memref<64x128xf32, #tpu.memory_space<vmem_shared>>) target_semaphore(%run_scoped3A : memref<!tpu.dma_semaphore, #tpu.memory_space<semaphore_mem>>)
      %dma_wait3A = arith.constant 0 : i32
      %dma_wait3A_96 = tpu.memref_slice %arg13[%add3A_33, %dma_wait3A] : memref<10240x128xf32, #tpu.memory_space<vmem_shared>> -> memref<64x128xf32, #tpu.memory_space<vmem_shared>>
      %dma_wait3A_97 = arith.constant 0 : i32
      %dma_wait3A_98 = tpu.memref_slice %arg13[%add3A_33, %dma_wait3A_97] : memref<10240x128xf32, #tpu.memory_space<vmem_shared>> -> memref<64x128xf32, #tpu.memory_space<vmem_shared>>
      tpu.wait_dma2 semaphore(%run_scoped3A : memref<!tpu.dma_semaphore, #tpu.memory_space<semaphore_mem>>) src(%arg12 : memref<64x128xf32, #tpu.memory_space<vmem>>) dst(%dma_wait3A_98 : memref<64x128xf32, #tpu.memory_space<vmem_shared>>)
      tpu.yield
    }) : () -> ()
    %mul3A_34 = arith.constant 640 : i32
    %mul3A_35 = arith.muli %arg1, %mul3A_34 : i32
    %add3A_36 = arith.constant 448 : i32
    %add3A_37 = arith.addi %mul3A_35, %add3A_36 : i32
    "tpu.region"() ({
      %run_scoped3A = tpu.sem_alloc : memref<!tpu.dma_semaphore, #tpu.memory_space<semaphore_mem>>
      %dma_start3A = arith.constant 0 : i32
      %dma_start3A_93 = tpu.memref_slice %arg13[%add3A_37, %dma_start3A] : memref<10240x128xf32, #tpu.memory_space<vmem_shared>> -> memref<64x128xf32, #tpu.memory_space<vmem_shared>>
      %dma_start3A_94 = arith.constant 0 : i32
      %dma_start3A_95 = tpu.memref_slice %arg13[%add3A_37, %dma_start3A_94] : memref<10240x128xf32, #tpu.memory_space<vmem_shared>> -> memref<64x128xf32, #tpu.memory_space<vmem_shared>>
      tpu.enqueue_dma source(%arg12 : memref<64x128xf32, #tpu.memory_space<vmem>>) target(%dma_start3A_95 : memref<64x128xf32, #tpu.memory_space<vmem_shared>>) target_semaphore(%run_scoped3A : memref<!tpu.dma_semaphore, #tpu.memory_space<semaphore_mem>>)
      %dma_wait3A = arith.constant 0 : i32
      %dma_wait3A_96 = tpu.memref_slice %arg13[%add3A_37, %dma_wait3A] : memref<10240x128xf32, #tpu.memory_space<vmem_shared>> -> memref<64x128xf32, #tpu.memory_space<vmem_shared>>
      %dma_wait3A_97 = arith.constant 0 : i32
      %dma_wait3A_98 = tpu.memref_slice %arg13[%add3A_37, %dma_wait3A_97] : memref<10240x128xf32, #tpu.memory_space<vmem_shared>> -> memref<64x128xf32, #tpu.memory_space<vmem_shared>>
      tpu.wait_dma2 semaphore(%run_scoped3A : memref<!tpu.dma_semaphore, #tpu.memory_space<semaphore_mem>>) src(%arg12 : memref<64x128xf32, #tpu.memory_space<vmem>>) dst(%dma_wait3A_98 : memref<64x128xf32, #tpu.memory_space<vmem_shared>>)
      tpu.yield
    }) : () -> ()
    %mul3A_38 = arith.constant 640 : i32
    %mul3A_39 = arith.muli %arg1, %mul3A_38 : i32
    %add3A_40 = arith.constant 512 : i32
    %add3A_41 = arith.addi %mul3A_39, %add3A_40 : i32
    "tpu.region"() ({
      %run_scoped3A = tpu.sem_alloc : memref<!tpu.dma_semaphore, #tpu.memory_space<semaphore_mem>>
      %dma_start3A = arith.constant 0 : i32
      %dma_start3A_93 = tpu.memref_slice %arg13[%add3A_41, %dma_start3A] : memref<10240x128xf32, #tpu.memory_space<vmem_shared>> -> memref<64x128xf32, #tpu.memory_space<vmem_shared>>
      %dma_start3A_94 = arith.constant 0 : i32
      %dma_start3A_95 = tpu.memref_slice %arg13[%add3A_41, %dma_start3A_94] : memref<10240x128xf32, #tpu.memory_space<vmem_shared>> -> memref<64x128xf32, #tpu.memory_space<vmem_shared>>
      tpu.enqueue_dma source(%arg12 : memref<64x128xf32, #tpu.memory_space<vmem>>) target(%dma_start3A_95 : memref<64x128xf32, #tpu.memory_space<vmem_shared>>) target_semaphore(%run_scoped3A : memref<!tpu.dma_semaphore, #tpu.memory_space<semaphore_mem>>)
      %dma_wait3A = arith.constant 0 : i32
      %dma_wait3A_96 = tpu.memref_slice %arg13[%add3A_41, %dma_wait3A] : memref<10240x128xf32, #tpu.memory_space<vmem_shared>> -> memref<64x128xf32, #tpu.memory_space<vmem_shared>>
      %dma_wait3A_97 = arith.constant 0 : i32
      %dma_wait3A_98 = tpu.memref_slice %arg13[%add3A_41, %dma_wait3A_97] : memref<10240x128xf32, #tpu.memory_space<vmem_shared>> -> memref<64x128xf32, #tpu.memory_space<vmem_shared>>
      tpu.wait_dma2 semaphore(%run_scoped3A : memref<!tpu.dma_semaphore, #tpu.memory_space<semaphore_mem>>) src(%arg12 : memref<64x128xf32, #tpu.memory_space<vmem>>) dst(%dma_wait3A_98 : memref<64x128xf32, #tpu.memory_space<vmem_shared>>)
      tpu.yield
    }) : () -> ()
    %mul3A_42 = arith.constant 640 : i32
    %mul3A_43 = arith.muli %arg1, %mul3A_42 : i32
    %add3A_44 = arith.constant 576 : i32
    %add3A_45 = arith.addi %mul3A_43, %add3A_44 : i32
    "tpu.region"() ({
      %run_scoped3A = tpu.sem_alloc : memref<!tpu.dma_semaphore, #tpu.memory_space<semaphore_mem>>
      %dma_start3A = arith.constant 0 : i32
      %dma_start3A_93 = tpu.memref_slice %arg13[%add3A_45, %dma_start3A] : memref<10240x128xf32, #tpu.memory_space<vmem_shared>> -> memref<64x128xf32, #tpu.memory_space<vmem_shared>>
      %dma_start3A_94 = arith.constant 0 : i32
      %dma_start3A_95 = tpu.memref_slice %arg13[%add3A_45, %dma_start3A_94] : memref<10240x128xf32, #tpu.memory_space<vmem_shared>> -> memref<64x128xf32, #tpu.memory_space<vmem_shared>>
      tpu.enqueue_dma source(%arg12 : memref<64x128xf32, #tpu.memory_space<vmem>>) target(%dma_start3A_95 : memref<64x128xf32, #tpu.memory_space<vmem_shared>>) target_semaphore(%run_scoped3A : memref<!tpu.dma_semaphore, #tpu.memory_space<semaphore_mem>>)
      %dma_wait3A = arith.constant 0 : i32
      %dma_wait3A_96 = tpu.memref_slice %arg13[%add3A_45, %dma_wait3A] : memref<10240x128xf32, #tpu.memory_space<vmem_shared>> -> memref<64x128xf32, #tpu.memory_space<vmem_shared>>
      %dma_wait3A_97 = arith.constant 0 : i32
      %dma_wait3A_98 = tpu.memref_slice %arg13[%add3A_45, %dma_wait3A_97] : memref<10240x128xf32, #tpu.memory_space<vmem_shared>> -> memref<64x128xf32, #tpu.memory_space<vmem_shared>>
      tpu.wait_dma2 semaphore(%run_scoped3A : memref<!tpu.dma_semaphore, #tpu.memory_space<semaphore_mem>>) src(%arg12 : memref<64x128xf32, #tpu.memory_space<vmem>>) dst(%dma_wait3A_98 : memref<64x128xf32, #tpu.memory_space<vmem_shared>>)
      tpu.yield
    }) : () -> ()
    %barrier3A = arith.constant 0 : index
    tpu.barrier barrier_id(%barrier3A)
    %lt3A = arith.constant 31 : i32
    "tpu.trace_stop"() : () -> ()
    "tpu.trace_start"() <{level = 10 : i32, message = "edges"}> : () -> ()
    %lt3A_46 = arith.cmpi slt, %add3A, %lt3A : i32
    %convert_element_type3A = arith.extui %lt3A_46 : i1 to i32
    %cond3A = arith.constant 0 : i32
    %cond3A_47 = arith.cmpi ne, %convert_element_type3A, %cond3A : i32
    scf.if %cond3A_47 {
      %mul3A_93 = arith.constant 160 : i32
      %mul3A_94 = arith.muli %add3A, %mul3A_93 : i32
      %add3A_95 = arith.constant 0 : i32
      %add3A_96 = arith.addi %mul3A_94, %add3A_95 : i32
      %mul3A_97 = arith.constant 64 : i32
      %mul3A_98 = arith.muli %add3A_96, %mul3A_97 : i32
      %run_scoped3A = arith.constant 0 : i32
      "tpu.region"() ({
        %run_scoped3A_420 = tpu.sem_alloc : memref<!tpu.dma_semaphore, #tpu.memory_space<semaphore_mem>>
        %dma_start3A_421 = arith.constant 0 : i32
        %dma_start3A_422 = tpu.memref_slice %arg5[%dma_start3A_421] : memref<2048xi32, #tpu.memory_space<vmem>> -> memref<2048xi32, #tpu.memory_space<vmem>>
        %dma_start3A_423 = arith.constant 0 : i32
        %dma_start3A_424 = tpu.memref_slice %arg3[%run_scoped3A, %dma_start3A_423] : memref<2x320000xi32, #tpu.memory_space<hbm>> -> memref<1x320000xi32, #tpu.memory_space<hbm>>
        %dma_start3A_425 = tpu.memref_squeeze %dma_start3A_424 : memref<1x320000xi32, #tpu.memory_space<hbm>> -> memref<320000xi32, #tpu.memory_space<hbm>>
        %dma_start3A_426 = tpu.memref_slice %dma_start3A_425[%mul3A_98] : memref<320000xi32, #tpu.memory_space<hbm>> -> memref<2048xi32, #tpu.memory_space<hbm>>
        %dma_start3A_427 = arith.constant 0 : i32
        %dma_start3A_428 = tpu.memref_slice %arg5[%dma_start3A_427] : memref<2048xi32, #tpu.memory_space<vmem>> -> memref<2048xi32, #tpu.memory_space<vmem>>
        %dma_start3A_429 = arith.constant 0 : i32
        %dma_start3A_430 = tpu.memref_slice %arg3[%run_scoped3A, %dma_start3A_429] : memref<2x320000xi32, #tpu.memory_space<hbm>> -> memref<1x320000xi32, #tpu.memory_space<hbm>>
        %dma_start3A_431 = tpu.memref_squeeze %dma_start3A_430 : memref<1x320000xi32, #tpu.memory_space<hbm>> -> memref<320000xi32, #tpu.memory_space<hbm>>
        %dma_start3A_432 = tpu.memref_slice %dma_start3A_431[%mul3A_98] : memref<320000xi32, #tpu.memory_space<hbm>> -> memref<2048xi32, #tpu.memory_space<hbm>>
        tpu.enqueue_dma source(%dma_start3A_432 : memref<2048xi32, #tpu.memory_space<hbm>>) target(%dma_start3A_428 : memref<2048xi32, #tpu.memory_space<vmem>>) target_semaphore(%run_scoped3A_420 : memref<!tpu.dma_semaphore, #tpu.memory_space<semaphore_mem>>)
        %dma_wait3A_433 = arith.constant 0 : i32
        %dma_wait3A_434 = tpu.memref_slice %arg5[%dma_wait3A_433] : memref<2048xi32, #tpu.memory_space<vmem>> -> memref<2048xi32, #tpu.memory_space<vmem>>
        %dma_wait3A_435 = arith.constant 0 : i32
        %dma_wait3A_436 = tpu.memref_slice %arg3[%run_scoped3A, %dma_wait3A_435] : memref<2x320000xi32, #tpu.memory_space<hbm>> -> memref<1x320000xi32, #tpu.memory_space<hbm>>
        %dma_wait3A_437 = tpu.memref_squeeze %dma_wait3A_436 : memref<1x320000xi32, #tpu.memory_space<hbm>> -> memref<320000xi32, #tpu.memory_space<hbm>>
        %dma_wait3A_438 = tpu.memref_slice %dma_wait3A_437[%mul3A_98] : memref<320000xi32, #tpu.memory_space<hbm>> -> memref<2048xi32, #tpu.memory_space<hbm>>
        %dma_wait3A_439 = arith.constant 0 : i32
        %dma_wait3A_440 = tpu.memref_slice %arg5[%dma_wait3A_439] : memref<2048xi32, #tpu.memory_space<vmem>> -> memref<2048xi32, #tpu.memory_space<vmem>>
        %dma_wait3A_441 = arith.constant 0 : i32
        %dma_wait3A_442 = tpu.memref_slice %arg3[%run_scoped3A, %dma_wait3A_441] : memref<2x320000xi32, #tpu.memory_space<hbm>> -> memref<1x320000xi32, #tpu.memory_space<hbm>>
        %dma_wait3A_443 = tpu.memref_squeeze %dma_wait3A_442 : memref<1x320000xi32, #tpu.memory_space<hbm>> -> memref<320000xi32, #tpu.memory_space<hbm>>
        %dma_wait3A_444 = tpu.memref_slice %dma_wait3A_443[%mul3A_98] : memref<320000xi32, #tpu.memory_space<hbm>> -> memref<2048xi32, #tpu.memory_space<hbm>>
        tpu.wait_dma2 semaphore(%run_scoped3A_420 : memref<!tpu.dma_semaphore, #tpu.memory_space<semaphore_mem>>) src(%dma_wait3A_444 : memref<2048xi32, #tpu.memory_space<hbm>>) dst(%dma_wait3A_440 : memref<2048xi32, #tpu.memory_space<vmem>>)
        tpu.yield
      }) : () -> ()
      %mul3A_99 = arith.constant 64 : i32
      %mul3A_100 = arith.muli %add3A_96, %mul3A_99 : i32
      %run_scoped3A_101 = arith.constant 1 : i32
      "tpu.region"() ({
        %run_scoped3A_420 = tpu.sem_alloc : memref<!tpu.dma_semaphore, #tpu.memory_space<semaphore_mem>>
        %dma_start3A_421 = arith.constant 0 : i32
        %dma_start3A_422 = tpu.memref_slice %arg6[%dma_start3A_421] : memref<2048xi32, #tpu.memory_space<vmem>> -> memref<2048xi32, #tpu.memory_space<vmem>>
        %dma_start3A_423 = arith.constant 0 : i32
        %dma_start3A_424 = tpu.memref_slice %arg3[%run_scoped3A_101, %dma_start3A_423] : memref<2x320000xi32, #tpu.memory_space<hbm>> -> memref<1x320000xi32, #tpu.memory_space<hbm>>
        %dma_start3A_425 = tpu.memref_squeeze %dma_start3A_424 : memref<1x320000xi32, #tpu.memory_space<hbm>> -> memref<320000xi32, #tpu.memory_space<hbm>>
        %dma_start3A_426 = tpu.memref_slice %dma_start3A_425[%mul3A_100] : memref<320000xi32, #tpu.memory_space<hbm>> -> memref<2048xi32, #tpu.memory_space<hbm>>
        %dma_start3A_427 = arith.constant 0 : i32
        %dma_start3A_428 = tpu.memref_slice %arg6[%dma_start3A_427] : memref<2048xi32, #tpu.memory_space<vmem>> -> memref<2048xi32, #tpu.memory_space<vmem>>
        %dma_start3A_429 = arith.constant 0 : i32
        %dma_start3A_430 = tpu.memref_slice %arg3[%run_scoped3A_101, %dma_start3A_429] : memref<2x320000xi32, #tpu.memory_space<hbm>> -> memref<1x320000xi32, #tpu.memory_space<hbm>>
        %dma_start3A_431 = tpu.memref_squeeze %dma_start3A_430 : memref<1x320000xi32, #tpu.memory_space<hbm>> -> memref<320000xi32, #tpu.memory_space<hbm>>
        %dma_start3A_432 = tpu.memref_slice %dma_start3A_431[%mul3A_100] : memref<320000xi32, #tpu.memory_space<hbm>> -> memref<2048xi32, #tpu.memory_space<hbm>>
        tpu.enqueue_dma source(%dma_start3A_432 : memref<2048xi32, #tpu.memory_space<hbm>>) target(%dma_start3A_428 : memref<2048xi32, #tpu.memory_space<vmem>>) target_semaphore(%run_scoped3A_420 : memref<!tpu.dma_semaphore, #tpu.memory_space<semaphore_mem>>)
        %dma_wait3A_433 = arith.constant 0 : i32
        %dma_wait3A_434 = tpu.memref_slice %arg6[%dma_wait3A_433] : memref<2048xi32, #tpu.memory_space<vmem>> -> memref<2048xi32, #tpu.memory_space<vmem>>
        %dma_wait3A_435 = arith.constant 0 : i32
        %dma_wait3A_436 = tpu.memref_slice %arg3[%run_scoped3A_101, %dma_wait3A_435] : memref<2x320000xi32, #tpu.memory_space<hbm>> -> memref<1x320000xi32, #tpu.memory_space<hbm>>
        %dma_wait3A_437 = tpu.memref_squeeze %dma_wait3A_436 : memref<1x320000xi32, #tpu.memory_space<hbm>> -> memref<320000xi32, #tpu.memory_space<hbm>>
        %dma_wait3A_438 = tpu.memref_slice %dma_wait3A_437[%mul3A_100] : memref<320000xi32, #tpu.memory_space<hbm>> -> memref<2048xi32, #tpu.memory_space<hbm>>
        %dma_wait3A_439 = arith.constant 0 : i32
        %dma_wait3A_440 = tpu.memref_slice %arg6[%dma_wait3A_439] : memref<2048xi32, #tpu.memory_space<vmem>> -> memref<2048xi32, #tpu.memory_space<vmem>>
        %dma_wait3A_441 = arith.constant 0 : i32
        %dma_wait3A_442 = tpu.memref_slice %arg3[%run_scoped3A_101, %dma_wait3A_441] : memref<2x320000xi32, #tpu.memory_space<hbm>> -> memref<1x320000xi32, #tpu.memory_space<hbm>>
        %dma_wait3A_443 = tpu.memref_squeeze %dma_wait3A_442 : memref<1x320000xi32, #tpu.memory_space<hbm>> -> memref<320000xi32, #tpu.memory_space<hbm>>
        %dma_wait3A_444 = tpu.memref_slice %dma_wait3A_443[%mul3A_100] : memref<320000xi32, #tpu.memory_space<hbm>> -> memref<2048xi32, #tpu.memory_space<hbm>>
        tpu.wait_dma2 semaphore(%run_scoped3A_420 : memref<!tpu.dma_semaphore, #tpu.memory_space<semaphore_mem>>) src(%dma_wait3A_444 : memref<2048xi32, #tpu.memory_space<hbm>>) dst(%dma_wait3A_440 : memref<2048xi32, #tpu.memory_space<vmem>>)
        tpu.yield
      }) : () -> ()
      %scan3A_102 = arith.constant 0 : i32
      %scan3A_103 = arith.constant 0 : i32
      %scan3A_104 = arith.constant 32 : i32
      %scan3A_105 = arith.addi %scan3A_103, %scan3A_104 : i32
      %scan3A_106 = arith.constant 1 : i32
      scf.for %scan3A_420 = %scan3A_103 to %scan3A_105 step %scan3A_106  : i32 {
        %mul3A_421 = arith.constant 64 : i32
        %mul3A_422 = arith.muli %scan3A_420, %mul3A_421 : i32
        %add3A_423 = arith.constant 0 : i32
        %add3A_424 = arith.addi %mul3A_422, %add3A_423 : i32
        %get3A = arith.index_cast %add3A_424 : i32 to index
        %get3A_425 = tpu.vector_load %arg6[%get3A] {strides = array<i32>} : memref<2048xi32, #tpu.memory_space<vmem>>, vector<16xi32>,
        %get3A_426 = vector.shape_cast %get3A_425 : vector<16xi32> to vector<16xi32>
        %swap3A = arith.index_cast %scan3A_420 : i32 to index
        %swap3A_427 = arith.constant 0 : index
        %swap3A_428 = tpu.vector_load %arg7[%swap3A, %swap3A_427] {strides = array<i32>} : memref<32x64xi32, #tpu.memory_space<vmem>>, vector<1x16xi32>,
        %swap3A_429 = vector.shape_cast %swap3A_428 : vector<1x16xi32> to vector<16xi32>
        %swap3A_430 = vector.shape_cast %get3A_426 : vector<16xi32> to vector<1x16xi32>
        tpu.vector_store %arg7[%swap3A, %swap3A_427], %swap3A_430 {strides = array<i32>} : memref<32x64xi32, #tpu.memory_space<vmem>>, vector<1x16xi32>,
        %mul3A_431 = arith.constant 64 : i32
        %mul3A_432 = arith.muli %scan3A_420, %mul3A_431 : i32
        %add3A_433 = arith.constant 16 : i32
        %add3A_434 = arith.addi %mul3A_432, %add3A_433 : i32
        %get3A_435 = arith.index_cast %add3A_434 : i32 to index
        %get3A_436 = tpu.vector_load %arg6[%get3A_435] {strides = array<i32>} : memref<2048xi32, #tpu.memory_space<vmem>>, vector<16xi32>,
        %get3A_437 = vector.shape_cast %get3A_436 : vector<16xi32> to vector<16xi32>
        %swap3A_438 = arith.index_cast %scan3A_420 : i32 to index
        %swap3A_439 = arith.constant 16 : index
        %swap3A_440 = tpu.vector_load %arg7[%swap3A_438, %swap3A_439] {strides = array<i32>} : memref<32x64xi32, #tpu.memory_space<vmem>>, vector<1x16xi32>,
        %swap3A_441 = vector.shape_cast %swap3A_440 : vector<1x16xi32> to vector<16xi32>
        %swap3A_442 = vector.shape_cast %get3A_437 : vector<16xi32> to vector<1x16xi32>
        tpu.vector_store %arg7[%swap3A_438, %swap3A_439], %swap3A_442 {strides = array<i32>} : memref<32x64xi32, #tpu.memory_space<vmem>>, vector<1x16xi32>,
        %mul3A_443 = arith.constant 64 : i32
        %mul3A_444 = arith.muli %scan3A_420, %mul3A_443 : i32
        %add3A_445 = arith.constant 32 : i32
        %add3A_446 = arith.addi %mul3A_444, %add3A_445 : i32
        %get3A_447 = arith.index_cast %add3A_446 : i32 to index
        %get3A_448 = tpu.vector_load %arg6[%get3A_447] {strides = array<i32>} : memref<2048xi32, #tpu.memory_space<vmem>>, vector<16xi32>,
        %get3A_449 = vector.shape_cast %get3A_448 : vector<16xi32> to vector<16xi32>
        %swap3A_450 = arith.index_cast %scan3A_420 : i32 to index
        %swap3A_451 = arith.constant 32 : index
        %swap3A_452 = tpu.vector_load %arg7[%swap3A_450, %swap3A_451] {strides = array<i32>} : memref<32x64xi32, #tpu.memory_space<vmem>>, vector<1x16xi32>,
        %swap3A_453 = vector.shape_cast %swap3A_452 : vector<1x16xi32> to vector<16xi32>
        %swap3A_454 = vector.shape_cast %get3A_449 : vector<16xi32> to vector<1x16xi32>
        tpu.vector_store %arg7[%swap3A_450, %swap3A_451], %swap3A_454 {strides = array<i32>} : memref<32x64xi32, #tpu.memory_space<vmem>>, vector<1x16xi32>,
        %mul3A_455 = arith.constant 64 : i32
        %mul3A_456 = arith.muli %scan3A_420, %mul3A_455 : i32
        %add3A_457 = arith.constant 48 : i32
        %add3A_458 = arith.addi %mul3A_456, %add3A_457 : i32
        %get3A_459 = arith.index_cast %add3A_458 : i32 to index
        %get3A_460 = tpu.vector_load %arg6[%get3A_459] {strides = array<i32>} : memref<2048xi32, #tpu.memory_space<vmem>>, vector<16xi32>,
        %get3A_461 = vector.shape_cast %get3A_460 : vector<16xi32> to vector<16xi32>
        %swap3A_462 = arith.index_cast %scan3A_420 : i32 to index
        %swap3A_463 = arith.constant 48 : index
        %swap3A_464 = tpu.vector_load %arg7[%swap3A_462, %swap3A_463] {strides = array<i32>} : memref<32x64xi32, #tpu.memory_space<vmem>>, vector<1x16xi32>,
        %swap3A_465 = vector.shape_cast %swap3A_464 : vector<1x16xi32> to vector<16xi32>
        %swap3A_466 = vector.shape_cast %get3A_461 : vector<16xi32> to vector<1x16xi32>
        tpu.vector_store %arg7[%swap3A_462, %swap3A_463], %swap3A_466 {strides = array<i32>} : memref<32x64xi32, #tpu.memory_space<vmem>>, vector<1x16xi32>,
      }
      %scan3A_107 = arith.constant 32 : i32
      %dma_start3A = arith.constant 0 : i32
      %dma_start3A_108 = tpu.memref_slice %arg5[%dma_start3A] : memref<2048xi32, #tpu.memory_space<vmem>> -> memref<64xi32, #tpu.memory_space<vmem>>
      %dma_start3A_109 = arith.constant 0 : i32
      %dma_start3A_110 = arith.constant 0 : i32
      %dma_start3A_111 = tpu.memref_slice %arg2[%dma_start3A_109, %dma_start3A_110] : memref<10000x128xf32, #tpu.memory_space<hbm>> -> memref<10000x128xf32, #tpu.memory_space<hbm>>
      tpu.enqueue_indirect_dma source(%dma_start3A_111 : memref<10000x128xf32, #tpu.memory_space<hbm>>) target(%arg8 : memref<64x128xf32, #tpu.memory_space<vmem>>) offsets(%dma_start3A_108 : memref<64xi32, #tpu.memory_space<vmem>>) semaphore(%arg14 : memref<!tpu.dma_semaphore, #tpu.memory_space<semaphore_mem>>)
      %dma_start3A_112 = arith.constant 64 : i32
      %dma_start3A_113 = tpu.memref_slice %arg5[%dma_start3A_112] : memref<2048xi32, #tpu.memory_space<vmem>> -> memref<64xi32, #tpu.memory_space<vmem>>
      %dma_start3A_114 = arith.constant 0 : i32
      %dma_start3A_115 = arith.constant 0 : i32
      %dma_start3A_116 = tpu.memref_slice %arg2[%dma_start3A_114, %dma_start3A_115] : memref<10000x128xf32, #tpu.memory_space<hbm>> -> memref<10000x128xf32, #tpu.memory_space<hbm>>
      tpu.enqueue_indirect_dma source(%dma_start3A_116 : memref<10000x128xf32, #tpu.memory_space<hbm>>) target(%arg9 : memref<64x128xf32, #tpu.memory_space<vmem>>) offsets(%dma_start3A_113 : memref<64xi32, #tpu.memory_space<vmem>>) semaphore(%arg15 : memref<!tpu.dma_semaphore, #tpu.memory_space<semaphore_mem>>)
      %dma_start3A_117 = arith.constant 128 : i32
      %dma_start3A_118 = tpu.memref_slice %arg5[%dma_start3A_117] : memref<2048xi32, #tpu.memory_space<vmem>> -> memref<64xi32, #tpu.memory_space<vmem>>
      %dma_start3A_119 = arith.constant 0 : i32
      %dma_start3A_120 = arith.constant 0 : i32
      %dma_start3A_121 = tpu.memref_slice %arg2[%dma_start3A_119, %dma_start3A_120] : memref<10000x128xf32, #tpu.memory_space<hbm>> -> memref<10000x128xf32, #tpu.memory_space<hbm>>
      tpu.enqueue_indirect_dma source(%dma_start3A_121 : memref<10000x128xf32, #tpu.memory_space<hbm>>) target(%arg10 : memref<64x128xf32, #tpu.memory_space<vmem>>) offsets(%dma_start3A_118 : memref<64xi32, #tpu.memory_space<vmem>>) semaphore(%arg16 : memref<!tpu.dma_semaphore, #tpu.memory_space<semaphore_mem>>)
      %dma_start3A_122 = arith.constant 192 : i32
      %dma_start3A_123 = tpu.memref_slice %arg5[%dma_start3A_122] : memref<2048xi32, #tpu.memory_space<vmem>> -> memref<64xi32, #tpu.memory_space<vmem>>
      %dma_start3A_124 = arith.constant 0 : i32
      %dma_start3A_125 = arith.constant 0 : i32
      %dma_start3A_126 = tpu.memref_slice %arg2[%dma_start3A_124, %dma_start3A_125] : memref<10000x128xf32, #tpu.memory_space<hbm>> -> memref<10000x128xf32, #tpu.memory_space<hbm>>
      tpu.enqueue_indirect_dma source(%dma_start3A_126 : memref<10000x128xf32, #tpu.memory_space<hbm>>) target(%arg11 : memref<64x128xf32, #tpu.memory_space<vmem>>) offsets(%dma_start3A_123 : memref<64xi32, #tpu.memory_space<vmem>>) semaphore(%arg17 : memref<!tpu.dma_semaphore, #tpu.memory_space<semaphore_mem>>)
      %scan3A_127 = arith.constant 0 : i32
      %scan3A_128 = arith.constant 0 : i32
      %scan3A_129 = arith.constant 7 : i32
      %scan3A_130 = arith.addi %scan3A_128, %scan3A_129 : i32
      %scan3A_131 = arith.constant 1 : i32
      scf.for %scan3A_420 = %scan3A_128 to %scan3A_130 step %scan3A_131  : i32 {
        %mul3A_421 = arith.constant 4 : i32
        %mul3A_422 = arith.muli %mul3A_421, %scan3A_420 : i32
        %add3A_423 = arith.constant 0 : i32
        %add3A_424 = arith.addi %mul3A_422, %add3A_423 : i32
        %mul3A_425 = arith.constant 64 : i32
        %mul3A_426 = arith.muli %add3A_424, %mul3A_425 : i32
        %dma_wait3A_427 = tpu.memref_slice %arg5[%mul3A_426] : memref<2048xi32, #tpu.memory_space<vmem>> -> memref<64xi32, #tpu.memory_space<vmem>>
        %dma_wait3A_428 = arith.constant 0 : i32
        %dma_wait3A_429 = arith.constant 0 : i32
        %dma_wait3A_430 = tpu.memref_slice %arg2[%dma_wait3A_428, %dma_wait3A_429] : memref<10000x128xf32, #tpu.memory_space<hbm>> -> memref<10000x128xf32, #tpu.memory_space<hbm>>
        tpu.wait_indirect_dma semaphore(%arg14 : memref<!tpu.dma_semaphore, #tpu.memory_space<semaphore_mem>>) src(%dma_wait3A_430 : memref<10000x128xf32, #tpu.memory_space<hbm>>) dst(%arg8 : memref<64x128xf32, #tpu.memory_space<vmem>>)
        "tpu.region"() ({
          %run_scoped3A_487 = tpu.sem_alloc : memref<!tpu.dma_semaphore, #tpu.memory_space<semaphore_mem>>
          %dma_start3A_488 = arith.constant 0 : i32
          %dma_start3A_489 = tpu.memref_slice %arg7[%add3A_424, %dma_start3A_488] : memref<32x64xi32, #tpu.memory_space<vmem>> -> memref<1x64xi32, #tpu.memory_space<vmem>>
          %dma_start3A_490 = tpu.memref_squeeze %dma_start3A_489 : memref<1x64xi32, #tpu.memory_space<vmem>> -> memref<64xi32, #tpu.memory_space<vmem>>
          %dma_start3A_491 = arith.constant 0 : i32
          %dma_start3A_492 = arith.constant 0 : i32
          %dma_start3A_493 = tpu.memref_slice %arg13[%dma_start3A_491, %dma_start3A_492] : memref<10240x128xf32, #tpu.memory_space<vmem_shared>> -> memref<10240x128xf32, #tpu.memory_space<vmem_shared>>
          tpu.enqueue_indirect_dma source(%arg8 : memref<64x128xf32, #tpu.memory_space<vmem>>) target(%dma_start3A_493 : memref<10240x128xf32, #tpu.memory_space<vmem_shared>>) offsets(%dma_start3A_490 : memref<64xi32, #tpu.memory_space<vmem>>) semaphore(%run_scoped3A_487 : memref<!tpu.dma_semaphore, #tpu.memory_space<semaphore_mem>>) {add = true}
          %dma_wait3A_494 = arith.constant 0 : i32
          %dma_wait3A_495 = tpu.memref_slice %arg7[%add3A_424, %dma_wait3A_494] : memref<32x64xi32, #tpu.memory_space<vmem>> -> memref<1x64xi32, #tpu.memory_space<vmem>>
          %dma_wait3A_496 = tpu.memref_squeeze %dma_wait3A_495 : memref<1x64xi32, #tpu.memory_space<vmem>> -> memref<64xi32, #tpu.memory_space<vmem>>
          %dma_wait3A_497 = arith.constant 0 : i32
          %dma_wait3A_498 = arith.constant 0 : i32
          %dma_wait3A_499 = tpu.memref_slice %arg13[%dma_wait3A_497, %dma_wait3A_498] : memref<10240x128xf32, #tpu.memory_space<vmem_shared>> -> memref<10240x128xf32, #tpu.memory_space<vmem_shared>>
          tpu.wait_indirect_dma semaphore(%run_scoped3A_487 : memref<!tpu.dma_semaphore, #tpu.memory_space<semaphore_mem>>) src(%arg8 : memref<64x128xf32, #tpu.memory_space<vmem>>) dst(%dma_wait3A_499 : memref<10240x128xf32, #tpu.memory_space<vmem_shared>>)
          tpu.yield
        }) : () -> ()
        %add3A_431 = arith.constant 4 : i32
        %add3A_432 = arith.addi %add3A_424, %add3A_431 : i32
        %mul3A_433 = arith.constant 64 : i32
        %mul3A_434 = arith.muli %add3A_432, %mul3A_433 : i32
        %dma_start3A_435 = tpu.memref_slice %arg5[%mul3A_434] : memref<2048xi32, #tpu.memory_space<vmem>> -> memref<64xi32, #tpu.memory_space<vmem>>
        %dma_start3A_436 = arith.constant 0 : i32
        %dma_start3A_437 = arith.constant 0 : i32
        %dma_start3A_438 = tpu.memref_slice %arg2[%dma_start3A_436, %dma_start3A_437] : memref<10000x128xf32, #tpu.memory_space<hbm>> -> memref<10000x128xf32, #tpu.memory_space<hbm>>
        tpu.enqueue_indirect_dma source(%dma_start3A_438 : memref<10000x128xf32, #tpu.memory_space<hbm>>) target(%arg8 : memref<64x128xf32, #tpu.memory_space<vmem>>) offsets(%dma_start3A_435 : memref<64xi32, #tpu.memory_space<vmem>>) semaphore(%arg14 : memref<!tpu.dma_semaphore, #tpu.memory_space<semaphore_mem>>)
        %add3A_439 = arith.constant 1 : i32
        %add3A_440 = arith.addi %mul3A_422, %add3A_439 : i32
        %mul3A_441 = arith.constant 64 : i32
        %mul3A_442 = arith.muli %add3A_440, %mul3A_441 : i32
        %dma_wait3A_443 = tpu.memref_slice %arg5[%mul3A_442] : memref<2048xi32, #tpu.memory_space<vmem>> -> memref<64xi32, #tpu.memory_space<vmem>>
        %dma_wait3A_444 = arith.constant 0 : i32
        %dma_wait3A_445 = arith.constant 0 : i32
        %dma_wait3A_446 = tpu.memref_slice %arg2[%dma_wait3A_444, %dma_wait3A_445] : memref<10000x128xf32, #tpu.memory_space<hbm>> -> memref<10000x128xf32, #tpu.memory_space<hbm>>
        tpu.wait_indirect_dma semaphore(%arg15 : memref<!tpu.dma_semaphore, #tpu.memory_space<semaphore_mem>>) src(%dma_wait3A_446 : memref<10000x128xf32, #tpu.memory_space<hbm>>) dst(%arg9 : memref<64x128xf32, #tpu.memory_space<vmem>>)
        "tpu.region"() ({
          %run_scoped3A_487 = tpu.sem_alloc : memref<!tpu.dma_semaphore, #tpu.memory_space<semaphore_mem>>
          %dma_start3A_488 = arith.constant 0 : i32
          %dma_start3A_489 = tpu.memref_slice %arg7[%add3A_440, %dma_start3A_488] : memref<32x64xi32, #tpu.memory_space<vmem>> -> memref<1x64xi32, #tpu.memory_space<vmem>>
          %dma_start3A_490 = tpu.memref_squeeze %dma_start3A_489 : memref<1x64xi32, #tpu.memory_space<vmem>> -> memref<64xi32, #tpu.memory_space<vmem>>
          %dma_start3A_491 = arith.constant 0 : i32
          %dma_start3A_492 = arith.constant 0 : i32
          %dma_start3A_493 = tpu.memref_slice %arg13[%dma_start3A_491, %dma_start3A_492] : memref<10240x128xf32, #tpu.memory_space<vmem_shared>> -> memref<10240x128xf32, #tpu.memory_space<vmem_shared>>
          tpu.enqueue_indirect_dma source(%arg9 : memref<64x128xf32, #tpu.memory_space<vmem>>) target(%dma_start3A_493 : memref<10240x128xf32, #tpu.memory_space<vmem_shared>>) offsets(%dma_start3A_490 : memref<64xi32, #tpu.memory_space<vmem>>) semaphore(%run_scoped3A_487 : memref<!tpu.dma_semaphore, #tpu.memory_space<semaphore_mem>>) {add = true}
          %dma_wait3A_494 = arith.constant 0 : i32
          %dma_wait3A_495 = tpu.memref_slice %arg7[%add3A_440, %dma_wait3A_494] : memref<32x64xi32, #tpu.memory_space<vmem>> -> memref<1x64xi32, #tpu.memory_space<vmem>>
          %dma_wait3A_496 = tpu.memref_squeeze %dma_wait3A_495 : memref<1x64xi32, #tpu.memory_space<vmem>> -> memref<64xi32, #tpu.memory_space<vmem>>
          %dma_wait3A_497 = arith.constant 0 : i32
          %dma_wait3A_498 = arith.constant 0 : i32
          %dma_wait3A_499 = tpu.memref_slice %arg13[%dma_wait3A_497, %dma_wait3A_498] : memref<10240x128xf32, #tpu.memory_space<vmem_shared>> -> memref<10240x128xf32, #tpu.memory_space<vmem_shared>>
          tpu.wait_indirect_dma semaphore(%run_scoped3A_487 : memref<!tpu.dma_semaphore, #tpu.memory_space<semaphore_mem>>) src(%arg9 : memref<64x128xf32, #tpu.memory_space<vmem>>) dst(%dma_wait3A_499 : memref<10240x128xf32, #tpu.memory_space<vmem_shared>>)
          tpu.yield
        }) : () -> ()
        %add3A_447 = arith.constant 4 : i32
        %add3A_448 = arith.addi %add3A_440, %add3A_447 : i32
        %mul3A_449 = arith.constant 64 : i32
        %mul3A_450 = arith.muli %add3A_448, %mul3A_449 : i32
        %dma_start3A_451 = tpu.memref_slice %arg5[%mul3A_450] : memref<2048xi32, #tpu.memory_space<vmem>> -> memref<64xi32, #tpu.memory_space<vmem>>
        %dma_start3A_452 = arith.constant 0 : i32
        %dma_start3A_453 = arith.constant 0 : i32
        %dma_start3A_454 = tpu.memref_slice %arg2[%dma_start3A_452, %dma_start3A_453] : memref<10000x128xf32, #tpu.memory_space<hbm>> -> memref<10000x128xf32, #tpu.memory_space<hbm>>
        tpu.enqueue_indirect_dma source(%dma_start3A_454 : memref<10000x128xf32, #tpu.memory_space<hbm>>) target(%arg9 : memref<64x128xf32, #tpu.memory_space<vmem>>) offsets(%dma_start3A_451 : memref<64xi32, #tpu.memory_space<vmem>>) semaphore(%arg15 : memref<!tpu.dma_semaphore, #tpu.memory_space<semaphore_mem>>)
        %add3A_455 = arith.constant 2 : i32
        %add3A_456 = arith.addi %mul3A_422, %add3A_455 : i32
        %mul3A_457 = arith.constant 64 : i32
        %mul3A_458 = arith.muli %add3A_456, %mul3A_457 : i32
        %dma_wait3A_459 = tpu.memref_slice %arg5[%mul3A_458] : memref<2048xi32, #tpu.memory_space<vmem>> -> memref<64xi32, #tpu.memory_space<vmem>>
        %dma_wait3A_460 = arith.constant 0 : i32
        %dma_wait3A_461 = arith.constant 0 : i32
        %dma_wait3A_462 = tpu.memref_slice %arg2[%dma_wait3A_460, %dma_wait3A_461] : memref<10000x128xf32, #tpu.memory_space<hbm>> -> memref<10000x128xf32, #tpu.memory_space<hbm>>
        tpu.wait_indirect_dma semaphore(%arg16 : memref<!tpu.dma_semaphore, #tpu.memory_space<semaphore_mem>>) src(%dma_wait3A_462 : memref<10000x128xf32, #tpu.memory_space<hbm>>) dst(%arg10 : memref<64x128xf32, #tpu.memory_space<vmem>>)
        "tpu.region"() ({
          %run_scoped3A_487 = tpu.sem_alloc : memref<!tpu.dma_semaphore, #tpu.memory_space<semaphore_mem>>
          %dma_start3A_488 = arith.constant 0 : i32
          %dma_start3A_489 = tpu.memref_slice %arg7[%add3A_456, %dma_start3A_488] : memref<32x64xi32, #tpu.memory_space<vmem>> -> memref<1x64xi32, #tpu.memory_space<vmem>>
          %dma_start3A_490 = tpu.memref_squeeze %dma_start3A_489 : memref<1x64xi32, #tpu.memory_space<vmem>> -> memref<64xi32, #tpu.memory_space<vmem>>
          %dma_start3A_491 = arith.constant 0 : i32
          %dma_start3A_492 = arith.constant 0 : i32
          %dma_start3A_493 = tpu.memref_slice %arg13[%dma_start3A_491, %dma_start3A_492] : memref<10240x128xf32, #tpu.memory_space<vmem_shared>> -> memref<10240x128xf32, #tpu.memory_space<vmem_shared>>
          tpu.enqueue_indirect_dma source(%arg10 : memref<64x128xf32, #tpu.memory_space<vmem>>) target(%dma_start3A_493 : memref<10240x128xf32, #tpu.memory_space<vmem_shared>>) offsets(%dma_start3A_490 : memref<64xi32, #tpu.memory_space<vmem>>) semaphore(%run_scoped3A_487 : memref<!tpu.dma_semaphore, #tpu.memory_space<semaphore_mem>>) {add = true}
          %dma_wait3A_494 = arith.constant 0 : i32
          %dma_wait3A_495 = tpu.memref_slice %arg7[%add3A_456, %dma_wait3A_494] : memref<32x64xi32, #tpu.memory_space<vmem>> -> memref<1x64xi32, #tpu.memory_space<vmem>>
          %dma_wait3A_496 = tpu.memref_squeeze %dma_wait3A_495 : memref<1x64xi32, #tpu.memory_space<vmem>> -> memref<64xi32, #tpu.memory_space<vmem>>
          %dma_wait3A_497 = arith.constant 0 : i32
          %dma_wait3A_498 = arith.constant 0 : i32
          %dma_wait3A_499 = tpu.memref_slice %arg13[%dma_wait3A_497, %dma_wait3A_498] : memref<10240x128xf32, #tpu.memory_space<vmem_shared>> -> memref<10240x128xf32, #tpu.memory_space<vmem_shared>>
          tpu.wait_indirect_dma semaphore(%run_scoped3A_487 : memref<!tpu.dma_semaphore, #tpu.memory_space<semaphore_mem>>) src(%arg10 : memref<64x128xf32, #tpu.memory_space<vmem>>) dst(%dma_wait3A_499 : memref<10240x128xf32, #tpu.memory_space<vmem_shared>>)
          tpu.yield
        }) : () -> ()
        %add3A_463 = arith.constant 4 : i32
        %add3A_464 = arith.addi %add3A_456, %add3A_463 : i32
        %mul3A_465 = arith.constant 64 : i32
        %mul3A_466 = arith.muli %add3A_464, %mul3A_465 : i32
        %dma_start3A_467 = tpu.memref_slice %arg5[%mul3A_466] : memref<2048xi32, #tpu.memory_space<vmem>> -> memref<64xi32, #tpu.memory_space<vmem>>
        %dma_start3A_468 = arith.constant 0 : i32
        %dma_start3A_469 = arith.constant 0 : i32
        %dma_start3A_470 = tpu.memref_slice %arg2[%dma_start3A_468, %dma_start3A_469] : memref<10000x128xf32, #tpu.memory_space<hbm>> -> memref<10000x128xf32, #tpu.memory_space<hbm>>
        tpu.enqueue_indirect_dma source(%dma_start3A_470 : memref<10000x128xf32, #tpu.memory_space<hbm>>) target(%arg10 : memref<64x128xf32, #tpu.memory_space<vmem>>) offsets(%dma_start3A_467 : memref<64xi32, #tpu.memory_space<vmem>>) semaphore(%arg16 : memref<!tpu.dma_semaphore, #tpu.memory_space<semaphore_mem>>)
        %add3A_471 = arith.constant 3 : i32
        %add3A_472 = arith.addi %mul3A_422, %add3A_471 : i32
        %mul3A_473 = arith.constant 64 : i32
        %mul3A_474 = arith.muli %add3A_472, %mul3A_473 : i32
        %dma_wait3A_475 = tpu.memref_slice %arg5[%mul3A_474] : memref<2048xi32, #tpu.memory_space<vmem>> -> memref<64xi32, #tpu.memory_space<vmem>>
        %dma_wait3A_476 = arith.constant 0 : i32
        %dma_wait3A_477 = arith.constant 0 : i32
        %dma_wait3A_478 = tpu.memref_slice %arg2[%dma_wait3A_476, %dma_wait3A_477] : memref<10000x128xf32, #tpu.memory_space<hbm>> -> memref<10000x128xf32, #tpu.memory_space<hbm>>
        tpu.wait_indirect_dma semaphore(%arg17 : memref<!tpu.dma_semaphore, #tpu.memory_space<semaphore_mem>>) src(%dma_wait3A_478 : memref<10000x128xf32, #tpu.memory_space<hbm>>) dst(%arg11 : memref<64x128xf32, #tpu.memory_space<vmem>>)
        "tpu.region"() ({
          %run_scoped3A_487 = tpu.sem_alloc : memref<!tpu.dma_semaphore, #tpu.memory_space<semaphore_mem>>
          %dma_start3A_488 = arith.constant 0 : i32
          %dma_start3A_489 = tpu.memref_slice %arg7[%add3A_472, %dma_start3A_488] : memref<32x64xi32, #tpu.memory_space<vmem>> -> memref<1x64xi32, #tpu.memory_space<vmem>>
          %dma_start3A_490 = tpu.memref_squeeze %dma_start3A_489 : memref<1x64xi32, #tpu.memory_space<vmem>> -> memref<64xi32, #tpu.memory_space<vmem>>
          %dma_start3A_491 = arith.constant 0 : i32
          %dma_start3A_492 = arith.constant 0 : i32
          %dma_start3A_493 = tpu.memref_slice %arg13[%dma_start3A_491, %dma_start3A_492] : memref<10240x128xf32, #tpu.memory_space<vmem_shared>> -> memref<10240x128xf32, #tpu.memory_space<vmem_shared>>
          tpu.enqueue_indirect_dma source(%arg11 : memref<64x128xf32, #tpu.memory_space<vmem>>) target(%dma_start3A_493 : memref<10240x128xf32, #tpu.memory_space<vmem_shared>>) offsets(%dma_start3A_490 : memref<64xi32, #tpu.memory_space<vmem>>) semaphore(%run_scoped3A_487 : memref<!tpu.dma_semaphore, #tpu.memory_space<semaphore_mem>>) {add = true}
          %dma_wait3A_494 = arith.constant 0 : i32
          %dma_wait3A_495 = tpu.memref_slice %arg7[%add3A_472, %dma_wait3A_494] : memref<32x64xi32, #tpu.memory_space<vmem>> -> memref<1x64xi32, #tpu.memory_space<vmem>>
          %dma_wait3A_496 = tpu.memref_squeeze %dma_wait3A_495 : memref<1x64xi32, #tpu.memory_space<vmem>> -> memref<64xi32, #tpu.memory_space<vmem>>
          %dma_wait3A_497 = arith.constant 0 : i32
          %dma_wait3A_498 = arith.constant 0 : i32
          %dma_wait3A_499 = tpu.memref_slice %arg13[%dma_wait3A_497, %dma_wait3A_498] : memref<10240x128xf32, #tpu.memory_space<vmem_shared>> -> memref<10240x128xf32, #tpu.memory_space<vmem_shared>>
          tpu.wait_indirect_dma semaphore(%run_scoped3A_487 : memref<!tpu.dma_semaphore, #tpu.memory_space<semaphore_mem>>) src(%arg11 : memref<64x128xf32, #tpu.memory_space<vmem>>) dst(%dma_wait3A_499 : memref<10240x128xf32, #tpu.memory_space<vmem_shared>>)
          tpu.yield
        }) : () -> ()
        %add3A_479 = arith.constant 4 : i32
        %add3A_480 = arith.addi %add3A_472, %add3A_479 : i32
        %mul3A_481 = arith.constant 64 : i32
        %mul3A_482 = arith.muli %add3A_480, %mul3A_481 : i32
        %dma_start3A_483 = tpu.memref_slice %arg5[%mul3A_482] : memref<2048xi32, #tpu.memory_space<vmem>> -> memref<64xi32, #tpu.memory_space<vmem>>
        %dma_start3A_484 = arith.constant 0 : i32
        %dma_start3A_485 = arith.constant 0 : i32
        %dma_start3A_486 = tpu.memref_slice %arg2[%dma_start3A_484, %dma_start3A_485] : memref<10000x128xf32, #tpu.memory_space<hbm>> -> memref<10000x128xf32, #tpu.memory_space<hbm>>
        tpu.enqueue_indirect_dma source(%dma_start3A_486 : memref<10000x128xf32, #tpu.memory_space<hbm>>) target(%arg11 : memref<64x128xf32, #tpu.memory_space<vmem>>) offsets(%dma_start3A_483 : memref<64xi32, #tpu.memory_space<vmem>>) semaphore(%arg17 : memref<!tpu.dma_semaphore, #tpu.memory_space<semaphore_mem>>)
      }
      %scan3A_132 = arith.constant 7 : i32
      %dma_wait3A = arith.constant 1792 : i32
      %dma_wait3A_133 = tpu.memref_slice %arg5[%dma_wait3A] : memref<2048xi32, #tpu.memory_space<vmem>> -> memref<64xi32, #tpu.memory_space<vmem>>
      %dma_wait3A_134 = arith.constant 0 : i32
      %dma_wait3A_135 = arith.constant 0 : i32
      %dma_wait3A_136 = tpu.memref_slice %arg2[%dma_wait3A_134, %dma_wait3A_135] : memref<10000x128xf32, #tpu.memory_space<hbm>> -> memref<10000x128xf32, #tpu.memory_space<hbm>>
      tpu.wait_indirect_dma semaphore(%arg14 : memref<!tpu.dma_semaphore, #tpu.memory_space<semaphore_mem>>) src(%dma_wait3A_136 : memref<10000x128xf32, #tpu.memory_space<hbm>>) dst(%arg8 : memref<64x128xf32, #tpu.memory_space<vmem>>)
      %run_scoped3A_137 = arith.constant 28 : i32
      "tpu.region"() ({
        %run_scoped3A_420 = tpu.sem_alloc : memref<!tpu.dma_semaphore, #tpu.memory_space<semaphore_mem>>
        %dma_start3A_421 = arith.constant 0 : i32
        %dma_start3A_422 = tpu.memref_slice %arg7[%run_scoped3A_137, %dma_start3A_421] : memref<32x64xi32, #tpu.memory_space<vmem>> -> memref<1x64xi32, #tpu.memory_space<vmem>>
        %dma_start3A_423 = tpu.memref_squeeze %dma_start3A_422 : memref<1x64xi32, #tpu.memory_space<vmem>> -> memref<64xi32, #tpu.memory_space<vmem>>
        %dma_start3A_424 = arith.constant 0 : i32
        %dma_start3A_425 = arith.constant 0 : i32
        %dma_start3A_426 = tpu.memref_slice %arg13[%dma_start3A_424, %dma_start3A_425] : memref<10240x128xf32, #tpu.memory_space<vmem_shared>> -> memref<10240x128xf32, #tpu.memory_space<vmem_shared>>
        tpu.enqueue_indirect_dma source(%arg8 : memref<64x128xf32, #tpu.memory_space<vmem>>) target(%dma_start3A_426 : memref<10240x128xf32, #tpu.memory_space<vmem_shared>>) offsets(%dma_start3A_423 : memref<64xi32, #tpu.memory_space<vmem>>) semaphore(%run_scoped3A_420 : memref<!tpu.dma_semaphore, #tpu.memory_space<semaphore_mem>>) {add = true}
        %dma_wait3A_427 = arith.constant 0 : i32
        %dma_wait3A_428 = tpu.memref_slice %arg7[%run_scoped3A_137, %dma_wait3A_427] : memref<32x64xi32, #tpu.memory_space<vmem>> -> memref<1x64xi32, #tpu.memory_space<vmem>>
        %dma_wait3A_429 = tpu.memref_squeeze %dma_wait3A_428 : memref<1x64xi32, #tpu.memory_space<vmem>> -> memref<64xi32, #tpu.memory_space<vmem>>
        %dma_wait3A_430 = arith.constant 0 : i32
        %dma_wait3A_431 = arith.constant 0 : i32
        %dma_wait3A_432 = tpu.memref_slice %arg13[%dma_wait3A_430, %dma_wait3A_431] : memref<10240x128xf32, #tpu.memory_space<vmem_shared>> -> memref<10240x128xf32, #tpu.memory_space<vmem_shared>>
        tpu.wait_indirect_dma semaphore(%run_scoped3A_420 : memref<!tpu.dma_semaphore, #tpu.memory_space<semaphore_mem>>) src(%arg8 : memref<64x128xf32, #tpu.memory_space<vmem>>) dst(%dma_wait3A_432 : memref<10240x128xf32, #tpu.memory_space<vmem_shared>>)
        tpu.yield
      }) : () -> ()
      %dma_wait3A_138 = arith.constant 1856 : i32
      %dma_wait3A_139 = tpu.memref_slice %arg5[%dma_wait3A_138] : memref<2048xi32, #tpu.memory_space<vmem>> -> memref<64xi32, #tpu.memory_space<vmem>>
      %dma_wait3A_140 = arith.constant 0 : i32
      %dma_wait3A_141 = arith.constant 0 : i32
      %dma_wait3A_142 = tpu.memref_slice %arg2[%dma_wait3A_140, %dma_wait3A_141] : memref<10000x128xf32, #tpu.memory_space<hbm>> -> memref<10000x128xf32, #tpu.memory_space<hbm>>
      tpu.wait_indirect_dma semaphore(%arg15 : memref<!tpu.dma_semaphore, #tpu.memory_space<semaphore_mem>>) src(%dma_wait3A_142 : memref<10000x128xf32, #tpu.memory_space<hbm>>) dst(%arg9 : memref<64x128xf32, #tpu.memory_space<vmem>>)
      %run_scoped3A_143 = arith.constant 29 : i32
      "tpu.region"() ({
        %run_scoped3A_420 = tpu.sem_alloc : memref<!tpu.dma_semaphore, #tpu.memory_space<semaphore_mem>>
        %dma_start3A_421 = arith.constant 0 : i32
        %dma_start3A_422 = tpu.memref_slice %arg7[%run_scoped3A_143, %dma_start3A_421] : memref<32x64xi32, #tpu.memory_space<vmem>> -> memref<1x64xi32, #tpu.memory_space<vmem>>
        %dma_start3A_423 = tpu.memref_squeeze %dma_start3A_422 : memref<1x64xi32, #tpu.memory_space<vmem>> -> memref<64xi32, #tpu.memory_space<vmem>>
        %dma_start3A_424 = arith.constant 0 : i32
        %dma_start3A_425 = arith.constant 0 : i32
        %dma_start3A_426 = tpu.memref_slice %arg13[%dma_start3A_424, %dma_start3A_425] : memref<10240x128xf32, #tpu.memory_space<vmem_shared>> -> memref<10240x128xf32, #tpu.memory_space<vmem_shared>>
        tpu.enqueue_indirect_dma source(%arg9 : memref<64x128xf32, #tpu.memory_space<vmem>>) target(%dma_start3A_426 : memref<10240x128xf32, #tpu.memory_space<vmem_shared>>) offsets(%dma_start3A_423 : memref<64xi32, #tpu.memory_space<vmem>>) semaphore(%run_scoped3A_420 : memref<!tpu.dma_semaphore, #tpu.memory_space<semaphore_mem>>) {add = true}
        %dma_wait3A_427 = arith.constant 0 : i32
        %dma_wait3A_428 = tpu.memref_slice %arg7[%run_scoped3A_143, %dma_wait3A_427] : memref<32x64xi32, #tpu.memory_space<vmem>> -> memref<1x64xi32, #tpu.memory_space<vmem>>
        %dma_wait3A_429 = tpu.memref_squeeze %dma_wait3A_428 : memref<1x64xi32, #tpu.memory_space<vmem>> -> memref<64xi32, #tpu.memory_space<vmem>>
        %dma_wait3A_430 = arith.constant 0 : i32
        %dma_wait3A_431 = arith.constant 0 : i32
        %dma_wait3A_432 = tpu.memref_slice %arg13[%dma_wait3A_430, %dma_wait3A_431] : memref<10240x128xf32, #tpu.memory_space<vmem_shared>> -> memref<10240x128xf32, #tpu.memory_space<vmem_shared>>
        tpu.wait_indirect_dma semaphore(%run_scoped3A_420 : memref<!tpu.dma_semaphore, #tpu.memory_space<semaphore_mem>>) src(%arg9 : memref<64x128xf32, #tpu.memory_space<vmem>>) dst(%dma_wait3A_432 : memref<10240x128xf32, #tpu.memory_space<vmem_shared>>)
        tpu.yield
      }) : () -> ()
      %dma_wait3A_144 = arith.constant 1920 : i32
      %dma_wait3A_145 = tpu.memref_slice %arg5[%dma_wait3A_144] : memref<2048xi32, #tpu.memory_space<vmem>> -> memref<64xi32, #tpu.memory_space<vmem>>
      %dma_wait3A_146 = arith.constant 0 : i32
      %dma_wait3A_147 = arith.constant 0 : i32
      %dma_wait3A_148 = tpu.memref_slice %arg2[%dma_wait3A_146, %dma_wait3A_147] : memref<10000x128xf32, #tpu.memory_space<hbm>> -> memref<10000x128xf32, #tpu.memory_space<hbm>>
      tpu.wait_indirect_dma semaphore(%arg16 : memref<!tpu.dma_semaphore, #tpu.memory_space<semaphore_mem>>) src(%dma_wait3A_148 : memref<10000x128xf32, #tpu.memory_space<hbm>>) dst(%arg10 : memref<64x128xf32, #tpu.memory_space<vmem>>)
      %run_scoped3A_149 = arith.constant 30 : i32
      "tpu.region"() ({
        %run_scoped3A_420 = tpu.sem_alloc : memref<!tpu.dma_semaphore, #tpu.memory_space<semaphore_mem>>
        %dma_start3A_421 = arith.constant 0 : i32
        %dma_start3A_422 = tpu.memref_slice %arg7[%run_scoped3A_149, %dma_start3A_421] : memref<32x64xi32, #tpu.memory_space<vmem>> -> memref<1x64xi32, #tpu.memory_space<vmem>>
        %dma_start3A_423 = tpu.memref_squeeze %dma_start3A_422 : memref<1x64xi32, #tpu.memory_space<vmem>> -> memref<64xi32, #tpu.memory_space<vmem>>
        %dma_start3A_424 = arith.constant 0 : i32
        %dma_start3A_425 = arith.constant 0 : i32
        %dma_start3A_426 = tpu.memref_slice %arg13[%dma_start3A_424, %dma_start3A_425] : memref<10240x128xf32, #tpu.memory_space<vmem_shared>> -> memref<10240x128xf32, #tpu.memory_space<vmem_shared>>
        tpu.enqueue_indirect_dma source(%arg10 : memref<64x128xf32, #tpu.memory_space<vmem>>) target(%dma_start3A_426 : memref<10240x128xf32, #tpu.memory_space<vmem_shared>>) offsets(%dma_start3A_423 : memref<64xi32, #tpu.memory_space<vmem>>) semaphore(%run_scoped3A_420 : memref<!tpu.dma_semaphore, #tpu.memory_space<semaphore_mem>>) {add = true}
        %dma_wait3A_427 = arith.constant 0 : i32
        %dma_wait3A_428 = tpu.memref_slice %arg7[%run_scoped3A_149, %dma_wait3A_427] : memref<32x64xi32, #tpu.memory_space<vmem>> -> memref<1x64xi32, #tpu.memory_space<vmem>>
        %dma_wait3A_429 = tpu.memref_squeeze %dma_wait3A_428 : memref<1x64xi32, #tpu.memory_space<vmem>> -> memref<64xi32, #tpu.memory_space<vmem>>
        %dma_wait3A_430 = arith.constant 0 : i32
        %dma_wait3A_431 = arith.constant 0 : i32
        %dma_wait3A_432 = tpu.memref_slice %arg13[%dma_wait3A_430, %dma_wait3A_431] : memref<10240x128xf32, #tpu.memory_space<vmem_shared>> -> memref<10240x128xf32, #tpu.memory_space<vmem_shared>>
        tpu.wait_indirect_dma semaphore(%run_scoped3A_420 : memref<!tpu.dma_semaphore, #tpu.memory_space<semaphore_mem>>) src(%arg10 : memref<64x128xf32, #tpu.memory_space<vmem>>) dst(%dma_wait3A_432 : memref<10240x128xf32, #tpu.memory_space<vmem_shared>>)
        tpu.yield
      }) : () -> ()
      %dma_wait3A_150 = arith.constant 1984 : i32
      %dma_wait3A_151 = tpu.memref_slice %arg5[%dma_wait3A_150] : memref<2048xi32, #tpu.memory_space<vmem>> -> memref<64xi32, #tpu.memory_space<vmem>>
      %dma_wait3A_152 = arith.constant 0 : i32
      %dma_wait3A_153 = arith.constant 0 : i32
      %dma_wait3A_154 = tpu.memref_slice %arg2[%dma_wait3A_152, %dma_wait3A_153] : memref<10000x128xf32, #tpu.memory_space<hbm>> -> memref<10000x128xf32, #tpu.memory_space<hbm>>
      tpu.wait_indirect_dma semaphore(%arg17 : memref<!tpu.dma_semaphore, #tpu.memory_space<semaphore_mem>>) src(%dma_wait3A_154 : memref<10000x128xf32, #tpu.memory_space<hbm>>) dst(%arg11 : memref<64x128xf32, #tpu.memory_space<vmem>>)
      %run_scoped3A_155 = arith.constant 31 : i32
      "tpu.region"() ({
        %run_scoped3A_420 = tpu.sem_alloc : memref<!tpu.dma_semaphore, #tpu.memory_space<semaphore_mem>>
        %dma_start3A_421 = arith.constant 0 : i32
        %dma_start3A_422 = tpu.memref_slice %arg7[%run_scoped3A_155, %dma_start3A_421] : memref<32x64xi32, #tpu.memory_space<vmem>> -> memref<1x64xi32, #tpu.memory_space<vmem>>
        %dma_start3A_423 = tpu.memref_squeeze %dma_start3A_422 : memref<1x64xi32, #tpu.memory_space<vmem>> -> memref<64xi32, #tpu.memory_space<vmem>>
        %dma_start3A_424 = arith.constant 0 : i32
        %dma_start3A_425 = arith.constant 0 : i32
        %dma_start3A_426 = tpu.memref_slice %arg13[%dma_start3A_424, %dma_start3A_425] : memref<10240x128xf32, #tpu.memory_space<vmem_shared>> -> memref<10240x128xf32, #tpu.memory_space<vmem_shared>>
        tpu.enqueue_indirect_dma source(%arg11 : memref<64x128xf32, #tpu.memory_space<vmem>>) target(%dma_start3A_426 : memref<10240x128xf32, #tpu.memory_space<vmem_shared>>) offsets(%dma_start3A_423 : memref<64xi32, #tpu.memory_space<vmem>>) semaphore(%run_scoped3A_420 : memref<!tpu.dma_semaphore, #tpu.memory_space<semaphore_mem>>) {add = true}
        %dma_wait3A_427 = arith.constant 0 : i32
        %dma_wait3A_428 = tpu.memref_slice %arg7[%run_scoped3A_155, %dma_wait3A_427] : memref<32x64xi32, #tpu.memory_space<vmem>> -> memref<1x64xi32, #tpu.memory_space<vmem>>
        %dma_wait3A_429 = tpu.memref_squeeze %dma_wait3A_428 : memref<1x64xi32, #tpu.memory_space<vmem>> -> memref<64xi32, #tpu.memory_space<vmem>>
        %dma_wait3A_430 = arith.constant 0 : i32
        %dma_wait3A_431 = arith.constant 0 : i32
        %dma_wait3A_432 = tpu.memref_slice %arg13[%dma_wait3A_430, %dma_wait3A_431] : memref<10240x128xf32, #tpu.memory_space<vmem_shared>> -> memref<10240x128xf32, #tpu.memory_space<vmem_shared>>
        tpu.wait_indirect_dma semaphore(%run_scoped3A_420 : memref<!tpu.dma_semaphore, #tpu.memory_space<semaphore_mem>>) src(%arg11 : memref<64x128xf32, #tpu.memory_space<vmem>>) dst(%dma_wait3A_432 : memref<10240x128xf32, #tpu.memory_space<vmem_shared>>)
        tpu.yield
      }) : () -> ()
      %mul3A_156 = arith.constant 160 : i32
      %mul3A_157 = arith.muli %add3A, %mul3A_156 : i32
      %add3A_158 = arith.constant 32 : i32
      %add3A_159 = arith.addi %mul3A_157, %add3A_158 : i32
      %mul3A_160 = arith.constant 64 : i32
      %mul3A_161 = arith.muli %add3A_159, %mul3A_160 : i32
      %run_scoped3A_162 = arith.constant 0 : i32
      "tpu.region"() ({
        %run_scoped3A_420 = tpu.sem_alloc : memref<!tpu.dma_semaphore, #tpu.memory_space<semaphore_mem>>
        %dma_start3A_421 = arith.constant 0 : i32
        %dma_start3A_422 = tpu.memref_slice %arg5[%dma_start3A_421] : memref<2048xi32, #tpu.memory_space<vmem>> -> memref<2048xi32, #tpu.memory_space<vmem>>
        %dma_start3A_423 = arith.constant 0 : i32
        %dma_start3A_424 = tpu.memref_slice %arg3[%run_scoped3A_162, %dma_start3A_423] : memref<2x320000xi32, #tpu.memory_space<hbm>> -> memref<1x320000xi32, #tpu.memory_space<hbm>>
        %dma_start3A_425 = tpu.memref_squeeze %dma_start3A_424 : memref<1x320000xi32, #tpu.memory_space<hbm>> -> memref<320000xi32, #tpu.memory_space<hbm>>
        %dma_start3A_426 = tpu.memref_slice %dma_start3A_425[%mul3A_161] : memref<320000xi32, #tpu.memory_space<hbm>> -> memref<2048xi32, #tpu.memory_space<hbm>>
        %dma_start3A_427 = arith.constant 0 : i32
        %dma_start3A_428 = tpu.memref_slice %arg5[%dma_start3A_427] : memref<2048xi32, #tpu.memory_space<vmem>> -> memref<2048xi32, #tpu.memory_space<vmem>>
        %dma_start3A_429 = arith.constant 0 : i32
        %dma_start3A_430 = tpu.memref_slice %arg3[%run_scoped3A_162, %dma_start3A_429] : memref<2x320000xi32, #tpu.memory_space<hbm>> -> memref<1x320000xi32, #tpu.memory_space<hbm>>
        %dma_start3A_431 = tpu.memref_squeeze %dma_start3A_430 : memref<1x320000xi32, #tpu.memory_space<hbm>> -> memref<320000xi32, #tpu.memory_space<hbm>>
        %dma_start3A_432 = tpu.memref_slice %dma_start3A_431[%mul3A_161] : memref<320000xi32, #tpu.memory_space<hbm>> -> memref<2048xi32, #tpu.memory_space<hbm>>
        tpu.enqueue_dma source(%dma_start3A_432 : memref<2048xi32, #tpu.memory_space<hbm>>) target(%dma_start3A_428 : memref<2048xi32, #tpu.memory_space<vmem>>) target_semaphore(%run_scoped3A_420 : memref<!tpu.dma_semaphore, #tpu.memory_space<semaphore_mem>>)
        %dma_wait3A_433 = arith.constant 0 : i32
        %dma_wait3A_434 = tpu.memref_slice %arg5[%dma_wait3A_433] : memref<2048xi32, #tpu.memory_space<vmem>> -> memref<2048xi32, #tpu.memory_space<vmem>>
        %dma_wait3A_435 = arith.constant 0 : i32
        %dma_wait3A_436 = tpu.memref_slice %arg3[%run_scoped3A_162, %dma_wait3A_435] : memref<2x320000xi32, #tpu.memory_space<hbm>> -> memref<1x320000xi32, #tpu.memory_space<hbm>>
        %dma_wait3A_437 = tpu.memref_squeeze %dma_wait3A_436 : memref<1x320000xi32, #tpu.memory_space<hbm>> -> memref<320000xi32, #tpu.memory_space<hbm>>
        %dma_wait3A_438 = tpu.memref_slice %dma_wait3A_437[%mul3A_161] : memref<320000xi32, #tpu.memory_space<hbm>> -> memref<2048xi32, #tpu.memory_space<hbm>>
        %dma_wait3A_439 = arith.constant 0 : i32
        %dma_wait3A_440 = tpu.memref_slice %arg5[%dma_wait3A_439] : memref<2048xi32, #tpu.memory_space<vmem>> -> memref<2048xi32, #tpu.memory_space<vmem>>
        %dma_wait3A_441 = arith.constant 0 : i32
        %dma_wait3A_442 = tpu.memref_slice %arg3[%run_scoped3A_162, %dma_wait3A_441] : memref<2x320000xi32, #tpu.memory_space<hbm>> -> memref<1x320000xi32, #tpu.memory_space<hbm>>
        %dma_wait3A_443 = tpu.memref_squeeze %dma_wait3A_442 : memref<1x320000xi32, #tpu.memory_space<hbm>> -> memref<320000xi32, #tpu.memory_space<hbm>>
        %dma_wait3A_444 = tpu.memref_slice %dma_wait3A_443[%mul3A_161] : memref<320000xi32, #tpu.memory_space<hbm>> -> memref<2048xi32, #tpu.memory_space<hbm>>
        tpu.wait_dma2 semaphore(%run_scoped3A_420 : memref<!tpu.dma_semaphore, #tpu.memory_space<semaphore_mem>>) src(%dma_wait3A_444 : memref<2048xi32, #tpu.memory_space<hbm>>) dst(%dma_wait3A_440 : memref<2048xi32, #tpu.memory_space<vmem>>)
        tpu.yield
      }) : () -> ()
      %mul3A_163 = arith.constant 64 : i32
      %mul3A_164 = arith.muli %add3A_159, %mul3A_163 : i32
      %run_scoped3A_165 = arith.constant 1 : i32
      "tpu.region"() ({
        %run_scoped3A_420 = tpu.sem_alloc : memref<!tpu.dma_semaphore, #tpu.memory_space<semaphore_mem>>
        %dma_start3A_421 = arith.constant 0 : i32
        %dma_start3A_422 = tpu.memref_slice %arg6[%dma_start3A_421] : memref<2048xi32, #tpu.memory_space<vmem>> -> memref<2048xi32, #tpu.memory_space<vmem>>
        %dma_start3A_423 = arith.constant 0 : i32
        %dma_start3A_424 = tpu.memref_slice %arg3[%run_scoped3A_165, %dma_start3A_423] : memref<2x320000xi32, #tpu.memory_space<hbm>> -> memref<1x320000xi32, #tpu.memory_space<hbm>>
        %dma_start3A_425 = tpu.memref_squeeze %dma_start3A_424 : memref<1x320000xi32, #tpu.memory_space<hbm>> -> memref<320000xi32, #tpu.memory_space<hbm>>
        %dma_start3A_426 = tpu.memref_slice %dma_start3A_425[%mul3A_164] : memref<320000xi32, #tpu.memory_space<hbm>> -> memref<2048xi32, #tpu.memory_space<hbm>>
        %dma_start3A_427 = arith.constant 0 : i32
        %dma_start3A_428 = tpu.memref_slice %arg6[%dma_start3A_427] : memref<2048xi32, #tpu.memory_space<vmem>> -> memref<2048xi32, #tpu.memory_space<vmem>>
        %dma_start3A_429 = arith.constant 0 : i32
        %dma_start3A_430 = tpu.memref_slice %arg3[%run_scoped3A_165, %dma_start3A_429] : memref<2x320000xi32, #tpu.memory_space<hbm>> -> memref<1x320000xi32, #tpu.memory_space<hbm>>
        %dma_start3A_431 = tpu.memref_squeeze %dma_start3A_430 : memref<1x320000xi32, #tpu.memory_space<hbm>> -> memref<320000xi32, #tpu.memory_space<hbm>>
        %dma_start3A_432 = tpu.memref_slice %dma_start3A_431[%mul3A_164] : memref<320000xi32, #tpu.memory_space<hbm>> -> memref<2048xi32, #tpu.memory_space<hbm>>
        tpu.enqueue_dma source(%dma_start3A_432 : memref<2048xi32, #tpu.memory_space<hbm>>) target(%dma_start3A_428 : memref<2048xi32, #tpu.memory_space<vmem>>) target_semaphore(%run_scoped3A_420 : memref<!tpu.dma_semaphore, #tpu.memory_space<semaphore_mem>>)
        %dma_wait3A_433 = arith.constant 0 : i32
        %dma_wait3A_434 = tpu.memref_slice %arg6[%dma_wait3A_433] : memref<2048xi32, #tpu.memory_space<vmem>> -> memref<2048xi32, #tpu.memory_space<vmem>>
        %dma_wait3A_435 = arith.constant 0 : i32
        %dma_wait3A_436 = tpu.memref_slice %arg3[%run_scoped3A_165, %dma_wait3A_435] : memref<2x320000xi32, #tpu.memory_space<hbm>> -> memref<1x320000xi32, #tpu.memory_space<hbm>>
        %dma_wait3A_437 = tpu.memref_squeeze %dma_wait3A_436 : memref<1x320000xi32, #tpu.memory_space<hbm>> -> memref<320000xi32, #tpu.memory_space<hbm>>
        %dma_wait3A_438 = tpu.memref_slice %dma_wait3A_437[%mul3A_164] : memref<320000xi32, #tpu.memory_space<hbm>> -> memref<2048xi32, #tpu.memory_space<hbm>>
        %dma_wait3A_439 = arith.constant 0 : i32
        %dma_wait3A_440 = tpu.memref_slice %arg6[%dma_wait3A_439] : memref<2048xi32, #tpu.memory_space<vmem>> -> memref<2048xi32, #tpu.memory_space<vmem>>
        %dma_wait3A_441 = arith.constant 0 : i32
        %dma_wait3A_442 = tpu.memref_slice %arg3[%run_scoped3A_165, %dma_wait3A_441] : memref<2x320000xi32, #tpu.memory_space<hbm>> -> memref<1x320000xi32, #tpu.memory_space<hbm>>
        %dma_wait3A_443 = tpu.memref_squeeze %dma_wait3A_442 : memref<1x320000xi32, #tpu.memory_space<hbm>> -> memref<320000xi32, #tpu.memory_space<hbm>>
        %dma_wait3A_444 = tpu.memref_slice %dma_wait3A_443[%mul3A_164] : memref<320000xi32, #tpu.memory_space<hbm>> -> memref<2048xi32, #tpu.memory_space<hbm>>
        tpu.wait_dma2 semaphore(%run_scoped3A_420 : memref<!tpu.dma_semaphore, #tpu.memory_space<semaphore_mem>>) src(%dma_wait3A_444 : memref<2048xi32, #tpu.memory_space<hbm>>) dst(%dma_wait3A_440 : memref<2048xi32, #tpu.memory_space<vmem>>)
        tpu.yield
      }) : () -> ()
      %scan3A_166 = arith.constant 0 : i32
      %scan3A_167 = arith.constant 0 : i32
      %scan3A_168 = arith.constant 32 : i32
      %scan3A_169 = arith.addi %scan3A_167, %scan3A_168 : i32
      %scan3A_170 = arith.constant 1 : i32
      scf.for %scan3A_420 = %scan3A_167 to %scan3A_169 step %scan3A_170  : i32 {
        %mul3A_421 = arith.constant 64 : i32
        %mul3A_422 = arith.muli %scan3A_420, %mul3A_421 : i32
        %add3A_423 = arith.constant 0 : i32
        %add3A_424 = arith.addi %mul3A_422, %add3A_423 : i32
        %get3A = arith.index_cast %add3A_424 : i32 to index
        %get3A_425 = tpu.vector_load %arg6[%get3A] {strides = array<i32>} : memref<2048xi32, #tpu.memory_space<vmem>>, vector<16xi32>,
        %get3A_426 = vector.shape_cast %get3A_425 : vector<16xi32> to vector<16xi32>
        %swap3A = arith.index_cast %scan3A_420 : i32 to index
        %swap3A_427 = arith.constant 0 : index
        %swap3A_428 = tpu.vector_load %arg7[%swap3A, %swap3A_427] {strides = array<i32>} : memref<32x64xi32, #tpu.memory_space<vmem>>, vector<1x16xi32>,
        %swap3A_429 = vector.shape_cast %swap3A_428 : vector<1x16xi32> to vector<16xi32>
        %swap3A_430 = vector.shape_cast %get3A_426 : vector<16xi32> to vector<1x16xi32>
        tpu.vector_store %arg7[%swap3A, %swap3A_427], %swap3A_430 {strides = array<i32>} : memref<32x64xi32, #tpu.memory_space<vmem>>, vector<1x16xi32>,
        %mul3A_431 = arith.constant 64 : i32
        %mul3A_432 = arith.muli %scan3A_420, %mul3A_431 : i32
        %add3A_433 = arith.constant 16 : i32
        %add3A_434 = arith.addi %mul3A_432, %add3A_433 : i32
        %get3A_435 = arith.index_cast %add3A_434 : i32 to index
        %get3A_436 = tpu.vector_load %arg6[%get3A_435] {strides = array<i32>} : memref<2048xi32, #tpu.memory_space<vmem>>, vector<16xi32>,
        %get3A_437 = vector.shape_cast %get3A_436 : vector<16xi32> to vector<16xi32>
        %swap3A_438 = arith.index_cast %scan3A_420 : i32 to index
        %swap3A_439 = arith.constant 16 : index
        %swap3A_440 = tpu.vector_load %arg7[%swap3A_438, %swap3A_439] {strides = array<i32>} : memref<32x64xi32, #tpu.memory_space<vmem>>, vector<1x16xi32>,
        %swap3A_441 = vector.shape_cast %swap3A_440 : vector<1x16xi32> to vector<16xi32>
        %swap3A_442 = vector.shape_cast %get3A_437 : vector<16xi32> to vector<1x16xi32>
        tpu.vector_store %arg7[%swap3A_438, %swap3A_439], %swap3A_442 {strides = array<i32>} : memref<32x64xi32, #tpu.memory_space<vmem>>, vector<1x16xi32>,
        %mul3A_443 = arith.constant 64 : i32
        %mul3A_444 = arith.muli %scan3A_420, %mul3A_443 : i32
        %add3A_445 = arith.constant 32 : i32
        %add3A_446 = arith.addi %mul3A_444, %add3A_445 : i32
        %get3A_447 = arith.index_cast %add3A_446 : i32 to index
        %get3A_448 = tpu.vector_load %arg6[%get3A_447] {strides = array<i32>} : memref<2048xi32, #tpu.memory_space<vmem>>, vector<16xi32>,
        %get3A_449 = vector.shape_cast %get3A_448 : vector<16xi32> to vector<16xi32>
        %swap3A_450 = arith.index_cast %scan3A_420 : i32 to index
        %swap3A_451 = arith.constant 32 : index
        %swap3A_452 = tpu.vector_load %arg7[%swap3A_450, %swap3A_451] {strides = array<i32>} : memref<32x64xi32, #tpu.memory_space<vmem>>, vector<1x16xi32>,
        %swap3A_453 = vector.shape_cast %swap3A_452 : vector<1x16xi32> to vector<16xi32>
        %swap3A_454 = vector.shape_cast %get3A_449 : vector<16xi32> to vector<1x16xi32>
        tpu.vector_store %arg7[%swap3A_450, %swap3A_451], %swap3A_454 {strides = array<i32>} : memref<32x64xi32, #tpu.memory_space<vmem>>, vector<1x16xi32>,
        %mul3A_455 = arith.constant 64 : i32
        %mul3A_456 = arith.muli %scan3A_420, %mul3A_455 : i32
        %add3A_457 = arith.constant 48 : i32
        %add3A_458 = arith.addi %mul3A_456, %add3A_457 : i32
        %get3A_459 = arith.index_cast %add3A_458 : i32 to index
        %get3A_460 = tpu.vector_load %arg6[%get3A_459] {strides = array<i32>} : memref<2048xi32, #tpu.memory_space<vmem>>, vector<16xi32>,
        %get3A_461 = vector.shape_cast %get3A_460 : vector<16xi32> to vector<16xi32>
        %swap3A_462 = arith.index_cast %scan3A_420 : i32 to index
        %swap3A_463 = arith.constant 48 : index
        %swap3A_464 = tpu.vector_load %arg7[%swap3A_462, %swap3A_463] {strides = array<i32>} : memref<32x64xi32, #tpu.memory_space<vmem>>, vector<1x16xi32>,
        %swap3A_465 = vector.shape_cast %swap3A_464 : vector<1x16xi32> to vector<16xi32>
        %swap3A_466 = vector.shape_cast %get3A_461 : vector<16xi32> to vector<1x16xi32>
        tpu.vector_store %arg7[%swap3A_462, %swap3A_463], %swap3A_466 {strides = array<i32>} : memref<32x64xi32, #tpu.memory_space<vmem>>, vector<1x16xi32>,
      }
      %scan3A_171 = arith.constant 32 : i32
      %dma_start3A_172 = arith.constant 0 : i32
      %dma_start3A_173 = tpu.memref_slice %arg5[%dma_start3A_172] : memref<2048xi32, #tpu.memory_space<vmem>> -> memref<64xi32, #tpu.memory_space<vmem>>
      %dma_start3A_174 = arith.constant 0 : i32
      %dma_start3A_175 = arith.constant 0 : i32
      %dma_start3A_176 = tpu.memref_slice %arg2[%dma_start3A_174, %dma_start3A_175] : memref<10000x128xf32, #tpu.memory_space<hbm>> -> memref<10000x128xf32, #tpu.memory_space<hbm>>
      tpu.enqueue_indirect_dma source(%dma_start3A_176 : memref<10000x128xf32, #tpu.memory_space<hbm>>) target(%arg8 : memref<64x128xf32, #tpu.memory_space<vmem>>) offsets(%dma_start3A_173 : memref<64xi32, #tpu.memory_space<vmem>>) semaphore(%arg14 : memref<!tpu.dma_semaphore, #tpu.memory_space<semaphore_mem>>)
      %dma_start3A_177 = arith.constant 64 : i32
      %dma_start3A_178 = tpu.memref_slice %arg5[%dma_start3A_177] : memref<2048xi32, #tpu.memory_space<vmem>> -> memref<64xi32, #tpu.memory_space<vmem>>
      %dma_start3A_179 = arith.constant 0 : i32
      %dma_start3A_180 = arith.constant 0 : i32
      %dma_start3A_181 = tpu.memref_slice %arg2[%dma_start3A_179, %dma_start3A_180] : memref<10000x128xf32, #tpu.memory_space<hbm>> -> memref<10000x128xf32, #tpu.memory_space<hbm>>
      tpu.enqueue_indirect_dma source(%dma_start3A_181 : memref<10000x128xf32, #tpu.memory_space<hbm>>) target(%arg9 : memref<64x128xf32, #tpu.memory_space<vmem>>) offsets(%dma_start3A_178 : memref<64xi32, #tpu.memory_space<vmem>>) semaphore(%arg15 : memref<!tpu.dma_semaphore, #tpu.memory_space<semaphore_mem>>)
      %dma_start3A_182 = arith.constant 128 : i32
      %dma_start3A_183 = tpu.memref_slice %arg5[%dma_start3A_182] : memref<2048xi32, #tpu.memory_space<vmem>> -> memref<64xi32, #tpu.memory_space<vmem>>
      %dma_start3A_184 = arith.constant 0 : i32
      %dma_start3A_185 = arith.constant 0 : i32
      %dma_start3A_186 = tpu.memref_slice %arg2[%dma_start3A_184, %dma_start3A_185] : memref<10000x128xf32, #tpu.memory_space<hbm>> -> memref<10000x128xf32, #tpu.memory_space<hbm>>
      tpu.enqueue_indirect_dma source(%dma_start3A_186 : memref<10000x128xf32, #tpu.memory_space<hbm>>) target(%arg10 : memref<64x128xf32, #tpu.memory_space<vmem>>) offsets(%dma_start3A_183 : memref<64xi32, #tpu.memory_space<vmem>>) semaphore(%arg16 : memref<!tpu.dma_semaphore, #tpu.memory_space<semaphore_mem>>)
      %dma_start3A_187 = arith.constant 192 : i32
      %dma_start3A_188 = tpu.memref_slice %arg5[%dma_start3A_187] : memref<2048xi32, #tpu.memory_space<vmem>> -> memref<64xi32, #tpu.memory_space<vmem>>
      %dma_start3A_189 = arith.constant 0 : i32
      %dma_start3A_190 = arith.constant 0 : i32
      %dma_start3A_191 = tpu.memref_slice %arg2[%dma_start3A_189, %dma_start3A_190] : memref<10000x128xf32, #tpu.memory_space<hbm>> -> memref<10000x128xf32, #tpu.memory_space<hbm>>
      tpu.enqueue_indirect_dma source(%dma_start3A_191 : memref<10000x128xf32, #tpu.memory_space<hbm>>) target(%arg11 : memref<64x128xf32, #tpu.memory_space<vmem>>) offsets(%dma_start3A_188 : memref<64xi32, #tpu.memory_space<vmem>>) semaphore(%arg17 : memref<!tpu.dma_semaphore, #tpu.memory_space<semaphore_mem>>)
      %scan3A_192 = arith.constant 0 : i32
      %scan3A_193 = arith.constant 0 : i32
      %scan3A_194 = arith.constant 7 : i32
      %scan3A_195 = arith.addi %scan3A_193, %scan3A_194 : i32
      %scan3A_196 = arith.constant 1 : i32
      scf.for %scan3A_420 = %scan3A_193 to %scan3A_195 step %scan3A_196  : i32 {
        %mul3A_421 = arith.constant 4 : i32
        %mul3A_422 = arith.muli %mul3A_421, %scan3A_420 : i32
        %add3A_423 = arith.constant 0 : i32
        %add3A_424 = arith.addi %mul3A_422, %add3A_423 : i32
        %mul3A_425 = arith.constant 64 : i32
        %mul3A_426 = arith.muli %add3A_424, %mul3A_425 : i32
        %dma_wait3A_427 = tpu.memref_slice %arg5[%mul3A_426] : memref<2048xi32, #tpu.memory_space<vmem>> -> memref<64xi32, #tpu.memory_space<vmem>>
        %dma_wait3A_428 = arith.constant 0 : i32
        %dma_wait3A_429 = arith.constant 0 : i32
        %dma_wait3A_430 = tpu.memref_slice %arg2[%dma_wait3A_428, %dma_wait3A_429] : memref<10000x128xf32, #tpu.memory_space<hbm>> -> memref<10000x128xf32, #tpu.memory_space<hbm>>
        tpu.wait_indirect_dma semaphore(%arg14 : memref<!tpu.dma_semaphore, #tpu.memory_space<semaphore_mem>>) src(%dma_wait3A_430 : memref<10000x128xf32, #tpu.memory_space<hbm>>) dst(%arg8 : memref<64x128xf32, #tpu.memory_space<vmem>>)
        "tpu.region"() ({
          %run_scoped3A_487 = tpu.sem_alloc : memref<!tpu.dma_semaphore, #tpu.memory_space<semaphore_mem>>
          %dma_start3A_488 = arith.constant 0 : i32
          %dma_start3A_489 = tpu.memref_slice %arg7[%add3A_424, %dma_start3A_488] : memref<32x64xi32, #tpu.memory_space<vmem>> -> memref<1x64xi32, #tpu.memory_space<vmem>>
          %dma_start3A_490 = tpu.memref_squeeze %dma_start3A_489 : memref<1x64xi32, #tpu.memory_space<vmem>> -> memref<64xi32, #tpu.memory_space<vmem>>
          %dma_start3A_491 = arith.constant 0 : i32
          %dma_start3A_492 = arith.constant 0 : i32
          %dma_start3A_493 = tpu.memref_slice %arg13[%dma_start3A_491, %dma_start3A_492] : memref<10240x128xf32, #tpu.memory_space<vmem_shared>> -> memref<10240x128xf32, #tpu.memory_space<vmem_shared>>
          tpu.enqueue_indirect_dma source(%arg8 : memref<64x128xf32, #tpu.memory_space<vmem>>) target(%dma_start3A_493 : memref<10240x128xf32, #tpu.memory_space<vmem_shared>>) offsets(%dma_start3A_490 : memref<64xi32, #tpu.memory_space<vmem>>) semaphore(%run_scoped3A_487 : memref<!tpu.dma_semaphore, #tpu.memory_space<semaphore_mem>>) {add = true}
          %dma_wait3A_494 = arith.constant 0 : i32
          %dma_wait3A_495 = tpu.memref_slice %arg7[%add3A_424, %dma_wait3A_494] : memref<32x64xi32, #tpu.memory_space<vmem>> -> memref<1x64xi32, #tpu.memory_space<vmem>>
          %dma_wait3A_496 = tpu.memref_squeeze %dma_wait3A_495 : memref<1x64xi32, #tpu.memory_space<vmem>> -> memref<64xi32, #tpu.memory_space<vmem>>
          %dma_wait3A_497 = arith.constant 0 : i32
          %dma_wait3A_498 = arith.constant 0 : i32
          %dma_wait3A_499 = tpu.memref_slice %arg13[%dma_wait3A_497, %dma_wait3A_498] : memref<10240x128xf32, #tpu.memory_space<vmem_shared>> -> memref<10240x128xf32, #tpu.memory_space<vmem_shared>>
          tpu.wait_indirect_dma semaphore(%run_scoped3A_487 : memref<!tpu.dma_semaphore, #tpu.memory_space<semaphore_mem>>) src(%arg8 : memref<64x128xf32, #tpu.memory_space<vmem>>) dst(%dma_wait3A_499 : memref<10240x128xf32, #tpu.memory_space<vmem_shared>>)
          tpu.yield
        }) : () -> ()
        %add3A_431 = arith.constant 4 : i32
        %add3A_432 = arith.addi %add3A_424, %add3A_431 : i32
        %mul3A_433 = arith.constant 64 : i32
        %mul3A_434 = arith.muli %add3A_432, %mul3A_433 : i32
        %dma_start3A_435 = tpu.memref_slice %arg5[%mul3A_434] : memref<2048xi32, #tpu.memory_space<vmem>> -> memref<64xi32, #tpu.memory_space<vmem>>
        %dma_start3A_436 = arith.constant 0 : i32
        %dma_start3A_437 = arith.constant 0 : i32
        %dma_start3A_438 = tpu.memref_slice %arg2[%dma_start3A_436, %dma_start3A_437] : memref<10000x128xf32, #tpu.memory_space<hbm>> -> memref<10000x128xf32, #tpu.memory_space<hbm>>
        tpu.enqueue_indirect_dma source(%dma_start3A_438 : memref<10000x128xf32, #tpu.memory_space<hbm>>) target(%arg8 : memref<64x128xf32, #tpu.memory_space<vmem>>) offsets(%dma_start3A_435 : memref<64xi32, #tpu.memory_space<vmem>>) semaphore(%arg14 : memref<!tpu.dma_semaphore, #tpu.memory_space<semaphore_mem>>)
        %add3A_439 = arith.constant 1 : i32
        %add3A_440 = arith.addi %mul3A_422, %add3A_439 : i32
        %mul3A_441 = arith.constant 64 : i32
        %mul3A_442 = arith.muli %add3A_440, %mul3A_441 : i32
        %dma_wait3A_443 = tpu.memref_slice %arg5[%mul3A_442] : memref<2048xi32, #tpu.memory_space<vmem>> -> memref<64xi32, #tpu.memory_space<vmem>>
        %dma_wait3A_444 = arith.constant 0 : i32
        %dma_wait3A_445 = arith.constant 0 : i32
        %dma_wait3A_446 = tpu.memref_slice %arg2[%dma_wait3A_444, %dma_wait3A_445] : memref<10000x128xf32, #tpu.memory_space<hbm>> -> memref<10000x128xf32, #tpu.memory_space<hbm>>
        tpu.wait_indirect_dma semaphore(%arg15 : memref<!tpu.dma_semaphore, #tpu.memory_space<semaphore_mem>>) src(%dma_wait3A_446 : memref<10000x128xf32, #tpu.memory_space<hbm>>) dst(%arg9 : memref<64x128xf32, #tpu.memory_space<vmem>>)
        "tpu.region"() ({
          %run_scoped3A_487 = tpu.sem_alloc : memref<!tpu.dma_semaphore, #tpu.memory_space<semaphore_mem>>
          %dma_start3A_488 = arith.constant 0 : i32
          %dma_start3A_489 = tpu.memref_slice %arg7[%add3A_440, %dma_start3A_488] : memref<32x64xi32, #tpu.memory_space<vmem>> -> memref<1x64xi32, #tpu.memory_space<vmem>>
          %dma_start3A_490 = tpu.memref_squeeze %dma_start3A_489 : memref<1x64xi32, #tpu.memory_space<vmem>> -> memref<64xi32, #tpu.memory_space<vmem>>
          %dma_start3A_491 = arith.constant 0 : i32
          %dma_start3A_492 = arith.constant 0 : i32
          %dma_start3A_493 = tpu.memref_slice %arg13[%dma_start3A_491, %dma_start3A_492] : memref<10240x128xf32, #tpu.memory_space<vmem_shared>> -> memref<10240x128xf32, #tpu.memory_space<vmem_shared>>
          tpu.enqueue_indirect_dma source(%arg9 : memref<64x128xf32, #tpu.memory_space<vmem>>) target(%dma_start3A_493 : memref<10240x128xf32, #tpu.memory_space<vmem_shared>>) offsets(%dma_start3A_490 : memref<64xi32, #tpu.memory_space<vmem>>) semaphore(%run_scoped3A_487 : memref<!tpu.dma_semaphore, #tpu.memory_space<semaphore_mem>>) {add = true}
          %dma_wait3A_494 = arith.constant 0 : i32
          %dma_wait3A_495 = tpu.memref_slice %arg7[%add3A_440, %dma_wait3A_494] : memref<32x64xi32, #tpu.memory_space<vmem>> -> memref<1x64xi32, #tpu.memory_space<vmem>>
          %dma_wait3A_496 = tpu.memref_squeeze %dma_wait3A_495 : memref<1x64xi32, #tpu.memory_space<vmem>> -> memref<64xi32, #tpu.memory_space<vmem>>
          %dma_wait3A_497 = arith.constant 0 : i32
          %dma_wait3A_498 = arith.constant 0 : i32
          %dma_wait3A_499 = tpu.memref_slice %arg13[%dma_wait3A_497, %dma_wait3A_498] : memref<10240x128xf32, #tpu.memory_space<vmem_shared>> -> memref<10240x128xf32, #tpu.memory_space<vmem_shared>>
          tpu.wait_indirect_dma semaphore(%run_scoped3A_487 : memref<!tpu.dma_semaphore, #tpu.memory_space<semaphore_mem>>) src(%arg9 : memref<64x128xf32, #tpu.memory_space<vmem>>) dst(%dma_wait3A_499 : memref<10240x128xf32, #tpu.memory_space<vmem_shared>>)
          tpu.yield
        }) : () -> ()
        %add3A_447 = arith.constant 4 : i32
        %add3A_448 = arith.addi %add3A_440, %add3A_447 : i32
        %mul3A_449 = arith.constant 64 : i32
        %mul3A_450 = arith.muli %add3A_448, %mul3A_449 : i32
        %dma_start3A_451 = tpu.memref_slice %arg5[%mul3A_450] : memref<2048xi32, #tpu.memory_space<vmem>> -> memref<64xi32, #tpu.memory_space<vmem>>
        %dma_start3A_452 = arith.constant 0 : i32
        %dma_start3A_453 = arith.constant 0 : i32
        %dma_start3A_454 = tpu.memref_slice %arg2[%dma_start3A_452, %dma_start3A_453] : memref<10000x128xf32, #tpu.memory_space<hbm>> -> memref<10000x128xf32, #tpu.memory_space<hbm>>
        tpu.enqueue_indirect_dma source(%dma_start3A_454 : memref<10000x128xf32, #tpu.memory_space<hbm>>) target(%arg9 : memref<64x128xf32, #tpu.memory_space<vmem>>) offsets(%dma_start3A_451 : memref<64xi32, #tpu.memory_space<vmem>>) semaphore(%arg15 : memref<!tpu.dma_semaphore, #tpu.memory_space<semaphore_mem>>)
        %add3A_455 = arith.constant 2 : i32
        %add3A_456 = arith.addi %mul3A_422, %add3A_455 : i32
        %mul3A_457 = arith.constant 64 : i32
        %mul3A_458 = arith.muli %add3A_456, %mul3A_457 : i32
        %dma_wait3A_459 = tpu.memref_slice %arg5[%mul3A_458] : memref<2048xi32, #tpu.memory_space<vmem>> -> memref<64xi32, #tpu.memory_space<vmem>>
        %dma_wait3A_460 = arith.constant 0 : i32
        %dma_wait3A_461 = arith.constant 0 : i32
        %dma_wait3A_462 = tpu.memref_slice %arg2[%dma_wait3A_460, %dma_wait3A_461] : memref<10000x128xf32, #tpu.memory_space<hbm>> -> memref<10000x128xf32, #tpu.memory_space<hbm>>
        tpu.wait_indirect_dma semaphore(%arg16 : memref<!tpu.dma_semaphore, #tpu.memory_space<semaphore_mem>>) src(%dma_wait3A_462 : memref<10000x128xf32, #tpu.memory_space<hbm>>) dst(%arg10 : memref<64x128xf32, #tpu.memory_space<vmem>>)
        "tpu.region"() ({
          %run_scoped3A_487 = tpu.sem_alloc : memref<!tpu.dma_semaphore, #tpu.memory_space<semaphore_mem>>
          %dma_start3A_488 = arith.constant 0 : i32
          %dma_start3A_489 = tpu.memref_slice %arg7[%add3A_456, %dma_start3A_488] : memref<32x64xi32, #tpu.memory_space<vmem>> -> memref<1x64xi32, #tpu.memory_space<vmem>>
          %dma_start3A_490 = tpu.memref_squeeze %dma_start3A_489 : memref<1x64xi32, #tpu.memory_space<vmem>> -> memref<64xi32, #tpu.memory_space<vmem>>
          %dma_start3A_491 = arith.constant 0 : i32
          %dma_start3A_492 = arith.constant 0 : i32
          %dma_start3A_493 = tpu.memref_slice %arg13[%dma_start3A_491, %dma_start3A_492] : memref<10240x128xf32, #tpu.memory_space<vmem_shared>> -> memref<10240x128xf32, #tpu.memory_space<vmem_shared>>
          tpu.enqueue_indirect_dma source(%arg10 : memref<64x128xf32, #tpu.memory_space<vmem>>) target(%dma_start3A_493 : memref<10240x128xf32, #tpu.memory_space<vmem_shared>>) offsets(%dma_start3A_490 : memref<64xi32, #tpu.memory_space<vmem>>) semaphore(%run_scoped3A_487 : memref<!tpu.dma_semaphore, #tpu.memory_space<semaphore_mem>>) {add = true}
          %dma_wait3A_494 = arith.constant 0 : i32
          %dma_wait3A_495 = tpu.memref_slice %arg7[%add3A_456, %dma_wait3A_494] : memref<32x64xi32, #tpu.memory_space<vmem>> -> memref<1x64xi32, #tpu.memory_space<vmem>>
          %dma_wait3A_496 = tpu.memref_squeeze %dma_wait3A_495 : memref<1x64xi32, #tpu.memory_space<vmem>> -> memref<64xi32, #tpu.memory_space<vmem>>
          %dma_wait3A_497 = arith.constant 0 : i32
          %dma_wait3A_498 = arith.constant 0 : i32
          %dma_wait3A_499 = tpu.memref_slice %arg13[%dma_wait3A_497, %dma_wait3A_498] : memref<10240x128xf32, #tpu.memory_space<vmem_shared>> -> memref<10240x128xf32, #tpu.memory_space<vmem_shared>>
          tpu.wait_indirect_dma semaphore(%run_scoped3A_487 : memref<!tpu.dma_semaphore, #tpu.memory_space<semaphore_mem>>) src(%arg10 : memref<64x128xf32, #tpu.memory_space<vmem>>) dst(%dma_wait3A_499 : memref<10240x128xf32, #tpu.memory_space<vmem_shared>>)
          tpu.yield
        }) : () -> ()
        %add3A_463 = arith.constant 4 : i32
        %add3A_464 = arith.addi %add3A_456, %add3A_463 : i32
        %mul3A_465 = arith.constant 64 : i32
        %mul3A_466 = arith.muli %add3A_464, %mul3A_465 : i32
        %dma_start3A_467 = tpu.memref_slice %arg5[%mul3A_466] : memref<2048xi32, #tpu.memory_space<vmem>> -> memref<64xi32, #tpu.memory_space<vmem>>
        %dma_start3A_468 = arith.constant 0 : i32
        %dma_start3A_469 = arith.constant 0 : i32
        %dma_start3A_470 = tpu.memref_slice %arg2[%dma_start3A_468, %dma_start3A_469] : memref<10000x128xf32, #tpu.memory_space<hbm>> -> memref<10000x128xf32, #tpu.memory_space<hbm>>
        tpu.enqueue_indirect_dma source(%dma_start3A_470 : memref<10000x128xf32, #tpu.memory_space<hbm>>) target(%arg10 : memref<64x128xf32, #tpu.memory_space<vmem>>) offsets(%dma_start3A_467 : memref<64xi32, #tpu.memory_space<vmem>>) semaphore(%arg16 : memref<!tpu.dma_semaphore, #tpu.memory_space<semaphore_mem>>)
        %add3A_471 = arith.constant 3 : i32
        %add3A_472 = arith.addi %mul3A_422, %add3A_471 : i32
        %mul3A_473 = arith.constant 64 : i32
        %mul3A_474 = arith.muli %add3A_472, %mul3A_473 : i32
        %dma_wait3A_475 = tpu.memref_slice %arg5[%mul3A_474] : memref<2048xi32, #tpu.memory_space<vmem>> -> memref<64xi32, #tpu.memory_space<vmem>>
        %dma_wait3A_476 = arith.constant 0 : i32
        %dma_wait3A_477 = arith.constant 0 : i32
        %dma_wait3A_478 = tpu.memref_slice %arg2[%dma_wait3A_476, %dma_wait3A_477] : memref<10000x128xf32, #tpu.memory_space<hbm>> -> memref<10000x128xf32, #tpu.memory_space<hbm>>
        tpu.wait_indirect_dma semaphore(%arg17 : memref<!tpu.dma_semaphore, #tpu.memory_space<semaphore_mem>>) src(%dma_wait3A_478 : memref<10000x128xf32, #tpu.memory_space<hbm>>) dst(%arg11 : memref<64x128xf32, #tpu.memory_space<vmem>>)
        "tpu.region"() ({
          %run_scoped3A_487 = tpu.sem_alloc : memref<!tpu.dma_semaphore, #tpu.memory_space<semaphore_mem>>
          %dma_start3A_488 = arith.constant 0 : i32
          %dma_start3A_489 = tpu.memref_slice %arg7[%add3A_472, %dma_start3A_488] : memref<32x64xi32, #tpu.memory_space<vmem>> -> memref<1x64xi32, #tpu.memory_space<vmem>>
          %dma_start3A_490 = tpu.memref_squeeze %dma_start3A_489 : memref<1x64xi32, #tpu.memory_space<vmem>> -> memref<64xi32, #tpu.memory_space<vmem>>
          %dma_start3A_491 = arith.constant 0 : i32
          %dma_start3A_492 = arith.constant 0 : i32
          %dma_start3A_493 = tpu.memref_slice %arg13[%dma_start3A_491, %dma_start3A_492] : memref<10240x128xf32, #tpu.memory_space<vmem_shared>> -> memref<10240x128xf32, #tpu.memory_space<vmem_shared>>
          tpu.enqueue_indirect_dma source(%arg11 : memref<64x128xf32, #tpu.memory_space<vmem>>) target(%dma_start3A_493 : memref<10240x128xf32, #tpu.memory_space<vmem_shared>>) offsets(%dma_start3A_490 : memref<64xi32, #tpu.memory_space<vmem>>) semaphore(%run_scoped3A_487 : memref<!tpu.dma_semaphore, #tpu.memory_space<semaphore_mem>>) {add = true}
          %dma_wait3A_494 = arith.constant 0 : i32
          %dma_wait3A_495 = tpu.memref_slice %arg7[%add3A_472, %dma_wait3A_494] : memref<32x64xi32, #tpu.memory_space<vmem>> -> memref<1x64xi32, #tpu.memory_space<vmem>>
          %dma_wait3A_496 = tpu.memref_squeeze %dma_wait3A_495 : memref<1x64xi32, #tpu.memory_space<vmem>> -> memref<64xi32, #tpu.memory_space<vmem>>
          %dma_wait3A_497 = arith.constant 0 : i32
          %dma_wait3A_498 = arith.constant 0 : i32
          %dma_wait3A_499 = tpu.memref_slice %arg13[%dma_wait3A_497, %dma_wait3A_498] : memref<10240x128xf32, #tpu.memory_space<vmem_shared>> -> memref<10240x128xf32, #tpu.memory_space<vmem_shared>>
          tpu.wait_indirect_dma semaphore(%run_scoped3A_487 : memref<!tpu.dma_semaphore, #tpu.memory_space<semaphore_mem>>) src(%arg11 : memref<64x128xf32, #tpu.memory_space<vmem>>) dst(%dma_wait3A_499 : memref<10240x128xf32, #tpu.memory_space<vmem_shared>>)
          tpu.yield
        }) : () -> ()
        %add3A_479 = arith.constant 4 : i32
        %add3A_480 = arith.addi %add3A_472, %add3A_479 : i32
        %mul3A_481 = arith.constant 64 : i32
        %mul3A_482 = arith.muli %add3A_480, %mul3A_481 : i32
        %dma_start3A_483 = tpu.memref_slice %arg5[%mul3A_482] : memref<2048xi32, #tpu.memory_space<vmem>> -> memref<64xi32, #tpu.memory_space<vmem>>
        %dma_start3A_484 = arith.constant 0 : i32
        %dma_start3A_485 = arith.constant 0 : i32
        %dma_start3A_486 = tpu.memref_slice %arg2[%dma_start3A_484, %dma_start3A_485] : memref<10000x128xf32, #tpu.memory_space<hbm>> -> memref<10000x128xf32, #tpu.memory_space<hbm>>
        tpu.enqueue_indirect_dma source(%dma_start3A_486 : memref<10000x128xf32, #tpu.memory_space<hbm>>) target(%arg11 : memref<64x128xf32, #tpu.memory_space<vmem>>) offsets(%dma_start3A_483 : memref<64xi32, #tpu.memory_space<vmem>>) semaphore(%arg17 : memref<!tpu.dma_semaphore, #tpu.memory_space<semaphore_mem>>)
      }
      %scan3A_197 = arith.constant 7 : i32
      %dma_wait3A_198 = arith.constant 1792 : i32
      %dma_wait3A_199 = tpu.memref_slice %arg5[%dma_wait3A_198] : memref<2048xi32, #tpu.memory_space<vmem>> -> memref<64xi32, #tpu.memory_space<vmem>>
      %dma_wait3A_200 = arith.constant 0 : i32
      %dma_wait3A_201 = arith.constant 0 : i32
      %dma_wait3A_202 = tpu.memref_slice %arg2[%dma_wait3A_200, %dma_wait3A_201] : memref<10000x128xf32, #tpu.memory_space<hbm>> -> memref<10000x128xf32, #tpu.memory_space<hbm>>
      tpu.wait_indirect_dma semaphore(%arg14 : memref<!tpu.dma_semaphore, #tpu.memory_space<semaphore_mem>>) src(%dma_wait3A_202 : memref<10000x128xf32, #tpu.memory_space<hbm>>) dst(%arg8 : memref<64x128xf32, #tpu.memory_space<vmem>>)
      %run_scoped3A_203 = arith.constant 28 : i32
      "tpu.region"() ({
        %run_scoped3A_420 = tpu.sem_alloc : memref<!tpu.dma_semaphore, #tpu.memory_space<semaphore_mem>>
        %dma_start3A_421 = arith.constant 0 : i32
        %dma_start3A_422 = tpu.memref_slice %arg7[%run_scoped3A_203, %dma_start3A_421] : memref<32x64xi32, #tpu.memory_space<vmem>> -> memref<1x64xi32, #tpu.memory_space<vmem>>
        %dma_start3A_423 = tpu.memref_squeeze %dma_start3A_422 : memref<1x64xi32, #tpu.memory_space<vmem>> -> memref<64xi32, #tpu.memory_space<vmem>>
        %dma_start3A_424 = arith.constant 0 : i32
        %dma_start3A_425 = arith.constant 0 : i32
        %dma_start3A_426 = tpu.memref_slice %arg13[%dma_start3A_424, %dma_start3A_425] : memref<10240x128xf32, #tpu.memory_space<vmem_shared>> -> memref<10240x128xf32, #tpu.memory_space<vmem_shared>>
        tpu.enqueue_indirect_dma source(%arg8 : memref<64x128xf32, #tpu.memory_space<vmem>>) target(%dma_start3A_426 : memref<10240x128xf32, #tpu.memory_space<vmem_shared>>) offsets(%dma_start3A_423 : memref<64xi32, #tpu.memory_space<vmem>>) semaphore(%run_scoped3A_420 : memref<!tpu.dma_semaphore, #tpu.memory_space<semaphore_mem>>) {add = true}
        %dma_wait3A_427 = arith.constant 0 : i32
        %dma_wait3A_428 = tpu.memref_slice %arg7[%run_scoped3A_203, %dma_wait3A_427] : memref<32x64xi32, #tpu.memory_space<vmem>> -> memref<1x64xi32, #tpu.memory_space<vmem>>
        %dma_wait3A_429 = tpu.memref_squeeze %dma_wait3A_428 : memref<1x64xi32, #tpu.memory_space<vmem>> -> memref<64xi32, #tpu.memory_space<vmem>>
        %dma_wait3A_430 = arith.constant 0 : i32
        %dma_wait3A_431 = arith.constant 0 : i32
        %dma_wait3A_432 = tpu.memref_slice %arg13[%dma_wait3A_430, %dma_wait3A_431] : memref<10240x128xf32, #tpu.memory_space<vmem_shared>> -> memref<10240x128xf32, #tpu.memory_space<vmem_shared>>
        tpu.wait_indirect_dma semaphore(%run_scoped3A_420 : memref<!tpu.dma_semaphore, #tpu.memory_space<semaphore_mem>>) src(%arg8 : memref<64x128xf32, #tpu.memory_space<vmem>>) dst(%dma_wait3A_432 : memref<10240x128xf32, #tpu.memory_space<vmem_shared>>)
        tpu.yield
      }) : () -> ()
      %dma_wait3A_204 = arith.constant 1856 : i32
      %dma_wait3A_205 = tpu.memref_slice %arg5[%dma_wait3A_204] : memref<2048xi32, #tpu.memory_space<vmem>> -> memref<64xi32, #tpu.memory_space<vmem>>
      %dma_wait3A_206 = arith.constant 0 : i32
      %dma_wait3A_207 = arith.constant 0 : i32
      %dma_wait3A_208 = tpu.memref_slice %arg2[%dma_wait3A_206, %dma_wait3A_207] : memref<10000x128xf32, #tpu.memory_space<hbm>> -> memref<10000x128xf32, #tpu.memory_space<hbm>>
      tpu.wait_indirect_dma semaphore(%arg15 : memref<!tpu.dma_semaphore, #tpu.memory_space<semaphore_mem>>) src(%dma_wait3A_208 : memref<10000x128xf32, #tpu.memory_space<hbm>>) dst(%arg9 : memref<64x128xf32, #tpu.memory_space<vmem>>)
      %run_scoped3A_209 = arith.constant 29 : i32
      "tpu.region"() ({
        %run_scoped3A_420 = tpu.sem_alloc : memref<!tpu.dma_semaphore, #tpu.memory_space<semaphore_mem>>
        %dma_start3A_421 = arith.constant 0 : i32
        %dma_start3A_422 = tpu.memref_slice %arg7[%run_scoped3A_209, %dma_start3A_421] : memref<32x64xi32, #tpu.memory_space<vmem>> -> memref<1x64xi32, #tpu.memory_space<vmem>>
        %dma_start3A_423 = tpu.memref_squeeze %dma_start3A_422 : memref<1x64xi32, #tpu.memory_space<vmem>> -> memref<64xi32, #tpu.memory_space<vmem>>
        %dma_start3A_424 = arith.constant 0 : i32
        %dma_start3A_425 = arith.constant 0 : i32
        %dma_start3A_426 = tpu.memref_slice %arg13[%dma_start3A_424, %dma_start3A_425] : memref<10240x128xf32, #tpu.memory_space<vmem_shared>> -> memref<10240x128xf32, #tpu.memory_space<vmem_shared>>
        tpu.enqueue_indirect_dma source(%arg9 : memref<64x128xf32, #tpu.memory_space<vmem>>) target(%dma_start3A_426 : memref<10240x128xf32, #tpu.memory_space<vmem_shared>>) offsets(%dma_start3A_423 : memref<64xi32, #tpu.memory_space<vmem>>) semaphore(%run_scoped3A_420 : memref<!tpu.dma_semaphore, #tpu.memory_space<semaphore_mem>>) {add = true}
        %dma_wait3A_427 = arith.constant 0 : i32
        %dma_wait3A_428 = tpu.memref_slice %arg7[%run_scoped3A_209, %dma_wait3A_427] : memref<32x64xi32, #tpu.memory_space<vmem>> -> memref<1x64xi32, #tpu.memory_space<vmem>>
        %dma_wait3A_429 = tpu.memref_squeeze %dma_wait3A_428 : memref<1x64xi32, #tpu.memory_space<vmem>> -> memref<64xi32, #tpu.memory_space<vmem>>
        %dma_wait3A_430 = arith.constant 0 : i32
        %dma_wait3A_431 = arith.constant 0 : i32
        %dma_wait3A_432 = tpu.memref_slice %arg13[%dma_wait3A_430, %dma_wait3A_431] : memref<10240x128xf32, #tpu.memory_space<vmem_shared>> -> memref<10240x128xf32, #tpu.memory_space<vmem_shared>>
        tpu.wait_indirect_dma semaphore(%run_scoped3A_420 : memref<!tpu.dma_semaphore, #tpu.memory_space<semaphore_mem>>) src(%arg9 : memref<64x128xf32, #tpu.memory_space<vmem>>) dst(%dma_wait3A_432 : memref<10240x128xf32, #tpu.memory_space<vmem_shared>>)
        tpu.yield
      }) : () -> ()
      %dma_wait3A_210 = arith.constant 1920 : i32
      %dma_wait3A_211 = tpu.memref_slice %arg5[%dma_wait3A_210] : memref<2048xi32, #tpu.memory_space<vmem>> -> memref<64xi32, #tpu.memory_space<vmem>>
      %dma_wait3A_212 = arith.constant 0 : i32
      %dma_wait3A_213 = arith.constant 0 : i32
      %dma_wait3A_214 = tpu.memref_slice %arg2[%dma_wait3A_212, %dma_wait3A_213] : memref<10000x128xf32, #tpu.memory_space<hbm>> -> memref<10000x128xf32, #tpu.memory_space<hbm>>
      tpu.wait_indirect_dma semaphore(%arg16 : memref<!tpu.dma_semaphore, #tpu.memory_space<semaphore_mem>>) src(%dma_wait3A_214 : memref<10000x128xf32, #tpu.memory_space<hbm>>) dst(%arg10 : memref<64x128xf32, #tpu.memory_space<vmem>>)
      %run_scoped3A_215 = arith.constant 30 : i32
      "tpu.region"() ({
        %run_scoped3A_420 = tpu.sem_alloc : memref<!tpu.dma_semaphore, #tpu.memory_space<semaphore_mem>>
        %dma_start3A_421 = arith.constant 0 : i32
        %dma_start3A_422 = tpu.memref_slice %arg7[%run_scoped3A_215, %dma_start3A_421] : memref<32x64xi32, #tpu.memory_space<vmem>> -> memref<1x64xi32, #tpu.memory_space<vmem>>
        %dma_start3A_423 = tpu.memref_squeeze %dma_start3A_422 : memref<1x64xi32, #tpu.memory_space<vmem>> -> memref<64xi32, #tpu.memory_space<vmem>>
        %dma_start3A_424 = arith.constant 0 : i32
        %dma_start3A_425 = arith.constant 0 : i32
        %dma_start3A_426 = tpu.memref_slice %arg13[%dma_start3A_424, %dma_start3A_425] : memref<10240x128xf32, #tpu.memory_space<vmem_shared>> -> memref<10240x128xf32, #tpu.memory_space<vmem_shared>>
        tpu.enqueue_indirect_dma source(%arg10 : memref<64x128xf32, #tpu.memory_space<vmem>>) target(%dma_start3A_426 : memref<10240x128xf32, #tpu.memory_space<vmem_shared>>) offsets(%dma_start3A_423 : memref<64xi32, #tpu.memory_space<vmem>>) semaphore(%run_scoped3A_420 : memref<!tpu.dma_semaphore, #tpu.memory_space<semaphore_mem>>) {add = true}
        %dma_wait3A_427 = arith.constant 0 : i32
        %dma_wait3A_428 = tpu.memref_slice %arg7[%run_scoped3A_215, %dma_wait3A_427] : memref<32x64xi32, #tpu.memory_space<vmem>> -> memref<1x64xi32, #tpu.memory_space<vmem>>
        %dma_wait3A_429 = tpu.memref_squeeze %dma_wait3A_428 : memref<1x64xi32, #tpu.memory_space<vmem>> -> memref<64xi32, #tpu.memory_space<vmem>>
        %dma_wait3A_430 = arith.constant 0 : i32
        %dma_wait3A_431 = arith.constant 0 : i32
        %dma_wait3A_432 = tpu.memref_slice %arg13[%dma_wait3A_430, %dma_wait3A_431] : memref<10240x128xf32, #tpu.memory_space<vmem_shared>> -> memref<10240x128xf32, #tpu.memory_space<vmem_shared>>
        tpu.wait_indirect_dma semaphore(%run_scoped3A_420 : memref<!tpu.dma_semaphore, #tpu.memory_space<semaphore_mem>>) src(%arg10 : memref<64x128xf32, #tpu.memory_space<vmem>>) dst(%dma_wait3A_432 : memref<10240x128xf32, #tpu.memory_space<vmem_shared>>)
        tpu.yield
      }) : () -> ()
      %dma_wait3A_216 = arith.constant 1984 : i32
      %dma_wait3A_217 = tpu.memref_slice %arg5[%dma_wait3A_216] : memref<2048xi32, #tpu.memory_space<vmem>> -> memref<64xi32, #tpu.memory_space<vmem>>
      %dma_wait3A_218 = arith.constant 0 : i32
      %dma_wait3A_219 = arith.constant 0 : i32
      %dma_wait3A_220 = tpu.memref_slice %arg2[%dma_wait3A_218, %dma_wait3A_219] : memref<10000x128xf32, #tpu.memory_space<hbm>> -> memref<10000x128xf32, #tpu.memory_space<hbm>>
      tpu.wait_indirect_dma semaphore(%arg17 : memref<!tpu.dma_semaphore, #tpu.memory_space<semaphore_mem>>) src(%dma_wait3A_220 : memref<10000x128xf32, #tpu.memory_space<hbm>>) dst(%arg11 : memref<64x128xf32, #tpu.memory_space<vmem>>)
      %run_scoped3A_221 = arith.constant 31 : i32
      "tpu.region"() ({
        %run_scoped3A_420 = tpu.sem_alloc : memref<!tpu.dma_semaphore, #tpu.memory_space<semaphore_mem>>
        %dma_start3A_421 = arith.constant 0 : i32
        %dma_start3A_422 = tpu.memref_slice %arg7[%run_scoped3A_221, %dma_start3A_421] : memref<32x64xi32, #tpu.memory_space<vmem>> -> memref<1x64xi32, #tpu.memory_space<vmem>>
        %dma_start3A_423 = tpu.memref_squeeze %dma_start3A_422 : memref<1x64xi32, #tpu.memory_space<vmem>> -> memref<64xi32, #tpu.memory_space<vmem>>
        %dma_start3A_424 = arith.constant 0 : i32
        %dma_start3A_425 = arith.constant 0 : i32
        %dma_start3A_426 = tpu.memref_slice %arg13[%dma_start3A_424, %dma_start3A_425] : memref<10240x128xf32, #tpu.memory_space<vmem_shared>> -> memref<10240x128xf32, #tpu.memory_space<vmem_shared>>
        tpu.enqueue_indirect_dma source(%arg11 : memref<64x128xf32, #tpu.memory_space<vmem>>) target(%dma_start3A_426 : memref<10240x128xf32, #tpu.memory_space<vmem_shared>>) offsets(%dma_start3A_423 : memref<64xi32, #tpu.memory_space<vmem>>) semaphore(%run_scoped3A_420 : memref<!tpu.dma_semaphore, #tpu.memory_space<semaphore_mem>>) {add = true}
        %dma_wait3A_427 = arith.constant 0 : i32
        %dma_wait3A_428 = tpu.memref_slice %arg7[%run_scoped3A_221, %dma_wait3A_427] : memref<32x64xi32, #tpu.memory_space<vmem>> -> memref<1x64xi32, #tpu.memory_space<vmem>>
        %dma_wait3A_429 = tpu.memref_squeeze %dma_wait3A_428 : memref<1x64xi32, #tpu.memory_space<vmem>> -> memref<64xi32, #tpu.memory_space<vmem>>
        %dma_wait3A_430 = arith.constant 0 : i32
        %dma_wait3A_431 = arith.constant 0 : i32
        %dma_wait3A_432 = tpu.memref_slice %arg13[%dma_wait3A_430, %dma_wait3A_431] : memref<10240x128xf32, #tpu.memory_space<vmem_shared>> -> memref<10240x128xf32, #tpu.memory_space<vmem_shared>>
        tpu.wait_indirect_dma semaphore(%run_scoped3A_420 : memref<!tpu.dma_semaphore, #tpu.memory_space<semaphore_mem>>) src(%arg11 : memref<64x128xf32, #tpu.memory_space<vmem>>) dst(%dma_wait3A_432 : memref<10240x128xf32, #tpu.memory_space<vmem_shared>>)
        tpu.yield
      }) : () -> ()
      %mul3A_222 = arith.constant 160 : i32
      %mul3A_223 = arith.muli %add3A, %mul3A_222 : i32
      %add3A_224 = arith.constant 64 : i32
      %add3A_225 = arith.addi %mul3A_223, %add3A_224 : i32
      %mul3A_226 = arith.constant 64 : i32
      %mul3A_227 = arith.muli %add3A_225, %mul3A_226 : i32
      %run_scoped3A_228 = arith.constant 0 : i32
      "tpu.region"() ({
        %run_scoped3A_420 = tpu.sem_alloc : memref<!tpu.dma_semaphore, #tpu.memory_space<semaphore_mem>>
        %dma_start3A_421 = arith.constant 0 : i32
        %dma_start3A_422 = tpu.memref_slice %arg5[%dma_start3A_421] : memref<2048xi32, #tpu.memory_space<vmem>> -> memref<2048xi32, #tpu.memory_space<vmem>>
        %dma_start3A_423 = arith.constant 0 : i32
        %dma_start3A_424 = tpu.memref_slice %arg3[%run_scoped3A_228, %dma_start3A_423] : memref<2x320000xi32, #tpu.memory_space<hbm>> -> memref<1x320000xi32, #tpu.memory_space<hbm>>
        %dma_start3A_425 = tpu.memref_squeeze %dma_start3A_424 : memref<1x320000xi32, #tpu.memory_space<hbm>> -> memref<320000xi32, #tpu.memory_space<hbm>>
        %dma_start3A_426 = tpu.memref_slice %dma_start3A_425[%mul3A_227] : memref<320000xi32, #tpu.memory_space<hbm>> -> memref<2048xi32, #tpu.memory_space<hbm>>
        %dma_start3A_427 = arith.constant 0 : i32
        %dma_start3A_428 = tpu.memref_slice %arg5[%dma_start3A_427] : memref<2048xi32, #tpu.memory_space<vmem>> -> memref<2048xi32, #tpu.memory_space<vmem>>
        %dma_start3A_429 = arith.constant 0 : i32
        %dma_start3A_430 = tpu.memref_slice %arg3[%run_scoped3A_228, %dma_start3A_429] : memref<2x320000xi32, #tpu.memory_space<hbm>> -> memref<1x320000xi32, #tpu.memory_space<hbm>>
        %dma_start3A_431 = tpu.memref_squeeze %dma_start3A_430 : memref<1x320000xi32, #tpu.memory_space<hbm>> -> memref<320000xi32, #tpu.memory_space<hbm>>
        %dma_start3A_432 = tpu.memref_slice %dma_start3A_431[%mul3A_227] : memref<320000xi32, #tpu.memory_space<hbm>> -> memref<2048xi32, #tpu.memory_space<hbm>>
        tpu.enqueue_dma source(%dma_start3A_432 : memref<2048xi32, #tpu.memory_space<hbm>>) target(%dma_start3A_428 : memref<2048xi32, #tpu.memory_space<vmem>>) target_semaphore(%run_scoped3A_420 : memref<!tpu.dma_semaphore, #tpu.memory_space<semaphore_mem>>)
        %dma_wait3A_433 = arith.constant 0 : i32
        %dma_wait3A_434 = tpu.memref_slice %arg5[%dma_wait3A_433] : memref<2048xi32, #tpu.memory_space<vmem>> -> memref<2048xi32, #tpu.memory_space<vmem>>
        %dma_wait3A_435 = arith.constant 0 : i32
        %dma_wait3A_436 = tpu.memref_slice %arg3[%run_scoped3A_228, %dma_wait3A_435] : memref<2x320000xi32, #tpu.memory_space<hbm>> -> memref<1x320000xi32, #tpu.memory_space<hbm>>
        %dma_wait3A_437 = tpu.memref_squeeze %dma_wait3A_436 : memref<1x320000xi32, #tpu.memory_space<hbm>> -> memref<320000xi32, #tpu.memory_space<hbm>>
        %dma_wait3A_438 = tpu.memref_slice %dma_wait3A_437[%mul3A_227] : memref<320000xi32, #tpu.memory_space<hbm>> -> memref<2048xi32, #tpu.memory_space<hbm>>
        %dma_wait3A_439 = arith.constant 0 : i32
        %dma_wait3A_440 = tpu.memref_slice %arg5[%dma_wait3A_439] : memref<2048xi32, #tpu.memory_space<vmem>> -> memref<2048xi32, #tpu.memory_space<vmem>>
        %dma_wait3A_441 = arith.constant 0 : i32
        %dma_wait3A_442 = tpu.memref_slice %arg3[%run_scoped3A_228, %dma_wait3A_441] : memref<2x320000xi32, #tpu.memory_space<hbm>> -> memref<1x320000xi32, #tpu.memory_space<hbm>>
        %dma_wait3A_443 = tpu.memref_squeeze %dma_wait3A_442 : memref<1x320000xi32, #tpu.memory_space<hbm>> -> memref<320000xi32, #tpu.memory_space<hbm>>
        %dma_wait3A_444 = tpu.memref_slice %dma_wait3A_443[%mul3A_227] : memref<320000xi32, #tpu.memory_space<hbm>> -> memref<2048xi32, #tpu.memory_space<hbm>>
        tpu.wait_dma2 semaphore(%run_scoped3A_420 : memref<!tpu.dma_semaphore, #tpu.memory_space<semaphore_mem>>) src(%dma_wait3A_444 : memref<2048xi32, #tpu.memory_space<hbm>>) dst(%dma_wait3A_440 : memref<2048xi32, #tpu.memory_space<vmem>>)
        tpu.yield
      }) : () -> ()
      %mul3A_229 = arith.constant 64 : i32
      %mul3A_230 = arith.muli %add3A_225, %mul3A_229 : i32
      %run_scoped3A_231 = arith.constant 1 : i32
      "tpu.region"() ({
        %run_scoped3A_420 = tpu.sem_alloc : memref<!tpu.dma_semaphore, #tpu.memory_space<semaphore_mem>>
        %dma_start3A_421 = arith.constant 0 : i32
        %dma_start3A_422 = tpu.memref_slice %arg6[%dma_start3A_421] : memref<2048xi32, #tpu.memory_space<vmem>> -> memref<2048xi32, #tpu.memory_space<vmem>>
        %dma_start3A_423 = arith.constant 0 : i32
        %dma_start3A_424 = tpu.memref_slice %arg3[%run_scoped3A_231, %dma_start3A_423] : memref<2x320000xi32, #tpu.memory_space<hbm>> -> memref<1x320000xi32, #tpu.memory_space<hbm>>
        %dma_start3A_425 = tpu.memref_squeeze %dma_start3A_424 : memref<1x320000xi32, #tpu.memory_space<hbm>> -> memref<320000xi32, #tpu.memory_space<hbm>>
        %dma_start3A_426 = tpu.memref_slice %dma_start3A_425[%mul3A_230] : memref<320000xi32, #tpu.memory_space<hbm>> -> memref<2048xi32, #tpu.memory_space<hbm>>
        %dma_start3A_427 = arith.constant 0 : i32
        %dma_start3A_428 = tpu.memref_slice %arg6[%dma_start3A_427] : memref<2048xi32, #tpu.memory_space<vmem>> -> memref<2048xi32, #tpu.memory_space<vmem>>
        %dma_start3A_429 = arith.constant 0 : i32
        %dma_start3A_430 = tpu.memref_slice %arg3[%run_scoped3A_231, %dma_start3A_429] : memref<2x320000xi32, #tpu.memory_space<hbm>> -> memref<1x320000xi32, #tpu.memory_space<hbm>>
        %dma_start3A_431 = tpu.memref_squeeze %dma_start3A_430 : memref<1x320000xi32, #tpu.memory_space<hbm>> -> memref<320000xi32, #tpu.memory_space<hbm>>
        %dma_start3A_432 = tpu.memref_slice %dma_start3A_431[%mul3A_230] : memref<320000xi32, #tpu.memory_space<hbm>> -> memref<2048xi32, #tpu.memory_space<hbm>>
        tpu.enqueue_dma source(%dma_start3A_432 : memref<2048xi32, #tpu.memory_space<hbm>>) target(%dma_start3A_428 : memref<2048xi32, #tpu.memory_space<vmem>>) target_semaphore(%run_scoped3A_420 : memref<!tpu.dma_semaphore, #tpu.memory_space<semaphore_mem>>)
        %dma_wait3A_433 = arith.constant 0 : i32
        %dma_wait3A_434 = tpu.memref_slice %arg6[%dma_wait3A_433] : memref<2048xi32, #tpu.memory_space<vmem>> -> memref<2048xi32, #tpu.memory_space<vmem>>
        %dma_wait3A_435 = arith.constant 0 : i32
        %dma_wait3A_436 = tpu.memref_slice %arg3[%run_scoped3A_231, %dma_wait3A_435] : memref<2x320000xi32, #tpu.memory_space<hbm>> -> memref<1x320000xi32, #tpu.memory_space<hbm>>
        %dma_wait3A_437 = tpu.memref_squeeze %dma_wait3A_436 : memref<1x320000xi32, #tpu.memory_space<hbm>> -> memref<320000xi32, #tpu.memory_space<hbm>>
        %dma_wait3A_438 = tpu.memref_slice %dma_wait3A_437[%mul3A_230] : memref<320000xi32, #tpu.memory_space<hbm>> -> memref<2048xi32, #tpu.memory_space<hbm>>
        %dma_wait3A_439 = arith.constant 0 : i32
        %dma_wait3A_440 = tpu.memref_slice %arg6[%dma_wait3A_439] : memref<2048xi32, #tpu.memory_space<vmem>> -> memref<2048xi32, #tpu.memory_space<vmem>>
        %dma_wait3A_441 = arith.constant 0 : i32
        %dma_wait3A_442 = tpu.memref_slice %arg3[%run_scoped3A_231, %dma_wait3A_441] : memref<2x320000xi32, #tpu.memory_space<hbm>> -> memref<1x320000xi32, #tpu.memory_space<hbm>>
        %dma_wait3A_443 = tpu.memref_squeeze %dma_wait3A_442 : memref<1x320000xi32, #tpu.memory_space<hbm>> -> memref<320000xi32, #tpu.memory_space<hbm>>
        %dma_wait3A_444 = tpu.memref_slice %dma_wait3A_443[%mul3A_230] : memref<320000xi32, #tpu.memory_space<hbm>> -> memref<2048xi32, #tpu.memory_space<hbm>>
        tpu.wait_dma2 semaphore(%run_scoped3A_420 : memref<!tpu.dma_semaphore, #tpu.memory_space<semaphore_mem>>) src(%dma_wait3A_444 : memref<2048xi32, #tpu.memory_space<hbm>>) dst(%dma_wait3A_440 : memref<2048xi32, #tpu.memory_space<vmem>>)
        tpu.yield
      }) : () -> ()
      %scan3A_232 = arith.constant 0 : i32
      %scan3A_233 = arith.constant 0 : i32
      %scan3A_234 = arith.constant 32 : i32
      %scan3A_235 = arith.addi %scan3A_233, %scan3A_234 : i32
      %scan3A_236 = arith.constant 1 : i32
      scf.for %scan3A_420 = %scan3A_233 to %scan3A_235 step %scan3A_236  : i32 {
        %mul3A_421 = arith.constant 64 : i32
        %mul3A_422 = arith.muli %scan3A_420, %mul3A_421 : i32
        %add3A_423 = arith.constant 0 : i32
        %add3A_424 = arith.addi %mul3A_422, %add3A_423 : i32
        %get3A = arith.index_cast %add3A_424 : i32 to index
        %get3A_425 = tpu.vector_load %arg6[%get3A] {strides = array<i32>} : memref<2048xi32, #tpu.memory_space<vmem>>, vector<16xi32>,
        %get3A_426 = vector.shape_cast %get3A_425 : vector<16xi32> to vector<16xi32>
        %swap3A = arith.index_cast %scan3A_420 : i32 to index
        %swap3A_427 = arith.constant 0 : index
        %swap3A_428 = tpu.vector_load %arg7[%swap3A, %swap3A_427] {strides = array<i32>} : memref<32x64xi32, #tpu.memory_space<vmem>>, vector<1x16xi32>,
        %swap3A_429 = vector.shape_cast %swap3A_428 : vector<1x16xi32> to vector<16xi32>
        %swap3A_430 = vector.shape_cast %get3A_426 : vector<16xi32> to vector<1x16xi32>
        tpu.vector_store %arg7[%swap3A, %swap3A_427], %swap3A_430 {strides = array<i32>} : memref<32x64xi32, #tpu.memory_space<vmem>>, vector<1x16xi32>,
        %mul3A_431 = arith.constant 64 : i32
        %mul3A_432 = arith.muli %scan3A_420, %mul3A_431 : i32
        %add3A_433 = arith.constant 16 : i32
        %add3A_434 = arith.addi %mul3A_432, %add3A_433 : i32
        %get3A_435 = arith.index_cast %add3A_434 : i32 to index
        %get3A_436 = tpu.vector_load %arg6[%get3A_435] {strides = array<i32>} : memref<2048xi32, #tpu.memory_space<vmem>>, vector<16xi32>,
        %get3A_437 = vector.shape_cast %get3A_436 : vector<16xi32> to vector<16xi32>
        %swap3A_438 = arith.index_cast %scan3A_420 : i32 to index
        %swap3A_439 = arith.constant 16 : index
        %swap3A_440 = tpu.vector_load %arg7[%swap3A_438, %swap3A_439] {strides = array<i32>} : memref<32x64xi32, #tpu.memory_space<vmem>>, vector<1x16xi32>,
        %swap3A_441 = vector.shape_cast %swap3A_440 : vector<1x16xi32> to vector<16xi32>
        %swap3A_442 = vector.shape_cast %get3A_437 : vector<16xi32> to vector<1x16xi32>
        tpu.vector_store %arg7[%swap3A_438, %swap3A_439], %swap3A_442 {strides = array<i32>} : memref<32x64xi32, #tpu.memory_space<vmem>>, vector<1x16xi32>,
        %mul3A_443 = arith.constant 64 : i32
        %mul3A_444 = arith.muli %scan3A_420, %mul3A_443 : i32
        %add3A_445 = arith.constant 32 : i32
        %add3A_446 = arith.addi %mul3A_444, %add3A_445 : i32
        %get3A_447 = arith.index_cast %add3A_446 : i32 to index
        %get3A_448 = tpu.vector_load %arg6[%get3A_447] {strides = array<i32>} : memref<2048xi32, #tpu.memory_space<vmem>>, vector<16xi32>,
        %get3A_449 = vector.shape_cast %get3A_448 : vector<16xi32> to vector<16xi32>
        %swap3A_450 = arith.index_cast %scan3A_420 : i32 to index
        %swap3A_451 = arith.constant 32 : index
        %swap3A_452 = tpu.vector_load %arg7[%swap3A_450, %swap3A_451] {strides = array<i32>} : memref<32x64xi32, #tpu.memory_space<vmem>>, vector<1x16xi32>,
        %swap3A_453 = vector.shape_cast %swap3A_452 : vector<1x16xi32> to vector<16xi32>
        %swap3A_454 = vector.shape_cast %get3A_449 : vector<16xi32> to vector<1x16xi32>
        tpu.vector_store %arg7[%swap3A_450, %swap3A_451], %swap3A_454 {strides = array<i32>} : memref<32x64xi32, #tpu.memory_space<vmem>>, vector<1x16xi32>,
        %mul3A_455 = arith.constant 64 : i32
        %mul3A_456 = arith.muli %scan3A_420, %mul3A_455 : i32
        %add3A_457 = arith.constant 48 : i32
        %add3A_458 = arith.addi %mul3A_456, %add3A_457 : i32
        %get3A_459 = arith.index_cast %add3A_458 : i32 to index
        %get3A_460 = tpu.vector_load %arg6[%get3A_459] {strides = array<i32>} : memref<2048xi32, #tpu.memory_space<vmem>>, vector<16xi32>,
        %get3A_461 = vector.shape_cast %get3A_460 : vector<16xi32> to vector<16xi32>
        %swap3A_462 = arith.index_cast %scan3A_420 : i32 to index
        %swap3A_463 = arith.constant 48 : index
        %swap3A_464 = tpu.vector_load %arg7[%swap3A_462, %swap3A_463] {strides = array<i32>} : memref<32x64xi32, #tpu.memory_space<vmem>>, vector<1x16xi32>,
        %swap3A_465 = vector.shape_cast %swap3A_464 : vector<1x16xi32> to vector<16xi32>
        %swap3A_466 = vector.shape_cast %get3A_461 : vector<16xi32> to vector<1x16xi32>
        tpu.vector_store %arg7[%swap3A_462, %swap3A_463], %swap3A_466 {strides = array<i32>} : memref<32x64xi32, #tpu.memory_space<vmem>>, vector<1x16xi32>,
      }
      %scan3A_237 = arith.constant 32 : i32
      %dma_start3A_238 = arith.constant 0 : i32
      %dma_start3A_239 = tpu.memref_slice %arg5[%dma_start3A_238] : memref<2048xi32, #tpu.memory_space<vmem>> -> memref<64xi32, #tpu.memory_space<vmem>>
      %dma_start3A_240 = arith.constant 0 : i32
      %dma_start3A_241 = arith.constant 0 : i32
      %dma_start3A_242 = tpu.memref_slice %arg2[%dma_start3A_240, %dma_start3A_241] : memref<10000x128xf32, #tpu.memory_space<hbm>> -> memref<10000x128xf32, #tpu.memory_space<hbm>>
      tpu.enqueue_indirect_dma source(%dma_start3A_242 : memref<10000x128xf32, #tpu.memory_space<hbm>>) target(%arg8 : memref<64x128xf32, #tpu.memory_space<vmem>>) offsets(%dma_start3A_239 : memref<64xi32, #tpu.memory_space<vmem>>) semaphore(%arg14 : memref<!tpu.dma_semaphore, #tpu.memory_space<semaphore_mem>>)
      %dma_start3A_243 = arith.constant 64 : i32
      %dma_start3A_244 = tpu.memref_slice %arg5[%dma_start3A_243] : memref<2048xi32, #tpu.memory_space<vmem>> -> memref<64xi32, #tpu.memory_space<vmem>>
      %dma_start3A_245 = arith.constant 0 : i32
      %dma_start3A_246 = arith.constant 0 : i32
      %dma_start3A_247 = tpu.memref_slice %arg2[%dma_start3A_245, %dma_start3A_246] : memref<10000x128xf32, #tpu.memory_space<hbm>> -> memref<10000x128xf32, #tpu.memory_space<hbm>>
      tpu.enqueue_indirect_dma source(%dma_start3A_247 : memref<10000x128xf32, #tpu.memory_space<hbm>>) target(%arg9 : memref<64x128xf32, #tpu.memory_space<vmem>>) offsets(%dma_start3A_244 : memref<64xi32, #tpu.memory_space<vmem>>) semaphore(%arg15 : memref<!tpu.dma_semaphore, #tpu.memory_space<semaphore_mem>>)
      %dma_start3A_248 = arith.constant 128 : i32
      %dma_start3A_249 = tpu.memref_slice %arg5[%dma_start3A_248] : memref<2048xi32, #tpu.memory_space<vmem>> -> memref<64xi32, #tpu.memory_space<vmem>>
      %dma_start3A_250 = arith.constant 0 : i32
      %dma_start3A_251 = arith.constant 0 : i32
      %dma_start3A_252 = tpu.memref_slice %arg2[%dma_start3A_250, %dma_start3A_251] : memref<10000x128xf32, #tpu.memory_space<hbm>> -> memref<10000x128xf32, #tpu.memory_space<hbm>>
      tpu.enqueue_indirect_dma source(%dma_start3A_252 : memref<10000x128xf32, #tpu.memory_space<hbm>>) target(%arg10 : memref<64x128xf32, #tpu.memory_space<vmem>>) offsets(%dma_start3A_249 : memref<64xi32, #tpu.memory_space<vmem>>) semaphore(%arg16 : memref<!tpu.dma_semaphore, #tpu.memory_space<semaphore_mem>>)
      %dma_start3A_253 = arith.constant 192 : i32
      %dma_start3A_254 = tpu.memref_slice %arg5[%dma_start3A_253] : memref<2048xi32, #tpu.memory_space<vmem>> -> memref<64xi32, #tpu.memory_space<vmem>>
      %dma_start3A_255 = arith.constant 0 : i32
      %dma_start3A_256 = arith.constant 0 : i32
      %dma_start3A_257 = tpu.memref_slice %arg2[%dma_start3A_255, %dma_start3A_256] : memref<10000x128xf32, #tpu.memory_space<hbm>> -> memref<10000x128xf32, #tpu.memory_space<hbm>>
      tpu.enqueue_indirect_dma source(%dma_start3A_257 : memref<10000x128xf32, #tpu.memory_space<hbm>>) target(%arg11 : memref<64x128xf32, #tpu.memory_space<vmem>>) offsets(%dma_start3A_254 : memref<64xi32, #tpu.memory_space<vmem>>) semaphore(%arg17 : memref<!tpu.dma_semaphore, #tpu.memory_space<semaphore_mem>>)
      %scan3A_258 = arith.constant 0 : i32
      %scan3A_259 = arith.constant 0 : i32
      %scan3A_260 = arith.constant 7 : i32
      %scan3A_261 = arith.addi %scan3A_259, %scan3A_260 : i32
      %scan3A_262 = arith.constant 1 : i32
      scf.for %scan3A_420 = %scan3A_259 to %scan3A_261 step %scan3A_262  : i32 {
        %mul3A_421 = arith.constant 4 : i32
        %mul3A_422 = arith.muli %mul3A_421, %scan3A_420 : i32
        %add3A_423 = arith.constant 0 : i32
        %add3A_424 = arith.addi %mul3A_422, %add3A_423 : i32
        %mul3A_425 = arith.constant 64 : i32
        %mul3A_426 = arith.muli %add3A_424, %mul3A_425 : i32
        %dma_wait3A_427 = tpu.memref_slice %arg5[%mul3A_426] : memref<2048xi32, #tpu.memory_space<vmem>> -> memref<64xi32, #tpu.memory_space<vmem>>
        %dma_wait3A_428 = arith.constant 0 : i32
        %dma_wait3A_429 = arith.constant 0 : i32
        %dma_wait3A_430 = tpu.memref_slice %arg2[%dma_wait3A_428, %dma_wait3A_429] : memref<10000x128xf32, #tpu.memory_space<hbm>> -> memref<10000x128xf32, #tpu.memory_space<hbm>>
        tpu.wait_indirect_dma semaphore(%arg14 : memref<!tpu.dma_semaphore, #tpu.memory_space<semaphore_mem>>) src(%dma_wait3A_430 : memref<10000x128xf32, #tpu.memory_space<hbm>>) dst(%arg8 : memref<64x128xf32, #tpu.memory_space<vmem>>)
        "tpu.region"() ({
          %run_scoped3A_487 = tpu.sem_alloc : memref<!tpu.dma_semaphore, #tpu.memory_space<semaphore_mem>>
          %dma_start3A_488 = arith.constant 0 : i32
          %dma_start3A_489 = tpu.memref_slice %arg7[%add3A_424, %dma_start3A_488] : memref<32x64xi32, #tpu.memory_space<vmem>> -> memref<1x64xi32, #tpu.memory_space<vmem>>
          %dma_start3A_490 = tpu.memref_squeeze %dma_start3A_489 : memref<1x64xi32, #tpu.memory_space<vmem>> -> memref<64xi32, #tpu.memory_space<vmem>>
          %dma_start3A_491 = arith.constant 0 : i32
          %dma_start3A_492 = arith.constant 0 : i32
          %dma_start3A_493 = tpu.memref_slice %arg13[%dma_start3A_491, %dma_start3A_492] : memref<10240x128xf32, #tpu.memory_space<vmem_shared>> -> memref<10240x128xf32, #tpu.memory_space<vmem_shared>>
          tpu.enqueue_indirect_dma source(%arg8 : memref<64x128xf32, #tpu.memory_space<vmem>>) target(%dma_start3A_493 : memref<10240x128xf32, #tpu.memory_space<vmem_shared>>) offsets(%dma_start3A_490 : memref<64xi32, #tpu.memory_space<vmem>>) semaphore(%run_scoped3A_487 : memref<!tpu.dma_semaphore, #tpu.memory_space<semaphore_mem>>) {add = true}
          %dma_wait3A_494 = arith.constant 0 : i32
          %dma_wait3A_495 = tpu.memref_slice %arg7[%add3A_424, %dma_wait3A_494] : memref<32x64xi32, #tpu.memory_space<vmem>> -> memref<1x64xi32, #tpu.memory_space<vmem>>
          %dma_wait3A_496 = tpu.memref_squeeze %dma_wait3A_495 : memref<1x64xi32, #tpu.memory_space<vmem>> -> memref<64xi32, #tpu.memory_space<vmem>>
          %dma_wait3A_497 = arith.constant 0 : i32
          %dma_wait3A_498 = arith.constant 0 : i32
          %dma_wait3A_499 = tpu.memref_slice %arg13[%dma_wait3A_497, %dma_wait3A_498] : memref<10240x128xf32, #tpu.memory_space<vmem_shared>> -> memref<10240x128xf32, #tpu.memory_space<vmem_shared>>
          tpu.wait_indirect_dma semaphore(%run_scoped3A_487 : memref<!tpu.dma_semaphore, #tpu.memory_space<semaphore_mem>>) src(%arg8 : memref<64x128xf32, #tpu.memory_space<vmem>>) dst(%dma_wait3A_499 : memref<10240x128xf32, #tpu.memory_space<vmem_shared>>)
          tpu.yield
        }) : () -> ()
        %add3A_431 = arith.constant 4 : i32
        %add3A_432 = arith.addi %add3A_424, %add3A_431 : i32
        %mul3A_433 = arith.constant 64 : i32
        %mul3A_434 = arith.muli %add3A_432, %mul3A_433 : i32
        %dma_start3A_435 = tpu.memref_slice %arg5[%mul3A_434] : memref<2048xi32, #tpu.memory_space<vmem>> -> memref<64xi32, #tpu.memory_space<vmem>>
        %dma_start3A_436 = arith.constant 0 : i32
        %dma_start3A_437 = arith.constant 0 : i32
        %dma_start3A_438 = tpu.memref_slice %arg2[%dma_start3A_436, %dma_start3A_437] : memref<10000x128xf32, #tpu.memory_space<hbm>> -> memref<10000x128xf32, #tpu.memory_space<hbm>>
        tpu.enqueue_indirect_dma source(%dma_start3A_438 : memref<10000x128xf32, #tpu.memory_space<hbm>>) target(%arg8 : memref<64x128xf32, #tpu.memory_space<vmem>>) offsets(%dma_start3A_435 : memref<64xi32, #tpu.memory_space<vmem>>) semaphore(%arg14 : memref<!tpu.dma_semaphore, #tpu.memory_space<semaphore_mem>>)
        %add3A_439 = arith.constant 1 : i32
        %add3A_440 = arith.addi %mul3A_422, %add3A_439 : i32
        %mul3A_441 = arith.constant 64 : i32
        %mul3A_442 = arith.muli %add3A_440, %mul3A_441 : i32
        %dma_wait3A_443 = tpu.memref_slice %arg5[%mul3A_442] : memref<2048xi32, #tpu.memory_space<vmem>> -> memref<64xi32, #tpu.memory_space<vmem>>
        %dma_wait3A_444 = arith.constant 0 : i32
        %dma_wait3A_445 = arith.constant 0 : i32
        %dma_wait3A_446 = tpu.memref_slice %arg2[%dma_wait3A_444, %dma_wait3A_445] : memref<10000x128xf32, #tpu.memory_space<hbm>> -> memref<10000x128xf32, #tpu.memory_space<hbm>>
        tpu.wait_indirect_dma semaphore(%arg15 : memref<!tpu.dma_semaphore, #tpu.memory_space<semaphore_mem>>) src(%dma_wait3A_446 : memref<10000x128xf32, #tpu.memory_space<hbm>>) dst(%arg9 : memref<64x128xf32, #tpu.memory_space<vmem>>)
        "tpu.region"() ({
          %run_scoped3A_487 = tpu.sem_alloc : memref<!tpu.dma_semaphore, #tpu.memory_space<semaphore_mem>>
          %dma_start3A_488 = arith.constant 0 : i32
          %dma_start3A_489 = tpu.memref_slice %arg7[%add3A_440, %dma_start3A_488] : memref<32x64xi32, #tpu.memory_space<vmem>> -> memref<1x64xi32, #tpu.memory_space<vmem>>
          %dma_start3A_490 = tpu.memref_squeeze %dma_start3A_489 : memref<1x64xi32, #tpu.memory_space<vmem>> -> memref<64xi32, #tpu.memory_space<vmem>>
          %dma_start3A_491 = arith.constant 0 : i32
          %dma_start3A_492 = arith.constant 0 : i32
          %dma_start3A_493 = tpu.memref_slice %arg13[%dma_start3A_491, %dma_start3A_492] : memref<10240x128xf32, #tpu.memory_space<vmem_shared>> -> memref<10240x128xf32, #tpu.memory_space<vmem_shared>>
          tpu.enqueue_indirect_dma source(%arg9 : memref<64x128xf32, #tpu.memory_space<vmem>>) target(%dma_start3A_493 : memref<10240x128xf32, #tpu.memory_space<vmem_shared>>) offsets(%dma_start3A_490 : memref<64xi32, #tpu.memory_space<vmem>>) semaphore(%run_scoped3A_487 : memref<!tpu.dma_semaphore, #tpu.memory_space<semaphore_mem>>) {add = true}
          %dma_wait3A_494 = arith.constant 0 : i32
          %dma_wait3A_495 = tpu.memref_slice %arg7[%add3A_440, %dma_wait3A_494] : memref<32x64xi32, #tpu.memory_space<vmem>> -> memref<1x64xi32, #tpu.memory_space<vmem>>
          %dma_wait3A_496 = tpu.memref_squeeze %dma_wait3A_495 : memref<1x64xi32, #tpu.memory_space<vmem>> -> memref<64xi32, #tpu.memory_space<vmem>>
          %dma_wait3A_497 = arith.constant 0 : i32
          %dma_wait3A_498 = arith.constant 0 : i32
          %dma_wait3A_499 = tpu.memref_slice %arg13[%dma_wait3A_497, %dma_wait3A_498] : memref<10240x128xf32, #tpu.memory_space<vmem_shared>> -> memref<10240x128xf32, #tpu.memory_space<vmem_shared>>
          tpu.wait_indirect_dma semaphore(%run_scoped3A_487 : memref<!tpu.dma_semaphore, #tpu.memory_space<semaphore_mem>>) src(%arg9 : memref<64x128xf32, #tpu.memory_space<vmem>>) dst(%dma_wait3A_499 : memref<10240x128xf32, #tpu.memory_space<vmem_shared>>)
          tpu.yield
        }) : () -> ()
        %add3A_447 = arith.constant 4 : i32
        %add3A_448 = arith.addi %add3A_440, %add3A_447 : i32
        %mul3A_449 = arith.constant 64 : i32
        %mul3A_450 = arith.muli %add3A_448, %mul3A_449 : i32
        %dma_start3A_451 = tpu.memref_slice %arg5[%mul3A_450] : memref<2048xi32, #tpu.memory_space<vmem>> -> memref<64xi32, #tpu.memory_space<vmem>>
        %dma_start3A_452 = arith.constant 0 : i32
        %dma_start3A_453 = arith.constant 0 : i32
        %dma_start3A_454 = tpu.memref_slice %arg2[%dma_start3A_452, %dma_start3A_453] : memref<10000x128xf32, #tpu.memory_space<hbm>> -> memref<10000x128xf32, #tpu.memory_space<hbm>>
        tpu.enqueue_indirect_dma source(%dma_start3A_454 : memref<10000x128xf32, #tpu.memory_space<hbm>>) target(%arg9 : memref<64x128xf32, #tpu.memory_space<vmem>>) offsets(%dma_start3A_451 : memref<64xi32, #tpu.memory_space<vmem>>) semaphore(%arg15 : memref<!tpu.dma_semaphore, #tpu.memory_space<semaphore_mem>>)
        %add3A_455 = arith.constant 2 : i32
        %add3A_456 = arith.addi %mul3A_422, %add3A_455 : i32
        %mul3A_457 = arith.constant 64 : i32
        %mul3A_458 = arith.muli %add3A_456, %mul3A_457 : i32
        %dma_wait3A_459 = tpu.memref_slice %arg5[%mul3A_458] : memref<2048xi32, #tpu.memory_space<vmem>> -> memref<64xi32, #tpu.memory_space<vmem>>
        %dma_wait3A_460 = arith.constant 0 : i32
        %dma_wait3A_461 = arith.constant 0 : i32
        %dma_wait3A_462 = tpu.memref_slice %arg2[%dma_wait3A_460, %dma_wait3A_461] : memref<10000x128xf32, #tpu.memory_space<hbm>> -> memref<10000x128xf32, #tpu.memory_space<hbm>>
        tpu.wait_indirect_dma semaphore(%arg16 : memref<!tpu.dma_semaphore, #tpu.memory_space<semaphore_mem>>) src(%dma_wait3A_462 : memref<10000x128xf32, #tpu.memory_space<hbm>>) dst(%arg10 : memref<64x128xf32, #tpu.memory_space<vmem>>)
        "tpu.region"() ({
          %run_scoped3A_487 = tpu.sem_alloc : memref<!tpu.dma_semaphore, #tpu.memory_space<semaphore_mem>>
          %dma_start3A_488 = arith.constant 0 : i32
          %dma_start3A_489 = tpu.memref_slice %arg7[%add3A_456, %dma_start3A_488] : memref<32x64xi32, #tpu.memory_space<vmem>> -> memref<1x64xi32, #tpu.memory_space<vmem>>
          %dma_start3A_490 = tpu.memref_squeeze %dma_start3A_489 : memref<1x64xi32, #tpu.memory_space<vmem>> -> memref<64xi32, #tpu.memory_space<vmem>>
          %dma_start3A_491 = arith.constant 0 : i32
          %dma_start3A_492 = arith.constant 0 : i32
          %dma_start3A_493 = tpu.memref_slice %arg13[%dma_start3A_491, %dma_start3A_492] : memref<10240x128xf32, #tpu.memory_space<vmem_shared>> -> memref<10240x128xf32, #tpu.memory_space<vmem_shared>>
          tpu.enqueue_indirect_dma source(%arg10 : memref<64x128xf32, #tpu.memory_space<vmem>>) target(%dma_start3A_493 : memref<10240x128xf32, #tpu.memory_space<vmem_shared>>) offsets(%dma_start3A_490 : memref<64xi32, #tpu.memory_space<vmem>>) semaphore(%run_scoped3A_487 : memref<!tpu.dma_semaphore, #tpu.memory_space<semaphore_mem>>) {add = true}
          %dma_wait3A_494 = arith.constant 0 : i32
          %dma_wait3A_495 = tpu.memref_slice %arg7[%add3A_456, %dma_wait3A_494] : memref<32x64xi32, #tpu.memory_space<vmem>> -> memref<1x64xi32, #tpu.memory_space<vmem>>
          %dma_wait3A_496 = tpu.memref_squeeze %dma_wait3A_495 : memref<1x64xi32, #tpu.memory_space<vmem>> -> memref<64xi32, #tpu.memory_space<vmem>>
          %dma_wait3A_497 = arith.constant 0 : i32
          %dma_wait3A_498 = arith.constant 0 : i32
          %dma_wait3A_499 = tpu.memref_slice %arg13[%dma_wait3A_497, %dma_wait3A_498] : memref<10240x128xf32, #tpu.memory_space<vmem_shared>> -> memref<10240x128xf32, #tpu.memory_space<vmem_shared>>
          tpu.wait_indirect_dma semaphore(%run_scoped3A_487 : memref<!tpu.dma_semaphore, #tpu.memory_space<semaphore_mem>>) src(%arg10 : memref<64x128xf32, #tpu.memory_space<vmem>>) dst(%dma_wait3A_499 : memref<10240x128xf32, #tpu.memory_space<vmem_shared>>)
          tpu.yield
        }) : () -> ()
        %add3A_463 = arith.constant 4 : i32
        %add3A_464 = arith.addi %add3A_456, %add3A_463 : i32
        %mul3A_465 = arith.constant 64 : i32
        %mul3A_466 = arith.muli %add3A_464, %mul3A_465 : i32
        %dma_start3A_467 = tpu.memref_slice %arg5[%mul3A_466] : memref<2048xi32, #tpu.memory_space<vmem>> -> memref<64xi32, #tpu.memory_space<vmem>>
        %dma_start3A_468 = arith.constant 0 : i32
        %dma_start3A_469 = arith.constant 0 : i32
        %dma_start3A_470 = tpu.memref_slice %arg2[%dma_start3A_468, %dma_start3A_469] : memref<10000x128xf32, #tpu.memory_space<hbm>> -> memref<10000x128xf32, #tpu.memory_space<hbm>>
        tpu.enqueue_indirect_dma source(%dma_start3A_470 : memref<10000x128xf32, #tpu.memory_space<hbm>>) target(%arg10 : memref<64x128xf32, #tpu.memory_space<vmem>>) offsets(%dma_start3A_467 : memref<64xi32, #tpu.memory_space<vmem>>) semaphore(%arg16 : memref<!tpu.dma_semaphore, #tpu.memory_space<semaphore_mem>>)
        %add3A_471 = arith.constant 3 : i32
        %add3A_472 = arith.addi %mul3A_422, %add3A_471 : i32
        %mul3A_473 = arith.constant 64 : i32
        %mul3A_474 = arith.muli %add3A_472, %mul3A_473 : i32
        %dma_wait3A_475 = tpu.memref_slice %arg5[%mul3A_474] : memref<2048xi32, #tpu.memory_space<vmem>> -> memref<64xi32, #tpu.memory_space<vmem>>
        %dma_wait3A_476 = arith.constant 0 : i32
        %dma_wait3A_477 = arith.constant 0 : i32
        %dma_wait3A_478 = tpu.memref_slice %arg2[%dma_wait3A_476, %dma_wait3A_477] : memref<10000x128xf32, #tpu.memory_space<hbm>> -> memref<10000x128xf32, #tpu.memory_space<hbm>>
        tpu.wait_indirect_dma semaphore(%arg17 : memref<!tpu.dma_semaphore, #tpu.memory_space<semaphore_mem>>) src(%dma_wait3A_478 : memref<10000x128xf32, #tpu.memory_space<hbm>>) dst(%arg11 : memref<64x128xf32, #tpu.memory_space<vmem>>)
        "tpu.region"() ({
          %run_scoped3A_487 = tpu.sem_alloc : memref<!tpu.dma_semaphore, #tpu.memory_space<semaphore_mem>>
          %dma_start3A_488 = arith.constant 0 : i32
          %dma_start3A_489 = tpu.memref_slice %arg7[%add3A_472, %dma_start3A_488] : memref<32x64xi32, #tpu.memory_space<vmem>> -> memref<1x64xi32, #tpu.memory_space<vmem>>
          %dma_start3A_490 = tpu.memref_squeeze %dma_start3A_489 : memref<1x64xi32, #tpu.memory_space<vmem>> -> memref<64xi32, #tpu.memory_space<vmem>>
          %dma_start3A_491 = arith.constant 0 : i32
          %dma_start3A_492 = arith.constant 0 : i32
          %dma_start3A_493 = tpu.memref_slice %arg13[%dma_start3A_491, %dma_start3A_492] : memref<10240x128xf32, #tpu.memory_space<vmem_shared>> -> memref<10240x128xf32, #tpu.memory_space<vmem_shared>>
          tpu.enqueue_indirect_dma source(%arg11 : memref<64x128xf32, #tpu.memory_space<vmem>>) target(%dma_start3A_493 : memref<10240x128xf32, #tpu.memory_space<vmem_shared>>) offsets(%dma_start3A_490 : memref<64xi32, #tpu.memory_space<vmem>>) semaphore(%run_scoped3A_487 : memref<!tpu.dma_semaphore, #tpu.memory_space<semaphore_mem>>) {add = true}
          %dma_wait3A_494 = arith.constant 0 : i32
          %dma_wait3A_495 = tpu.memref_slice %arg7[%add3A_472, %dma_wait3A_494] : memref<32x64xi32, #tpu.memory_space<vmem>> -> memref<1x64xi32, #tpu.memory_space<vmem>>
          %dma_wait3A_496 = tpu.memref_squeeze %dma_wait3A_495 : memref<1x64xi32, #tpu.memory_space<vmem>> -> memref<64xi32, #tpu.memory_space<vmem>>
          %dma_wait3A_497 = arith.constant 0 : i32
          %dma_wait3A_498 = arith.constant 0 : i32
          %dma_wait3A_499 = tpu.memref_slice %arg13[%dma_wait3A_497, %dma_wait3A_498] : memref<10240x128xf32, #tpu.memory_space<vmem_shared>> -> memref<10240x128xf32, #tpu.memory_space<vmem_shared>>
          tpu.wait_indirect_dma semaphore(%run_scoped3A_487 : memref<!tpu.dma_semaphore, #tpu.memory_space<semaphore_mem>>) src(%arg11 : memref<64x128xf32, #tpu.memory_space<vmem>>) dst(%dma_wait3A_499 : memref<10240x128xf32, #tpu.memory_space<vmem_shared>>)
          tpu.yield
        }) : () -> ()
        %add3A_479 = arith.constant 4 : i32
        %add3A_480 = arith.addi %add3A_472, %add3A_479 : i32
        %mul3A_481 = arith.constant 64 : i32
        %mul3A_482 = arith.muli %add3A_480, %mul3A_481 : i32
        %dma_start3A_483 = tpu.memref_slice %arg5[%mul3A_482] : memref<2048xi32, #tpu.memory_space<vmem>> -> memref<64xi32, #tpu.memory_space<vmem>>
        %dma_start3A_484 = arith.constant 0 : i32
        %dma_start3A_485 = arith.constant 0 : i32
        %dma_start3A_486 = tpu.memref_slice %arg2[%dma_start3A_484, %dma_start3A_485] : memref<10000x128xf32, #tpu.memory_space<hbm>> -> memref<10000x128xf32, #tpu.memory_space<hbm>>
        tpu.enqueue_indirect_dma source(%dma_start3A_486 : memref<10000x128xf32, #tpu.memory_space<hbm>>) target(%arg11 : memref<64x128xf32, #tpu.memory_space<vmem>>) offsets(%dma_start3A_483 : memref<64xi32, #tpu.memory_space<vmem>>) semaphore(%arg17 : memref<!tpu.dma_semaphore, #tpu.memory_space<semaphore_mem>>)
      }
      %scan3A_263 = arith.constant 7 : i32
      %dma_wait3A_264 = arith.constant 1792 : i32
      %dma_wait3A_265 = tpu.memref_slice %arg5[%dma_wait3A_264] : memref<2048xi32, #tpu.memory_space<vmem>> -> memref<64xi32, #tpu.memory_space<vmem>>
      %dma_wait3A_266 = arith.constant 0 : i32
      %dma_wait3A_267 = arith.constant 0 : i32
      %dma_wait3A_268 = tpu.memref_slice %arg2[%dma_wait3A_266, %dma_wait3A_267] : memref<10000x128xf32, #tpu.memory_space<hbm>> -> memref<10000x128xf32, #tpu.memory_space<hbm>>
      tpu.wait_indirect_dma semaphore(%arg14 : memref<!tpu.dma_semaphore, #tpu.memory_space<semaphore_mem>>) src(%dma_wait3A_268 : memref<10000x128xf32, #tpu.memory_space<hbm>>) dst(%arg8 : memref<64x128xf32, #tpu.memory_space<vmem>>)
      %run_scoped3A_269 = arith.constant 28 : i32
      "tpu.region"() ({
        %run_scoped3A_420 = tpu.sem_alloc : memref<!tpu.dma_semaphore, #tpu.memory_space<semaphore_mem>>
        %dma_start3A_421 = arith.constant 0 : i32
        %dma_start3A_422 = tpu.memref_slice %arg7[%run_scoped3A_269, %dma_start3A_421] : memref<32x64xi32, #tpu.memory_space<vmem>> -> memref<1x64xi32, #tpu.memory_space<vmem>>
        %dma_start3A_423 = tpu.memref_squeeze %dma_start3A_422 : memref<1x64xi32, #tpu.memory_space<vmem>> -> memref<64xi32, #tpu.memory_space<vmem>>
        %dma_start3A_424 = arith.constant 0 : i32
        %dma_start3A_425 = arith.constant 0 : i32
        %dma_start3A_426 = tpu.memref_slice %arg13[%dma_start3A_424, %dma_start3A_425] : memref<10240x128xf32, #tpu.memory_space<vmem_shared>> -> memref<10240x128xf32, #tpu.memory_space<vmem_shared>>
        tpu.enqueue_indirect_dma source(%arg8 : memref<64x128xf32, #tpu.memory_space<vmem>>) target(%dma_start3A_426 : memref<10240x128xf32, #tpu.memory_space<vmem_shared>>) offsets(%dma_start3A_423 : memref<64xi32, #tpu.memory_space<vmem>>) semaphore(%run_scoped3A_420 : memref<!tpu.dma_semaphore, #tpu.memory_space<semaphore_mem>>) {add = true}
        %dma_wait3A_427 = arith.constant 0 : i32
        %dma_wait3A_428 = tpu.memref_slice %arg7[%run_scoped3A_269, %dma_wait3A_427] : memref<32x64xi32, #tpu.memory_space<vmem>> -> memref<1x64xi32, #tpu.memory_space<vmem>>
        %dma_wait3A_429 = tpu.memref_squeeze %dma_wait3A_428 : memref<1x64xi32, #tpu.memory_space<vmem>> -> memref<64xi32, #tpu.memory_space<vmem>>
        %dma_wait3A_430 = arith.constant 0 : i32
        %dma_wait3A_431 = arith.constant 0 : i32
        %dma_wait3A_432 = tpu.memref_slice %arg13[%dma_wait3A_430, %dma_wait3A_431] : memref<10240x128xf32, #tpu.memory_space<vmem_shared>> -> memref<10240x128xf32, #tpu.memory_space<vmem_shared>>
        tpu.wait_indirect_dma semaphore(%run_scoped3A_420 : memref<!tpu.dma_semaphore, #tpu.memory_space<semaphore_mem>>) src(%arg8 : memref<64x128xf32, #tpu.memory_space<vmem>>) dst(%dma_wait3A_432 : memref<10240x128xf32, #tpu.memory_space<vmem_shared>>)
        tpu.yield
      }) : () -> ()
      %dma_wait3A_270 = arith.constant 1856 : i32
      %dma_wait3A_271 = tpu.memref_slice %arg5[%dma_wait3A_270] : memref<2048xi32, #tpu.memory_space<vmem>> -> memref<64xi32, #tpu.memory_space<vmem>>
      %dma_wait3A_272 = arith.constant 0 : i32
      %dma_wait3A_273 = arith.constant 0 : i32
      %dma_wait3A_274 = tpu.memref_slice %arg2[%dma_wait3A_272, %dma_wait3A_273] : memref<10000x128xf32, #tpu.memory_space<hbm>> -> memref<10000x128xf32, #tpu.memory_space<hbm>>
      tpu.wait_indirect_dma semaphore(%arg15 : memref<!tpu.dma_semaphore, #tpu.memory_space<semaphore_mem>>) src(%dma_wait3A_274 : memref<10000x128xf32, #tpu.memory_space<hbm>>) dst(%arg9 : memref<64x128xf32, #tpu.memory_space<vmem>>)
      %run_scoped3A_275 = arith.constant 29 : i32
      "tpu.region"() ({
        %run_scoped3A_420 = tpu.sem_alloc : memref<!tpu.dma_semaphore, #tpu.memory_space<semaphore_mem>>
        %dma_start3A_421 = arith.constant 0 : i32
        %dma_start3A_422 = tpu.memref_slice %arg7[%run_scoped3A_275, %dma_start3A_421] : memref<32x64xi32, #tpu.memory_space<vmem>> -> memref<1x64xi32, #tpu.memory_space<vmem>>
        %dma_start3A_423 = tpu.memref_squeeze %dma_start3A_422 : memref<1x64xi32, #tpu.memory_space<vmem>> -> memref<64xi32, #tpu.memory_space<vmem>>
        %dma_start3A_424 = arith.constant 0 : i32
        %dma_start3A_425 = arith.constant 0 : i32
        %dma_start3A_426 = tpu.memref_slice %arg13[%dma_start3A_424, %dma_start3A_425] : memref<10240x128xf32, #tpu.memory_space<vmem_shared>> -> memref<10240x128xf32, #tpu.memory_space<vmem_shared>>
        tpu.enqueue_indirect_dma source(%arg9 : memref<64x128xf32, #tpu.memory_space<vmem>>) target(%dma_start3A_426 : memref<10240x128xf32, #tpu.memory_space<vmem_shared>>) offsets(%dma_start3A_423 : memref<64xi32, #tpu.memory_space<vmem>>) semaphore(%run_scoped3A_420 : memref<!tpu.dma_semaphore, #tpu.memory_space<semaphore_mem>>) {add = true}
        %dma_wait3A_427 = arith.constant 0 : i32
        %dma_wait3A_428 = tpu.memref_slice %arg7[%run_scoped3A_275, %dma_wait3A_427] : memref<32x64xi32, #tpu.memory_space<vmem>> -> memref<1x64xi32, #tpu.memory_space<vmem>>
        %dma_wait3A_429 = tpu.memref_squeeze %dma_wait3A_428 : memref<1x64xi32, #tpu.memory_space<vmem>> -> memref<64xi32, #tpu.memory_space<vmem>>
        %dma_wait3A_430 = arith.constant 0 : i32
        %dma_wait3A_431 = arith.constant 0 : i32
        %dma_wait3A_432 = tpu.memref_slice %arg13[%dma_wait3A_430, %dma_wait3A_431] : memref<10240x128xf32, #tpu.memory_space<vmem_shared>> -> memref<10240x128xf32, #tpu.memory_space<vmem_shared>>
        tpu.wait_indirect_dma semaphore(%run_scoped3A_420 : memref<!tpu.dma_semaphore, #tpu.memory_space<semaphore_mem>>) src(%arg9 : memref<64x128xf32, #tpu.memory_space<vmem>>) dst(%dma_wait3A_432 : memref<10240x128xf32, #tpu.memory_space<vmem_shared>>)
        tpu.yield
      }) : () -> ()
      %dma_wait3A_276 = arith.constant 1920 : i32
      %dma_wait3A_277 = tpu.memref_slice %arg5[%dma_wait3A_276] : memref<2048xi32, #tpu.memory_space<vmem>> -> memref<64xi32, #tpu.memory_space<vmem>>
      %dma_wait3A_278 = arith.constant 0 : i32
      %dma_wait3A_279 = arith.constant 0 : i32
      %dma_wait3A_280 = tpu.memref_slice %arg2[%dma_wait3A_278, %dma_wait3A_279] : memref<10000x128xf32, #tpu.memory_space<hbm>> -> memref<10000x128xf32, #tpu.memory_space<hbm>>
      tpu.wait_indirect_dma semaphore(%arg16 : memref<!tpu.dma_semaphore, #tpu.memory_space<semaphore_mem>>) src(%dma_wait3A_280 : memref<10000x128xf32, #tpu.memory_space<hbm>>) dst(%arg10 : memref<64x128xf32, #tpu.memory_space<vmem>>)
      %run_scoped3A_281 = arith.constant 30 : i32
      "tpu.region"() ({
        %run_scoped3A_420 = tpu.sem_alloc : memref<!tpu.dma_semaphore, #tpu.memory_space<semaphore_mem>>
        %dma_start3A_421 = arith.constant 0 : i32
        %dma_start3A_422 = tpu.memref_slice %arg7[%run_scoped3A_281, %dma_start3A_421] : memref<32x64xi32, #tpu.memory_space<vmem>> -> memref<1x64xi32, #tpu.memory_space<vmem>>
        %dma_start3A_423 = tpu.memref_squeeze %dma_start3A_422 : memref<1x64xi32, #tpu.memory_space<vmem>> -> memref<64xi32, #tpu.memory_space<vmem>>
        %dma_start3A_424 = arith.constant 0 : i32
        %dma_start3A_425 = arith.constant 0 : i32
        %dma_start3A_426 = tpu.memref_slice %arg13[%dma_start3A_424, %dma_start3A_425] : memref<10240x128xf32, #tpu.memory_space<vmem_shared>> -> memref<10240x128xf32, #tpu.memory_space<vmem_shared>>
        tpu.enqueue_indirect_dma source(%arg10 : memref<64x128xf32, #tpu.memory_space<vmem>>) target(%dma_start3A_426 : memref<10240x128xf32, #tpu.memory_space<vmem_shared>>) offsets(%dma_start3A_423 : memref<64xi32, #tpu.memory_space<vmem>>) semaphore(%run_scoped3A_420 : memref<!tpu.dma_semaphore, #tpu.memory_space<semaphore_mem>>) {add = true}
        %dma_wait3A_427 = arith.constant 0 : i32
        %dma_wait3A_428 = tpu.memref_slice %arg7[%run_scoped3A_281, %dma_wait3A_427] : memref<32x64xi32, #tpu.memory_space<vmem>> -> memref<1x64xi32, #tpu.memory_space<vmem>>
        %dma_wait3A_429 = tpu.memref_squeeze %dma_wait3A_428 : memref<1x64xi32, #tpu.memory_space<vmem>> -> memref<64xi32, #tpu.memory_space<vmem>>
        %dma_wait3A_430 = arith.constant 0 : i32
        %dma_wait3A_431 = arith.constant 0 : i32
        %dma_wait3A_432 = tpu.memref_slice %arg13[%dma_wait3A_430, %dma_wait3A_431] : memref<10240x128xf32, #tpu.memory_space<vmem_shared>> -> memref<10240x128xf32, #tpu.memory_space<vmem_shared>>
        tpu.wait_indirect_dma semaphore(%run_scoped3A_420 : memref<!tpu.dma_semaphore, #tpu.memory_space<semaphore_mem>>) src(%arg10 : memref<64x128xf32, #tpu.memory_space<vmem>>) dst(%dma_wait3A_432 : memref<10240x128xf32, #tpu.memory_space<vmem_shared>>)
        tpu.yield
      }) : () -> ()
      %dma_wait3A_282 = arith.constant 1984 : i32
      %dma_wait3A_283 = tpu.memref_slice %arg5[%dma_wait3A_282] : memref<2048xi32, #tpu.memory_space<vmem>> -> memref<64xi32, #tpu.memory_space<vmem>>
      %dma_wait3A_284 = arith.constant 0 : i32
      %dma_wait3A_285 = arith.constant 0 : i32
      %dma_wait3A_286 = tpu.memref_slice %arg2[%dma_wait3A_284, %dma_wait3A_285] : memref<10000x128xf32, #tpu.memory_space<hbm>> -> memref<10000x128xf32, #tpu.memory_space<hbm>>
      tpu.wait_indirect_dma semaphore(%arg17 : memref<!tpu.dma_semaphore, #tpu.memory_space<semaphore_mem>>) src(%dma_wait3A_286 : memref<10000x128xf32, #tpu.memory_space<hbm>>) dst(%arg11 : memref<64x128xf32, #tpu.memory_space<vmem>>)
      %run_scoped3A_287 = arith.constant 31 : i32
      "tpu.region"() ({
        %run_scoped3A_420 = tpu.sem_alloc : memref<!tpu.dma_semaphore, #tpu.memory_space<semaphore_mem>>
        %dma_start3A_421 = arith.constant 0 : i32
        %dma_start3A_422 = tpu.memref_slice %arg7[%run_scoped3A_287, %dma_start3A_421] : memref<32x64xi32, #tpu.memory_space<vmem>> -> memref<1x64xi32, #tpu.memory_space<vmem>>
        %dma_start3A_423 = tpu.memref_squeeze %dma_start3A_422 : memref<1x64xi32, #tpu.memory_space<vmem>> -> memref<64xi32, #tpu.memory_space<vmem>>
        %dma_start3A_424 = arith.constant 0 : i32
        %dma_start3A_425 = arith.constant 0 : i32
        %dma_start3A_426 = tpu.memref_slice %arg13[%dma_start3A_424, %dma_start3A_425] : memref<10240x128xf32, #tpu.memory_space<vmem_shared>> -> memref<10240x128xf32, #tpu.memory_space<vmem_shared>>
        tpu.enqueue_indirect_dma source(%arg11 : memref<64x128xf32, #tpu.memory_space<vmem>>) target(%dma_start3A_426 : memref<10240x128xf32, #tpu.memory_space<vmem_shared>>) offsets(%dma_start3A_423 : memref<64xi32, #tpu.memory_space<vmem>>) semaphore(%run_scoped3A_420 : memref<!tpu.dma_semaphore, #tpu.memory_space<semaphore_mem>>) {add = true}
        %dma_wait3A_427 = arith.constant 0 : i32
        %dma_wait3A_428 = tpu.memref_slice %arg7[%run_scoped3A_287, %dma_wait3A_427] : memref<32x64xi32, #tpu.memory_space<vmem>> -> memref<1x64xi32, #tpu.memory_space<vmem>>
        %dma_wait3A_429 = tpu.memref_squeeze %dma_wait3A_428 : memref<1x64xi32, #tpu.memory_space<vmem>> -> memref<64xi32, #tpu.memory_space<vmem>>
        %dma_wait3A_430 = arith.constant 0 : i32
        %dma_wait3A_431 = arith.constant 0 : i32
        %dma_wait3A_432 = tpu.memref_slice %arg13[%dma_wait3A_430, %dma_wait3A_431] : memref<10240x128xf32, #tpu.memory_space<vmem_shared>> -> memref<10240x128xf32, #tpu.memory_space<vmem_shared>>
        tpu.wait_indirect_dma semaphore(%run_scoped3A_420 : memref<!tpu.dma_semaphore, #tpu.memory_space<semaphore_mem>>) src(%arg11 : memref<64x128xf32, #tpu.memory_space<vmem>>) dst(%dma_wait3A_432 : memref<10240x128xf32, #tpu.memory_space<vmem_shared>>)
        tpu.yield
      }) : () -> ()
      %mul3A_288 = arith.constant 160 : i32
      %mul3A_289 = arith.muli %add3A, %mul3A_288 : i32
      %add3A_290 = arith.constant 96 : i32
      %add3A_291 = arith.addi %mul3A_289, %add3A_290 : i32
      %mul3A_292 = arith.constant 64 : i32
      %mul3A_293 = arith.muli %add3A_291, %mul3A_292 : i32
      %run_scoped3A_294 = arith.constant 0 : i32
      "tpu.region"() ({
        %run_scoped3A_420 = tpu.sem_alloc : memref<!tpu.dma_semaphore, #tpu.memory_space<semaphore_mem>>
        %dma_start3A_421 = arith.constant 0 : i32
        %dma_start3A_422 = tpu.memref_slice %arg5[%dma_start3A_421] : memref<2048xi32, #tpu.memory_space<vmem>> -> memref<2048xi32, #tpu.memory_space<vmem>>
        %dma_start3A_423 = arith.constant 0 : i32
        %dma_start3A_424 = tpu.memref_slice %arg3[%run_scoped3A_294, %dma_start3A_423] : memref<2x320000xi32, #tpu.memory_space<hbm>> -> memref<1x320000xi32, #tpu.memory_space<hbm>>
        %dma_start3A_425 = tpu.memref_squeeze %dma_start3A_424 : memref<1x320000xi32, #tpu.memory_space<hbm>> -> memref<320000xi32, #tpu.memory_space<hbm>>
        %dma_start3A_426 = tpu.memref_slice %dma_start3A_425[%mul3A_293] : memref<320000xi32, #tpu.memory_space<hbm>> -> memref<2048xi32, #tpu.memory_space<hbm>>
        %dma_start3A_427 = arith.constant 0 : i32
        %dma_start3A_428 = tpu.memref_slice %arg5[%dma_start3A_427] : memref<2048xi32, #tpu.memory_space<vmem>> -> memref<2048xi32, #tpu.memory_space<vmem>>
        %dma_start3A_429 = arith.constant 0 : i32
        %dma_start3A_430 = tpu.memref_slice %arg3[%run_scoped3A_294, %dma_start3A_429] : memref<2x320000xi32, #tpu.memory_space<hbm>> -> memref<1x320000xi32, #tpu.memory_space<hbm>>
        %dma_start3A_431 = tpu.memref_squeeze %dma_start3A_430 : memref<1x320000xi32, #tpu.memory_space<hbm>> -> memref<320000xi32, #tpu.memory_space<hbm>>
        %dma_start3A_432 = tpu.memref_slice %dma_start3A_431[%mul3A_293] : memref<320000xi32, #tpu.memory_space<hbm>> -> memref<2048xi32, #tpu.memory_space<hbm>>
        tpu.enqueue_dma source(%dma_start3A_432 : memref<2048xi32, #tpu.memory_space<hbm>>) target(%dma_start3A_428 : memref<2048xi32, #tpu.memory_space<vmem>>) target_semaphore(%run_scoped3A_420 : memref<!tpu.dma_semaphore, #tpu.memory_space<semaphore_mem>>)
        %dma_wait3A_433 = arith.constant 0 : i32
        %dma_wait3A_434 = tpu.memref_slice %arg5[%dma_wait3A_433] : memref<2048xi32, #tpu.memory_space<vmem>> -> memref<2048xi32, #tpu.memory_space<vmem>>
        %dma_wait3A_435 = arith.constant 0 : i32
        %dma_wait3A_436 = tpu.memref_slice %arg3[%run_scoped3A_294, %dma_wait3A_435] : memref<2x320000xi32, #tpu.memory_space<hbm>> -> memref<1x320000xi32, #tpu.memory_space<hbm>>
        %dma_wait3A_437 = tpu.memref_squeeze %dma_wait3A_436 : memref<1x320000xi32, #tpu.memory_space<hbm>> -> memref<320000xi32, #tpu.memory_space<hbm>>
        %dma_wait3A_438 = tpu.memref_slice %dma_wait3A_437[%mul3A_293] : memref<320000xi32, #tpu.memory_space<hbm>> -> memref<2048xi32, #tpu.memory_space<hbm>>
        %dma_wait3A_439 = arith.constant 0 : i32
        %dma_wait3A_440 = tpu.memref_slice %arg5[%dma_wait3A_439] : memref<2048xi32, #tpu.memory_space<vmem>> -> memref<2048xi32, #tpu.memory_space<vmem>>
        %dma_wait3A_441 = arith.constant 0 : i32
        %dma_wait3A_442 = tpu.memref_slice %arg3[%run_scoped3A_294, %dma_wait3A_441] : memref<2x320000xi32, #tpu.memory_space<hbm>> -> memref<1x320000xi32, #tpu.memory_space<hbm>>
        %dma_wait3A_443 = tpu.memref_squeeze %dma_wait3A_442 : memref<1x320000xi32, #tpu.memory_space<hbm>> -> memref<320000xi32, #tpu.memory_space<hbm>>
        %dma_wait3A_444 = tpu.memref_slice %dma_wait3A_443[%mul3A_293] : memref<320000xi32, #tpu.memory_space<hbm>> -> memref<2048xi32, #tpu.memory_space<hbm>>
        tpu.wait_dma2 semaphore(%run_scoped3A_420 : memref<!tpu.dma_semaphore, #tpu.memory_space<semaphore_mem>>) src(%dma_wait3A_444 : memref<2048xi32, #tpu.memory_space<hbm>>) dst(%dma_wait3A_440 : memref<2048xi32, #tpu.memory_space<vmem>>)
        tpu.yield
      }) : () -> ()
      %mul3A_295 = arith.constant 64 : i32
      %mul3A_296 = arith.muli %add3A_291, %mul3A_295 : i32
      %run_scoped3A_297 = arith.constant 1 : i32
      "tpu.region"() ({
        %run_scoped3A_420 = tpu.sem_alloc : memref<!tpu.dma_semaphore, #tpu.memory_space<semaphore_mem>>
        %dma_start3A_421 = arith.constant 0 : i32
        %dma_start3A_422 = tpu.memref_slice %arg6[%dma_start3A_421] : memref<2048xi32, #tpu.memory_space<vmem>> -> memref<2048xi32, #tpu.memory_space<vmem>>
        %dma_start3A_423 = arith.constant 0 : i32
        %dma_start3A_424 = tpu.memref_slice %arg3[%run_scoped3A_297, %dma_start3A_423] : memref<2x320000xi32, #tpu.memory_space<hbm>> -> memref<1x320000xi32, #tpu.memory_space<hbm>>
        %dma_start3A_425 = tpu.memref_squeeze %dma_start3A_424 : memref<1x320000xi32, #tpu.memory_space<hbm>> -> memref<320000xi32, #tpu.memory_space<hbm>>
        %dma_start3A_426 = tpu.memref_slice %dma_start3A_425[%mul3A_296] : memref<320000xi32, #tpu.memory_space<hbm>> -> memref<2048xi32, #tpu.memory_space<hbm>>
        %dma_start3A_427 = arith.constant 0 : i32
        %dma_start3A_428 = tpu.memref_slice %arg6[%dma_start3A_427] : memref<2048xi32, #tpu.memory_space<vmem>> -> memref<2048xi32, #tpu.memory_space<vmem>>
        %dma_start3A_429 = arith.constant 0 : i32
        %dma_start3A_430 = tpu.memref_slice %arg3[%run_scoped3A_297, %dma_start3A_429] : memref<2x320000xi32, #tpu.memory_space<hbm>> -> memref<1x320000xi32, #tpu.memory_space<hbm>>
        %dma_start3A_431 = tpu.memref_squeeze %dma_start3A_430 : memref<1x320000xi32, #tpu.memory_space<hbm>> -> memref<320000xi32, #tpu.memory_space<hbm>>
        %dma_start3A_432 = tpu.memref_slice %dma_start3A_431[%mul3A_296] : memref<320000xi32, #tpu.memory_space<hbm>> -> memref<2048xi32, #tpu.memory_space<hbm>>
        tpu.enqueue_dma source(%dma_start3A_432 : memref<2048xi32, #tpu.memory_space<hbm>>) target(%dma_start3A_428 : memref<2048xi32, #tpu.memory_space<vmem>>) target_semaphore(%run_scoped3A_420 : memref<!tpu.dma_semaphore, #tpu.memory_space<semaphore_mem>>)
        %dma_wait3A_433 = arith.constant 0 : i32
        %dma_wait3A_434 = tpu.memref_slice %arg6[%dma_wait3A_433] : memref<2048xi32, #tpu.memory_space<vmem>> -> memref<2048xi32, #tpu.memory_space<vmem>>
        %dma_wait3A_435 = arith.constant 0 : i32
        %dma_wait3A_436 = tpu.memref_slice %arg3[%run_scoped3A_297, %dma_wait3A_435] : memref<2x320000xi32, #tpu.memory_space<hbm>> -> memref<1x320000xi32, #tpu.memory_space<hbm>>
        %dma_wait3A_437 = tpu.memref_squeeze %dma_wait3A_436 : memref<1x320000xi32, #tpu.memory_space<hbm>> -> memref<320000xi32, #tpu.memory_space<hbm>>
        %dma_wait3A_438 = tpu.memref_slice %dma_wait3A_437[%mul3A_296] : memref<320000xi32, #tpu.memory_space<hbm>> -> memref<2048xi32, #tpu.memory_space<hbm>>
        %dma_wait3A_439 = arith.constant 0 : i32
        %dma_wait3A_440 = tpu.memref_slice %arg6[%dma_wait3A_439] : memref<2048xi32, #tpu.memory_space<vmem>> -> memref<2048xi32, #tpu.memory_space<vmem>>
        %dma_wait3A_441 = arith.constant 0 : i32
        %dma_wait3A_442 = tpu.memref_slice %arg3[%run_scoped3A_297, %dma_wait3A_441] : memref<2x320000xi32, #tpu.memory_space<hbm>> -> memref<1x320000xi32, #tpu.memory_space<hbm>>
        %dma_wait3A_443 = tpu.memref_squeeze %dma_wait3A_442 : memref<1x320000xi32, #tpu.memory_space<hbm>> -> memref<320000xi32, #tpu.memory_space<hbm>>
        %dma_wait3A_444 = tpu.memref_slice %dma_wait3A_443[%mul3A_296] : memref<320000xi32, #tpu.memory_space<hbm>> -> memref<2048xi32, #tpu.memory_space<hbm>>
        tpu.wait_dma2 semaphore(%run_scoped3A_420 : memref<!tpu.dma_semaphore, #tpu.memory_space<semaphore_mem>>) src(%dma_wait3A_444 : memref<2048xi32, #tpu.memory_space<hbm>>) dst(%dma_wait3A_440 : memref<2048xi32, #tpu.memory_space<vmem>>)
        tpu.yield
      }) : () -> ()
      %scan3A_298 = arith.constant 0 : i32
      %scan3A_299 = arith.constant 0 : i32
      %scan3A_300 = arith.constant 32 : i32
      %scan3A_301 = arith.addi %scan3A_299, %scan3A_300 : i32
      %scan3A_302 = arith.constant 1 : i32
      scf.for %scan3A_420 = %scan3A_299 to %scan3A_301 step %scan3A_302  : i32 {
        %mul3A_421 = arith.constant 64 : i32
        %mul3A_422 = arith.muli %scan3A_420, %mul3A_421 : i32
        %add3A_423 = arith.constant 0 : i32
        %add3A_424 = arith.addi %mul3A_422, %add3A_423 : i32
        %get3A = arith.index_cast %add3A_424 : i32 to index
        %get3A_425 = tpu.vector_load %arg6[%get3A] {strides = array<i32>} : memref<2048xi32, #tpu.memory_space<vmem>>, vector<16xi32>,
        %get3A_426 = vector.shape_cast %get3A_425 : vector<16xi32> to vector<16xi32>
        %swap3A = arith.index_cast %scan3A_420 : i32 to index
        %swap3A_427 = arith.constant 0 : index
        %swap3A_428 = tpu.vector_load %arg7[%swap3A, %swap3A_427] {strides = array<i32>} : memref<32x64xi32, #tpu.memory_space<vmem>>, vector<1x16xi32>,
        %swap3A_429 = vector.shape_cast %swap3A_428 : vector<1x16xi32> to vector<16xi32>
        %swap3A_430 = vector.shape_cast %get3A_426 : vector<16xi32> to vector<1x16xi32>
        tpu.vector_store %arg7[%swap3A, %swap3A_427], %swap3A_430 {strides = array<i32>} : memref<32x64xi32, #tpu.memory_space<vmem>>, vector<1x16xi32>,
        %mul3A_431 = arith.constant 64 : i32
        %mul3A_432 = arith.muli %scan3A_420, %mul3A_431 : i32
        %add3A_433 = arith.constant 16 : i32
        %add3A_434 = arith.addi %mul3A_432, %add3A_433 : i32
        %get3A_435 = arith.index_cast %add3A_434 : i32 to index
        %get3A_436 = tpu.vector_load %arg6[%get3A_435] {strides = array<i32>} : memref<2048xi32, #tpu.memory_space<vmem>>, vector<16xi32>,
        %get3A_437 = vector.shape_cast %get3A_436 : vector<16xi32> to vector<16xi32>
        %swap3A_438 = arith.index_cast %scan3A_420 : i32 to index
        %swap3A_439 = arith.constant 16 : index
        %swap3A_440 = tpu.vector_load %arg7[%swap3A_438, %swap3A_439] {strides = array<i32>} : memref<32x64xi32, #tpu.memory_space<vmem>>, vector<1x16xi32>,
        %swap3A_441 = vector.shape_cast %swap3A_440 : vector<1x16xi32> to vector<16xi32>
        %swap3A_442 = vector.shape_cast %get3A_437 : vector<16xi32> to vector<1x16xi32>
        tpu.vector_store %arg7[%swap3A_438, %swap3A_439], %swap3A_442 {strides = array<i32>} : memref<32x64xi32, #tpu.memory_space<vmem>>, vector<1x16xi32>,
        %mul3A_443 = arith.constant 64 : i32
        %mul3A_444 = arith.muli %scan3A_420, %mul3A_443 : i32
        %add3A_445 = arith.constant 32 : i32
        %add3A_446 = arith.addi %mul3A_444, %add3A_445 : i32
        %get3A_447 = arith.index_cast %add3A_446 : i32 to index
        %get3A_448 = tpu.vector_load %arg6[%get3A_447] {strides = array<i32>} : memref<2048xi32, #tpu.memory_space<vmem>>, vector<16xi32>,
        %get3A_449 = vector.shape_cast %get3A_448 : vector<16xi32> to vector<16xi32>
        %swap3A_450 = arith.index_cast %scan3A_420 : i32 to index
        %swap3A_451 = arith.constant 32 : index
        %swap3A_452 = tpu.vector_load %arg7[%swap3A_450, %swap3A_451] {strides = array<i32>} : memref<32x64xi32, #tpu.memory_space<vmem>>, vector<1x16xi32>,
        %swap3A_453 = vector.shape_cast %swap3A_452 : vector<1x16xi32> to vector<16xi32>
        %swap3A_454 = vector.shape_cast %get3A_449 : vector<16xi32> to vector<1x16xi32>
        tpu.vector_store %arg7[%swap3A_450, %swap3A_451], %swap3A_454 {strides = array<i32>} : memref<32x64xi32, #tpu.memory_space<vmem>>, vector<1x16xi32>,
        %mul3A_455 = arith.constant 64 : i32
        %mul3A_456 = arith.muli %scan3A_420, %mul3A_455 : i32
        %add3A_457 = arith.constant 48 : i32
        %add3A_458 = arith.addi %mul3A_456, %add3A_457 : i32
        %get3A_459 = arith.index_cast %add3A_458 : i32 to index
        %get3A_460 = tpu.vector_load %arg6[%get3A_459] {strides = array<i32>} : memref<2048xi32, #tpu.memory_space<vmem>>, vector<16xi32>,
        %get3A_461 = vector.shape_cast %get3A_460 : vector<16xi32> to vector<16xi32>
        %swap3A_462 = arith.index_cast %scan3A_420 : i32 to index
        %swap3A_463 = arith.constant 48 : index
        %swap3A_464 = tpu.vector_load %arg7[%swap3A_462, %swap3A_463] {strides = array<i32>} : memref<32x64xi32, #tpu.memory_space<vmem>>, vector<1x16xi32>,
        %swap3A_465 = vector.shape_cast %swap3A_464 : vector<1x16xi32> to vector<16xi32>
        %swap3A_466 = vector.shape_cast %get3A_461 : vector<16xi32> to vector<1x16xi32>
        tpu.vector_store %arg7[%swap3A_462, %swap3A_463], %swap3A_466 {strides = array<i32>} : memref<32x64xi32, #tpu.memory_space<vmem>>, vector<1x16xi32>,
      }
      %scan3A_303 = arith.constant 32 : i32
      %dma_start3A_304 = arith.constant 0 : i32
      %dma_start3A_305 = tpu.memref_slice %arg5[%dma_start3A_304] : memref<2048xi32, #tpu.memory_space<vmem>> -> memref<64xi32, #tpu.memory_space<vmem>>
      %dma_start3A_306 = arith.constant 0 : i32
      %dma_start3A_307 = arith.constant 0 : i32
      %dma_start3A_308 = tpu.memref_slice %arg2[%dma_start3A_306, %dma_start3A_307] : memref<10000x128xf32, #tpu.memory_space<hbm>> -> memref<10000x128xf32, #tpu.memory_space<hbm>>
      tpu.enqueue_indirect_dma source(%dma_start3A_308 : memref<10000x128xf32, #tpu.memory_space<hbm>>) target(%arg8 : memref<64x128xf32, #tpu.memory_space<vmem>>) offsets(%dma_start3A_305 : memref<64xi32, #tpu.memory_space<vmem>>) semaphore(%arg14 : memref<!tpu.dma_semaphore, #tpu.memory_space<semaphore_mem>>)
      %dma_start3A_309 = arith.constant 64 : i32
      %dma_start3A_310 = tpu.memref_slice %arg5[%dma_start3A_309] : memref<2048xi32, #tpu.memory_space<vmem>> -> memref<64xi32, #tpu.memory_space<vmem>>
      %dma_start3A_311 = arith.constant 0 : i32
      %dma_start3A_312 = arith.constant 0 : i32
      %dma_start3A_313 = tpu.memref_slice %arg2[%dma_start3A_311, %dma_start3A_312] : memref<10000x128xf32, #tpu.memory_space<hbm>> -> memref<10000x128xf32, #tpu.memory_space<hbm>>
      tpu.enqueue_indirect_dma source(%dma_start3A_313 : memref<10000x128xf32, #tpu.memory_space<hbm>>) target(%arg9 : memref<64x128xf32, #tpu.memory_space<vmem>>) offsets(%dma_start3A_310 : memref<64xi32, #tpu.memory_space<vmem>>) semaphore(%arg15 : memref<!tpu.dma_semaphore, #tpu.memory_space<semaphore_mem>>)
      %dma_start3A_314 = arith.constant 128 : i32
      %dma_start3A_315 = tpu.memref_slice %arg5[%dma_start3A_314] : memref<2048xi32, #tpu.memory_space<vmem>> -> memref<64xi32, #tpu.memory_space<vmem>>
      %dma_start3A_316 = arith.constant 0 : i32
      %dma_start3A_317 = arith.constant 0 : i32
      %dma_start3A_318 = tpu.memref_slice %arg2[%dma_start3A_316, %dma_start3A_317] : memref<10000x128xf32, #tpu.memory_space<hbm>> -> memref<10000x128xf32, #tpu.memory_space<hbm>>
      tpu.enqueue_indirect_dma source(%dma_start3A_318 : memref<10000x128xf32, #tpu.memory_space<hbm>>) target(%arg10 : memref<64x128xf32, #tpu.memory_space<vmem>>) offsets(%dma_start3A_315 : memref<64xi32, #tpu.memory_space<vmem>>) semaphore(%arg16 : memref<!tpu.dma_semaphore, #tpu.memory_space<semaphore_mem>>)
      %dma_start3A_319 = arith.constant 192 : i32
      %dma_start3A_320 = tpu.memref_slice %arg5[%dma_start3A_319] : memref<2048xi32, #tpu.memory_space<vmem>> -> memref<64xi32, #tpu.memory_space<vmem>>
      %dma_start3A_321 = arith.constant 0 : i32
      %dma_start3A_322 = arith.constant 0 : i32
      %dma_start3A_323 = tpu.memref_slice %arg2[%dma_start3A_321, %dma_start3A_322] : memref<10000x128xf32, #tpu.memory_space<hbm>> -> memref<10000x128xf32, #tpu.memory_space<hbm>>
      tpu.enqueue_indirect_dma source(%dma_start3A_323 : memref<10000x128xf32, #tpu.memory_space<hbm>>) target(%arg11 : memref<64x128xf32, #tpu.memory_space<vmem>>) offsets(%dma_start3A_320 : memref<64xi32, #tpu.memory_space<vmem>>) semaphore(%arg17 : memref<!tpu.dma_semaphore, #tpu.memory_space<semaphore_mem>>)
      %scan3A_324 = arith.constant 0 : i32
      %scan3A_325 = arith.constant 0 : i32
      %scan3A_326 = arith.constant 7 : i32
      %scan3A_327 = arith.addi %scan3A_325, %scan3A_326 : i32
      %scan3A_328 = arith.constant 1 : i32
      scf.for %scan3A_420 = %scan3A_325 to %scan3A_327 step %scan3A_328  : i32 {
        %mul3A_421 = arith.constant 4 : i32
        %mul3A_422 = arith.muli %mul3A_421, %scan3A_420 : i32
        %add3A_423 = arith.constant 0 : i32
        %add3A_424 = arith.addi %mul3A_422, %add3A_423 : i32
        %mul3A_425 = arith.constant 64 : i32
        %mul3A_426 = arith.muli %add3A_424, %mul3A_425 : i32
        %dma_wait3A_427 = tpu.memref_slice %arg5[%mul3A_426] : memref<2048xi32, #tpu.memory_space<vmem>> -> memref<64xi32, #tpu.memory_space<vmem>>
        %dma_wait3A_428 = arith.constant 0 : i32
        %dma_wait3A_429 = arith.constant 0 : i32
        %dma_wait3A_430 = tpu.memref_slice %arg2[%dma_wait3A_428, %dma_wait3A_429] : memref<10000x128xf32, #tpu.memory_space<hbm>> -> memref<10000x128xf32, #tpu.memory_space<hbm>>
        tpu.wait_indirect_dma semaphore(%arg14 : memref<!tpu.dma_semaphore, #tpu.memory_space<semaphore_mem>>) src(%dma_wait3A_430 : memref<10000x128xf32, #tpu.memory_space<hbm>>) dst(%arg8 : memref<64x128xf32, #tpu.memory_space<vmem>>)
        "tpu.region"() ({
          %run_scoped3A_487 = tpu.sem_alloc : memref<!tpu.dma_semaphore, #tpu.memory_space<semaphore_mem>>
          %dma_start3A_488 = arith.constant 0 : i32
          %dma_start3A_489 = tpu.memref_slice %arg7[%add3A_424, %dma_start3A_488] : memref<32x64xi32, #tpu.memory_space<vmem>> -> memref<1x64xi32, #tpu.memory_space<vmem>>
          %dma_start3A_490 = tpu.memref_squeeze %dma_start3A_489 : memref<1x64xi32, #tpu.memory_space<vmem>> -> memref<64xi32, #tpu.memory_space<vmem>>
          %dma_start3A_491 = arith.constant 0 : i32
          %dma_start3A_492 = arith.constant 0 : i32
          %dma_start3A_493 = tpu.memref_slice %arg13[%dma_start3A_491, %dma_start3A_492] : memref<10240x128xf32, #tpu.memory_space<vmem_shared>> -> memref<10240x128xf32, #tpu.memory_space<vmem_shared>>
          tpu.enqueue_indirect_dma source(%arg8 : memref<64x128xf32, #tpu.memory_space<vmem>>) target(%dma_start3A_493 : memref<10240x128xf32, #tpu.memory_space<vmem_shared>>) offsets(%dma_start3A_490 : memref<64xi32, #tpu.memory_space<vmem>>) semaphore(%run_scoped3A_487 : memref<!tpu.dma_semaphore, #tpu.memory_space<semaphore_mem>>) {add = true}
          %dma_wait3A_494 = arith.constant 0 : i32
          %dma_wait3A_495 = tpu.memref_slice %arg7[%add3A_424, %dma_wait3A_494] : memref<32x64xi32, #tpu.memory_space<vmem>> -> memref<1x64xi32, #tpu.memory_space<vmem>>
          %dma_wait3A_496 = tpu.memref_squeeze %dma_wait3A_495 : memref<1x64xi32, #tpu.memory_space<vmem>> -> memref<64xi32, #tpu.memory_space<vmem>>
          %dma_wait3A_497 = arith.constant 0 : i32
          %dma_wait3A_498 = arith.constant 0 : i32
          %dma_wait3A_499 = tpu.memref_slice %arg13[%dma_wait3A_497, %dma_wait3A_498] : memref<10240x128xf32, #tpu.memory_space<vmem_shared>> -> memref<10240x128xf32, #tpu.memory_space<vmem_shared>>
          tpu.wait_indirect_dma semaphore(%run_scoped3A_487 : memref<!tpu.dma_semaphore, #tpu.memory_space<semaphore_mem>>) src(%arg8 : memref<64x128xf32, #tpu.memory_space<vmem>>) dst(%dma_wait3A_499 : memref<10240x128xf32, #tpu.memory_space<vmem_shared>>)
          tpu.yield
        }) : () -> ()
        %add3A_431 = arith.constant 4 : i32
        %add3A_432 = arith.addi %add3A_424, %add3A_431 : i32
        %mul3A_433 = arith.constant 64 : i32
        %mul3A_434 = arith.muli %add3A_432, %mul3A_433 : i32
        %dma_start3A_435 = tpu.memref_slice %arg5[%mul3A_434] : memref<2048xi32, #tpu.memory_space<vmem>> -> memref<64xi32, #tpu.memory_space<vmem>>
        %dma_start3A_436 = arith.constant 0 : i32
        %dma_start3A_437 = arith.constant 0 : i32
        %dma_start3A_438 = tpu.memref_slice %arg2[%dma_start3A_436, %dma_start3A_437] : memref<10000x128xf32, #tpu.memory_space<hbm>> -> memref<10000x128xf32, #tpu.memory_space<hbm>>
        tpu.enqueue_indirect_dma source(%dma_start3A_438 : memref<10000x128xf32, #tpu.memory_space<hbm>>) target(%arg8 : memref<64x128xf32, #tpu.memory_space<vmem>>) offsets(%dma_start3A_435 : memref<64xi32, #tpu.memory_space<vmem>>) semaphore(%arg14 : memref<!tpu.dma_semaphore, #tpu.memory_space<semaphore_mem>>)
        %add3A_439 = arith.constant 1 : i32
        %add3A_440 = arith.addi %mul3A_422, %add3A_439 : i32
        %mul3A_441 = arith.constant 64 : i32
        %mul3A_442 = arith.muli %add3A_440, %mul3A_441 : i32
        %dma_wait3A_443 = tpu.memref_slice %arg5[%mul3A_442] : memref<2048xi32, #tpu.memory_space<vmem>> -> memref<64xi32, #tpu.memory_space<vmem>>
        %dma_wait3A_444 = arith.constant 0 : i32
        %dma_wait3A_445 = arith.constant 0 : i32
        %dma_wait3A_446 = tpu.memref_slice %arg2[%dma_wait3A_444, %dma_wait3A_445] : memref<10000x128xf32, #tpu.memory_space<hbm>> -> memref<10000x128xf32, #tpu.memory_space<hbm>>
        tpu.wait_indirect_dma semaphore(%arg15 : memref<!tpu.dma_semaphore, #tpu.memory_space<semaphore_mem>>) src(%dma_wait3A_446 : memref<10000x128xf32, #tpu.memory_space<hbm>>) dst(%arg9 : memref<64x128xf32, #tpu.memory_space<vmem>>)
        "tpu.region"() ({
          %run_scoped3A_487 = tpu.sem_alloc : memref<!tpu.dma_semaphore, #tpu.memory_space<semaphore_mem>>
          %dma_start3A_488 = arith.constant 0 : i32
          %dma_start3A_489 = tpu.memref_slice %arg7[%add3A_440, %dma_start3A_488] : memref<32x64xi32, #tpu.memory_space<vmem>> -> memref<1x64xi32, #tpu.memory_space<vmem>>
          %dma_start3A_490 = tpu.memref_squeeze %dma_start3A_489 : memref<1x64xi32, #tpu.memory_space<vmem>> -> memref<64xi32, #tpu.memory_space<vmem>>
          %dma_start3A_491 = arith.constant 0 : i32
          %dma_start3A_492 = arith.constant 0 : i32
          %dma_start3A_493 = tpu.memref_slice %arg13[%dma_start3A_491, %dma_start3A_492] : memref<10240x128xf32, #tpu.memory_space<vmem_shared>> -> memref<10240x128xf32, #tpu.memory_space<vmem_shared>>
          tpu.enqueue_indirect_dma source(%arg9 : memref<64x128xf32, #tpu.memory_space<vmem>>) target(%dma_start3A_493 : memref<10240x128xf32, #tpu.memory_space<vmem_shared>>) offsets(%dma_start3A_490 : memref<64xi32, #tpu.memory_space<vmem>>) semaphore(%run_scoped3A_487 : memref<!tpu.dma_semaphore, #tpu.memory_space<semaphore_mem>>) {add = true}
          %dma_wait3A_494 = arith.constant 0 : i32
          %dma_wait3A_495 = tpu.memref_slice %arg7[%add3A_440, %dma_wait3A_494] : memref<32x64xi32, #tpu.memory_space<vmem>> -> memref<1x64xi32, #tpu.memory_space<vmem>>
          %dma_wait3A_496 = tpu.memref_squeeze %dma_wait3A_495 : memref<1x64xi32, #tpu.memory_space<vmem>> -> memref<64xi32, #tpu.memory_space<vmem>>
          %dma_wait3A_497 = arith.constant 0 : i32
          %dma_wait3A_498 = arith.constant 0 : i32
          %dma_wait3A_499 = tpu.memref_slice %arg13[%dma_wait3A_497, %dma_wait3A_498] : memref<10240x128xf32, #tpu.memory_space<vmem_shared>> -> memref<10240x128xf32, #tpu.memory_space<vmem_shared>>
          tpu.wait_indirect_dma semaphore(%run_scoped3A_487 : memref<!tpu.dma_semaphore, #tpu.memory_space<semaphore_mem>>) src(%arg9 : memref<64x128xf32, #tpu.memory_space<vmem>>) dst(%dma_wait3A_499 : memref<10240x128xf32, #tpu.memory_space<vmem_shared>>)
          tpu.yield
        }) : () -> ()
        %add3A_447 = arith.constant 4 : i32
        %add3A_448 = arith.addi %add3A_440, %add3A_447 : i32
        %mul3A_449 = arith.constant 64 : i32
        %mul3A_450 = arith.muli %add3A_448, %mul3A_449 : i32
        %dma_start3A_451 = tpu.memref_slice %arg5[%mul3A_450] : memref<2048xi32, #tpu.memory_space<vmem>> -> memref<64xi32, #tpu.memory_space<vmem>>
        %dma_start3A_452 = arith.constant 0 : i32
        %dma_start3A_453 = arith.constant 0 : i32
        %dma_start3A_454 = tpu.memref_slice %arg2[%dma_start3A_452, %dma_start3A_453] : memref<10000x128xf32, #tpu.memory_space<hbm>> -> memref<10000x128xf32, #tpu.memory_space<hbm>>
        tpu.enqueue_indirect_dma source(%dma_start3A_454 : memref<10000x128xf32, #tpu.memory_space<hbm>>) target(%arg9 : memref<64x128xf32, #tpu.memory_space<vmem>>) offsets(%dma_start3A_451 : memref<64xi32, #tpu.memory_space<vmem>>) semaphore(%arg15 : memref<!tpu.dma_semaphore, #tpu.memory_space<semaphore_mem>>)
        %add3A_455 = arith.constant 2 : i32
        %add3A_456 = arith.addi %mul3A_422, %add3A_455 : i32
        %mul3A_457 = arith.constant 64 : i32
        %mul3A_458 = arith.muli %add3A_456, %mul3A_457 : i32
        %dma_wait3A_459 = tpu.memref_slice %arg5[%mul3A_458] : memref<2048xi32, #tpu.memory_space<vmem>> -> memref<64xi32, #tpu.memory_space<vmem>>
        %dma_wait3A_460 = arith.constant 0 : i32
        %dma_wait3A_461 = arith.constant 0 : i32
        %dma_wait3A_462 = tpu.memref_slice %arg2[%dma_wait3A_460, %dma_wait3A_461] : memref<10000x128xf32, #tpu.memory_space<hbm>> -> memref<10000x128xf32, #tpu.memory_space<hbm>>
        tpu.wait_indirect_dma semaphore(%arg16 : memref<!tpu.dma_semaphore, #tpu.memory_space<semaphore_mem>>) src(%dma_wait3A_462 : memref<10000x128xf32, #tpu.memory_space<hbm>>) dst(%arg10 : memref<64x128xf32, #tpu.memory_space<vmem>>)
        "tpu.region"() ({
          %run_scoped3A_487 = tpu.sem_alloc : memref<!tpu.dma_semaphore, #tpu.memory_space<semaphore_mem>>
          %dma_start3A_488 = arith.constant 0 : i32
          %dma_start3A_489 = tpu.memref_slice %arg7[%add3A_456, %dma_start3A_488] : memref<32x64xi32, #tpu.memory_space<vmem>> -> memref<1x64xi32, #tpu.memory_space<vmem>>
          %dma_start3A_490 = tpu.memref_squeeze %dma_start3A_489 : memref<1x64xi32, #tpu.memory_space<vmem>> -> memref<64xi32, #tpu.memory_space<vmem>>
          %dma_start3A_491 = arith.constant 0 : i32
          %dma_start3A_492 = arith.constant 0 : i32
          %dma_start3A_493 = tpu.memref_slice %arg13[%dma_start3A_491, %dma_start3A_492] : memref<10240x128xf32, #tpu.memory_space<vmem_shared>> -> memref<10240x128xf32, #tpu.memory_space<vmem_shared>>
          tpu.enqueue_indirect_dma source(%arg10 : memref<64x128xf32, #tpu.memory_space<vmem>>) target(%dma_start3A_493 : memref<10240x128xf32, #tpu.memory_space<vmem_shared>>) offsets(%dma_start3A_490 : memref<64xi32, #tpu.memory_space<vmem>>) semaphore(%run_scoped3A_487 : memref<!tpu.dma_semaphore, #tpu.memory_space<semaphore_mem>>) {add = true}
          %dma_wait3A_494 = arith.constant 0 : i32
          %dma_wait3A_495 = tpu.memref_slice %arg7[%add3A_456, %dma_wait3A_494] : memref<32x64xi32, #tpu.memory_space<vmem>> -> memref<1x64xi32, #tpu.memory_space<vmem>>
          %dma_wait3A_496 = tpu.memref_squeeze %dma_wait3A_495 : memref<1x64xi32, #tpu.memory_space<vmem>> -> memref<64xi32, #tpu.memory_space<vmem>>
          %dma_wait3A_497 = arith.constant 0 : i32
          %dma_wait3A_498 = arith.constant 0 : i32
          %dma_wait3A_499 = tpu.memref_slice %arg13[%dma_wait3A_497, %dma_wait3A_498] : memref<10240x128xf32, #tpu.memory_space<vmem_shared>> -> memref<10240x128xf32, #tpu.memory_space<vmem_shared>>
          tpu.wait_indirect_dma semaphore(%run_scoped3A_487 : memref<!tpu.dma_semaphore, #tpu.memory_space<semaphore_mem>>) src(%arg10 : memref<64x128xf32, #tpu.memory_space<vmem>>) dst(%dma_wait3A_499 : memref<10240x128xf32, #tpu.memory_space<vmem_shared>>)
          tpu.yield
        }) : () -> ()
        %add3A_463 = arith.constant 4 : i32
        %add3A_464 = arith.addi %add3A_456, %add3A_463 : i32
        %mul3A_465 = arith.constant 64 : i32
        %mul3A_466 = arith.muli %add3A_464, %mul3A_465 : i32
        %dma_start3A_467 = tpu.memref_slice %arg5[%mul3A_466] : memref<2048xi32, #tpu.memory_space<vmem>> -> memref<64xi32, #tpu.memory_space<vmem>>
        %dma_start3A_468 = arith.constant 0 : i32
        %dma_start3A_469 = arith.constant 0 : i32
        %dma_start3A_470 = tpu.memref_slice %arg2[%dma_start3A_468, %dma_start3A_469] : memref<10000x128xf32, #tpu.memory_space<hbm>> -> memref<10000x128xf32, #tpu.memory_space<hbm>>
        tpu.enqueue_indirect_dma source(%dma_start3A_470 : memref<10000x128xf32, #tpu.memory_space<hbm>>) target(%arg10 : memref<64x128xf32, #tpu.memory_space<vmem>>) offsets(%dma_start3A_467 : memref<64xi32, #tpu.memory_space<vmem>>) semaphore(%arg16 : memref<!tpu.dma_semaphore, #tpu.memory_space<semaphore_mem>>)
        %add3A_471 = arith.constant 3 : i32
        %add3A_472 = arith.addi %mul3A_422, %add3A_471 : i32
        %mul3A_473 = arith.constant 64 : i32
        %mul3A_474 = arith.muli %add3A_472, %mul3A_473 : i32
        %dma_wait3A_475 = tpu.memref_slice %arg5[%mul3A_474] : memref<2048xi32, #tpu.memory_space<vmem>> -> memref<64xi32, #tpu.memory_space<vmem>>
        %dma_wait3A_476 = arith.constant 0 : i32
        %dma_wait3A_477 = arith.constant 0 : i32
        %dma_wait3A_478 = tpu.memref_slice %arg2[%dma_wait3A_476, %dma_wait3A_477] : memref<10000x128xf32, #tpu.memory_space<hbm>> -> memref<10000x128xf32, #tpu.memory_space<hbm>>
        tpu.wait_indirect_dma semaphore(%arg17 : memref<!tpu.dma_semaphore, #tpu.memory_space<semaphore_mem>>) src(%dma_wait3A_478 : memref<10000x128xf32, #tpu.memory_space<hbm>>) dst(%arg11 : memref<64x128xf32, #tpu.memory_space<vmem>>)
        "tpu.region"() ({
          %run_scoped3A_487 = tpu.sem_alloc : memref<!tpu.dma_semaphore, #tpu.memory_space<semaphore_mem>>
          %dma_start3A_488 = arith.constant 0 : i32
          %dma_start3A_489 = tpu.memref_slice %arg7[%add3A_472, %dma_start3A_488] : memref<32x64xi32, #tpu.memory_space<vmem>> -> memref<1x64xi32, #tpu.memory_space<vmem>>
          %dma_start3A_490 = tpu.memref_squeeze %dma_start3A_489 : memref<1x64xi32, #tpu.memory_space<vmem>> -> memref<64xi32, #tpu.memory_space<vmem>>
          %dma_start3A_491 = arith.constant 0 : i32
          %dma_start3A_492 = arith.constant 0 : i32
          %dma_start3A_493 = tpu.memref_slice %arg13[%dma_start3A_491, %dma_start3A_492] : memref<10240x128xf32, #tpu.memory_space<vmem_shared>> -> memref<10240x128xf32, #tpu.memory_space<vmem_shared>>
          tpu.enqueue_indirect_dma source(%arg11 : memref<64x128xf32, #tpu.memory_space<vmem>>) target(%dma_start3A_493 : memref<10240x128xf32, #tpu.memory_space<vmem_shared>>) offsets(%dma_start3A_490 : memref<64xi32, #tpu.memory_space<vmem>>) semaphore(%run_scoped3A_487 : memref<!tpu.dma_semaphore, #tpu.memory_space<semaphore_mem>>) {add = true}
          %dma_wait3A_494 = arith.constant 0 : i32
          %dma_wait3A_495 = tpu.memref_slice %arg7[%add3A_472, %dma_wait3A_494] : memref<32x64xi32, #tpu.memory_space<vmem>> -> memref<1x64xi32, #tpu.memory_space<vmem>>
          %dma_wait3A_496 = tpu.memref_squeeze %dma_wait3A_495 : memref<1x64xi32, #tpu.memory_space<vmem>> -> memref<64xi32, #tpu.memory_space<vmem>>
          %dma_wait3A_497 = arith.constant 0 : i32
          %dma_wait3A_498 = arith.constant 0 : i32
          %dma_wait3A_499 = tpu.memref_slice %arg13[%dma_wait3A_497, %dma_wait3A_498] : memref<10240x128xf32, #tpu.memory_space<vmem_shared>> -> memref<10240x128xf32, #tpu.memory_space<vmem_shared>>
          tpu.wait_indirect_dma semaphore(%run_scoped3A_487 : memref<!tpu.dma_semaphore, #tpu.memory_space<semaphore_mem>>) src(%arg11 : memref<64x128xf32, #tpu.memory_space<vmem>>) dst(%dma_wait3A_499 : memref<10240x128xf32, #tpu.memory_space<vmem_shared>>)
          tpu.yield
        }) : () -> ()
        %add3A_479 = arith.constant 4 : i32
        %add3A_480 = arith.addi %add3A_472, %add3A_479 : i32
        %mul3A_481 = arith.constant 64 : i32
        %mul3A_482 = arith.muli %add3A_480, %mul3A_481 : i32
        %dma_start3A_483 = tpu.memref_slice %arg5[%mul3A_482] : memref<2048xi32, #tpu.memory_space<vmem>> -> memref<64xi32, #tpu.memory_space<vmem>>
        %dma_start3A_484 = arith.constant 0 : i32
        %dma_start3A_485 = arith.constant 0 : i32
        %dma_start3A_486 = tpu.memref_slice %arg2[%dma_start3A_484, %dma_start3A_485] : memref<10000x128xf32, #tpu.memory_space<hbm>> -> memref<10000x128xf32, #tpu.memory_space<hbm>>
        tpu.enqueue_indirect_dma source(%dma_start3A_486 : memref<10000x128xf32, #tpu.memory_space<hbm>>) target(%arg11 : memref<64x128xf32, #tpu.memory_space<vmem>>) offsets(%dma_start3A_483 : memref<64xi32, #tpu.memory_space<vmem>>) semaphore(%arg17 : memref<!tpu.dma_semaphore, #tpu.memory_space<semaphore_mem>>)
      }
      %scan3A_329 = arith.constant 7 : i32
      %dma_wait3A_330 = arith.constant 1792 : i32
      %dma_wait3A_331 = tpu.memref_slice %arg5[%dma_wait3A_330] : memref<2048xi32, #tpu.memory_space<vmem>> -> memref<64xi32, #tpu.memory_space<vmem>>
      %dma_wait3A_332 = arith.constant 0 : i32
      %dma_wait3A_333 = arith.constant 0 : i32
      %dma_wait3A_334 = tpu.memref_slice %arg2[%dma_wait3A_332, %dma_wait3A_333] : memref<10000x128xf32, #tpu.memory_space<hbm>> -> memref<10000x128xf32, #tpu.memory_space<hbm>>
      tpu.wait_indirect_dma semaphore(%arg14 : memref<!tpu.dma_semaphore, #tpu.memory_space<semaphore_mem>>) src(%dma_wait3A_334 : memref<10000x128xf32, #tpu.memory_space<hbm>>) dst(%arg8 : memref<64x128xf32, #tpu.memory_space<vmem>>)
      %run_scoped3A_335 = arith.constant 28 : i32
      "tpu.region"() ({
        %run_scoped3A_420 = tpu.sem_alloc : memref<!tpu.dma_semaphore, #tpu.memory_space<semaphore_mem>>
        %dma_start3A_421 = arith.constant 0 : i32
        %dma_start3A_422 = tpu.memref_slice %arg7[%run_scoped3A_335, %dma_start3A_421] : memref<32x64xi32, #tpu.memory_space<vmem>> -> memref<1x64xi32, #tpu.memory_space<vmem>>
        %dma_start3A_423 = tpu.memref_squeeze %dma_start3A_422 : memref<1x64xi32, #tpu.memory_space<vmem>> -> memref<64xi32, #tpu.memory_space<vmem>>
        %dma_start3A_424 = arith.constant 0 : i32
        %dma_start3A_425 = arith.constant 0 : i32
        %dma_start3A_426 = tpu.memref_slice %arg13[%dma_start3A_424, %dma_start3A_425] : memref<10240x128xf32, #tpu.memory_space<vmem_shared>> -> memref<10240x128xf32, #tpu.memory_space<vmem_shared>>
        tpu.enqueue_indirect_dma source(%arg8 : memref<64x128xf32, #tpu.memory_space<vmem>>) target(%dma_start3A_426 : memref<10240x128xf32, #tpu.memory_space<vmem_shared>>) offsets(%dma_start3A_423 : memref<64xi32, #tpu.memory_space<vmem>>) semaphore(%run_scoped3A_420 : memref<!tpu.dma_semaphore, #tpu.memory_space<semaphore_mem>>) {add = true}
        %dma_wait3A_427 = arith.constant 0 : i32
        %dma_wait3A_428 = tpu.memref_slice %arg7[%run_scoped3A_335, %dma_wait3A_427] : memref<32x64xi32, #tpu.memory_space<vmem>> -> memref<1x64xi32, #tpu.memory_space<vmem>>
        %dma_wait3A_429 = tpu.memref_squeeze %dma_wait3A_428 : memref<1x64xi32, #tpu.memory_space<vmem>> -> memref<64xi32, #tpu.memory_space<vmem>>
        %dma_wait3A_430 = arith.constant 0 : i32
        %dma_wait3A_431 = arith.constant 0 : i32
        %dma_wait3A_432 = tpu.memref_slice %arg13[%dma_wait3A_430, %dma_wait3A_431] : memref<10240x128xf32, #tpu.memory_space<vmem_shared>> -> memref<10240x128xf32, #tpu.memory_space<vmem_shared>>
        tpu.wait_indirect_dma semaphore(%run_scoped3A_420 : memref<!tpu.dma_semaphore, #tpu.memory_space<semaphore_mem>>) src(%arg8 : memref<64x128xf32, #tpu.memory_space<vmem>>) dst(%dma_wait3A_432 : memref<10240x128xf32, #tpu.memory_space<vmem_shared>>)
        tpu.yield
      }) : () -> ()
      %dma_wait3A_336 = arith.constant 1856 : i32
      %dma_wait3A_337 = tpu.memref_slice %arg5[%dma_wait3A_336] : memref<2048xi32, #tpu.memory_space<vmem>> -> memref<64xi32, #tpu.memory_space<vmem>>
      %dma_wait3A_338 = arith.constant 0 : i32
      %dma_wait3A_339 = arith.constant 0 : i32
      %dma_wait3A_340 = tpu.memref_slice %arg2[%dma_wait3A_338, %dma_wait3A_339] : memref<10000x128xf32, #tpu.memory_space<hbm>> -> memref<10000x128xf32, #tpu.memory_space<hbm>>
      tpu.wait_indirect_dma semaphore(%arg15 : memref<!tpu.dma_semaphore, #tpu.memory_space<semaphore_mem>>) src(%dma_wait3A_340 : memref<10000x128xf32, #tpu.memory_space<hbm>>) dst(%arg9 : memref<64x128xf32, #tpu.memory_space<vmem>>)
      %run_scoped3A_341 = arith.constant 29 : i32
      "tpu.region"() ({
        %run_scoped3A_420 = tpu.sem_alloc : memref<!tpu.dma_semaphore, #tpu.memory_space<semaphore_mem>>
        %dma_start3A_421 = arith.constant 0 : i32
        %dma_start3A_422 = tpu.memref_slice %arg7[%run_scoped3A_341, %dma_start3A_421] : memref<32x64xi32, #tpu.memory_space<vmem>> -> memref<1x64xi32, #tpu.memory_space<vmem>>
        %dma_start3A_423 = tpu.memref_squeeze %dma_start3A_422 : memref<1x64xi32, #tpu.memory_space<vmem>> -> memref<64xi32, #tpu.memory_space<vmem>>
        %dma_start3A_424 = arith.constant 0 : i32
        %dma_start3A_425 = arith.constant 0 : i32
        %dma_start3A_426 = tpu.memref_slice %arg13[%dma_start3A_424, %dma_start3A_425] : memref<10240x128xf32, #tpu.memory_space<vmem_shared>> -> memref<10240x128xf32, #tpu.memory_space<vmem_shared>>
        tpu.enqueue_indirect_dma source(%arg9 : memref<64x128xf32, #tpu.memory_space<vmem>>) target(%dma_start3A_426 : memref<10240x128xf32, #tpu.memory_space<vmem_shared>>) offsets(%dma_start3A_423 : memref<64xi32, #tpu.memory_space<vmem>>) semaphore(%run_scoped3A_420 : memref<!tpu.dma_semaphore, #tpu.memory_space<semaphore_mem>>) {add = true}
        %dma_wait3A_427 = arith.constant 0 : i32
        %dma_wait3A_428 = tpu.memref_slice %arg7[%run_scoped3A_341, %dma_wait3A_427] : memref<32x64xi32, #tpu.memory_space<vmem>> -> memref<1x64xi32, #tpu.memory_space<vmem>>
        %dma_wait3A_429 = tpu.memref_squeeze %dma_wait3A_428 : memref<1x64xi32, #tpu.memory_space<vmem>> -> memref<64xi32, #tpu.memory_space<vmem>>
        %dma_wait3A_430 = arith.constant 0 : i32
        %dma_wait3A_431 = arith.constant 0 : i32
        %dma_wait3A_432 = tpu.memref_slice %arg13[%dma_wait3A_430, %dma_wait3A_431] : memref<10240x128xf32, #tpu.memory_space<vmem_shared>> -> memref<10240x128xf32, #tpu.memory_space<vmem_shared>>
        tpu.wait_indirect_dma semaphore(%run_scoped3A_420 : memref<!tpu.dma_semaphore, #tpu.memory_space<semaphore_mem>>) src(%arg9 : memref<64x128xf32, #tpu.memory_space<vmem>>) dst(%dma_wait3A_432 : memref<10240x128xf32, #tpu.memory_space<vmem_shared>>)
        tpu.yield
      }) : () -> ()
      %dma_wait3A_342 = arith.constant 1920 : i32
      %dma_wait3A_343 = tpu.memref_slice %arg5[%dma_wait3A_342] : memref<2048xi32, #tpu.memory_space<vmem>> -> memref<64xi32, #tpu.memory_space<vmem>>
      %dma_wait3A_344 = arith.constant 0 : i32
      %dma_wait3A_345 = arith.constant 0 : i32
      %dma_wait3A_346 = tpu.memref_slice %arg2[%dma_wait3A_344, %dma_wait3A_345] : memref<10000x128xf32, #tpu.memory_space<hbm>> -> memref<10000x128xf32, #tpu.memory_space<hbm>>
      tpu.wait_indirect_dma semaphore(%arg16 : memref<!tpu.dma_semaphore, #tpu.memory_space<semaphore_mem>>) src(%dma_wait3A_346 : memref<10000x128xf32, #tpu.memory_space<hbm>>) dst(%arg10 : memref<64x128xf32, #tpu.memory_space<vmem>>)
      %run_scoped3A_347 = arith.constant 30 : i32
      "tpu.region"() ({
        %run_scoped3A_420 = tpu.sem_alloc : memref<!tpu.dma_semaphore, #tpu.memory_space<semaphore_mem>>
        %dma_start3A_421 = arith.constant 0 : i32
        %dma_start3A_422 = tpu.memref_slice %arg7[%run_scoped3A_347, %dma_start3A_421] : memref<32x64xi32, #tpu.memory_space<vmem>> -> memref<1x64xi32, #tpu.memory_space<vmem>>
        %dma_start3A_423 = tpu.memref_squeeze %dma_start3A_422 : memref<1x64xi32, #tpu.memory_space<vmem>> -> memref<64xi32, #tpu.memory_space<vmem>>
        %dma_start3A_424 = arith.constant 0 : i32
        %dma_start3A_425 = arith.constant 0 : i32
        %dma_start3A_426 = tpu.memref_slice %arg13[%dma_start3A_424, %dma_start3A_425] : memref<10240x128xf32, #tpu.memory_space<vmem_shared>> -> memref<10240x128xf32, #tpu.memory_space<vmem_shared>>
        tpu.enqueue_indirect_dma source(%arg10 : memref<64x128xf32, #tpu.memory_space<vmem>>) target(%dma_start3A_426 : memref<10240x128xf32, #tpu.memory_space<vmem_shared>>) offsets(%dma_start3A_423 : memref<64xi32, #tpu.memory_space<vmem>>) semaphore(%run_scoped3A_420 : memref<!tpu.dma_semaphore, #tpu.memory_space<semaphore_mem>>) {add = true}
        %dma_wait3A_427 = arith.constant 0 : i32
        %dma_wait3A_428 = tpu.memref_slice %arg7[%run_scoped3A_347, %dma_wait3A_427] : memref<32x64xi32, #tpu.memory_space<vmem>> -> memref<1x64xi32, #tpu.memory_space<vmem>>
        %dma_wait3A_429 = tpu.memref_squeeze %dma_wait3A_428 : memref<1x64xi32, #tpu.memory_space<vmem>> -> memref<64xi32, #tpu.memory_space<vmem>>
        %dma_wait3A_430 = arith.constant 0 : i32
        %dma_wait3A_431 = arith.constant 0 : i32
        %dma_wait3A_432 = tpu.memref_slice %arg13[%dma_wait3A_430, %dma_wait3A_431] : memref<10240x128xf32, #tpu.memory_space<vmem_shared>> -> memref<10240x128xf32, #tpu.memory_space<vmem_shared>>
        tpu.wait_indirect_dma semaphore(%run_scoped3A_420 : memref<!tpu.dma_semaphore, #tpu.memory_space<semaphore_mem>>) src(%arg10 : memref<64x128xf32, #tpu.memory_space<vmem>>) dst(%dma_wait3A_432 : memref<10240x128xf32, #tpu.memory_space<vmem_shared>>)
        tpu.yield
      }) : () -> ()
      %dma_wait3A_348 = arith.constant 1984 : i32
      %dma_wait3A_349 = tpu.memref_slice %arg5[%dma_wait3A_348] : memref<2048xi32, #tpu.memory_space<vmem>> -> memref<64xi32, #tpu.memory_space<vmem>>
      %dma_wait3A_350 = arith.constant 0 : i32
      %dma_wait3A_351 = arith.constant 0 : i32
      %dma_wait3A_352 = tpu.memref_slice %arg2[%dma_wait3A_350, %dma_wait3A_351] : memref<10000x128xf32, #tpu.memory_space<hbm>> -> memref<10000x128xf32, #tpu.memory_space<hbm>>
      tpu.wait_indirect_dma semaphore(%arg17 : memref<!tpu.dma_semaphore, #tpu.memory_space<semaphore_mem>>) src(%dma_wait3A_352 : memref<10000x128xf32, #tpu.memory_space<hbm>>) dst(%arg11 : memref<64x128xf32, #tpu.memory_space<vmem>>)
      %run_scoped3A_353 = arith.constant 31 : i32
      "tpu.region"() ({
        %run_scoped3A_420 = tpu.sem_alloc : memref<!tpu.dma_semaphore, #tpu.memory_space<semaphore_mem>>
        %dma_start3A_421 = arith.constant 0 : i32
        %dma_start3A_422 = tpu.memref_slice %arg7[%run_scoped3A_353, %dma_start3A_421] : memref<32x64xi32, #tpu.memory_space<vmem>> -> memref<1x64xi32, #tpu.memory_space<vmem>>
        %dma_start3A_423 = tpu.memref_squeeze %dma_start3A_422 : memref<1x64xi32, #tpu.memory_space<vmem>> -> memref<64xi32, #tpu.memory_space<vmem>>
        %dma_start3A_424 = arith.constant 0 : i32
        %dma_start3A_425 = arith.constant 0 : i32
        %dma_start3A_426 = tpu.memref_slice %arg13[%dma_start3A_424, %dma_start3A_425] : memref<10240x128xf32, #tpu.memory_space<vmem_shared>> -> memref<10240x128xf32, #tpu.memory_space<vmem_shared>>
        tpu.enqueue_indirect_dma source(%arg11 : memref<64x128xf32, #tpu.memory_space<vmem>>) target(%dma_start3A_426 : memref<10240x128xf32, #tpu.memory_space<vmem_shared>>) offsets(%dma_start3A_423 : memref<64xi32, #tpu.memory_space<vmem>>) semaphore(%run_scoped3A_420 : memref<!tpu.dma_semaphore, #tpu.memory_space<semaphore_mem>>) {add = true}
        %dma_wait3A_427 = arith.constant 0 : i32
        %dma_wait3A_428 = tpu.memref_slice %arg7[%run_scoped3A_353, %dma_wait3A_427] : memref<32x64xi32, #tpu.memory_space<vmem>> -> memref<1x64xi32, #tpu.memory_space<vmem>>
        %dma_wait3A_429 = tpu.memref_squeeze %dma_wait3A_428 : memref<1x64xi32, #tpu.memory_space<vmem>> -> memref<64xi32, #tpu.memory_space<vmem>>
        %dma_wait3A_430 = arith.constant 0 : i32
        %dma_wait3A_431 = arith.constant 0 : i32
        %dma_wait3A_432 = tpu.memref_slice %arg13[%dma_wait3A_430, %dma_wait3A_431] : memref<10240x128xf32, #tpu.memory_space<vmem_shared>> -> memref<10240x128xf32, #tpu.memory_space<vmem_shared>>
        tpu.wait_indirect_dma semaphore(%run_scoped3A_420 : memref<!tpu.dma_semaphore, #tpu.memory_space<semaphore_mem>>) src(%arg11 : memref<64x128xf32, #tpu.memory_space<vmem>>) dst(%dma_wait3A_432 : memref<10240x128xf32, #tpu.memory_space<vmem_shared>>)
        tpu.yield
      }) : () -> ()
      %mul3A_354 = arith.constant 160 : i32
      %mul3A_355 = arith.muli %add3A, %mul3A_354 : i32
      %add3A_356 = arith.constant 128 : i32
      %add3A_357 = arith.addi %mul3A_355, %add3A_356 : i32
      %mul3A_358 = arith.constant 64 : i32
      %mul3A_359 = arith.muli %add3A_357, %mul3A_358 : i32
      %run_scoped3A_360 = arith.constant 0 : i32
      "tpu.region"() ({
        %run_scoped3A_420 = tpu.sem_alloc : memref<!tpu.dma_semaphore, #tpu.memory_space<semaphore_mem>>
        %dma_start3A_421 = arith.constant 0 : i32
        %dma_start3A_422 = tpu.memref_slice %arg5[%dma_start3A_421] : memref<2048xi32, #tpu.memory_space<vmem>> -> memref<2048xi32, #tpu.memory_space<vmem>>
        %dma_start3A_423 = arith.constant 0 : i32
        %dma_start3A_424 = tpu.memref_slice %arg3[%run_scoped3A_360, %dma_start3A_423] : memref<2x320000xi32, #tpu.memory_space<hbm>> -> memref<1x320000xi32, #tpu.memory_space<hbm>>
        %dma_start3A_425 = tpu.memref_squeeze %dma_start3A_424 : memref<1x320000xi32, #tpu.memory_space<hbm>> -> memref<320000xi32, #tpu.memory_space<hbm>>
        %dma_start3A_426 = tpu.memref_slice %dma_start3A_425[%mul3A_359] : memref<320000xi32, #tpu.memory_space<hbm>> -> memref<2048xi32, #tpu.memory_space<hbm>>
        %dma_start3A_427 = arith.constant 0 : i32
        %dma_start3A_428 = tpu.memref_slice %arg5[%dma_start3A_427] : memref<2048xi32, #tpu.memory_space<vmem>> -> memref<2048xi32, #tpu.memory_space<vmem>>
        %dma_start3A_429 = arith.constant 0 : i32
        %dma_start3A_430 = tpu.memref_slice %arg3[%run_scoped3A_360, %dma_start3A_429] : memref<2x320000xi32, #tpu.memory_space<hbm>> -> memref<1x320000xi32, #tpu.memory_space<hbm>>
        %dma_start3A_431 = tpu.memref_squeeze %dma_start3A_430 : memref<1x320000xi32, #tpu.memory_space<hbm>> -> memref<320000xi32, #tpu.memory_space<hbm>>
        %dma_start3A_432 = tpu.memref_slice %dma_start3A_431[%mul3A_359] : memref<320000xi32, #tpu.memory_space<hbm>> -> memref<2048xi32, #tpu.memory_space<hbm>>
        tpu.enqueue_dma source(%dma_start3A_432 : memref<2048xi32, #tpu.memory_space<hbm>>) target(%dma_start3A_428 : memref<2048xi32, #tpu.memory_space<vmem>>) target_semaphore(%run_scoped3A_420 : memref<!tpu.dma_semaphore, #tpu.memory_space<semaphore_mem>>)
        %dma_wait3A_433 = arith.constant 0 : i32
        %dma_wait3A_434 = tpu.memref_slice %arg5[%dma_wait3A_433] : memref<2048xi32, #tpu.memory_space<vmem>> -> memref<2048xi32, #tpu.memory_space<vmem>>
        %dma_wait3A_435 = arith.constant 0 : i32
        %dma_wait3A_436 = tpu.memref_slice %arg3[%run_scoped3A_360, %dma_wait3A_435] : memref<2x320000xi32, #tpu.memory_space<hbm>> -> memref<1x320000xi32, #tpu.memory_space<hbm>>
        %dma_wait3A_437 = tpu.memref_squeeze %dma_wait3A_436 : memref<1x320000xi32, #tpu.memory_space<hbm>> -> memref<320000xi32, #tpu.memory_space<hbm>>
        %dma_wait3A_438 = tpu.memref_slice %dma_wait3A_437[%mul3A_359] : memref<320000xi32, #tpu.memory_space<hbm>> -> memref<2048xi32, #tpu.memory_space<hbm>>
        %dma_wait3A_439 = arith.constant 0 : i32
        %dma_wait3A_440 = tpu.memref_slice %arg5[%dma_wait3A_439] : memref<2048xi32, #tpu.memory_space<vmem>> -> memref<2048xi32, #tpu.memory_space<vmem>>
        %dma_wait3A_441 = arith.constant 0 : i32
        %dma_wait3A_442 = tpu.memref_slice %arg3[%run_scoped3A_360, %dma_wait3A_441] : memref<2x320000xi32, #tpu.memory_space<hbm>> -> memref<1x320000xi32, #tpu.memory_space<hbm>>
        %dma_wait3A_443 = tpu.memref_squeeze %dma_wait3A_442 : memref<1x320000xi32, #tpu.memory_space<hbm>> -> memref<320000xi32, #tpu.memory_space<hbm>>
        %dma_wait3A_444 = tpu.memref_slice %dma_wait3A_443[%mul3A_359] : memref<320000xi32, #tpu.memory_space<hbm>> -> memref<2048xi32, #tpu.memory_space<hbm>>
        tpu.wait_dma2 semaphore(%run_scoped3A_420 : memref<!tpu.dma_semaphore, #tpu.memory_space<semaphore_mem>>) src(%dma_wait3A_444 : memref<2048xi32, #tpu.memory_space<hbm>>) dst(%dma_wait3A_440 : memref<2048xi32, #tpu.memory_space<vmem>>)
        tpu.yield
      }) : () -> ()
      %mul3A_361 = arith.constant 64 : i32
      %mul3A_362 = arith.muli %add3A_357, %mul3A_361 : i32
      %run_scoped3A_363 = arith.constant 1 : i32
      "tpu.region"() ({
        %run_scoped3A_420 = tpu.sem_alloc : memref<!tpu.dma_semaphore, #tpu.memory_space<semaphore_mem>>
        %dma_start3A_421 = arith.constant 0 : i32
        %dma_start3A_422 = tpu.memref_slice %arg6[%dma_start3A_421] : memref<2048xi32, #tpu.memory_space<vmem>> -> memref<2048xi32, #tpu.memory_space<vmem>>
        %dma_start3A_423 = arith.constant 0 : i32
        %dma_start3A_424 = tpu.memref_slice %arg3[%run_scoped3A_363, %dma_start3A_423] : memref<2x320000xi32, #tpu.memory_space<hbm>> -> memref<1x320000xi32, #tpu.memory_space<hbm>>
        %dma_start3A_425 = tpu.memref_squeeze %dma_start3A_424 : memref<1x320000xi32, #tpu.memory_space<hbm>> -> memref<320000xi32, #tpu.memory_space<hbm>>
        %dma_start3A_426 = tpu.memref_slice %dma_start3A_425[%mul3A_362] : memref<320000xi32, #tpu.memory_space<hbm>> -> memref<2048xi32, #tpu.memory_space<hbm>>
        %dma_start3A_427 = arith.constant 0 : i32
        %dma_start3A_428 = tpu.memref_slice %arg6[%dma_start3A_427] : memref<2048xi32, #tpu.memory_space<vmem>> -> memref<2048xi32, #tpu.memory_space<vmem>>
        %dma_start3A_429 = arith.constant 0 : i32
        %dma_start3A_430 = tpu.memref_slice %arg3[%run_scoped3A_363, %dma_start3A_429] : memref<2x320000xi32, #tpu.memory_space<hbm>> -> memref<1x320000xi32, #tpu.memory_space<hbm>>
        %dma_start3A_431 = tpu.memref_squeeze %dma_start3A_430 : memref<1x320000xi32, #tpu.memory_space<hbm>> -> memref<320000xi32, #tpu.memory_space<hbm>>
        %dma_start3A_432 = tpu.memref_slice %dma_start3A_431[%mul3A_362] : memref<320000xi32, #tpu.memory_space<hbm>> -> memref<2048xi32, #tpu.memory_space<hbm>>
        tpu.enqueue_dma source(%dma_start3A_432 : memref<2048xi32, #tpu.memory_space<hbm>>) target(%dma_start3A_428 : memref<2048xi32, #tpu.memory_space<vmem>>) target_semaphore(%run_scoped3A_420 : memref<!tpu.dma_semaphore, #tpu.memory_space<semaphore_mem>>)
        %dma_wait3A_433 = arith.constant 0 : i32
        %dma_wait3A_434 = tpu.memref_slice %arg6[%dma_wait3A_433] : memref<2048xi32, #tpu.memory_space<vmem>> -> memref<2048xi32, #tpu.memory_space<vmem>>
        %dma_wait3A_435 = arith.constant 0 : i32
        %dma_wait3A_436 = tpu.memref_slice %arg3[%run_scoped3A_363, %dma_wait3A_435] : memref<2x320000xi32, #tpu.memory_space<hbm>> -> memref<1x320000xi32, #tpu.memory_space<hbm>>
        %dma_wait3A_437 = tpu.memref_squeeze %dma_wait3A_436 : memref<1x320000xi32, #tpu.memory_space<hbm>> -> memref<320000xi32, #tpu.memory_space<hbm>>
        %dma_wait3A_438 = tpu.memref_slice %dma_wait3A_437[%mul3A_362] : memref<320000xi32, #tpu.memory_space<hbm>> -> memref<2048xi32, #tpu.memory_space<hbm>>
        %dma_wait3A_439 = arith.constant 0 : i32
        %dma_wait3A_440 = tpu.memref_slice %arg6[%dma_wait3A_439] : memref<2048xi32, #tpu.memory_space<vmem>> -> memref<2048xi32, #tpu.memory_space<vmem>>
        %dma_wait3A_441 = arith.constant 0 : i32
        %dma_wait3A_442 = tpu.memref_slice %arg3[%run_scoped3A_363, %dma_wait3A_441] : memref<2x320000xi32, #tpu.memory_space<hbm>> -> memref<1x320000xi32, #tpu.memory_space<hbm>>
        %dma_wait3A_443 = tpu.memref_squeeze %dma_wait3A_442 : memref<1x320000xi32, #tpu.memory_space<hbm>> -> memref<320000xi32, #tpu.memory_space<hbm>>
        %dma_wait3A_444 = tpu.memref_slice %dma_wait3A_443[%mul3A_362] : memref<320000xi32, #tpu.memory_space<hbm>> -> memref<2048xi32, #tpu.memory_space<hbm>>
        tpu.wait_dma2 semaphore(%run_scoped3A_420 : memref<!tpu.dma_semaphore, #tpu.memory_space<semaphore_mem>>) src(%dma_wait3A_444 : memref<2048xi32, #tpu.memory_space<hbm>>) dst(%dma_wait3A_440 : memref<2048xi32, #tpu.memory_space<vmem>>)
        tpu.yield
      }) : () -> ()
      %scan3A_364 = arith.constant 0 : i32
      %scan3A_365 = arith.constant 0 : i32
      %scan3A_366 = arith.constant 32 : i32
      %scan3A_367 = arith.addi %scan3A_365, %scan3A_366 : i32
      %scan3A_368 = arith.constant 1 : i32
      scf.for %scan3A_420 = %scan3A_365 to %scan3A_367 step %scan3A_368  : i32 {
        %mul3A_421 = arith.constant 64 : i32
        %mul3A_422 = arith.muli %scan3A_420, %mul3A_421 : i32
        %add3A_423 = arith.constant 0 : i32
        %add3A_424 = arith.addi %mul3A_422, %add3A_423 : i32
        %get3A = arith.index_cast %add3A_424 : i32 to index
        %get3A_425 = tpu.vector_load %arg6[%get3A] {strides = array<i32>} : memref<2048xi32, #tpu.memory_space<vmem>>, vector<16xi32>,
        %get3A_426 = vector.shape_cast %get3A_425 : vector<16xi32> to vector<16xi32>
        %swap3A = arith.index_cast %scan3A_420 : i32 to index
        %swap3A_427 = arith.constant 0 : index
        %swap3A_428 = tpu.vector_load %arg7[%swap3A, %swap3A_427] {strides = array<i32>} : memref<32x64xi32, #tpu.memory_space<vmem>>, vector<1x16xi32>,
        %swap3A_429 = vector.shape_cast %swap3A_428 : vector<1x16xi32> to vector<16xi32>
        %swap3A_430 = vector.shape_cast %get3A_426 : vector<16xi32> to vector<1x16xi32>
        tpu.vector_store %arg7[%swap3A, %swap3A_427], %swap3A_430 {strides = array<i32>} : memref<32x64xi32, #tpu.memory_space<vmem>>, vector<1x16xi32>,
        %mul3A_431 = arith.constant 64 : i32
        %mul3A_432 = arith.muli %scan3A_420, %mul3A_431 : i32
        %add3A_433 = arith.constant 16 : i32
        %add3A_434 = arith.addi %mul3A_432, %add3A_433 : i32
        %get3A_435 = arith.index_cast %add3A_434 : i32 to index
        %get3A_436 = tpu.vector_load %arg6[%get3A_435] {strides = array<i32>} : memref<2048xi32, #tpu.memory_space<vmem>>, vector<16xi32>,
        %get3A_437 = vector.shape_cast %get3A_436 : vector<16xi32> to vector<16xi32>
        %swap3A_438 = arith.index_cast %scan3A_420 : i32 to index
        %swap3A_439 = arith.constant 16 : index
        %swap3A_440 = tpu.vector_load %arg7[%swap3A_438, %swap3A_439] {strides = array<i32>} : memref<32x64xi32, #tpu.memory_space<vmem>>, vector<1x16xi32>,
        %swap3A_441 = vector.shape_cast %swap3A_440 : vector<1x16xi32> to vector<16xi32>
        %swap3A_442 = vector.shape_cast %get3A_437 : vector<16xi32> to vector<1x16xi32>
        tpu.vector_store %arg7[%swap3A_438, %swap3A_439], %swap3A_442 {strides = array<i32>} : memref<32x64xi32, #tpu.memory_space<vmem>>, vector<1x16xi32>,
        %mul3A_443 = arith.constant 64 : i32
        %mul3A_444 = arith.muli %scan3A_420, %mul3A_443 : i32
        %add3A_445 = arith.constant 32 : i32
        %add3A_446 = arith.addi %mul3A_444, %add3A_445 : i32
        %get3A_447 = arith.index_cast %add3A_446 : i32 to index
        %get3A_448 = tpu.vector_load %arg6[%get3A_447] {strides = array<i32>} : memref<2048xi32, #tpu.memory_space<vmem>>, vector<16xi32>,
        %get3A_449 = vector.shape_cast %get3A_448 : vector<16xi32> to vector<16xi32>
        %swap3A_450 = arith.index_cast %scan3A_420 : i32 to index
        %swap3A_451 = arith.constant 32 : index
        %swap3A_452 = tpu.vector_load %arg7[%swap3A_450, %swap3A_451] {strides = array<i32>} : memref<32x64xi32, #tpu.memory_space<vmem>>, vector<1x16xi32>,
        %swap3A_453 = vector.shape_cast %swap3A_452 : vector<1x16xi32> to vector<16xi32>
        %swap3A_454 = vector.shape_cast %get3A_449 : vector<16xi32> to vector<1x16xi32>
        tpu.vector_store %arg7[%swap3A_450, %swap3A_451], %swap3A_454 {strides = array<i32>} : memref<32x64xi32, #tpu.memory_space<vmem>>, vector<1x16xi32>,
        %mul3A_455 = arith.constant 64 : i32
        %mul3A_456 = arith.muli %scan3A_420, %mul3A_455 : i32
        %add3A_457 = arith.constant 48 : i32
        %add3A_458 = arith.addi %mul3A_456, %add3A_457 : i32
        %get3A_459 = arith.index_cast %add3A_458 : i32 to index
        %get3A_460 = tpu.vector_load %arg6[%get3A_459] {strides = array<i32>} : memref<2048xi32, #tpu.memory_space<vmem>>, vector<16xi32>,
        %get3A_461 = vector.shape_cast %get3A_460 : vector<16xi32> to vector<16xi32>
        %swap3A_462 = arith.index_cast %scan3A_420 : i32 to index
        %swap3A_463 = arith.constant 48 : index
        %swap3A_464 = tpu.vector_load %arg7[%swap3A_462, %swap3A_463] {strides = array<i32>} : memref<32x64xi32, #tpu.memory_space<vmem>>, vector<1x16xi32>,
        %swap3A_465 = vector.shape_cast %swap3A_464 : vector<1x16xi32> to vector<16xi32>
        %swap3A_466 = vector.shape_cast %get3A_461 : vector<16xi32> to vector<1x16xi32>
        tpu.vector_store %arg7[%swap3A_462, %swap3A_463], %swap3A_466 {strides = array<i32>} : memref<32x64xi32, #tpu.memory_space<vmem>>, vector<1x16xi32>,
      }
      %scan3A_369 = arith.constant 32 : i32
      %dma_start3A_370 = arith.constant 0 : i32
      %dma_start3A_371 = tpu.memref_slice %arg5[%dma_start3A_370] : memref<2048xi32, #tpu.memory_space<vmem>> -> memref<64xi32, #tpu.memory_space<vmem>>
      %dma_start3A_372 = arith.constant 0 : i32
      %dma_start3A_373 = arith.constant 0 : i32
      %dma_start3A_374 = tpu.memref_slice %arg2[%dma_start3A_372, %dma_start3A_373] : memref<10000x128xf32, #tpu.memory_space<hbm>> -> memref<10000x128xf32, #tpu.memory_space<hbm>>
      tpu.enqueue_indirect_dma source(%dma_start3A_374 : memref<10000x128xf32, #tpu.memory_space<hbm>>) target(%arg8 : memref<64x128xf32, #tpu.memory_space<vmem>>) offsets(%dma_start3A_371 : memref<64xi32, #tpu.memory_space<vmem>>) semaphore(%arg14 : memref<!tpu.dma_semaphore, #tpu.memory_space<semaphore_mem>>)
      %dma_start3A_375 = arith.constant 64 : i32
      %dma_start3A_376 = tpu.memref_slice %arg5[%dma_start3A_375] : memref<2048xi32, #tpu.memory_space<vmem>> -> memref<64xi32, #tpu.memory_space<vmem>>
      %dma_start3A_377 = arith.constant 0 : i32
      %dma_start3A_378 = arith.constant 0 : i32
      %dma_start3A_379 = tpu.memref_slice %arg2[%dma_start3A_377, %dma_start3A_378] : memref<10000x128xf32, #tpu.memory_space<hbm>> -> memref<10000x128xf32, #tpu.memory_space<hbm>>
      tpu.enqueue_indirect_dma source(%dma_start3A_379 : memref<10000x128xf32, #tpu.memory_space<hbm>>) target(%arg9 : memref<64x128xf32, #tpu.memory_space<vmem>>) offsets(%dma_start3A_376 : memref<64xi32, #tpu.memory_space<vmem>>) semaphore(%arg15 : memref<!tpu.dma_semaphore, #tpu.memory_space<semaphore_mem>>)
      %dma_start3A_380 = arith.constant 128 : i32
      %dma_start3A_381 = tpu.memref_slice %arg5[%dma_start3A_380] : memref<2048xi32, #tpu.memory_space<vmem>> -> memref<64xi32, #tpu.memory_space<vmem>>
      %dma_start3A_382 = arith.constant 0 : i32
      %dma_start3A_383 = arith.constant 0 : i32
      %dma_start3A_384 = tpu.memref_slice %arg2[%dma_start3A_382, %dma_start3A_383] : memref<10000x128xf32, #tpu.memory_space<hbm>> -> memref<10000x128xf32, #tpu.memory_space<hbm>>
      tpu.enqueue_indirect_dma source(%dma_start3A_384 : memref<10000x128xf32, #tpu.memory_space<hbm>>) target(%arg10 : memref<64x128xf32, #tpu.memory_space<vmem>>) offsets(%dma_start3A_381 : memref<64xi32, #tpu.memory_space<vmem>>) semaphore(%arg16 : memref<!tpu.dma_semaphore, #tpu.memory_space<semaphore_mem>>)
      %dma_start3A_385 = arith.constant 192 : i32
      %dma_start3A_386 = tpu.memref_slice %arg5[%dma_start3A_385] : memref<2048xi32, #tpu.memory_space<vmem>> -> memref<64xi32, #tpu.memory_space<vmem>>
      %dma_start3A_387 = arith.constant 0 : i32
      %dma_start3A_388 = arith.constant 0 : i32
      %dma_start3A_389 = tpu.memref_slice %arg2[%dma_start3A_387, %dma_start3A_388] : memref<10000x128xf32, #tpu.memory_space<hbm>> -> memref<10000x128xf32, #tpu.memory_space<hbm>>
      tpu.enqueue_indirect_dma source(%dma_start3A_389 : memref<10000x128xf32, #tpu.memory_space<hbm>>) target(%arg11 : memref<64x128xf32, #tpu.memory_space<vmem>>) offsets(%dma_start3A_386 : memref<64xi32, #tpu.memory_space<vmem>>) semaphore(%arg17 : memref<!tpu.dma_semaphore, #tpu.memory_space<semaphore_mem>>)
      %scan3A_390 = arith.constant 0 : i32
      %scan3A_391 = arith.constant 0 : i32
      %scan3A_392 = arith.constant 7 : i32
      %scan3A_393 = arith.addi %scan3A_391, %scan3A_392 : i32
      %scan3A_394 = arith.constant 1 : i32
      scf.for %scan3A_420 = %scan3A_391 to %scan3A_393 step %scan3A_394  : i32 {
        %mul3A_421 = arith.constant 4 : i32
        %mul3A_422 = arith.muli %mul3A_421, %scan3A_420 : i32
        %add3A_423 = arith.constant 0 : i32
        %add3A_424 = arith.addi %mul3A_422, %add3A_423 : i32
        %mul3A_425 = arith.constant 64 : i32
        %mul3A_426 = arith.muli %add3A_424, %mul3A_425 : i32
        %dma_wait3A_427 = tpu.memref_slice %arg5[%mul3A_426] : memref<2048xi32, #tpu.memory_space<vmem>> -> memref<64xi32, #tpu.memory_space<vmem>>
        %dma_wait3A_428 = arith.constant 0 : i32
        %dma_wait3A_429 = arith.constant 0 : i32
        %dma_wait3A_430 = tpu.memref_slice %arg2[%dma_wait3A_428, %dma_wait3A_429] : memref<10000x128xf32, #tpu.memory_space<hbm>> -> memref<10000x128xf32, #tpu.memory_space<hbm>>
        tpu.wait_indirect_dma semaphore(%arg14 : memref<!tpu.dma_semaphore, #tpu.memory_space<semaphore_mem>>) src(%dma_wait3A_430 : memref<10000x128xf32, #tpu.memory_space<hbm>>) dst(%arg8 : memref<64x128xf32, #tpu.memory_space<vmem>>)
        "tpu.region"() ({
          %run_scoped3A_487 = tpu.sem_alloc : memref<!tpu.dma_semaphore, #tpu.memory_space<semaphore_mem>>
          %dma_start3A_488 = arith.constant 0 : i32
          %dma_start3A_489 = tpu.memref_slice %arg7[%add3A_424, %dma_start3A_488] : memref<32x64xi32, #tpu.memory_space<vmem>> -> memref<1x64xi32, #tpu.memory_space<vmem>>
          %dma_start3A_490 = tpu.memref_squeeze %dma_start3A_489 : memref<1x64xi32, #tpu.memory_space<vmem>> -> memref<64xi32, #tpu.memory_space<vmem>>
          %dma_start3A_491 = arith.constant 0 : i32
          %dma_start3A_492 = arith.constant 0 : i32
          %dma_start3A_493 = tpu.memref_slice %arg13[%dma_start3A_491, %dma_start3A_492] : memref<10240x128xf32, #tpu.memory_space<vmem_shared>> -> memref<10240x128xf32, #tpu.memory_space<vmem_shared>>
          tpu.enqueue_indirect_dma source(%arg8 : memref<64x128xf32, #tpu.memory_space<vmem>>) target(%dma_start3A_493 : memref<10240x128xf32, #tpu.memory_space<vmem_shared>>) offsets(%dma_start3A_490 : memref<64xi32, #tpu.memory_space<vmem>>) semaphore(%run_scoped3A_487 : memref<!tpu.dma_semaphore, #tpu.memory_space<semaphore_mem>>) {add = true}
          %dma_wait3A_494 = arith.constant 0 : i32
          %dma_wait3A_495 = tpu.memref_slice %arg7[%add3A_424, %dma_wait3A_494] : memref<32x64xi32, #tpu.memory_space<vmem>> -> memref<1x64xi32, #tpu.memory_space<vmem>>
          %dma_wait3A_496 = tpu.memref_squeeze %dma_wait3A_495 : memref<1x64xi32, #tpu.memory_space<vmem>> -> memref<64xi32, #tpu.memory_space<vmem>>
          %dma_wait3A_497 = arith.constant 0 : i32
          %dma_wait3A_498 = arith.constant 0 : i32
          %dma_wait3A_499 = tpu.memref_slice %arg13[%dma_wait3A_497, %dma_wait3A_498] : memref<10240x128xf32, #tpu.memory_space<vmem_shared>> -> memref<10240x128xf32, #tpu.memory_space<vmem_shared>>
          tpu.wait_indirect_dma semaphore(%run_scoped3A_487 : memref<!tpu.dma_semaphore, #tpu.memory_space<semaphore_mem>>) src(%arg8 : memref<64x128xf32, #tpu.memory_space<vmem>>) dst(%dma_wait3A_499 : memref<10240x128xf32, #tpu.memory_space<vmem_shared>>)
          tpu.yield
        }) : () -> ()
        %add3A_431 = arith.constant 4 : i32
        %add3A_432 = arith.addi %add3A_424, %add3A_431 : i32
        %mul3A_433 = arith.constant 64 : i32
        %mul3A_434 = arith.muli %add3A_432, %mul3A_433 : i32
        %dma_start3A_435 = tpu.memref_slice %arg5[%mul3A_434] : memref<2048xi32, #tpu.memory_space<vmem>> -> memref<64xi32, #tpu.memory_space<vmem>>
        %dma_start3A_436 = arith.constant 0 : i32
        %dma_start3A_437 = arith.constant 0 : i32
        %dma_start3A_438 = tpu.memref_slice %arg2[%dma_start3A_436, %dma_start3A_437] : memref<10000x128xf32, #tpu.memory_space<hbm>> -> memref<10000x128xf32, #tpu.memory_space<hbm>>
        tpu.enqueue_indirect_dma source(%dma_start3A_438 : memref<10000x128xf32, #tpu.memory_space<hbm>>) target(%arg8 : memref<64x128xf32, #tpu.memory_space<vmem>>) offsets(%dma_start3A_435 : memref<64xi32, #tpu.memory_space<vmem>>) semaphore(%arg14 : memref<!tpu.dma_semaphore, #tpu.memory_space<semaphore_mem>>)
        %add3A_439 = arith.constant 1 : i32
        %add3A_440 = arith.addi %mul3A_422, %add3A_439 : i32
        %mul3A_441 = arith.constant 64 : i32
        %mul3A_442 = arith.muli %add3A_440, %mul3A_441 : i32
        %dma_wait3A_443 = tpu.memref_slice %arg5[%mul3A_442] : memref<2048xi32, #tpu.memory_space<vmem>> -> memref<64xi32, #tpu.memory_space<vmem>>
        %dma_wait3A_444 = arith.constant 0 : i32
        %dma_wait3A_445 = arith.constant 0 : i32
        %dma_wait3A_446 = tpu.memref_slice %arg2[%dma_wait3A_444, %dma_wait3A_445] : memref<10000x128xf32, #tpu.memory_space<hbm>> -> memref<10000x128xf32, #tpu.memory_space<hbm>>
        tpu.wait_indirect_dma semaphore(%arg15 : memref<!tpu.dma_semaphore, #tpu.memory_space<semaphore_mem>>) src(%dma_wait3A_446 : memref<10000x128xf32, #tpu.memory_space<hbm>>) dst(%arg9 : memref<64x128xf32, #tpu.memory_space<vmem>>)
        "tpu.region"() ({
          %run_scoped3A_487 = tpu.sem_alloc : memref<!tpu.dma_semaphore, #tpu.memory_space<semaphore_mem>>
          %dma_start3A_488 = arith.constant 0 : i32
          %dma_start3A_489 = tpu.memref_slice %arg7[%add3A_440, %dma_start3A_488] : memref<32x64xi32, #tpu.memory_space<vmem>> -> memref<1x64xi32, #tpu.memory_space<vmem>>
          %dma_start3A_490 = tpu.memref_squeeze %dma_start3A_489 : memref<1x64xi32, #tpu.memory_space<vmem>> -> memref<64xi32, #tpu.memory_space<vmem>>
          %dma_start3A_491 = arith.constant 0 : i32
          %dma_start3A_492 = arith.constant 0 : i32
          %dma_start3A_493 = tpu.memref_slice %arg13[%dma_start3A_491, %dma_start3A_492] : memref<10240x128xf32, #tpu.memory_space<vmem_shared>> -> memref<10240x128xf32, #tpu.memory_space<vmem_shared>>
          tpu.enqueue_indirect_dma source(%arg9 : memref<64x128xf32, #tpu.memory_space<vmem>>) target(%dma_start3A_493 : memref<10240x128xf32, #tpu.memory_space<vmem_shared>>) offsets(%dma_start3A_490 : memref<64xi32, #tpu.memory_space<vmem>>) semaphore(%run_scoped3A_487 : memref<!tpu.dma_semaphore, #tpu.memory_space<semaphore_mem>>) {add = true}
          %dma_wait3A_494 = arith.constant 0 : i32
          %dma_wait3A_495 = tpu.memref_slice %arg7[%add3A_440, %dma_wait3A_494] : memref<32x64xi32, #tpu.memory_space<vmem>> -> memref<1x64xi32, #tpu.memory_space<vmem>>
          %dma_wait3A_496 = tpu.memref_squeeze %dma_wait3A_495 : memref<1x64xi32, #tpu.memory_space<vmem>> -> memref<64xi32, #tpu.memory_space<vmem>>
          %dma_wait3A_497 = arith.constant 0 : i32
          %dma_wait3A_498 = arith.constant 0 : i32
          %dma_wait3A_499 = tpu.memref_slice %arg13[%dma_wait3A_497, %dma_wait3A_498] : memref<10240x128xf32, #tpu.memory_space<vmem_shared>> -> memref<10240x128xf32, #tpu.memory_space<vmem_shared>>
          tpu.wait_indirect_dma semaphore(%run_scoped3A_487 : memref<!tpu.dma_semaphore, #tpu.memory_space<semaphore_mem>>) src(%arg9 : memref<64x128xf32, #tpu.memory_space<vmem>>) dst(%dma_wait3A_499 : memref<10240x128xf32, #tpu.memory_space<vmem_shared>>)
          tpu.yield
        }) : () -> ()
        %add3A_447 = arith.constant 4 : i32
        %add3A_448 = arith.addi %add3A_440, %add3A_447 : i32
        %mul3A_449 = arith.constant 64 : i32
        %mul3A_450 = arith.muli %add3A_448, %mul3A_449 : i32
        %dma_start3A_451 = tpu.memref_slice %arg5[%mul3A_450] : memref<2048xi32, #tpu.memory_space<vmem>> -> memref<64xi32, #tpu.memory_space<vmem>>
        %dma_start3A_452 = arith.constant 0 : i32
        %dma_start3A_453 = arith.constant 0 : i32
        %dma_start3A_454 = tpu.memref_slice %arg2[%dma_start3A_452, %dma_start3A_453] : memref<10000x128xf32, #tpu.memory_space<hbm>> -> memref<10000x128xf32, #tpu.memory_space<hbm>>
        tpu.enqueue_indirect_dma source(%dma_start3A_454 : memref<10000x128xf32, #tpu.memory_space<hbm>>) target(%arg9 : memref<64x128xf32, #tpu.memory_space<vmem>>) offsets(%dma_start3A_451 : memref<64xi32, #tpu.memory_space<vmem>>) semaphore(%arg15 : memref<!tpu.dma_semaphore, #tpu.memory_space<semaphore_mem>>)
        %add3A_455 = arith.constant 2 : i32
        %add3A_456 = arith.addi %mul3A_422, %add3A_455 : i32
        %mul3A_457 = arith.constant 64 : i32
        %mul3A_458 = arith.muli %add3A_456, %mul3A_457 : i32
        %dma_wait3A_459 = tpu.memref_slice %arg5[%mul3A_458] : memref<2048xi32, #tpu.memory_space<vmem>> -> memref<64xi32, #tpu.memory_space<vmem>>
        %dma_wait3A_460 = arith.constant 0 : i32
        %dma_wait3A_461 = arith.constant 0 : i32
        %dma_wait3A_462 = tpu.memref_slice %arg2[%dma_wait3A_460, %dma_wait3A_461] : memref<10000x128xf32, #tpu.memory_space<hbm>> -> memref<10000x128xf32, #tpu.memory_space<hbm>>
        tpu.wait_indirect_dma semaphore(%arg16 : memref<!tpu.dma_semaphore, #tpu.memory_space<semaphore_mem>>) src(%dma_wait3A_462 : memref<10000x128xf32, #tpu.memory_space<hbm>>) dst(%arg10 : memref<64x128xf32, #tpu.memory_space<vmem>>)
        "tpu.region"() ({
          %run_scoped3A_487 = tpu.sem_alloc : memref<!tpu.dma_semaphore, #tpu.memory_space<semaphore_mem>>
          %dma_start3A_488 = arith.constant 0 : i32
          %dma_start3A_489 = tpu.memref_slice %arg7[%add3A_456, %dma_start3A_488] : memref<32x64xi32, #tpu.memory_space<vmem>> -> memref<1x64xi32, #tpu.memory_space<vmem>>
          %dma_start3A_490 = tpu.memref_squeeze %dma_start3A_489 : memref<1x64xi32, #tpu.memory_space<vmem>> -> memref<64xi32, #tpu.memory_space<vmem>>
          %dma_start3A_491 = arith.constant 0 : i32
          %dma_start3A_492 = arith.constant 0 : i32
          %dma_start3A_493 = tpu.memref_slice %arg13[%dma_start3A_491, %dma_start3A_492] : memref<10240x128xf32, #tpu.memory_space<vmem_shared>> -> memref<10240x128xf32, #tpu.memory_space<vmem_shared>>
          tpu.enqueue_indirect_dma source(%arg10 : memref<64x128xf32, #tpu.memory_space<vmem>>) target(%dma_start3A_493 : memref<10240x128xf32, #tpu.memory_space<vmem_shared>>) offsets(%dma_start3A_490 : memref<64xi32, #tpu.memory_space<vmem>>) semaphore(%run_scoped3A_487 : memref<!tpu.dma_semaphore, #tpu.memory_space<semaphore_mem>>) {add = true}
          %dma_wait3A_494 = arith.constant 0 : i32
          %dma_wait3A_495 = tpu.memref_slice %arg7[%add3A_456, %dma_wait3A_494] : memref<32x64xi32, #tpu.memory_space<vmem>> -> memref<1x64xi32, #tpu.memory_space<vmem>>
          %dma_wait3A_496 = tpu.memref_squeeze %dma_wait3A_495 : memref<1x64xi32, #tpu.memory_space<vmem>> -> memref<64xi32, #tpu.memory_space<vmem>>
          %dma_wait3A_497 = arith.constant 0 : i32
          %dma_wait3A_498 = arith.constant 0 : i32
          %dma_wait3A_499 = tpu.memref_slice %arg13[%dma_wait3A_497, %dma_wait3A_498] : memref<10240x128xf32, #tpu.memory_space<vmem_shared>> -> memref<10240x128xf32, #tpu.memory_space<vmem_shared>>
          tpu.wait_indirect_dma semaphore(%run_scoped3A_487 : memref<!tpu.dma_semaphore, #tpu.memory_space<semaphore_mem>>) src(%arg10 : memref<64x128xf32, #tpu.memory_space<vmem>>) dst(%dma_wait3A_499 : memref<10240x128xf32, #tpu.memory_space<vmem_shared>>)
          tpu.yield
        }) : () -> ()
        %add3A_463 = arith.constant 4 : i32
        %add3A_464 = arith.addi %add3A_456, %add3A_463 : i32
        %mul3A_465 = arith.constant 64 : i32
        %mul3A_466 = arith.muli %add3A_464, %mul3A_465 : i32
        %dma_start3A_467 = tpu.memref_slice %arg5[%mul3A_466] : memref<2048xi32, #tpu.memory_space<vmem>> -> memref<64xi32, #tpu.memory_space<vmem>>
        %dma_start3A_468 = arith.constant 0 : i32
        %dma_start3A_469 = arith.constant 0 : i32
        %dma_start3A_470 = tpu.memref_slice %arg2[%dma_start3A_468, %dma_start3A_469] : memref<10000x128xf32, #tpu.memory_space<hbm>> -> memref<10000x128xf32, #tpu.memory_space<hbm>>
        tpu.enqueue_indirect_dma source(%dma_start3A_470 : memref<10000x128xf32, #tpu.memory_space<hbm>>) target(%arg10 : memref<64x128xf32, #tpu.memory_space<vmem>>) offsets(%dma_start3A_467 : memref<64xi32, #tpu.memory_space<vmem>>) semaphore(%arg16 : memref<!tpu.dma_semaphore, #tpu.memory_space<semaphore_mem>>)
        %add3A_471 = arith.constant 3 : i32
        %add3A_472 = arith.addi %mul3A_422, %add3A_471 : i32
        %mul3A_473 = arith.constant 64 : i32
        %mul3A_474 = arith.muli %add3A_472, %mul3A_473 : i32
        %dma_wait3A_475 = tpu.memref_slice %arg5[%mul3A_474] : memref<2048xi32, #tpu.memory_space<vmem>> -> memref<64xi32, #tpu.memory_space<vmem>>
        %dma_wait3A_476 = arith.constant 0 : i32
        %dma_wait3A_477 = arith.constant 0 : i32
        %dma_wait3A_478 = tpu.memref_slice %arg2[%dma_wait3A_476, %dma_wait3A_477] : memref<10000x128xf32, #tpu.memory_space<hbm>> -> memref<10000x128xf32, #tpu.memory_space<hbm>>
        tpu.wait_indirect_dma semaphore(%arg17 : memref<!tpu.dma_semaphore, #tpu.memory_space<semaphore_mem>>) src(%dma_wait3A_478 : memref<10000x128xf32, #tpu.memory_space<hbm>>) dst(%arg11 : memref<64x128xf32, #tpu.memory_space<vmem>>)
        "tpu.region"() ({
          %run_scoped3A_487 = tpu.sem_alloc : memref<!tpu.dma_semaphore, #tpu.memory_space<semaphore_mem>>
          %dma_start3A_488 = arith.constant 0 : i32
          %dma_start3A_489 = tpu.memref_slice %arg7[%add3A_472, %dma_start3A_488] : memref<32x64xi32, #tpu.memory_space<vmem>> -> memref<1x64xi32, #tpu.memory_space<vmem>>
          %dma_start3A_490 = tpu.memref_squeeze %dma_start3A_489 : memref<1x64xi32, #tpu.memory_space<vmem>> -> memref<64xi32, #tpu.memory_space<vmem>>
          %dma_start3A_491 = arith.constant 0 : i32
          %dma_start3A_492 = arith.constant 0 : i32
          %dma_start3A_493 = tpu.memref_slice %arg13[%dma_start3A_491, %dma_start3A_492] : memref<10240x128xf32, #tpu.memory_space<vmem_shared>> -> memref<10240x128xf32, #tpu.memory_space<vmem_shared>>
          tpu.enqueue_indirect_dma source(%arg11 : memref<64x128xf32, #tpu.memory_space<vmem>>) target(%dma_start3A_493 : memref<10240x128xf32, #tpu.memory_space<vmem_shared>>) offsets(%dma_start3A_490 : memref<64xi32, #tpu.memory_space<vmem>>) semaphore(%run_scoped3A_487 : memref<!tpu.dma_semaphore, #tpu.memory_space<semaphore_mem>>) {add = true}
          %dma_wait3A_494 = arith.constant 0 : i32
          %dma_wait3A_495 = tpu.memref_slice %arg7[%add3A_472, %dma_wait3A_494] : memref<32x64xi32, #tpu.memory_space<vmem>> -> memref<1x64xi32, #tpu.memory_space<vmem>>
          %dma_wait3A_496 = tpu.memref_squeeze %dma_wait3A_495 : memref<1x64xi32, #tpu.memory_space<vmem>> -> memref<64xi32, #tpu.memory_space<vmem>>
          %dma_wait3A_497 = arith.constant 0 : i32
          %dma_wait3A_498 = arith.constant 0 : i32
          %dma_wait3A_499 = tpu.memref_slice %arg13[%dma_wait3A_497, %dma_wait3A_498] : memref<10240x128xf32, #tpu.memory_space<vmem_shared>> -> memref<10240x128xf32, #tpu.memory_space<vmem_shared>>
          tpu.wait_indirect_dma semaphore(%run_scoped3A_487 : memref<!tpu.dma_semaphore, #tpu.memory_space<semaphore_mem>>) src(%arg11 : memref<64x128xf32, #tpu.memory_space<vmem>>) dst(%dma_wait3A_499 : memref<10240x128xf32, #tpu.memory_space<vmem_shared>>)
          tpu.yield
        }) : () -> ()
        %add3A_479 = arith.constant 4 : i32
        %add3A_480 = arith.addi %add3A_472, %add3A_479 : i32
        %mul3A_481 = arith.constant 64 : i32
        %mul3A_482 = arith.muli %add3A_480, %mul3A_481 : i32
        %dma_start3A_483 = tpu.memref_slice %arg5[%mul3A_482] : memref<2048xi32, #tpu.memory_space<vmem>> -> memref<64xi32, #tpu.memory_space<vmem>>
        %dma_start3A_484 = arith.constant 0 : i32
        %dma_start3A_485 = arith.constant 0 : i32
        %dma_start3A_486 = tpu.memref_slice %arg2[%dma_start3A_484, %dma_start3A_485] : memref<10000x128xf32, #tpu.memory_space<hbm>> -> memref<10000x128xf32, #tpu.memory_space<hbm>>
        tpu.enqueue_indirect_dma source(%dma_start3A_486 : memref<10000x128xf32, #tpu.memory_space<hbm>>) target(%arg11 : memref<64x128xf32, #tpu.memory_space<vmem>>) offsets(%dma_start3A_483 : memref<64xi32, #tpu.memory_space<vmem>>) semaphore(%arg17 : memref<!tpu.dma_semaphore, #tpu.memory_space<semaphore_mem>>)
      }
      %scan3A_395 = arith.constant 7 : i32
      %dma_wait3A_396 = arith.constant 1792 : i32
      %dma_wait3A_397 = tpu.memref_slice %arg5[%dma_wait3A_396] : memref<2048xi32, #tpu.memory_space<vmem>> -> memref<64xi32, #tpu.memory_space<vmem>>
      %dma_wait3A_398 = arith.constant 0 : i32
      %dma_wait3A_399 = arith.constant 0 : i32
      %dma_wait3A_400 = tpu.memref_slice %arg2[%dma_wait3A_398, %dma_wait3A_399] : memref<10000x128xf32, #tpu.memory_space<hbm>> -> memref<10000x128xf32, #tpu.memory_space<hbm>>
      tpu.wait_indirect_dma semaphore(%arg14 : memref<!tpu.dma_semaphore, #tpu.memory_space<semaphore_mem>>) src(%dma_wait3A_400 : memref<10000x128xf32, #tpu.memory_space<hbm>>) dst(%arg8 : memref<64x128xf32, #tpu.memory_space<vmem>>)
      %run_scoped3A_401 = arith.constant 28 : i32
      "tpu.region"() ({
        %run_scoped3A_420 = tpu.sem_alloc : memref<!tpu.dma_semaphore, #tpu.memory_space<semaphore_mem>>
        %dma_start3A_421 = arith.constant 0 : i32
        %dma_start3A_422 = tpu.memref_slice %arg7[%run_scoped3A_401, %dma_start3A_421] : memref<32x64xi32, #tpu.memory_space<vmem>> -> memref<1x64xi32, #tpu.memory_space<vmem>>
        %dma_start3A_423 = tpu.memref_squeeze %dma_start3A_422 : memref<1x64xi32, #tpu.memory_space<vmem>> -> memref<64xi32, #tpu.memory_space<vmem>>
        %dma_start3A_424 = arith.constant 0 : i32
        %dma_start3A_425 = arith.constant 0 : i32
        %dma_start3A_426 = tpu.memref_slice %arg13[%dma_start3A_424, %dma_start3A_425] : memref<10240x128xf32, #tpu.memory_space<vmem_shared>> -> memref<10240x128xf32, #tpu.memory_space<vmem_shared>>
        tpu.enqueue_indirect_dma source(%arg8 : memref<64x128xf32, #tpu.memory_space<vmem>>) target(%dma_start3A_426 : memref<10240x128xf32, #tpu.memory_space<vmem_shared>>) offsets(%dma_start3A_423 : memref<64xi32, #tpu.memory_space<vmem>>) semaphore(%run_scoped3A_420 : memref<!tpu.dma_semaphore, #tpu.memory_space<semaphore_mem>>) {add = true}
        %dma_wait3A_427 = arith.constant 0 : i32
        %dma_wait3A_428 = tpu.memref_slice %arg7[%run_scoped3A_401, %dma_wait3A_427] : memref<32x64xi32, #tpu.memory_space<vmem>> -> memref<1x64xi32, #tpu.memory_space<vmem>>
        %dma_wait3A_429 = tpu.memref_squeeze %dma_wait3A_428 : memref<1x64xi32, #tpu.memory_space<vmem>> -> memref<64xi32, #tpu.memory_space<vmem>>
        %dma_wait3A_430 = arith.constant 0 : i32
        %dma_wait3A_431 = arith.constant 0 : i32
        %dma_wait3A_432 = tpu.memref_slice %arg13[%dma_wait3A_430, %dma_wait3A_431] : memref<10240x128xf32, #tpu.memory_space<vmem_shared>> -> memref<10240x128xf32, #tpu.memory_space<vmem_shared>>
        tpu.wait_indirect_dma semaphore(%run_scoped3A_420 : memref<!tpu.dma_semaphore, #tpu.memory_space<semaphore_mem>>) src(%arg8 : memref<64x128xf32, #tpu.memory_space<vmem>>) dst(%dma_wait3A_432 : memref<10240x128xf32, #tpu.memory_space<vmem_shared>>)
        tpu.yield
      }) : () -> ()
      %dma_wait3A_402 = arith.constant 1856 : i32
      %dma_wait3A_403 = tpu.memref_slice %arg5[%dma_wait3A_402] : memref<2048xi32, #tpu.memory_space<vmem>> -> memref<64xi32, #tpu.memory_space<vmem>>
      %dma_wait3A_404 = arith.constant 0 : i32
      %dma_wait3A_405 = arith.constant 0 : i32
      %dma_wait3A_406 = tpu.memref_slice %arg2[%dma_wait3A_404, %dma_wait3A_405] : memref<10000x128xf32, #tpu.memory_space<hbm>> -> memref<10000x128xf32, #tpu.memory_space<hbm>>
      tpu.wait_indirect_dma semaphore(%arg15 : memref<!tpu.dma_semaphore, #tpu.memory_space<semaphore_mem>>) src(%dma_wait3A_406 : memref<10000x128xf32, #tpu.memory_space<hbm>>) dst(%arg9 : memref<64x128xf32, #tpu.memory_space<vmem>>)
      %run_scoped3A_407 = arith.constant 29 : i32
      "tpu.region"() ({
        %run_scoped3A_420 = tpu.sem_alloc : memref<!tpu.dma_semaphore, #tpu.memory_space<semaphore_mem>>
        %dma_start3A_421 = arith.constant 0 : i32
        %dma_start3A_422 = tpu.memref_slice %arg7[%run_scoped3A_407, %dma_start3A_421] : memref<32x64xi32, #tpu.memory_space<vmem>> -> memref<1x64xi32, #tpu.memory_space<vmem>>
        %dma_start3A_423 = tpu.memref_squeeze %dma_start3A_422 : memref<1x64xi32, #tpu.memory_space<vmem>> -> memref<64xi32, #tpu.memory_space<vmem>>
        %dma_start3A_424 = arith.constant 0 : i32
        %dma_start3A_425 = arith.constant 0 : i32
        %dma_start3A_426 = tpu.memref_slice %arg13[%dma_start3A_424, %dma_start3A_425] : memref<10240x128xf32, #tpu.memory_space<vmem_shared>> -> memref<10240x128xf32, #tpu.memory_space<vmem_shared>>
        tpu.enqueue_indirect_dma source(%arg9 : memref<64x128xf32, #tpu.memory_space<vmem>>) target(%dma_start3A_426 : memref<10240x128xf32, #tpu.memory_space<vmem_shared>>) offsets(%dma_start3A_423 : memref<64xi32, #tpu.memory_space<vmem>>) semaphore(%run_scoped3A_420 : memref<!tpu.dma_semaphore, #tpu.memory_space<semaphore_mem>>) {add = true}
        %dma_wait3A_427 = arith.constant 0 : i32
        %dma_wait3A_428 = tpu.memref_slice %arg7[%run_scoped3A_407, %dma_wait3A_427] : memref<32x64xi32, #tpu.memory_space<vmem>> -> memref<1x64xi32, #tpu.memory_space<vmem>>
        %dma_wait3A_429 = tpu.memref_squeeze %dma_wait3A_428 : memref<1x64xi32, #tpu.memory_space<vmem>> -> memref<64xi32, #tpu.memory_space<vmem>>
        %dma_wait3A_430 = arith.constant 0 : i32
        %dma_wait3A_431 = arith.constant 0 : i32
        %dma_wait3A_432 = tpu.memref_slice %arg13[%dma_wait3A_430, %dma_wait3A_431] : memref<10240x128xf32, #tpu.memory_space<vmem_shared>> -> memref<10240x128xf32, #tpu.memory_space<vmem_shared>>
        tpu.wait_indirect_dma semaphore(%run_scoped3A_420 : memref<!tpu.dma_semaphore, #tpu.memory_space<semaphore_mem>>) src(%arg9 : memref<64x128xf32, #tpu.memory_space<vmem>>) dst(%dma_wait3A_432 : memref<10240x128xf32, #tpu.memory_space<vmem_shared>>)
        tpu.yield
      }) : () -> ()
      %dma_wait3A_408 = arith.constant 1920 : i32
      %dma_wait3A_409 = tpu.memref_slice %arg5[%dma_wait3A_408] : memref<2048xi32, #tpu.memory_space<vmem>> -> memref<64xi32, #tpu.memory_space<vmem>>
      %dma_wait3A_410 = arith.constant 0 : i32
      %dma_wait3A_411 = arith.constant 0 : i32
      %dma_wait3A_412 = tpu.memref_slice %arg2[%dma_wait3A_410, %dma_wait3A_411] : memref<10000x128xf32, #tpu.memory_space<hbm>> -> memref<10000x128xf32, #tpu.memory_space<hbm>>
      tpu.wait_indirect_dma semaphore(%arg16 : memref<!tpu.dma_semaphore, #tpu.memory_space<semaphore_mem>>) src(%dma_wait3A_412 : memref<10000x128xf32, #tpu.memory_space<hbm>>) dst(%arg10 : memref<64x128xf32, #tpu.memory_space<vmem>>)
      %run_scoped3A_413 = arith.constant 30 : i32
      "tpu.region"() ({
        %run_scoped3A_420 = tpu.sem_alloc : memref<!tpu.dma_semaphore, #tpu.memory_space<semaphore_mem>>
        %dma_start3A_421 = arith.constant 0 : i32
        %dma_start3A_422 = tpu.memref_slice %arg7[%run_scoped3A_413, %dma_start3A_421] : memref<32x64xi32, #tpu.memory_space<vmem>> -> memref<1x64xi32, #tpu.memory_space<vmem>>
        %dma_start3A_423 = tpu.memref_squeeze %dma_start3A_422 : memref<1x64xi32, #tpu.memory_space<vmem>> -> memref<64xi32, #tpu.memory_space<vmem>>
        %dma_start3A_424 = arith.constant 0 : i32
        %dma_start3A_425 = arith.constant 0 : i32
        %dma_start3A_426 = tpu.memref_slice %arg13[%dma_start3A_424, %dma_start3A_425] : memref<10240x128xf32, #tpu.memory_space<vmem_shared>> -> memref<10240x128xf32, #tpu.memory_space<vmem_shared>>
        tpu.enqueue_indirect_dma source(%arg10 : memref<64x128xf32, #tpu.memory_space<vmem>>) target(%dma_start3A_426 : memref<10240x128xf32, #tpu.memory_space<vmem_shared>>) offsets(%dma_start3A_423 : memref<64xi32, #tpu.memory_space<vmem>>) semaphore(%run_scoped3A_420 : memref<!tpu.dma_semaphore, #tpu.memory_space<semaphore_mem>>) {add = true}
        %dma_wait3A_427 = arith.constant 0 : i32
        %dma_wait3A_428 = tpu.memref_slice %arg7[%run_scoped3A_413, %dma_wait3A_427] : memref<32x64xi32, #tpu.memory_space<vmem>> -> memref<1x64xi32, #tpu.memory_space<vmem>>
        %dma_wait3A_429 = tpu.memref_squeeze %dma_wait3A_428 : memref<1x64xi32, #tpu.memory_space<vmem>> -> memref<64xi32, #tpu.memory_space<vmem>>
        %dma_wait3A_430 = arith.constant 0 : i32
        %dma_wait3A_431 = arith.constant 0 : i32
        %dma_wait3A_432 = tpu.memref_slice %arg13[%dma_wait3A_430, %dma_wait3A_431] : memref<10240x128xf32, #tpu.memory_space<vmem_shared>> -> memref<10240x128xf32, #tpu.memory_space<vmem_shared>>
        tpu.wait_indirect_dma semaphore(%run_scoped3A_420 : memref<!tpu.dma_semaphore, #tpu.memory_space<semaphore_mem>>) src(%arg10 : memref<64x128xf32, #tpu.memory_space<vmem>>) dst(%dma_wait3A_432 : memref<10240x128xf32, #tpu.memory_space<vmem_shared>>)
        tpu.yield
      }) : () -> ()
      %dma_wait3A_414 = arith.constant 1984 : i32
      %dma_wait3A_415 = tpu.memref_slice %arg5[%dma_wait3A_414] : memref<2048xi32, #tpu.memory_space<vmem>> -> memref<64xi32, #tpu.memory_space<vmem>>
      %dma_wait3A_416 = arith.constant 0 : i32
      %dma_wait3A_417 = arith.constant 0 : i32
      %dma_wait3A_418 = tpu.memref_slice %arg2[%dma_wait3A_416, %dma_wait3A_417] : memref<10000x128xf32, #tpu.memory_space<hbm>> -> memref<10000x128xf32, #tpu.memory_space<hbm>>
      tpu.wait_indirect_dma semaphore(%arg17 : memref<!tpu.dma_semaphore, #tpu.memory_space<semaphore_mem>>) src(%dma_wait3A_418 : memref<10000x128xf32, #tpu.memory_space<hbm>>) dst(%arg11 : memref<64x128xf32, #tpu.memory_space<vmem>>)
      %run_scoped3A_419 = arith.constant 31 : i32
      "tpu.region"() ({
        %run_scoped3A_420 = tpu.sem_alloc : memref<!tpu.dma_semaphore, #tpu.memory_space<semaphore_mem>>
        %dma_start3A_421 = arith.constant 0 : i32
        %dma_start3A_422 = tpu.memref_slice %arg7[%run_scoped3A_419, %dma_start3A_421] : memref<32x64xi32, #tpu.memory_space<vmem>> -> memref<1x64xi32, #tpu.memory_space<vmem>>
        %dma_start3A_423 = tpu.memref_squeeze %dma_start3A_422 : memref<1x64xi32, #tpu.memory_space<vmem>> -> memref<64xi32, #tpu.memory_space<vmem>>
        %dma_start3A_424 = arith.constant 0 : i32
        %dma_start3A_425 = arith.constant 0 : i32
        %dma_start3A_426 = tpu.memref_slice %arg13[%dma_start3A_424, %dma_start3A_425] : memref<10240x128xf32, #tpu.memory_space<vmem_shared>> -> memref<10240x128xf32, #tpu.memory_space<vmem_shared>>
        tpu.enqueue_indirect_dma source(%arg11 : memref<64x128xf32, #tpu.memory_space<vmem>>) target(%dma_start3A_426 : memref<10240x128xf32, #tpu.memory_space<vmem_shared>>) offsets(%dma_start3A_423 : memref<64xi32, #tpu.memory_space<vmem>>) semaphore(%run_scoped3A_420 : memref<!tpu.dma_semaphore, #tpu.memory_space<semaphore_mem>>) {add = true}
        %dma_wait3A_427 = arith.constant 0 : i32
        %dma_wait3A_428 = tpu.memref_slice %arg7[%run_scoped3A_419, %dma_wait3A_427] : memref<32x64xi32, #tpu.memory_space<vmem>> -> memref<1x64xi32, #tpu.memory_space<vmem>>
        %dma_wait3A_429 = tpu.memref_squeeze %dma_wait3A_428 : memref<1x64xi32, #tpu.memory_space<vmem>> -> memref<64xi32, #tpu.memory_space<vmem>>
        %dma_wait3A_430 = arith.constant 0 : i32
        %dma_wait3A_431 = arith.constant 0 : i32
        %dma_wait3A_432 = tpu.memref_slice %arg13[%dma_wait3A_430, %dma_wait3A_431] : memref<10240x128xf32, #tpu.memory_space<vmem_shared>> -> memref<10240x128xf32, #tpu.memory_space<vmem_shared>>
        tpu.wait_indirect_dma semaphore(%run_scoped3A_420 : memref<!tpu.dma_semaphore, #tpu.memory_space<semaphore_mem>>) src(%arg11 : memref<64x128xf32, #tpu.memory_space<vmem>>) dst(%dma_wait3A_432 : memref<10240x128xf32, #tpu.memory_space<vmem_shared>>)
        tpu.yield
      }) : () -> ()
    } else {
    }
    %eq3A = arith.constant 31 : i32
    %eq3A_48 = arith.cmpi eq, %add3A, %eq3A : i32
    %convert_element_type3A_49 = arith.extui %eq3A_48 : i1 to i32
    %cond3A_50 = arith.constant 0 : i32
    %cond3A_51 = arith.cmpi ne, %convert_element_type3A_49, %cond3A_50 : i32
    scf.if %cond3A_51 {
      %run_scoped3A = arith.constant 0 : i32
      "tpu.region"() ({
        %run_scoped3A_269 = tpu.sem_alloc : memref<!tpu.dma_semaphore, #tpu.memory_space<semaphore_mem>>
        %dma_start3A_270 = arith.constant 0 : i32
        %dma_start3A_271 = tpu.memref_slice %arg5[%dma_start3A_270] : memref<2048xi32, #tpu.memory_space<vmem>> -> memref<2048xi32, #tpu.memory_space<vmem>>
        %dma_start3A_272 = arith.constant 0 : i32
        %dma_start3A_273 = tpu.memref_slice %arg3[%run_scoped3A, %dma_start3A_272] : memref<2x320000xi32, #tpu.memory_space<hbm>> -> memref<1x320000xi32, #tpu.memory_space<hbm>>
        %dma_start3A_274 = tpu.memref_squeeze %dma_start3A_273 : memref<1x320000xi32, #tpu.memory_space<hbm>> -> memref<320000xi32, #tpu.memory_space<hbm>>
        %dma_start3A_275 = arith.constant 317440 : i32
        %dma_start3A_276 = tpu.memref_slice %dma_start3A_274[%dma_start3A_275] : memref<320000xi32, #tpu.memory_space<hbm>> -> memref<2048xi32, #tpu.memory_space<hbm>>
        %dma_start3A_277 = arith.constant 0 : i32
        %dma_start3A_278 = tpu.memref_slice %arg5[%dma_start3A_277] : memref<2048xi32, #tpu.memory_space<vmem>> -> memref<2048xi32, #tpu.memory_space<vmem>>
        %dma_start3A_279 = arith.constant 0 : i32
        %dma_start3A_280 = tpu.memref_slice %arg3[%run_scoped3A, %dma_start3A_279] : memref<2x320000xi32, #tpu.memory_space<hbm>> -> memref<1x320000xi32, #tpu.memory_space<hbm>>
        %dma_start3A_281 = tpu.memref_squeeze %dma_start3A_280 : memref<1x320000xi32, #tpu.memory_space<hbm>> -> memref<320000xi32, #tpu.memory_space<hbm>>
        %dma_start3A_282 = arith.constant 317440 : i32
        %dma_start3A_283 = tpu.memref_slice %dma_start3A_281[%dma_start3A_282] : memref<320000xi32, #tpu.memory_space<hbm>> -> memref<2048xi32, #tpu.memory_space<hbm>>
        tpu.enqueue_dma source(%dma_start3A_283 : memref<2048xi32, #tpu.memory_space<hbm>>) target(%dma_start3A_278 : memref<2048xi32, #tpu.memory_space<vmem>>) target_semaphore(%run_scoped3A_269 : memref<!tpu.dma_semaphore, #tpu.memory_space<semaphore_mem>>)
        %dma_wait3A_284 = arith.constant 0 : i32
        %dma_wait3A_285 = tpu.memref_slice %arg5[%dma_wait3A_284] : memref<2048xi32, #tpu.memory_space<vmem>> -> memref<2048xi32, #tpu.memory_space<vmem>>
        %dma_wait3A_286 = arith.constant 0 : i32
        %dma_wait3A_287 = tpu.memref_slice %arg3[%run_scoped3A, %dma_wait3A_286] : memref<2x320000xi32, #tpu.memory_space<hbm>> -> memref<1x320000xi32, #tpu.memory_space<hbm>>
        %dma_wait3A_288 = tpu.memref_squeeze %dma_wait3A_287 : memref<1x320000xi32, #tpu.memory_space<hbm>> -> memref<320000xi32, #tpu.memory_space<hbm>>
        %dma_wait3A_289 = arith.constant 317440 : i32
        %dma_wait3A_290 = tpu.memref_slice %dma_wait3A_288[%dma_wait3A_289] : memref<320000xi32, #tpu.memory_space<hbm>> -> memref<2048xi32, #tpu.memory_space<hbm>>
        %dma_wait3A_291 = arith.constant 0 : i32
        %dma_wait3A_292 = tpu.memref_slice %arg5[%dma_wait3A_291] : memref<2048xi32, #tpu.memory_space<vmem>> -> memref<2048xi32, #tpu.memory_space<vmem>>
        %dma_wait3A_293 = arith.constant 0 : i32
        %dma_wait3A_294 = tpu.memref_slice %arg3[%run_scoped3A, %dma_wait3A_293] : memref<2x320000xi32, #tpu.memory_space<hbm>> -> memref<1x320000xi32, #tpu.memory_space<hbm>>
        %dma_wait3A_295 = tpu.memref_squeeze %dma_wait3A_294 : memref<1x320000xi32, #tpu.memory_space<hbm>> -> memref<320000xi32, #tpu.memory_space<hbm>>
        %dma_wait3A_296 = arith.constant 317440 : i32
        %dma_wait3A_297 = tpu.memref_slice %dma_wait3A_295[%dma_wait3A_296] : memref<320000xi32, #tpu.memory_space<hbm>> -> memref<2048xi32, #tpu.memory_space<hbm>>
        tpu.wait_dma2 semaphore(%run_scoped3A_269 : memref<!tpu.dma_semaphore, #tpu.memory_space<semaphore_mem>>) src(%dma_wait3A_297 : memref<2048xi32, #tpu.memory_space<hbm>>) dst(%dma_wait3A_292 : memref<2048xi32, #tpu.memory_space<vmem>>)
        tpu.yield
      }) : () -> ()
      %run_scoped3A_93 = arith.constant 1 : i32
      "tpu.region"() ({
        %run_scoped3A_269 = tpu.sem_alloc : memref<!tpu.dma_semaphore, #tpu.memory_space<semaphore_mem>>
        %dma_start3A_270 = arith.constant 0 : i32
        %dma_start3A_271 = tpu.memref_slice %arg6[%dma_start3A_270] : memref<2048xi32, #tpu.memory_space<vmem>> -> memref<2048xi32, #tpu.memory_space<vmem>>
        %dma_start3A_272 = arith.constant 0 : i32
        %dma_start3A_273 = tpu.memref_slice %arg3[%run_scoped3A_93, %dma_start3A_272] : memref<2x320000xi32, #tpu.memory_space<hbm>> -> memref<1x320000xi32, #tpu.memory_space<hbm>>
        %dma_start3A_274 = tpu.memref_squeeze %dma_start3A_273 : memref<1x320000xi32, #tpu.memory_space<hbm>> -> memref<320000xi32, #tpu.memory_space<hbm>>
        %dma_start3A_275 = arith.constant 317440 : i32
        %dma_start3A_276 = tpu.memref_slice %dma_start3A_274[%dma_start3A_275] : memref<320000xi32, #tpu.memory_space<hbm>> -> memref<2048xi32, #tpu.memory_space<hbm>>
        %dma_start3A_277 = arith.constant 0 : i32
        %dma_start3A_278 = tpu.memref_slice %arg6[%dma_start3A_277] : memref<2048xi32, #tpu.memory_space<vmem>> -> memref<2048xi32, #tpu.memory_space<vmem>>
        %dma_start3A_279 = arith.constant 0 : i32
        %dma_start3A_280 = tpu.memref_slice %arg3[%run_scoped3A_93, %dma_start3A_279] : memref<2x320000xi32, #tpu.memory_space<hbm>> -> memref<1x320000xi32, #tpu.memory_space<hbm>>
        %dma_start3A_281 = tpu.memref_squeeze %dma_start3A_280 : memref<1x320000xi32, #tpu.memory_space<hbm>> -> memref<320000xi32, #tpu.memory_space<hbm>>
        %dma_start3A_282 = arith.constant 317440 : i32
        %dma_start3A_283 = tpu.memref_slice %dma_start3A_281[%dma_start3A_282] : memref<320000xi32, #tpu.memory_space<hbm>> -> memref<2048xi32, #tpu.memory_space<hbm>>
        tpu.enqueue_dma source(%dma_start3A_283 : memref<2048xi32, #tpu.memory_space<hbm>>) target(%dma_start3A_278 : memref<2048xi32, #tpu.memory_space<vmem>>) target_semaphore(%run_scoped3A_269 : memref<!tpu.dma_semaphore, #tpu.memory_space<semaphore_mem>>)
        %dma_wait3A_284 = arith.constant 0 : i32
        %dma_wait3A_285 = tpu.memref_slice %arg6[%dma_wait3A_284] : memref<2048xi32, #tpu.memory_space<vmem>> -> memref<2048xi32, #tpu.memory_space<vmem>>
        %dma_wait3A_286 = arith.constant 0 : i32
        %dma_wait3A_287 = tpu.memref_slice %arg3[%run_scoped3A_93, %dma_wait3A_286] : memref<2x320000xi32, #tpu.memory_space<hbm>> -> memref<1x320000xi32, #tpu.memory_space<hbm>>
        %dma_wait3A_288 = tpu.memref_squeeze %dma_wait3A_287 : memref<1x320000xi32, #tpu.memory_space<hbm>> -> memref<320000xi32, #tpu.memory_space<hbm>>
        %dma_wait3A_289 = arith.constant 317440 : i32
        %dma_wait3A_290 = tpu.memref_slice %dma_wait3A_288[%dma_wait3A_289] : memref<320000xi32, #tpu.memory_space<hbm>> -> memref<2048xi32, #tpu.memory_space<hbm>>
        %dma_wait3A_291 = arith.constant 0 : i32
        %dma_wait3A_292 = tpu.memref_slice %arg6[%dma_wait3A_291] : memref<2048xi32, #tpu.memory_space<vmem>> -> memref<2048xi32, #tpu.memory_space<vmem>>
        %dma_wait3A_293 = arith.constant 0 : i32
        %dma_wait3A_294 = tpu.memref_slice %arg3[%run_scoped3A_93, %dma_wait3A_293] : memref<2x320000xi32, #tpu.memory_space<hbm>> -> memref<1x320000xi32, #tpu.memory_space<hbm>>
        %dma_wait3A_295 = tpu.memref_squeeze %dma_wait3A_294 : memref<1x320000xi32, #tpu.memory_space<hbm>> -> memref<320000xi32, #tpu.memory_space<hbm>>
        %dma_wait3A_296 = arith.constant 317440 : i32
        %dma_wait3A_297 = tpu.memref_slice %dma_wait3A_295[%dma_wait3A_296] : memref<320000xi32, #tpu.memory_space<hbm>> -> memref<2048xi32, #tpu.memory_space<hbm>>
        tpu.wait_dma2 semaphore(%run_scoped3A_269 : memref<!tpu.dma_semaphore, #tpu.memory_space<semaphore_mem>>) src(%dma_wait3A_297 : memref<2048xi32, #tpu.memory_space<hbm>>) dst(%dma_wait3A_292 : memref<2048xi32, #tpu.memory_space<vmem>>)
        tpu.yield
      }) : () -> ()
      %scan3A_94 = arith.constant 0 : i32
      %scan3A_95 = arith.constant 0 : i32
      %scan3A_96 = arith.constant 32 : i32
      %scan3A_97 = arith.addi %scan3A_95, %scan3A_96 : i32
      %scan3A_98 = arith.constant 1 : i32
      scf.for %scan3A_269 = %scan3A_95 to %scan3A_97 step %scan3A_98  : i32 {
        %mul3A_270 = arith.constant 64 : i32
        %mul3A_271 = arith.muli %scan3A_269, %mul3A_270 : i32
        %add3A_272 = arith.constant 0 : i32
        %add3A_273 = arith.addi %mul3A_271, %add3A_272 : i32
        %get3A = arith.index_cast %add3A_273 : i32 to index
        %get3A_274 = tpu.vector_load %arg6[%get3A] {strides = array<i32>} : memref<2048xi32, #tpu.memory_space<vmem>>, vector<16xi32>,
        %get3A_275 = vector.shape_cast %get3A_274 : vector<16xi32> to vector<16xi32>
        %swap3A = arith.index_cast %scan3A_269 : i32 to index
        %swap3A_276 = arith.constant 0 : index
        %swap3A_277 = tpu.vector_load %arg7[%swap3A, %swap3A_276] {strides = array<i32>} : memref<32x64xi32, #tpu.memory_space<vmem>>, vector<1x16xi32>,
        %swap3A_278 = vector.shape_cast %swap3A_277 : vector<1x16xi32> to vector<16xi32>
        %swap3A_279 = vector.shape_cast %get3A_275 : vector<16xi32> to vector<1x16xi32>
        tpu.vector_store %arg7[%swap3A, %swap3A_276], %swap3A_279 {strides = array<i32>} : memref<32x64xi32, #tpu.memory_space<vmem>>, vector<1x16xi32>,
        %mul3A_280 = arith.constant 64 : i32
        %mul3A_281 = arith.muli %scan3A_269, %mul3A_280 : i32
        %add3A_282 = arith.constant 16 : i32
        %add3A_283 = arith.addi %mul3A_281, %add3A_282 : i32
        %get3A_284 = arith.index_cast %add3A_283 : i32 to index
        %get3A_285 = tpu.vector_load %arg6[%get3A_284] {strides = array<i32>} : memref<2048xi32, #tpu.memory_space<vmem>>, vector<16xi32>,
        %get3A_286 = vector.shape_cast %get3A_285 : vector<16xi32> to vector<16xi32>
        %swap3A_287 = arith.index_cast %scan3A_269 : i32 to index
        %swap3A_288 = arith.constant 16 : index
        %swap3A_289 = tpu.vector_load %arg7[%swap3A_287, %swap3A_288] {strides = array<i32>} : memref<32x64xi32, #tpu.memory_space<vmem>>, vector<1x16xi32>,
        %swap3A_290 = vector.shape_cast %swap3A_289 : vector<1x16xi32> to vector<16xi32>
        %swap3A_291 = vector.shape_cast %get3A_286 : vector<16xi32> to vector<1x16xi32>
        tpu.vector_store %arg7[%swap3A_287, %swap3A_288], %swap3A_291 {strides = array<i32>} : memref<32x64xi32, #tpu.memory_space<vmem>>, vector<1x16xi32>,
        %mul3A_292 = arith.constant 64 : i32
        %mul3A_293 = arith.muli %scan3A_269, %mul3A_292 : i32
        %add3A_294 = arith.constant 32 : i32
        %add3A_295 = arith.addi %mul3A_293, %add3A_294 : i32
        %get3A_296 = arith.index_cast %add3A_295 : i32 to index
        %get3A_297 = tpu.vector_load %arg6[%get3A_296] {strides = array<i32>} : memref<2048xi32, #tpu.memory_space<vmem>>, vector<16xi32>,
        %get3A_298 = vector.shape_cast %get3A_297 : vector<16xi32> to vector<16xi32>
        %swap3A_299 = arith.index_cast %scan3A_269 : i32 to index
        %swap3A_300 = arith.constant 32 : index
        %swap3A_301 = tpu.vector_load %arg7[%swap3A_299, %swap3A_300] {strides = array<i32>} : memref<32x64xi32, #tpu.memory_space<vmem>>, vector<1x16xi32>,
        %swap3A_302 = vector.shape_cast %swap3A_301 : vector<1x16xi32> to vector<16xi32>
        %swap3A_303 = vector.shape_cast %get3A_298 : vector<16xi32> to vector<1x16xi32>
        tpu.vector_store %arg7[%swap3A_299, %swap3A_300], %swap3A_303 {strides = array<i32>} : memref<32x64xi32, #tpu.memory_space<vmem>>, vector<1x16xi32>,
        %mul3A_304 = arith.constant 64 : i32
        %mul3A_305 = arith.muli %scan3A_269, %mul3A_304 : i32
        %add3A_306 = arith.constant 48 : i32
        %add3A_307 = arith.addi %mul3A_305, %add3A_306 : i32
        %get3A_308 = arith.index_cast %add3A_307 : i32 to index
        %get3A_309 = tpu.vector_load %arg6[%get3A_308] {strides = array<i32>} : memref<2048xi32, #tpu.memory_space<vmem>>, vector<16xi32>,
        %get3A_310 = vector.shape_cast %get3A_309 : vector<16xi32> to vector<16xi32>
        %swap3A_311 = arith.index_cast %scan3A_269 : i32 to index
        %swap3A_312 = arith.constant 48 : index
        %swap3A_313 = tpu.vector_load %arg7[%swap3A_311, %swap3A_312] {strides = array<i32>} : memref<32x64xi32, #tpu.memory_space<vmem>>, vector<1x16xi32>,
        %swap3A_314 = vector.shape_cast %swap3A_313 : vector<1x16xi32> to vector<16xi32>
        %swap3A_315 = vector.shape_cast %get3A_310 : vector<16xi32> to vector<1x16xi32>
        tpu.vector_store %arg7[%swap3A_311, %swap3A_312], %swap3A_315 {strides = array<i32>} : memref<32x64xi32, #tpu.memory_space<vmem>>, vector<1x16xi32>,
      }
      %scan3A_99 = arith.constant 32 : i32
      %dma_start3A = arith.constant 0 : i32
      %dma_start3A_100 = tpu.memref_slice %arg5[%dma_start3A] : memref<2048xi32, #tpu.memory_space<vmem>> -> memref<64xi32, #tpu.memory_space<vmem>>
      %dma_start3A_101 = arith.constant 0 : i32
      %dma_start3A_102 = arith.constant 0 : i32
      %dma_start3A_103 = tpu.memref_slice %arg2[%dma_start3A_101, %dma_start3A_102] : memref<10000x128xf32, #tpu.memory_space<hbm>> -> memref<10000x128xf32, #tpu.memory_space<hbm>>
      tpu.enqueue_indirect_dma source(%dma_start3A_103 : memref<10000x128xf32, #tpu.memory_space<hbm>>) target(%arg8 : memref<64x128xf32, #tpu.memory_space<vmem>>) offsets(%dma_start3A_100 : memref<64xi32, #tpu.memory_space<vmem>>) semaphore(%arg14 : memref<!tpu.dma_semaphore, #tpu.memory_space<semaphore_mem>>)
      %dma_start3A_104 = arith.constant 64 : i32
      %dma_start3A_105 = tpu.memref_slice %arg5[%dma_start3A_104] : memref<2048xi32, #tpu.memory_space<vmem>> -> memref<64xi32, #tpu.memory_space<vmem>>
      %dma_start3A_106 = arith.constant 0 : i32
      %dma_start3A_107 = arith.constant 0 : i32
      %dma_start3A_108 = tpu.memref_slice %arg2[%dma_start3A_106, %dma_start3A_107] : memref<10000x128xf32, #tpu.memory_space<hbm>> -> memref<10000x128xf32, #tpu.memory_space<hbm>>
      tpu.enqueue_indirect_dma source(%dma_start3A_108 : memref<10000x128xf32, #tpu.memory_space<hbm>>) target(%arg9 : memref<64x128xf32, #tpu.memory_space<vmem>>) offsets(%dma_start3A_105 : memref<64xi32, #tpu.memory_space<vmem>>) semaphore(%arg15 : memref<!tpu.dma_semaphore, #tpu.memory_space<semaphore_mem>>)
      %dma_start3A_109 = arith.constant 128 : i32
      %dma_start3A_110 = tpu.memref_slice %arg5[%dma_start3A_109] : memref<2048xi32, #tpu.memory_space<vmem>> -> memref<64xi32, #tpu.memory_space<vmem>>
      %dma_start3A_111 = arith.constant 0 : i32
      %dma_start3A_112 = arith.constant 0 : i32
      %dma_start3A_113 = tpu.memref_slice %arg2[%dma_start3A_111, %dma_start3A_112] : memref<10000x128xf32, #tpu.memory_space<hbm>> -> memref<10000x128xf32, #tpu.memory_space<hbm>>
      tpu.enqueue_indirect_dma source(%dma_start3A_113 : memref<10000x128xf32, #tpu.memory_space<hbm>>) target(%arg10 : memref<64x128xf32, #tpu.memory_space<vmem>>) offsets(%dma_start3A_110 : memref<64xi32, #tpu.memory_space<vmem>>) semaphore(%arg16 : memref<!tpu.dma_semaphore, #tpu.memory_space<semaphore_mem>>)
      %dma_start3A_114 = arith.constant 192 : i32
      %dma_start3A_115 = tpu.memref_slice %arg5[%dma_start3A_114] : memref<2048xi32, #tpu.memory_space<vmem>> -> memref<64xi32, #tpu.memory_space<vmem>>
      %dma_start3A_116 = arith.constant 0 : i32
      %dma_start3A_117 = arith.constant 0 : i32
      %dma_start3A_118 = tpu.memref_slice %arg2[%dma_start3A_116, %dma_start3A_117] : memref<10000x128xf32, #tpu.memory_space<hbm>> -> memref<10000x128xf32, #tpu.memory_space<hbm>>
      tpu.enqueue_indirect_dma source(%dma_start3A_118 : memref<10000x128xf32, #tpu.memory_space<hbm>>) target(%arg11 : memref<64x128xf32, #tpu.memory_space<vmem>>) offsets(%dma_start3A_115 : memref<64xi32, #tpu.memory_space<vmem>>) semaphore(%arg17 : memref<!tpu.dma_semaphore, #tpu.memory_space<semaphore_mem>>)
      %scan3A_119 = arith.constant 0 : i32
      %scan3A_120 = arith.constant 0 : i32
      %scan3A_121 = arith.constant 7 : i32
      %scan3A_122 = arith.addi %scan3A_120, %scan3A_121 : i32
      %scan3A_123 = arith.constant 1 : i32
      scf.for %scan3A_269 = %scan3A_120 to %scan3A_122 step %scan3A_123  : i32 {
        %mul3A_270 = arith.constant 4 : i32
        %mul3A_271 = arith.muli %mul3A_270, %scan3A_269 : i32
        %add3A_272 = arith.constant 0 : i32
        %add3A_273 = arith.addi %mul3A_271, %add3A_272 : i32
        %mul3A_274 = arith.constant 64 : i32
        %mul3A_275 = arith.muli %add3A_273, %mul3A_274 : i32
        %dma_wait3A_276 = tpu.memref_slice %arg5[%mul3A_275] : memref<2048xi32, #tpu.memory_space<vmem>> -> memref<64xi32, #tpu.memory_space<vmem>>
        %dma_wait3A_277 = arith.constant 0 : i32
        %dma_wait3A_278 = arith.constant 0 : i32
        %dma_wait3A_279 = tpu.memref_slice %arg2[%dma_wait3A_277, %dma_wait3A_278] : memref<10000x128xf32, #tpu.memory_space<hbm>> -> memref<10000x128xf32, #tpu.memory_space<hbm>>
        tpu.wait_indirect_dma semaphore(%arg14 : memref<!tpu.dma_semaphore, #tpu.memory_space<semaphore_mem>>) src(%dma_wait3A_279 : memref<10000x128xf32, #tpu.memory_space<hbm>>) dst(%arg8 : memref<64x128xf32, #tpu.memory_space<vmem>>)
        "tpu.region"() ({
          %run_scoped3A_336 = tpu.sem_alloc : memref<!tpu.dma_semaphore, #tpu.memory_space<semaphore_mem>>
          %dma_start3A_337 = arith.constant 0 : i32
          %dma_start3A_338 = tpu.memref_slice %arg7[%add3A_273, %dma_start3A_337] : memref<32x64xi32, #tpu.memory_space<vmem>> -> memref<1x64xi32, #tpu.memory_space<vmem>>
          %dma_start3A_339 = tpu.memref_squeeze %dma_start3A_338 : memref<1x64xi32, #tpu.memory_space<vmem>> -> memref<64xi32, #tpu.memory_space<vmem>>
          %dma_start3A_340 = arith.constant 0 : i32
          %dma_start3A_341 = arith.constant 0 : i32
          %dma_start3A_342 = tpu.memref_slice %arg13[%dma_start3A_340, %dma_start3A_341] : memref<10240x128xf32, #tpu.memory_space<vmem_shared>> -> memref<10240x128xf32, #tpu.memory_space<vmem_shared>>
          tpu.enqueue_indirect_dma source(%arg8 : memref<64x128xf32, #tpu.memory_space<vmem>>) target(%dma_start3A_342 : memref<10240x128xf32, #tpu.memory_space<vmem_shared>>) offsets(%dma_start3A_339 : memref<64xi32, #tpu.memory_space<vmem>>) semaphore(%run_scoped3A_336 : memref<!tpu.dma_semaphore, #tpu.memory_space<semaphore_mem>>) {add = true}
          %dma_wait3A_343 = arith.constant 0 : i32
          %dma_wait3A_344 = tpu.memref_slice %arg7[%add3A_273, %dma_wait3A_343] : memref<32x64xi32, #tpu.memory_space<vmem>> -> memref<1x64xi32, #tpu.memory_space<vmem>>
          %dma_wait3A_345 = tpu.memref_squeeze %dma_wait3A_344 : memref<1x64xi32, #tpu.memory_space<vmem>> -> memref<64xi32, #tpu.memory_space<vmem>>
          %dma_wait3A_346 = arith.constant 0 : i32
          %dma_wait3A_347 = arith.constant 0 : i32
          %dma_wait3A_348 = tpu.memref_slice %arg13[%dma_wait3A_346, %dma_wait3A_347] : memref<10240x128xf32, #tpu.memory_space<vmem_shared>> -> memref<10240x128xf32, #tpu.memory_space<vmem_shared>>
          tpu.wait_indirect_dma semaphore(%run_scoped3A_336 : memref<!tpu.dma_semaphore, #tpu.memory_space<semaphore_mem>>) src(%arg8 : memref<64x128xf32, #tpu.memory_space<vmem>>) dst(%dma_wait3A_348 : memref<10240x128xf32, #tpu.memory_space<vmem_shared>>)
          tpu.yield
        }) : () -> ()
        %add3A_280 = arith.constant 4 : i32
        %add3A_281 = arith.addi %add3A_273, %add3A_280 : i32
        %mul3A_282 = arith.constant 64 : i32
        %mul3A_283 = arith.muli %add3A_281, %mul3A_282 : i32
        %dma_start3A_284 = tpu.memref_slice %arg5[%mul3A_283] : memref<2048xi32, #tpu.memory_space<vmem>> -> memref<64xi32, #tpu.memory_space<vmem>>
        %dma_start3A_285 = arith.constant 0 : i32
        %dma_start3A_286 = arith.constant 0 : i32
        %dma_start3A_287 = tpu.memref_slice %arg2[%dma_start3A_285, %dma_start3A_286] : memref<10000x128xf32, #tpu.memory_space<hbm>> -> memref<10000x128xf32, #tpu.memory_space<hbm>>
        tpu.enqueue_indirect_dma source(%dma_start3A_287 : memref<10000x128xf32, #tpu.memory_space<hbm>>) target(%arg8 : memref<64x128xf32, #tpu.memory_space<vmem>>) offsets(%dma_start3A_284 : memref<64xi32, #tpu.memory_space<vmem>>) semaphore(%arg14 : memref<!tpu.dma_semaphore, #tpu.memory_space<semaphore_mem>>)
        %add3A_288 = arith.constant 1 : i32
        %add3A_289 = arith.addi %mul3A_271, %add3A_288 : i32
        %mul3A_290 = arith.constant 64 : i32
        %mul3A_291 = arith.muli %add3A_289, %mul3A_290 : i32
        %dma_wait3A_292 = tpu.memref_slice %arg5[%mul3A_291] : memref<2048xi32, #tpu.memory_space<vmem>> -> memref<64xi32, #tpu.memory_space<vmem>>
        %dma_wait3A_293 = arith.constant 0 : i32
        %dma_wait3A_294 = arith.constant 0 : i32
        %dma_wait3A_295 = tpu.memref_slice %arg2[%dma_wait3A_293, %dma_wait3A_294] : memref<10000x128xf32, #tpu.memory_space<hbm>> -> memref<10000x128xf32, #tpu.memory_space<hbm>>
        tpu.wait_indirect_dma semaphore(%arg15 : memref<!tpu.dma_semaphore, #tpu.memory_space<semaphore_mem>>) src(%dma_wait3A_295 : memref<10000x128xf32, #tpu.memory_space<hbm>>) dst(%arg9 : memref<64x128xf32, #tpu.memory_space<vmem>>)
        "tpu.region"() ({
          %run_scoped3A_336 = tpu.sem_alloc : memref<!tpu.dma_semaphore, #tpu.memory_space<semaphore_mem>>
          %dma_start3A_337 = arith.constant 0 : i32
          %dma_start3A_338 = tpu.memref_slice %arg7[%add3A_289, %dma_start3A_337] : memref<32x64xi32, #tpu.memory_space<vmem>> -> memref<1x64xi32, #tpu.memory_space<vmem>>
          %dma_start3A_339 = tpu.memref_squeeze %dma_start3A_338 : memref<1x64xi32, #tpu.memory_space<vmem>> -> memref<64xi32, #tpu.memory_space<vmem>>
          %dma_start3A_340 = arith.constant 0 : i32
          %dma_start3A_341 = arith.constant 0 : i32
          %dma_start3A_342 = tpu.memref_slice %arg13[%dma_start3A_340, %dma_start3A_341] : memref<10240x128xf32, #tpu.memory_space<vmem_shared>> -> memref<10240x128xf32, #tpu.memory_space<vmem_shared>>
          tpu.enqueue_indirect_dma source(%arg9 : memref<64x128xf32, #tpu.memory_space<vmem>>) target(%dma_start3A_342 : memref<10240x128xf32, #tpu.memory_space<vmem_shared>>) offsets(%dma_start3A_339 : memref<64xi32, #tpu.memory_space<vmem>>) semaphore(%run_scoped3A_336 : memref<!tpu.dma_semaphore, #tpu.memory_space<semaphore_mem>>) {add = true}
          %dma_wait3A_343 = arith.constant 0 : i32
          %dma_wait3A_344 = tpu.memref_slice %arg7[%add3A_289, %dma_wait3A_343] : memref<32x64xi32, #tpu.memory_space<vmem>> -> memref<1x64xi32, #tpu.memory_space<vmem>>
          %dma_wait3A_345 = tpu.memref_squeeze %dma_wait3A_344 : memref<1x64xi32, #tpu.memory_space<vmem>> -> memref<64xi32, #tpu.memory_space<vmem>>
          %dma_wait3A_346 = arith.constant 0 : i32
          %dma_wait3A_347 = arith.constant 0 : i32
          %dma_wait3A_348 = tpu.memref_slice %arg13[%dma_wait3A_346, %dma_wait3A_347] : memref<10240x128xf32, #tpu.memory_space<vmem_shared>> -> memref<10240x128xf32, #tpu.memory_space<vmem_shared>>
          tpu.wait_indirect_dma semaphore(%run_scoped3A_336 : memref<!tpu.dma_semaphore, #tpu.memory_space<semaphore_mem>>) src(%arg9 : memref<64x128xf32, #tpu.memory_space<vmem>>) dst(%dma_wait3A_348 : memref<10240x128xf32, #tpu.memory_space<vmem_shared>>)
          tpu.yield
        }) : () -> ()
        %add3A_296 = arith.constant 4 : i32
        %add3A_297 = arith.addi %add3A_289, %add3A_296 : i32
        %mul3A_298 = arith.constant 64 : i32
        %mul3A_299 = arith.muli %add3A_297, %mul3A_298 : i32
        %dma_start3A_300 = tpu.memref_slice %arg5[%mul3A_299] : memref<2048xi32, #tpu.memory_space<vmem>> -> memref<64xi32, #tpu.memory_space<vmem>>
        %dma_start3A_301 = arith.constant 0 : i32
        %dma_start3A_302 = arith.constant 0 : i32
        %dma_start3A_303 = tpu.memref_slice %arg2[%dma_start3A_301, %dma_start3A_302] : memref<10000x128xf32, #tpu.memory_space<hbm>> -> memref<10000x128xf32, #tpu.memory_space<hbm>>
        tpu.enqueue_indirect_dma source(%dma_start3A_303 : memref<10000x128xf32, #tpu.memory_space<hbm>>) target(%arg9 : memref<64x128xf32, #tpu.memory_space<vmem>>) offsets(%dma_start3A_300 : memref<64xi32, #tpu.memory_space<vmem>>) semaphore(%arg15 : memref<!tpu.dma_semaphore, #tpu.memory_space<semaphore_mem>>)
        %add3A_304 = arith.constant 2 : i32
        %add3A_305 = arith.addi %mul3A_271, %add3A_304 : i32
        %mul3A_306 = arith.constant 64 : i32
        %mul3A_307 = arith.muli %add3A_305, %mul3A_306 : i32
        %dma_wait3A_308 = tpu.memref_slice %arg5[%mul3A_307] : memref<2048xi32, #tpu.memory_space<vmem>> -> memref<64xi32, #tpu.memory_space<vmem>>
        %dma_wait3A_309 = arith.constant 0 : i32
        %dma_wait3A_310 = arith.constant 0 : i32
        %dma_wait3A_311 = tpu.memref_slice %arg2[%dma_wait3A_309, %dma_wait3A_310] : memref<10000x128xf32, #tpu.memory_space<hbm>> -> memref<10000x128xf32, #tpu.memory_space<hbm>>
        tpu.wait_indirect_dma semaphore(%arg16 : memref<!tpu.dma_semaphore, #tpu.memory_space<semaphore_mem>>) src(%dma_wait3A_311 : memref<10000x128xf32, #tpu.memory_space<hbm>>) dst(%arg10 : memref<64x128xf32, #tpu.memory_space<vmem>>)
        "tpu.region"() ({
          %run_scoped3A_336 = tpu.sem_alloc : memref<!tpu.dma_semaphore, #tpu.memory_space<semaphore_mem>>
          %dma_start3A_337 = arith.constant 0 : i32
          %dma_start3A_338 = tpu.memref_slice %arg7[%add3A_305, %dma_start3A_337] : memref<32x64xi32, #tpu.memory_space<vmem>> -> memref<1x64xi32, #tpu.memory_space<vmem>>
          %dma_start3A_339 = tpu.memref_squeeze %dma_start3A_338 : memref<1x64xi32, #tpu.memory_space<vmem>> -> memref<64xi32, #tpu.memory_space<vmem>>
          %dma_start3A_340 = arith.constant 0 : i32
          %dma_start3A_341 = arith.constant 0 : i32
          %dma_start3A_342 = tpu.memref_slice %arg13[%dma_start3A_340, %dma_start3A_341] : memref<10240x128xf32, #tpu.memory_space<vmem_shared>> -> memref<10240x128xf32, #tpu.memory_space<vmem_shared>>
          tpu.enqueue_indirect_dma source(%arg10 : memref<64x128xf32, #tpu.memory_space<vmem>>) target(%dma_start3A_342 : memref<10240x128xf32, #tpu.memory_space<vmem_shared>>) offsets(%dma_start3A_339 : memref<64xi32, #tpu.memory_space<vmem>>) semaphore(%run_scoped3A_336 : memref<!tpu.dma_semaphore, #tpu.memory_space<semaphore_mem>>) {add = true}
          %dma_wait3A_343 = arith.constant 0 : i32
          %dma_wait3A_344 = tpu.memref_slice %arg7[%add3A_305, %dma_wait3A_343] : memref<32x64xi32, #tpu.memory_space<vmem>> -> memref<1x64xi32, #tpu.memory_space<vmem>>
          %dma_wait3A_345 = tpu.memref_squeeze %dma_wait3A_344 : memref<1x64xi32, #tpu.memory_space<vmem>> -> memref<64xi32, #tpu.memory_space<vmem>>
          %dma_wait3A_346 = arith.constant 0 : i32
          %dma_wait3A_347 = arith.constant 0 : i32
          %dma_wait3A_348 = tpu.memref_slice %arg13[%dma_wait3A_346, %dma_wait3A_347] : memref<10240x128xf32, #tpu.memory_space<vmem_shared>> -> memref<10240x128xf32, #tpu.memory_space<vmem_shared>>
          tpu.wait_indirect_dma semaphore(%run_scoped3A_336 : memref<!tpu.dma_semaphore, #tpu.memory_space<semaphore_mem>>) src(%arg10 : memref<64x128xf32, #tpu.memory_space<vmem>>) dst(%dma_wait3A_348 : memref<10240x128xf32, #tpu.memory_space<vmem_shared>>)
          tpu.yield
        }) : () -> ()
        %add3A_312 = arith.constant 4 : i32
        %add3A_313 = arith.addi %add3A_305, %add3A_312 : i32
        %mul3A_314 = arith.constant 64 : i32
        %mul3A_315 = arith.muli %add3A_313, %mul3A_314 : i32
        %dma_start3A_316 = tpu.memref_slice %arg5[%mul3A_315] : memref<2048xi32, #tpu.memory_space<vmem>> -> memref<64xi32, #tpu.memory_space<vmem>>
        %dma_start3A_317 = arith.constant 0 : i32
        %dma_start3A_318 = arith.constant 0 : i32
        %dma_start3A_319 = tpu.memref_slice %arg2[%dma_start3A_317, %dma_start3A_318] : memref<10000x128xf32, #tpu.memory_space<hbm>> -> memref<10000x128xf32, #tpu.memory_space<hbm>>
        tpu.enqueue_indirect_dma source(%dma_start3A_319 : memref<10000x128xf32, #tpu.memory_space<hbm>>) target(%arg10 : memref<64x128xf32, #tpu.memory_space<vmem>>) offsets(%dma_start3A_316 : memref<64xi32, #tpu.memory_space<vmem>>) semaphore(%arg16 : memref<!tpu.dma_semaphore, #tpu.memory_space<semaphore_mem>>)
        %add3A_320 = arith.constant 3 : i32
        %add3A_321 = arith.addi %mul3A_271, %add3A_320 : i32
        %mul3A_322 = arith.constant 64 : i32
        %mul3A_323 = arith.muli %add3A_321, %mul3A_322 : i32
        %dma_wait3A_324 = tpu.memref_slice %arg5[%mul3A_323] : memref<2048xi32, #tpu.memory_space<vmem>> -> memref<64xi32, #tpu.memory_space<vmem>>
        %dma_wait3A_325 = arith.constant 0 : i32
        %dma_wait3A_326 = arith.constant 0 : i32
        %dma_wait3A_327 = tpu.memref_slice %arg2[%dma_wait3A_325, %dma_wait3A_326] : memref<10000x128xf32, #tpu.memory_space<hbm>> -> memref<10000x128xf32, #tpu.memory_space<hbm>>
        tpu.wait_indirect_dma semaphore(%arg17 : memref<!tpu.dma_semaphore, #tpu.memory_space<semaphore_mem>>) src(%dma_wait3A_327 : memref<10000x128xf32, #tpu.memory_space<hbm>>) dst(%arg11 : memref<64x128xf32, #tpu.memory_space<vmem>>)
        "tpu.region"() ({
          %run_scoped3A_336 = tpu.sem_alloc : memref<!tpu.dma_semaphore, #tpu.memory_space<semaphore_mem>>
          %dma_start3A_337 = arith.constant 0 : i32
          %dma_start3A_338 = tpu.memref_slice %arg7[%add3A_321, %dma_start3A_337] : memref<32x64xi32, #tpu.memory_space<vmem>> -> memref<1x64xi32, #tpu.memory_space<vmem>>
          %dma_start3A_339 = tpu.memref_squeeze %dma_start3A_338 : memref<1x64xi32, #tpu.memory_space<vmem>> -> memref<64xi32, #tpu.memory_space<vmem>>
          %dma_start3A_340 = arith.constant 0 : i32
          %dma_start3A_341 = arith.constant 0 : i32
          %dma_start3A_342 = tpu.memref_slice %arg13[%dma_start3A_340, %dma_start3A_341] : memref<10240x128xf32, #tpu.memory_space<vmem_shared>> -> memref<10240x128xf32, #tpu.memory_space<vmem_shared>>
          tpu.enqueue_indirect_dma source(%arg11 : memref<64x128xf32, #tpu.memory_space<vmem>>) target(%dma_start3A_342 : memref<10240x128xf32, #tpu.memory_space<vmem_shared>>) offsets(%dma_start3A_339 : memref<64xi32, #tpu.memory_space<vmem>>) semaphore(%run_scoped3A_336 : memref<!tpu.dma_semaphore, #tpu.memory_space<semaphore_mem>>) {add = true}
          %dma_wait3A_343 = arith.constant 0 : i32
          %dma_wait3A_344 = tpu.memref_slice %arg7[%add3A_321, %dma_wait3A_343] : memref<32x64xi32, #tpu.memory_space<vmem>> -> memref<1x64xi32, #tpu.memory_space<vmem>>
          %dma_wait3A_345 = tpu.memref_squeeze %dma_wait3A_344 : memref<1x64xi32, #tpu.memory_space<vmem>> -> memref<64xi32, #tpu.memory_space<vmem>>
          %dma_wait3A_346 = arith.constant 0 : i32
          %dma_wait3A_347 = arith.constant 0 : i32
          %dma_wait3A_348 = tpu.memref_slice %arg13[%dma_wait3A_346, %dma_wait3A_347] : memref<10240x128xf32, #tpu.memory_space<vmem_shared>> -> memref<10240x128xf32, #tpu.memory_space<vmem_shared>>
          tpu.wait_indirect_dma semaphore(%run_scoped3A_336 : memref<!tpu.dma_semaphore, #tpu.memory_space<semaphore_mem>>) src(%arg11 : memref<64x128xf32, #tpu.memory_space<vmem>>) dst(%dma_wait3A_348 : memref<10240x128xf32, #tpu.memory_space<vmem_shared>>)
          tpu.yield
        }) : () -> ()
        %add3A_328 = arith.constant 4 : i32
        %add3A_329 = arith.addi %add3A_321, %add3A_328 : i32
        %mul3A_330 = arith.constant 64 : i32
        %mul3A_331 = arith.muli %add3A_329, %mul3A_330 : i32
        %dma_start3A_332 = tpu.memref_slice %arg5[%mul3A_331] : memref<2048xi32, #tpu.memory_space<vmem>> -> memref<64xi32, #tpu.memory_space<vmem>>
        %dma_start3A_333 = arith.constant 0 : i32
        %dma_start3A_334 = arith.constant 0 : i32
        %dma_start3A_335 = tpu.memref_slice %arg2[%dma_start3A_333, %dma_start3A_334] : memref<10000x128xf32, #tpu.memory_space<hbm>> -> memref<10000x128xf32, #tpu.memory_space<hbm>>
        tpu.enqueue_indirect_dma source(%dma_start3A_335 : memref<10000x128xf32, #tpu.memory_space<hbm>>) target(%arg11 : memref<64x128xf32, #tpu.memory_space<vmem>>) offsets(%dma_start3A_332 : memref<64xi32, #tpu.memory_space<vmem>>) semaphore(%arg17 : memref<!tpu.dma_semaphore, #tpu.memory_space<semaphore_mem>>)
      }
      %scan3A_124 = arith.constant 7 : i32
      %dma_wait3A = arith.constant 1792 : i32
      %dma_wait3A_125 = tpu.memref_slice %arg5[%dma_wait3A] : memref<2048xi32, #tpu.memory_space<vmem>> -> memref<64xi32, #tpu.memory_space<vmem>>
      %dma_wait3A_126 = arith.constant 0 : i32
      %dma_wait3A_127 = arith.constant 0 : i32
      %dma_wait3A_128 = tpu.memref_slice %arg2[%dma_wait3A_126, %dma_wait3A_127] : memref<10000x128xf32, #tpu.memory_space<hbm>> -> memref<10000x128xf32, #tpu.memory_space<hbm>>
      tpu.wait_indirect_dma semaphore(%arg14 : memref<!tpu.dma_semaphore, #tpu.memory_space<semaphore_mem>>) src(%dma_wait3A_128 : memref<10000x128xf32, #tpu.memory_space<hbm>>) dst(%arg8 : memref<64x128xf32, #tpu.memory_space<vmem>>)
      %run_scoped3A_129 = arith.constant 28 : i32
      "tpu.region"() ({
        %run_scoped3A_269 = tpu.sem_alloc : memref<!tpu.dma_semaphore, #tpu.memory_space<semaphore_mem>>
        %dma_start3A_270 = arith.constant 0 : i32
        %dma_start3A_271 = tpu.memref_slice %arg7[%run_scoped3A_129, %dma_start3A_270] : memref<32x64xi32, #tpu.memory_space<vmem>> -> memref<1x64xi32, #tpu.memory_space<vmem>>
        %dma_start3A_272 = tpu.memref_squeeze %dma_start3A_271 : memref<1x64xi32, #tpu.memory_space<vmem>> -> memref<64xi32, #tpu.memory_space<vmem>>
        %dma_start3A_273 = arith.constant 0 : i32
        %dma_start3A_274 = arith.constant 0 : i32
        %dma_start3A_275 = tpu.memref_slice %arg13[%dma_start3A_273, %dma_start3A_274] : memref<10240x128xf32, #tpu.memory_space<vmem_shared>> -> memref<10240x128xf32, #tpu.memory_space<vmem_shared>>
        tpu.enqueue_indirect_dma source(%arg8 : memref<64x128xf32, #tpu.memory_space<vmem>>) target(%dma_start3A_275 : memref<10240x128xf32, #tpu.memory_space<vmem_shared>>) offsets(%dma_start3A_272 : memref<64xi32, #tpu.memory_space<vmem>>) semaphore(%run_scoped3A_269 : memref<!tpu.dma_semaphore, #tpu.memory_space<semaphore_mem>>) {add = true}
        %dma_wait3A_276 = arith.constant 0 : i32
        %dma_wait3A_277 = tpu.memref_slice %arg7[%run_scoped3A_129, %dma_wait3A_276] : memref<32x64xi32, #tpu.memory_space<vmem>> -> memref<1x64xi32, #tpu.memory_space<vmem>>
        %dma_wait3A_278 = tpu.memref_squeeze %dma_wait3A_277 : memref<1x64xi32, #tpu.memory_space<vmem>> -> memref<64xi32, #tpu.memory_space<vmem>>
        %dma_wait3A_279 = arith.constant 0 : i32
        %dma_wait3A_280 = arith.constant 0 : i32
        %dma_wait3A_281 = tpu.memref_slice %arg13[%dma_wait3A_279, %dma_wait3A_280] : memref<10240x128xf32, #tpu.memory_space<vmem_shared>> -> memref<10240x128xf32, #tpu.memory_space<vmem_shared>>
        tpu.wait_indirect_dma semaphore(%run_scoped3A_269 : memref<!tpu.dma_semaphore, #tpu.memory_space<semaphore_mem>>) src(%arg8 : memref<64x128xf32, #tpu.memory_space<vmem>>) dst(%dma_wait3A_281 : memref<10240x128xf32, #tpu.memory_space<vmem_shared>>)
        tpu.yield
      }) : () -> ()
      %dma_wait3A_130 = arith.constant 1856 : i32
      %dma_wait3A_131 = tpu.memref_slice %arg5[%dma_wait3A_130] : memref<2048xi32, #tpu.memory_space<vmem>> -> memref<64xi32, #tpu.memory_space<vmem>>
      %dma_wait3A_132 = arith.constant 0 : i32
      %dma_wait3A_133 = arith.constant 0 : i32
      %dma_wait3A_134 = tpu.memref_slice %arg2[%dma_wait3A_132, %dma_wait3A_133] : memref<10000x128xf32, #tpu.memory_space<hbm>> -> memref<10000x128xf32, #tpu.memory_space<hbm>>
      tpu.wait_indirect_dma semaphore(%arg15 : memref<!tpu.dma_semaphore, #tpu.memory_space<semaphore_mem>>) src(%dma_wait3A_134 : memref<10000x128xf32, #tpu.memory_space<hbm>>) dst(%arg9 : memref<64x128xf32, #tpu.memory_space<vmem>>)
      %run_scoped3A_135 = arith.constant 29 : i32
      "tpu.region"() ({
        %run_scoped3A_269 = tpu.sem_alloc : memref<!tpu.dma_semaphore, #tpu.memory_space<semaphore_mem>>
        %dma_start3A_270 = arith.constant 0 : i32
        %dma_start3A_271 = tpu.memref_slice %arg7[%run_scoped3A_135, %dma_start3A_270] : memref<32x64xi32, #tpu.memory_space<vmem>> -> memref<1x64xi32, #tpu.memory_space<vmem>>
        %dma_start3A_272 = tpu.memref_squeeze %dma_start3A_271 : memref<1x64xi32, #tpu.memory_space<vmem>> -> memref<64xi32, #tpu.memory_space<vmem>>
        %dma_start3A_273 = arith.constant 0 : i32
        %dma_start3A_274 = arith.constant 0 : i32
        %dma_start3A_275 = tpu.memref_slice %arg13[%dma_start3A_273, %dma_start3A_274] : memref<10240x128xf32, #tpu.memory_space<vmem_shared>> -> memref<10240x128xf32, #tpu.memory_space<vmem_shared>>
        tpu.enqueue_indirect_dma source(%arg9 : memref<64x128xf32, #tpu.memory_space<vmem>>) target(%dma_start3A_275 : memref<10240x128xf32, #tpu.memory_space<vmem_shared>>) offsets(%dma_start3A_272 : memref<64xi32, #tpu.memory_space<vmem>>) semaphore(%run_scoped3A_269 : memref<!tpu.dma_semaphore, #tpu.memory_space<semaphore_mem>>) {add = true}
        %dma_wait3A_276 = arith.constant 0 : i32
        %dma_wait3A_277 = tpu.memref_slice %arg7[%run_scoped3A_135, %dma_wait3A_276] : memref<32x64xi32, #tpu.memory_space<vmem>> -> memref<1x64xi32, #tpu.memory_space<vmem>>
        %dma_wait3A_278 = tpu.memref_squeeze %dma_wait3A_277 : memref<1x64xi32, #tpu.memory_space<vmem>> -> memref<64xi32, #tpu.memory_space<vmem>>
        %dma_wait3A_279 = arith.constant 0 : i32
        %dma_wait3A_280 = arith.constant 0 : i32
        %dma_wait3A_281 = tpu.memref_slice %arg13[%dma_wait3A_279, %dma_wait3A_280] : memref<10240x128xf32, #tpu.memory_space<vmem_shared>> -> memref<10240x128xf32, #tpu.memory_space<vmem_shared>>
        tpu.wait_indirect_dma semaphore(%run_scoped3A_269 : memref<!tpu.dma_semaphore, #tpu.memory_space<semaphore_mem>>) src(%arg9 : memref<64x128xf32, #tpu.memory_space<vmem>>) dst(%dma_wait3A_281 : memref<10240x128xf32, #tpu.memory_space<vmem_shared>>)
        tpu.yield
      }) : () -> ()
      %dma_wait3A_136 = arith.constant 1920 : i32
      %dma_wait3A_137 = tpu.memref_slice %arg5[%dma_wait3A_136] : memref<2048xi32, #tpu.memory_space<vmem>> -> memref<64xi32, #tpu.memory_space<vmem>>
      %dma_wait3A_138 = arith.constant 0 : i32
      %dma_wait3A_139 = arith.constant 0 : i32
      %dma_wait3A_140 = tpu.memref_slice %arg2[%dma_wait3A_138, %dma_wait3A_139] : memref<10000x128xf32, #tpu.memory_space<hbm>> -> memref<10000x128xf32, #tpu.memory_space<hbm>>
      tpu.wait_indirect_dma semaphore(%arg16 : memref<!tpu.dma_semaphore, #tpu.memory_space<semaphore_mem>>) src(%dma_wait3A_140 : memref<10000x128xf32, #tpu.memory_space<hbm>>) dst(%arg10 : memref<64x128xf32, #tpu.memory_space<vmem>>)
      %run_scoped3A_141 = arith.constant 30 : i32
      "tpu.region"() ({
        %run_scoped3A_269 = tpu.sem_alloc : memref<!tpu.dma_semaphore, #tpu.memory_space<semaphore_mem>>
        %dma_start3A_270 = arith.constant 0 : i32
        %dma_start3A_271 = tpu.memref_slice %arg7[%run_scoped3A_141, %dma_start3A_270] : memref<32x64xi32, #tpu.memory_space<vmem>> -> memref<1x64xi32, #tpu.memory_space<vmem>>
        %dma_start3A_272 = tpu.memref_squeeze %dma_start3A_271 : memref<1x64xi32, #tpu.memory_space<vmem>> -> memref<64xi32, #tpu.memory_space<vmem>>
        %dma_start3A_273 = arith.constant 0 : i32
        %dma_start3A_274 = arith.constant 0 : i32
        %dma_start3A_275 = tpu.memref_slice %arg13[%dma_start3A_273, %dma_start3A_274] : memref<10240x128xf32, #tpu.memory_space<vmem_shared>> -> memref<10240x128xf32, #tpu.memory_space<vmem_shared>>
        tpu.enqueue_indirect_dma source(%arg10 : memref<64x128xf32, #tpu.memory_space<vmem>>) target(%dma_start3A_275 : memref<10240x128xf32, #tpu.memory_space<vmem_shared>>) offsets(%dma_start3A_272 : memref<64xi32, #tpu.memory_space<vmem>>) semaphore(%run_scoped3A_269 : memref<!tpu.dma_semaphore, #tpu.memory_space<semaphore_mem>>) {add = true}
        %dma_wait3A_276 = arith.constant 0 : i32
        %dma_wait3A_277 = tpu.memref_slice %arg7[%run_scoped3A_141, %dma_wait3A_276] : memref<32x64xi32, #tpu.memory_space<vmem>> -> memref<1x64xi32, #tpu.memory_space<vmem>>
        %dma_wait3A_278 = tpu.memref_squeeze %dma_wait3A_277 : memref<1x64xi32, #tpu.memory_space<vmem>> -> memref<64xi32, #tpu.memory_space<vmem>>
        %dma_wait3A_279 = arith.constant 0 : i32
        %dma_wait3A_280 = arith.constant 0 : i32
        %dma_wait3A_281 = tpu.memref_slice %arg13[%dma_wait3A_279, %dma_wait3A_280] : memref<10240x128xf32, #tpu.memory_space<vmem_shared>> -> memref<10240x128xf32, #tpu.memory_space<vmem_shared>>
        tpu.wait_indirect_dma semaphore(%run_scoped3A_269 : memref<!tpu.dma_semaphore, #tpu.memory_space<semaphore_mem>>) src(%arg10 : memref<64x128xf32, #tpu.memory_space<vmem>>) dst(%dma_wait3A_281 : memref<10240x128xf32, #tpu.memory_space<vmem_shared>>)
        tpu.yield
      }) : () -> ()
      %dma_wait3A_142 = arith.constant 1984 : i32
      %dma_wait3A_143 = tpu.memref_slice %arg5[%dma_wait3A_142] : memref<2048xi32, #tpu.memory_space<vmem>> -> memref<64xi32, #tpu.memory_space<vmem>>
      %dma_wait3A_144 = arith.constant 0 : i32
      %dma_wait3A_145 = arith.constant 0 : i32
      %dma_wait3A_146 = tpu.memref_slice %arg2[%dma_wait3A_144, %dma_wait3A_145] : memref<10000x128xf32, #tpu.memory_space<hbm>> -> memref<10000x128xf32, #tpu.memory_space<hbm>>
      tpu.wait_indirect_dma semaphore(%arg17 : memref<!tpu.dma_semaphore, #tpu.memory_space<semaphore_mem>>) src(%dma_wait3A_146 : memref<10000x128xf32, #tpu.memory_space<hbm>>) dst(%arg11 : memref<64x128xf32, #tpu.memory_space<vmem>>)
      %run_scoped3A_147 = arith.constant 31 : i32
      "tpu.region"() ({
        %run_scoped3A_269 = tpu.sem_alloc : memref<!tpu.dma_semaphore, #tpu.memory_space<semaphore_mem>>
        %dma_start3A_270 = arith.constant 0 : i32
        %dma_start3A_271 = tpu.memref_slice %arg7[%run_scoped3A_147, %dma_start3A_270] : memref<32x64xi32, #tpu.memory_space<vmem>> -> memref<1x64xi32, #tpu.memory_space<vmem>>
        %dma_start3A_272 = tpu.memref_squeeze %dma_start3A_271 : memref<1x64xi32, #tpu.memory_space<vmem>> -> memref<64xi32, #tpu.memory_space<vmem>>
        %dma_start3A_273 = arith.constant 0 : i32
        %dma_start3A_274 = arith.constant 0 : i32
        %dma_start3A_275 = tpu.memref_slice %arg13[%dma_start3A_273, %dma_start3A_274] : memref<10240x128xf32, #tpu.memory_space<vmem_shared>> -> memref<10240x128xf32, #tpu.memory_space<vmem_shared>>
        tpu.enqueue_indirect_dma source(%arg11 : memref<64x128xf32, #tpu.memory_space<vmem>>) target(%dma_start3A_275 : memref<10240x128xf32, #tpu.memory_space<vmem_shared>>) offsets(%dma_start3A_272 : memref<64xi32, #tpu.memory_space<vmem>>) semaphore(%run_scoped3A_269 : memref<!tpu.dma_semaphore, #tpu.memory_space<semaphore_mem>>) {add = true}
        %dma_wait3A_276 = arith.constant 0 : i32
        %dma_wait3A_277 = tpu.memref_slice %arg7[%run_scoped3A_147, %dma_wait3A_276] : memref<32x64xi32, #tpu.memory_space<vmem>> -> memref<1x64xi32, #tpu.memory_space<vmem>>
        %dma_wait3A_278 = tpu.memref_squeeze %dma_wait3A_277 : memref<1x64xi32, #tpu.memory_space<vmem>> -> memref<64xi32, #tpu.memory_space<vmem>>
        %dma_wait3A_279 = arith.constant 0 : i32
        %dma_wait3A_280 = arith.constant 0 : i32
        %dma_wait3A_281 = tpu.memref_slice %arg13[%dma_wait3A_279, %dma_wait3A_280] : memref<10240x128xf32, #tpu.memory_space<vmem_shared>> -> memref<10240x128xf32, #tpu.memory_space<vmem_shared>>
        tpu.wait_indirect_dma semaphore(%run_scoped3A_269 : memref<!tpu.dma_semaphore, #tpu.memory_space<semaphore_mem>>) src(%arg11 : memref<64x128xf32, #tpu.memory_space<vmem>>) dst(%dma_wait3A_281 : memref<10240x128xf32, #tpu.memory_space<vmem_shared>>)
        tpu.yield
      }) : () -> ()
      %run_scoped3A_148 = arith.constant 0 : i32
      "tpu.region"() ({
        %run_scoped3A_269 = tpu.sem_alloc : memref<!tpu.dma_semaphore, #tpu.memory_space<semaphore_mem>>
        %dma_start3A_270 = arith.constant 0 : i32
        %dma_start3A_271 = tpu.memref_slice %arg5[%dma_start3A_270] : memref<2048xi32, #tpu.memory_space<vmem>> -> memref<512xi32, #tpu.memory_space<vmem>>
        %dma_start3A_272 = arith.constant 0 : i32
        %dma_start3A_273 = tpu.memref_slice %arg3[%run_scoped3A_148, %dma_start3A_272] : memref<2x320000xi32, #tpu.memory_space<hbm>> -> memref<1x320000xi32, #tpu.memory_space<hbm>>
        %dma_start3A_274 = tpu.memref_squeeze %dma_start3A_273 : memref<1x320000xi32, #tpu.memory_space<hbm>> -> memref<320000xi32, #tpu.memory_space<hbm>>
        %dma_start3A_275 = arith.constant 319488 : i32
        %dma_start3A_276 = tpu.memref_slice %dma_start3A_274[%dma_start3A_275] : memref<320000xi32, #tpu.memory_space<hbm>> -> memref<512xi32, #tpu.memory_space<hbm>>
        %dma_start3A_277 = arith.constant 0 : i32
        %dma_start3A_278 = tpu.memref_slice %arg5[%dma_start3A_277] : memref<2048xi32, #tpu.memory_space<vmem>> -> memref<512xi32, #tpu.memory_space<vmem>>
        %dma_start3A_279 = arith.constant 0 : i32
        %dma_start3A_280 = tpu.memref_slice %arg3[%run_scoped3A_148, %dma_start3A_279] : memref<2x320000xi32, #tpu.memory_space<hbm>> -> memref<1x320000xi32, #tpu.memory_space<hbm>>
        %dma_start3A_281 = tpu.memref_squeeze %dma_start3A_280 : memref<1x320000xi32, #tpu.memory_space<hbm>> -> memref<320000xi32, #tpu.memory_space<hbm>>
        %dma_start3A_282 = arith.constant 319488 : i32
        %dma_start3A_283 = tpu.memref_slice %dma_start3A_281[%dma_start3A_282] : memref<320000xi32, #tpu.memory_space<hbm>> -> memref<512xi32, #tpu.memory_space<hbm>>
        tpu.enqueue_dma source(%dma_start3A_283 : memref<512xi32, #tpu.memory_space<hbm>>) target(%dma_start3A_278 : memref<512xi32, #tpu.memory_space<vmem>>) target_semaphore(%run_scoped3A_269 : memref<!tpu.dma_semaphore, #tpu.memory_space<semaphore_mem>>)
        %dma_wait3A_284 = arith.constant 0 : i32
        %dma_wait3A_285 = tpu.memref_slice %arg5[%dma_wait3A_284] : memref<2048xi32, #tpu.memory_space<vmem>> -> memref<512xi32, #tpu.memory_space<vmem>>
        %dma_wait3A_286 = arith.constant 0 : i32
        %dma_wait3A_287 = tpu.memref_slice %arg3[%run_scoped3A_148, %dma_wait3A_286] : memref<2x320000xi32, #tpu.memory_space<hbm>> -> memref<1x320000xi32, #tpu.memory_space<hbm>>
        %dma_wait3A_288 = tpu.memref_squeeze %dma_wait3A_287 : memref<1x320000xi32, #tpu.memory_space<hbm>> -> memref<320000xi32, #tpu.memory_space<hbm>>
        %dma_wait3A_289 = arith.constant 319488 : i32
        %dma_wait3A_290 = tpu.memref_slice %dma_wait3A_288[%dma_wait3A_289] : memref<320000xi32, #tpu.memory_space<hbm>> -> memref<512xi32, #tpu.memory_space<hbm>>
        %dma_wait3A_291 = arith.constant 0 : i32
        %dma_wait3A_292 = tpu.memref_slice %arg5[%dma_wait3A_291] : memref<2048xi32, #tpu.memory_space<vmem>> -> memref<512xi32, #tpu.memory_space<vmem>>
        %dma_wait3A_293 = arith.constant 0 : i32
        %dma_wait3A_294 = tpu.memref_slice %arg3[%run_scoped3A_148, %dma_wait3A_293] : memref<2x320000xi32, #tpu.memory_space<hbm>> -> memref<1x320000xi32, #tpu.memory_space<hbm>>
        %dma_wait3A_295 = tpu.memref_squeeze %dma_wait3A_294 : memref<1x320000xi32, #tpu.memory_space<hbm>> -> memref<320000xi32, #tpu.memory_space<hbm>>
        %dma_wait3A_296 = arith.constant 319488 : i32
        %dma_wait3A_297 = tpu.memref_slice %dma_wait3A_295[%dma_wait3A_296] : memref<320000xi32, #tpu.memory_space<hbm>> -> memref<512xi32, #tpu.memory_space<hbm>>
        tpu.wait_dma2 semaphore(%run_scoped3A_269 : memref<!tpu.dma_semaphore, #tpu.memory_space<semaphore_mem>>) src(%dma_wait3A_297 : memref<512xi32, #tpu.memory_space<hbm>>) dst(%dma_wait3A_292 : memref<512xi32, #tpu.memory_space<vmem>>)
        tpu.yield
      }) : () -> ()
      %run_scoped3A_149 = arith.constant 1 : i32
      "tpu.region"() ({
        %run_scoped3A_269 = tpu.sem_alloc : memref<!tpu.dma_semaphore, #tpu.memory_space<semaphore_mem>>
        %dma_start3A_270 = arith.constant 0 : i32
        %dma_start3A_271 = tpu.memref_slice %arg6[%dma_start3A_270] : memref<2048xi32, #tpu.memory_space<vmem>> -> memref<512xi32, #tpu.memory_space<vmem>>
        %dma_start3A_272 = arith.constant 0 : i32
        %dma_start3A_273 = tpu.memref_slice %arg3[%run_scoped3A_149, %dma_start3A_272] : memref<2x320000xi32, #tpu.memory_space<hbm>> -> memref<1x320000xi32, #tpu.memory_space<hbm>>
        %dma_start3A_274 = tpu.memref_squeeze %dma_start3A_273 : memref<1x320000xi32, #tpu.memory_space<hbm>> -> memref<320000xi32, #tpu.memory_space<hbm>>
        %dma_start3A_275 = arith.constant 319488 : i32
        %dma_start3A_276 = tpu.memref_slice %dma_start3A_274[%dma_start3A_275] : memref<320000xi32, #tpu.memory_space<hbm>> -> memref<512xi32, #tpu.memory_space<hbm>>
        %dma_start3A_277 = arith.constant 0 : i32
        %dma_start3A_278 = tpu.memref_slice %arg6[%dma_start3A_277] : memref<2048xi32, #tpu.memory_space<vmem>> -> memref<512xi32, #tpu.memory_space<vmem>>
        %dma_start3A_279 = arith.constant 0 : i32
        %dma_start3A_280 = tpu.memref_slice %arg3[%run_scoped3A_149, %dma_start3A_279] : memref<2x320000xi32, #tpu.memory_space<hbm>> -> memref<1x320000xi32, #tpu.memory_space<hbm>>
        %dma_start3A_281 = tpu.memref_squeeze %dma_start3A_280 : memref<1x320000xi32, #tpu.memory_space<hbm>> -> memref<320000xi32, #tpu.memory_space<hbm>>
        %dma_start3A_282 = arith.constant 319488 : i32
        %dma_start3A_283 = tpu.memref_slice %dma_start3A_281[%dma_start3A_282] : memref<320000xi32, #tpu.memory_space<hbm>> -> memref<512xi32, #tpu.memory_space<hbm>>
        tpu.enqueue_dma source(%dma_start3A_283 : memref<512xi32, #tpu.memory_space<hbm>>) target(%dma_start3A_278 : memref<512xi32, #tpu.memory_space<vmem>>) target_semaphore(%run_scoped3A_269 : memref<!tpu.dma_semaphore, #tpu.memory_space<semaphore_mem>>)
        %dma_wait3A_284 = arith.constant 0 : i32
        %dma_wait3A_285 = tpu.memref_slice %arg6[%dma_wait3A_284] : memref<2048xi32, #tpu.memory_space<vmem>> -> memref<512xi32, #tpu.memory_space<vmem>>
        %dma_wait3A_286 = arith.constant 0 : i32
        %dma_wait3A_287 = tpu.memref_slice %arg3[%run_scoped3A_149, %dma_wait3A_286] : memref<2x320000xi32, #tpu.memory_space<hbm>> -> memref<1x320000xi32, #tpu.memory_space<hbm>>
        %dma_wait3A_288 = tpu.memref_squeeze %dma_wait3A_287 : memref<1x320000xi32, #tpu.memory_space<hbm>> -> memref<320000xi32, #tpu.memory_space<hbm>>
        %dma_wait3A_289 = arith.constant 319488 : i32
        %dma_wait3A_290 = tpu.memref_slice %dma_wait3A_288[%dma_wait3A_289] : memref<320000xi32, #tpu.memory_space<hbm>> -> memref<512xi32, #tpu.memory_space<hbm>>
        %dma_wait3A_291 = arith.constant 0 : i32
        %dma_wait3A_292 = tpu.memref_slice %arg6[%dma_wait3A_291] : memref<2048xi32, #tpu.memory_space<vmem>> -> memref<512xi32, #tpu.memory_space<vmem>>
        %dma_wait3A_293 = arith.constant 0 : i32
        %dma_wait3A_294 = tpu.memref_slice %arg3[%run_scoped3A_149, %dma_wait3A_293] : memref<2x320000xi32, #tpu.memory_space<hbm>> -> memref<1x320000xi32, #tpu.memory_space<hbm>>
        %dma_wait3A_295 = tpu.memref_squeeze %dma_wait3A_294 : memref<1x320000xi32, #tpu.memory_space<hbm>> -> memref<320000xi32, #tpu.memory_space<hbm>>
        %dma_wait3A_296 = arith.constant 319488 : i32
        %dma_wait3A_297 = tpu.memref_slice %dma_wait3A_295[%dma_wait3A_296] : memref<320000xi32, #tpu.memory_space<hbm>> -> memref<512xi32, #tpu.memory_space<hbm>>
        tpu.wait_dma2 semaphore(%run_scoped3A_269 : memref<!tpu.dma_semaphore, #tpu.memory_space<semaphore_mem>>) src(%dma_wait3A_297 : memref<512xi32, #tpu.memory_space<hbm>>) dst(%dma_wait3A_292 : memref<512xi32, #tpu.memory_space<vmem>>)
        tpu.yield
      }) : () -> ()
      %scan3A_150 = arith.constant 0 : i32
      %scan3A_151 = arith.constant 0 : i32
      %scan3A_152 = arith.constant 8 : i32
      %scan3A_153 = arith.addi %scan3A_151, %scan3A_152 : i32
      %scan3A_154 = arith.constant 1 : i32
      scf.for %scan3A_269 = %scan3A_151 to %scan3A_153 step %scan3A_154  : i32 {
        %mul3A_270 = arith.constant 64 : i32
        %mul3A_271 = arith.muli %scan3A_269, %mul3A_270 : i32
        %add3A_272 = arith.constant 0 : i32
        %add3A_273 = arith.addi %mul3A_271, %add3A_272 : i32
        %get3A = arith.index_cast %add3A_273 : i32 to index
        %get3A_274 = tpu.vector_load %arg6[%get3A] {strides = array<i32>} : memref<2048xi32, #tpu.memory_space<vmem>>, vector<16xi32>,
        %get3A_275 = vector.shape_cast %get3A_274 : vector<16xi32> to vector<16xi32>
        %swap3A = arith.index_cast %scan3A_269 : i32 to index
        %swap3A_276 = arith.constant 0 : index
        %swap3A_277 = tpu.vector_load %arg7[%swap3A, %swap3A_276] {strides = array<i32>} : memref<32x64xi32, #tpu.memory_space<vmem>>, vector<1x16xi32>,
        %swap3A_278 = vector.shape_cast %swap3A_277 : vector<1x16xi32> to vector<16xi32>
        %swap3A_279 = vector.shape_cast %get3A_275 : vector<16xi32> to vector<1x16xi32>
        tpu.vector_store %arg7[%swap3A, %swap3A_276], %swap3A_279 {strides = array<i32>} : memref<32x64xi32, #tpu.memory_space<vmem>>, vector<1x16xi32>,
        %mul3A_280 = arith.constant 64 : i32
        %mul3A_281 = arith.muli %scan3A_269, %mul3A_280 : i32
        %add3A_282 = arith.constant 16 : i32
        %add3A_283 = arith.addi %mul3A_281, %add3A_282 : i32
        %get3A_284 = arith.index_cast %add3A_283 : i32 to index
        %get3A_285 = tpu.vector_load %arg6[%get3A_284] {strides = array<i32>} : memref<2048xi32, #tpu.memory_space<vmem>>, vector<16xi32>,
        %get3A_286 = vector.shape_cast %get3A_285 : vector<16xi32> to vector<16xi32>
        %swap3A_287 = arith.index_cast %scan3A_269 : i32 to index
        %swap3A_288 = arith.constant 16 : index
        %swap3A_289 = tpu.vector_load %arg7[%swap3A_287, %swap3A_288] {strides = array<i32>} : memref<32x64xi32, #tpu.memory_space<vmem>>, vector<1x16xi32>,
        %swap3A_290 = vector.shape_cast %swap3A_289 : vector<1x16xi32> to vector<16xi32>
        %swap3A_291 = vector.shape_cast %get3A_286 : vector<16xi32> to vector<1x16xi32>
        tpu.vector_store %arg7[%swap3A_287, %swap3A_288], %swap3A_291 {strides = array<i32>} : memref<32x64xi32, #tpu.memory_space<vmem>>, vector<1x16xi32>,
        %mul3A_292 = arith.constant 64 : i32
        %mul3A_293 = arith.muli %scan3A_269, %mul3A_292 : i32
        %add3A_294 = arith.constant 32 : i32
        %add3A_295 = arith.addi %mul3A_293, %add3A_294 : i32
        %get3A_296 = arith.index_cast %add3A_295 : i32 to index
        %get3A_297 = tpu.vector_load %arg6[%get3A_296] {strides = array<i32>} : memref<2048xi32, #tpu.memory_space<vmem>>, vector<16xi32>,
        %get3A_298 = vector.shape_cast %get3A_297 : vector<16xi32> to vector<16xi32>
        %swap3A_299 = arith.index_cast %scan3A_269 : i32 to index
        %swap3A_300 = arith.constant 32 : index
        %swap3A_301 = tpu.vector_load %arg7[%swap3A_299, %swap3A_300] {strides = array<i32>} : memref<32x64xi32, #tpu.memory_space<vmem>>, vector<1x16xi32>,
        %swap3A_302 = vector.shape_cast %swap3A_301 : vector<1x16xi32> to vector<16xi32>
        %swap3A_303 = vector.shape_cast %get3A_298 : vector<16xi32> to vector<1x16xi32>
        tpu.vector_store %arg7[%swap3A_299, %swap3A_300], %swap3A_303 {strides = array<i32>} : memref<32x64xi32, #tpu.memory_space<vmem>>, vector<1x16xi32>,
        %mul3A_304 = arith.constant 64 : i32
        %mul3A_305 = arith.muli %scan3A_269, %mul3A_304 : i32
        %add3A_306 = arith.constant 48 : i32
        %add3A_307 = arith.addi %mul3A_305, %add3A_306 : i32
        %get3A_308 = arith.index_cast %add3A_307 : i32 to index
        %get3A_309 = tpu.vector_load %arg6[%get3A_308] {strides = array<i32>} : memref<2048xi32, #tpu.memory_space<vmem>>, vector<16xi32>,
        %get3A_310 = vector.shape_cast %get3A_309 : vector<16xi32> to vector<16xi32>
        %swap3A_311 = arith.index_cast %scan3A_269 : i32 to index
        %swap3A_312 = arith.constant 48 : index
        %swap3A_313 = tpu.vector_load %arg7[%swap3A_311, %swap3A_312] {strides = array<i32>} : memref<32x64xi32, #tpu.memory_space<vmem>>, vector<1x16xi32>,
        %swap3A_314 = vector.shape_cast %swap3A_313 : vector<1x16xi32> to vector<16xi32>
        %swap3A_315 = vector.shape_cast %get3A_310 : vector<16xi32> to vector<1x16xi32>
        tpu.vector_store %arg7[%swap3A_311, %swap3A_312], %swap3A_315 {strides = array<i32>} : memref<32x64xi32, #tpu.memory_space<vmem>>, vector<1x16xi32>,
      }
      %scan3A_155 = arith.constant 8 : i32
      %dma_start3A_156 = arith.constant 0 : i32
      %dma_start3A_157 = tpu.memref_slice %arg5[%dma_start3A_156] : memref<2048xi32, #tpu.memory_space<vmem>> -> memref<64xi32, #tpu.memory_space<vmem>>
      %dma_start3A_158 = arith.constant 0 : i32
      %dma_start3A_159 = arith.constant 0 : i32
      %dma_start3A_160 = tpu.memref_slice %arg2[%dma_start3A_158, %dma_start3A_159] : memref<10000x128xf32, #tpu.memory_space<hbm>> -> memref<10000x128xf32, #tpu.memory_space<hbm>>
      tpu.enqueue_indirect_dma source(%dma_start3A_160 : memref<10000x128xf32, #tpu.memory_space<hbm>>) target(%arg8 : memref<64x128xf32, #tpu.memory_space<vmem>>) offsets(%dma_start3A_157 : memref<64xi32, #tpu.memory_space<vmem>>) semaphore(%arg14 : memref<!tpu.dma_semaphore, #tpu.memory_space<semaphore_mem>>)
      %dma_start3A_161 = arith.constant 64 : i32
      %dma_start3A_162 = tpu.memref_slice %arg5[%dma_start3A_161] : memref<2048xi32, #tpu.memory_space<vmem>> -> memref<64xi32, #tpu.memory_space<vmem>>
      %dma_start3A_163 = arith.constant 0 : i32
      %dma_start3A_164 = arith.constant 0 : i32
      %dma_start3A_165 = tpu.memref_slice %arg2[%dma_start3A_163, %dma_start3A_164] : memref<10000x128xf32, #tpu.memory_space<hbm>> -> memref<10000x128xf32, #tpu.memory_space<hbm>>
      tpu.enqueue_indirect_dma source(%dma_start3A_165 : memref<10000x128xf32, #tpu.memory_space<hbm>>) target(%arg9 : memref<64x128xf32, #tpu.memory_space<vmem>>) offsets(%dma_start3A_162 : memref<64xi32, #tpu.memory_space<vmem>>) semaphore(%arg15 : memref<!tpu.dma_semaphore, #tpu.memory_space<semaphore_mem>>)
      %dma_start3A_166 = arith.constant 128 : i32
      %dma_start3A_167 = tpu.memref_slice %arg5[%dma_start3A_166] : memref<2048xi32, #tpu.memory_space<vmem>> -> memref<64xi32, #tpu.memory_space<vmem>>
      %dma_start3A_168 = arith.constant 0 : i32
      %dma_start3A_169 = arith.constant 0 : i32
      %dma_start3A_170 = tpu.memref_slice %arg2[%dma_start3A_168, %dma_start3A_169] : memref<10000x128xf32, #tpu.memory_space<hbm>> -> memref<10000x128xf32, #tpu.memory_space<hbm>>
      tpu.enqueue_indirect_dma source(%dma_start3A_170 : memref<10000x128xf32, #tpu.memory_space<hbm>>) target(%arg10 : memref<64x128xf32, #tpu.memory_space<vmem>>) offsets(%dma_start3A_167 : memref<64xi32, #tpu.memory_space<vmem>>) semaphore(%arg16 : memref<!tpu.dma_semaphore, #tpu.memory_space<semaphore_mem>>)
      %dma_start3A_171 = arith.constant 192 : i32
      %dma_start3A_172 = tpu.memref_slice %arg5[%dma_start3A_171] : memref<2048xi32, #tpu.memory_space<vmem>> -> memref<64xi32, #tpu.memory_space<vmem>>
      %dma_start3A_173 = arith.constant 0 : i32
      %dma_start3A_174 = arith.constant 0 : i32
      %dma_start3A_175 = tpu.memref_slice %arg2[%dma_start3A_173, %dma_start3A_174] : memref<10000x128xf32, #tpu.memory_space<hbm>> -> memref<10000x128xf32, #tpu.memory_space<hbm>>
      tpu.enqueue_indirect_dma source(%dma_start3A_175 : memref<10000x128xf32, #tpu.memory_space<hbm>>) target(%arg11 : memref<64x128xf32, #tpu.memory_space<vmem>>) offsets(%dma_start3A_172 : memref<64xi32, #tpu.memory_space<vmem>>) semaphore(%arg17 : memref<!tpu.dma_semaphore, #tpu.memory_space<semaphore_mem>>)
      %scan3A_176 = arith.constant 0 : i32
      %scan3A_177 = arith.constant 0 : i32
      %mul3A_178 = arith.constant 4 : i32
      %mul3A_179 = arith.muli %mul3A_178, %scan3A_177 : i32
      %add3A_180 = arith.constant 0 : i32
      %add3A_181 = arith.addi %mul3A_179, %add3A_180 : i32
      %mul3A_182 = arith.constant 64 : i32
      %mul3A_183 = arith.muli %add3A_181, %mul3A_182 : i32
      %dma_wait3A_184 = tpu.memref_slice %arg5[%mul3A_183] : memref<2048xi32, #tpu.memory_space<vmem>> -> memref<64xi32, #tpu.memory_space<vmem>>
      %dma_wait3A_185 = arith.constant 0 : i32
      %dma_wait3A_186 = arith.constant 0 : i32
      %dma_wait3A_187 = tpu.memref_slice %arg2[%dma_wait3A_185, %dma_wait3A_186] : memref<10000x128xf32, #tpu.memory_space<hbm>> -> memref<10000x128xf32, #tpu.memory_space<hbm>>
      tpu.wait_indirect_dma semaphore(%arg14 : memref<!tpu.dma_semaphore, #tpu.memory_space<semaphore_mem>>) src(%dma_wait3A_187 : memref<10000x128xf32, #tpu.memory_space<hbm>>) dst(%arg8 : memref<64x128xf32, #tpu.memory_space<vmem>>)
      "tpu.region"() ({
        %run_scoped3A_269 = tpu.sem_alloc : memref<!tpu.dma_semaphore, #tpu.memory_space<semaphore_mem>>
        %dma_start3A_270 = arith.constant 0 : i32
        %dma_start3A_271 = tpu.memref_slice %arg7[%add3A_181, %dma_start3A_270] : memref<32x64xi32, #tpu.memory_space<vmem>> -> memref<1x64xi32, #tpu.memory_space<vmem>>
        %dma_start3A_272 = tpu.memref_squeeze %dma_start3A_271 : memref<1x64xi32, #tpu.memory_space<vmem>> -> memref<64xi32, #tpu.memory_space<vmem>>
        %dma_start3A_273 = arith.constant 0 : i32
        %dma_start3A_274 = arith.constant 0 : i32
        %dma_start3A_275 = tpu.memref_slice %arg13[%dma_start3A_273, %dma_start3A_274] : memref<10240x128xf32, #tpu.memory_space<vmem_shared>> -> memref<10240x128xf32, #tpu.memory_space<vmem_shared>>
        tpu.enqueue_indirect_dma source(%arg8 : memref<64x128xf32, #tpu.memory_space<vmem>>) target(%dma_start3A_275 : memref<10240x128xf32, #tpu.memory_space<vmem_shared>>) offsets(%dma_start3A_272 : memref<64xi32, #tpu.memory_space<vmem>>) semaphore(%run_scoped3A_269 : memref<!tpu.dma_semaphore, #tpu.memory_space<semaphore_mem>>) {add = true}
        %dma_wait3A_276 = arith.constant 0 : i32
        %dma_wait3A_277 = tpu.memref_slice %arg7[%add3A_181, %dma_wait3A_276] : memref<32x64xi32, #tpu.memory_space<vmem>> -> memref<1x64xi32, #tpu.memory_space<vmem>>
        %dma_wait3A_278 = tpu.memref_squeeze %dma_wait3A_277 : memref<1x64xi32, #tpu.memory_space<vmem>> -> memref<64xi32, #tpu.memory_space<vmem>>
        %dma_wait3A_279 = arith.constant 0 : i32
        %dma_wait3A_280 = arith.constant 0 : i32
        %dma_wait3A_281 = tpu.memref_slice %arg13[%dma_wait3A_279, %dma_wait3A_280] : memref<10240x128xf32, #tpu.memory_space<vmem_shared>> -> memref<10240x128xf32, #tpu.memory_space<vmem_shared>>
        tpu.wait_indirect_dma semaphore(%run_scoped3A_269 : memref<!tpu.dma_semaphore, #tpu.memory_space<semaphore_mem>>) src(%arg8 : memref<64x128xf32, #tpu.memory_space<vmem>>) dst(%dma_wait3A_281 : memref<10240x128xf32, #tpu.memory_space<vmem_shared>>)
        tpu.yield
      }) : () -> ()
      %add3A_188 = arith.constant 4 : i32
      %add3A_189 = arith.addi %add3A_181, %add3A_188 : i32
      %mul3A_190 = arith.constant 64 : i32
      %mul3A_191 = arith.muli %add3A_189, %mul3A_190 : i32
      %dma_start3A_192 = tpu.memref_slice %arg5[%mul3A_191] : memref<2048xi32, #tpu.memory_space<vmem>> -> memref<64xi32, #tpu.memory_space<vmem>>
      %dma_start3A_193 = arith.constant 0 : i32
      %dma_start3A_194 = arith.constant 0 : i32
      %dma_start3A_195 = tpu.memref_slice %arg2[%dma_start3A_193, %dma_start3A_194] : memref<10000x128xf32, #tpu.memory_space<hbm>> -> memref<10000x128xf32, #tpu.memory_space<hbm>>
      tpu.enqueue_indirect_dma source(%dma_start3A_195 : memref<10000x128xf32, #tpu.memory_space<hbm>>) target(%arg8 : memref<64x128xf32, #tpu.memory_space<vmem>>) offsets(%dma_start3A_192 : memref<64xi32, #tpu.memory_space<vmem>>) semaphore(%arg14 : memref<!tpu.dma_semaphore, #tpu.memory_space<semaphore_mem>>)
      %add3A_196 = arith.constant 1 : i32
      %add3A_197 = arith.addi %mul3A_179, %add3A_196 : i32
      %mul3A_198 = arith.constant 64 : i32
      %mul3A_199 = arith.muli %add3A_197, %mul3A_198 : i32
      %dma_wait3A_200 = tpu.memref_slice %arg5[%mul3A_199] : memref<2048xi32, #tpu.memory_space<vmem>> -> memref<64xi32, #tpu.memory_space<vmem>>
      %dma_wait3A_201 = arith.constant 0 : i32
      %dma_wait3A_202 = arith.constant 0 : i32
      %dma_wait3A_203 = tpu.memref_slice %arg2[%dma_wait3A_201, %dma_wait3A_202] : memref<10000x128xf32, #tpu.memory_space<hbm>> -> memref<10000x128xf32, #tpu.memory_space<hbm>>
      tpu.wait_indirect_dma semaphore(%arg15 : memref<!tpu.dma_semaphore, #tpu.memory_space<semaphore_mem>>) src(%dma_wait3A_203 : memref<10000x128xf32, #tpu.memory_space<hbm>>) dst(%arg9 : memref<64x128xf32, #tpu.memory_space<vmem>>)
      "tpu.region"() ({
        %run_scoped3A_269 = tpu.sem_alloc : memref<!tpu.dma_semaphore, #tpu.memory_space<semaphore_mem>>
        %dma_start3A_270 = arith.constant 0 : i32
        %dma_start3A_271 = tpu.memref_slice %arg7[%add3A_197, %dma_start3A_270] : memref<32x64xi32, #tpu.memory_space<vmem>> -> memref<1x64xi32, #tpu.memory_space<vmem>>
        %dma_start3A_272 = tpu.memref_squeeze %dma_start3A_271 : memref<1x64xi32, #tpu.memory_space<vmem>> -> memref<64xi32, #tpu.memory_space<vmem>>
        %dma_start3A_273 = arith.constant 0 : i32
        %dma_start3A_274 = arith.constant 0 : i32
        %dma_start3A_275 = tpu.memref_slice %arg13[%dma_start3A_273, %dma_start3A_274] : memref<10240x128xf32, #tpu.memory_space<vmem_shared>> -> memref<10240x128xf32, #tpu.memory_space<vmem_shared>>
        tpu.enqueue_indirect_dma source(%arg9 : memref<64x128xf32, #tpu.memory_space<vmem>>) target(%dma_start3A_275 : memref<10240x128xf32, #tpu.memory_space<vmem_shared>>) offsets(%dma_start3A_272 : memref<64xi32, #tpu.memory_space<vmem>>) semaphore(%run_scoped3A_269 : memref<!tpu.dma_semaphore, #tpu.memory_space<semaphore_mem>>) {add = true}
        %dma_wait3A_276 = arith.constant 0 : i32
        %dma_wait3A_277 = tpu.memref_slice %arg7[%add3A_197, %dma_wait3A_276] : memref<32x64xi32, #tpu.memory_space<vmem>> -> memref<1x64xi32, #tpu.memory_space<vmem>>
        %dma_wait3A_278 = tpu.memref_squeeze %dma_wait3A_277 : memref<1x64xi32, #tpu.memory_space<vmem>> -> memref<64xi32, #tpu.memory_space<vmem>>
        %dma_wait3A_279 = arith.constant 0 : i32
        %dma_wait3A_280 = arith.constant 0 : i32
        %dma_wait3A_281 = tpu.memref_slice %arg13[%dma_wait3A_279, %dma_wait3A_280] : memref<10240x128xf32, #tpu.memory_space<vmem_shared>> -> memref<10240x128xf32, #tpu.memory_space<vmem_shared>>
        tpu.wait_indirect_dma semaphore(%run_scoped3A_269 : memref<!tpu.dma_semaphore, #tpu.memory_space<semaphore_mem>>) src(%arg9 : memref<64x128xf32, #tpu.memory_space<vmem>>) dst(%dma_wait3A_281 : memref<10240x128xf32, #tpu.memory_space<vmem_shared>>)
        tpu.yield
      }) : () -> ()
      %add3A_204 = arith.constant 4 : i32
      %add3A_205 = arith.addi %add3A_197, %add3A_204 : i32
      %mul3A_206 = arith.constant 64 : i32
      %mul3A_207 = arith.muli %add3A_205, %mul3A_206 : i32
      %dma_start3A_208 = tpu.memref_slice %arg5[%mul3A_207] : memref<2048xi32, #tpu.memory_space<vmem>> -> memref<64xi32, #tpu.memory_space<vmem>>
      %dma_start3A_209 = arith.constant 0 : i32
      %dma_start3A_210 = arith.constant 0 : i32
      %dma_start3A_211 = tpu.memref_slice %arg2[%dma_start3A_209, %dma_start3A_210] : memref<10000x128xf32, #tpu.memory_space<hbm>> -> memref<10000x128xf32, #tpu.memory_space<hbm>>
      tpu.enqueue_indirect_dma source(%dma_start3A_211 : memref<10000x128xf32, #tpu.memory_space<hbm>>) target(%arg9 : memref<64x128xf32, #tpu.memory_space<vmem>>) offsets(%dma_start3A_208 : memref<64xi32, #tpu.memory_space<vmem>>) semaphore(%arg15 : memref<!tpu.dma_semaphore, #tpu.memory_space<semaphore_mem>>)
      %add3A_212 = arith.constant 2 : i32
      %add3A_213 = arith.addi %mul3A_179, %add3A_212 : i32
      %mul3A_214 = arith.constant 64 : i32
      %mul3A_215 = arith.muli %add3A_213, %mul3A_214 : i32
      %dma_wait3A_216 = tpu.memref_slice %arg5[%mul3A_215] : memref<2048xi32, #tpu.memory_space<vmem>> -> memref<64xi32, #tpu.memory_space<vmem>>
      %dma_wait3A_217 = arith.constant 0 : i32
      %dma_wait3A_218 = arith.constant 0 : i32
      %dma_wait3A_219 = tpu.memref_slice %arg2[%dma_wait3A_217, %dma_wait3A_218] : memref<10000x128xf32, #tpu.memory_space<hbm>> -> memref<10000x128xf32, #tpu.memory_space<hbm>>
      tpu.wait_indirect_dma semaphore(%arg16 : memref<!tpu.dma_semaphore, #tpu.memory_space<semaphore_mem>>) src(%dma_wait3A_219 : memref<10000x128xf32, #tpu.memory_space<hbm>>) dst(%arg10 : memref<64x128xf32, #tpu.memory_space<vmem>>)
      "tpu.region"() ({
        %run_scoped3A_269 = tpu.sem_alloc : memref<!tpu.dma_semaphore, #tpu.memory_space<semaphore_mem>>
        %dma_start3A_270 = arith.constant 0 : i32
        %dma_start3A_271 = tpu.memref_slice %arg7[%add3A_213, %dma_start3A_270] : memref<32x64xi32, #tpu.memory_space<vmem>> -> memref<1x64xi32, #tpu.memory_space<vmem>>
        %dma_start3A_272 = tpu.memref_squeeze %dma_start3A_271 : memref<1x64xi32, #tpu.memory_space<vmem>> -> memref<64xi32, #tpu.memory_space<vmem>>
        %dma_start3A_273 = arith.constant 0 : i32
        %dma_start3A_274 = arith.constant 0 : i32
        %dma_start3A_275 = tpu.memref_slice %arg13[%dma_start3A_273, %dma_start3A_274] : memref<10240x128xf32, #tpu.memory_space<vmem_shared>> -> memref<10240x128xf32, #tpu.memory_space<vmem_shared>>
        tpu.enqueue_indirect_dma source(%arg10 : memref<64x128xf32, #tpu.memory_space<vmem>>) target(%dma_start3A_275 : memref<10240x128xf32, #tpu.memory_space<vmem_shared>>) offsets(%dma_start3A_272 : memref<64xi32, #tpu.memory_space<vmem>>) semaphore(%run_scoped3A_269 : memref<!tpu.dma_semaphore, #tpu.memory_space<semaphore_mem>>) {add = true}
        %dma_wait3A_276 = arith.constant 0 : i32
        %dma_wait3A_277 = tpu.memref_slice %arg7[%add3A_213, %dma_wait3A_276] : memref<32x64xi32, #tpu.memory_space<vmem>> -> memref<1x64xi32, #tpu.memory_space<vmem>>
        %dma_wait3A_278 = tpu.memref_squeeze %dma_wait3A_277 : memref<1x64xi32, #tpu.memory_space<vmem>> -> memref<64xi32, #tpu.memory_space<vmem>>
        %dma_wait3A_279 = arith.constant 0 : i32
        %dma_wait3A_280 = arith.constant 0 : i32
        %dma_wait3A_281 = tpu.memref_slice %arg13[%dma_wait3A_279, %dma_wait3A_280] : memref<10240x128xf32, #tpu.memory_space<vmem_shared>> -> memref<10240x128xf32, #tpu.memory_space<vmem_shared>>
        tpu.wait_indirect_dma semaphore(%run_scoped3A_269 : memref<!tpu.dma_semaphore, #tpu.memory_space<semaphore_mem>>) src(%arg10 : memref<64x128xf32, #tpu.memory_space<vmem>>) dst(%dma_wait3A_281 : memref<10240x128xf32, #tpu.memory_space<vmem_shared>>)
        tpu.yield
      }) : () -> ()
      %add3A_220 = arith.constant 4 : i32
      %add3A_221 = arith.addi %add3A_213, %add3A_220 : i32
      %mul3A_222 = arith.constant 64 : i32
      %mul3A_223 = arith.muli %add3A_221, %mul3A_222 : i32
      %dma_start3A_224 = tpu.memref_slice %arg5[%mul3A_223] : memref<2048xi32, #tpu.memory_space<vmem>> -> memref<64xi32, #tpu.memory_space<vmem>>
      %dma_start3A_225 = arith.constant 0 : i32
      %dma_start3A_226 = arith.constant 0 : i32
      %dma_start3A_227 = tpu.memref_slice %arg2[%dma_start3A_225, %dma_start3A_226] : memref<10000x128xf32, #tpu.memory_space<hbm>> -> memref<10000x128xf32, #tpu.memory_space<hbm>>
      tpu.enqueue_indirect_dma source(%dma_start3A_227 : memref<10000x128xf32, #tpu.memory_space<hbm>>) target(%arg10 : memref<64x128xf32, #tpu.memory_space<vmem>>) offsets(%dma_start3A_224 : memref<64xi32, #tpu.memory_space<vmem>>) semaphore(%arg16 : memref<!tpu.dma_semaphore, #tpu.memory_space<semaphore_mem>>)
      %add3A_228 = arith.constant 3 : i32
      %add3A_229 = arith.addi %mul3A_179, %add3A_228 : i32
      %mul3A_230 = arith.constant 64 : i32
      %mul3A_231 = arith.muli %add3A_229, %mul3A_230 : i32
      %dma_wait3A_232 = tpu.memref_slice %arg5[%mul3A_231] : memref<2048xi32, #tpu.memory_space<vmem>> -> memref<64xi32, #tpu.memory_space<vmem>>
      %dma_wait3A_233 = arith.constant 0 : i32
      %dma_wait3A_234 = arith.constant 0 : i32
      %dma_wait3A_235 = tpu.memref_slice %arg2[%dma_wait3A_233, %dma_wait3A_234] : memref<10000x128xf32, #tpu.memory_space<hbm>> -> memref<10000x128xf32, #tpu.memory_space<hbm>>
      tpu.wait_indirect_dma semaphore(%arg17 : memref<!tpu.dma_semaphore, #tpu.memory_space<semaphore_mem>>) src(%dma_wait3A_235 : memref<10000x128xf32, #tpu.memory_space<hbm>>) dst(%arg11 : memref<64x128xf32, #tpu.memory_space<vmem>>)
      "tpu.region"() ({
        %run_scoped3A_269 = tpu.sem_alloc : memref<!tpu.dma_semaphore, #tpu.memory_space<semaphore_mem>>
        %dma_start3A_270 = arith.constant 0 : i32
        %dma_start3A_271 = tpu.memref_slice %arg7[%add3A_229, %dma_start3A_270] : memref<32x64xi32, #tpu.memory_space<vmem>> -> memref<1x64xi32, #tpu.memory_space<vmem>>
        %dma_start3A_272 = tpu.memref_squeeze %dma_start3A_271 : memref<1x64xi32, #tpu.memory_space<vmem>> -> memref<64xi32, #tpu.memory_space<vmem>>
        %dma_start3A_273 = arith.constant 0 : i32
        %dma_start3A_274 = arith.constant 0 : i32
        %dma_start3A_275 = tpu.memref_slice %arg13[%dma_start3A_273, %dma_start3A_274] : memref<10240x128xf32, #tpu.memory_space<vmem_shared>> -> memref<10240x128xf32, #tpu.memory_space<vmem_shared>>
        tpu.enqueue_indirect_dma source(%arg11 : memref<64x128xf32, #tpu.memory_space<vmem>>) target(%dma_start3A_275 : memref<10240x128xf32, #tpu.memory_space<vmem_shared>>) offsets(%dma_start3A_272 : memref<64xi32, #tpu.memory_space<vmem>>) semaphore(%run_scoped3A_269 : memref<!tpu.dma_semaphore, #tpu.memory_space<semaphore_mem>>) {add = true}
        %dma_wait3A_276 = arith.constant 0 : i32
        %dma_wait3A_277 = tpu.memref_slice %arg7[%add3A_229, %dma_wait3A_276] : memref<32x64xi32, #tpu.memory_space<vmem>> -> memref<1x64xi32, #tpu.memory_space<vmem>>
        %dma_wait3A_278 = tpu.memref_squeeze %dma_wait3A_277 : memref<1x64xi32, #tpu.memory_space<vmem>> -> memref<64xi32, #tpu.memory_space<vmem>>
        %dma_wait3A_279 = arith.constant 0 : i32
        %dma_wait3A_280 = arith.constant 0 : i32
        %dma_wait3A_281 = tpu.memref_slice %arg13[%dma_wait3A_279, %dma_wait3A_280] : memref<10240x128xf32, #tpu.memory_space<vmem_shared>> -> memref<10240x128xf32, #tpu.memory_space<vmem_shared>>
        tpu.wait_indirect_dma semaphore(%run_scoped3A_269 : memref<!tpu.dma_semaphore, #tpu.memory_space<semaphore_mem>>) src(%arg11 : memref<64x128xf32, #tpu.memory_space<vmem>>) dst(%dma_wait3A_281 : memref<10240x128xf32, #tpu.memory_space<vmem_shared>>)
        tpu.yield
      }) : () -> ()
      %add3A_236 = arith.constant 4 : i32
      %add3A_237 = arith.addi %add3A_229, %add3A_236 : i32
      %mul3A_238 = arith.constant 64 : i32
      %mul3A_239 = arith.muli %add3A_237, %mul3A_238 : i32
      %dma_start3A_240 = tpu.memref_slice %arg5[%mul3A_239] : memref<2048xi32, #tpu.memory_space<vmem>> -> memref<64xi32, #tpu.memory_space<vmem>>
      %dma_start3A_241 = arith.constant 0 : i32
      %dma_start3A_242 = arith.constant 0 : i32
      %dma_start3A_243 = tpu.memref_slice %arg2[%dma_start3A_241, %dma_start3A_242] : memref<10000x128xf32, #tpu.memory_space<hbm>> -> memref<10000x128xf32, #tpu.memory_space<hbm>>
      tpu.enqueue_indirect_dma source(%dma_start3A_243 : memref<10000x128xf32, #tpu.memory_space<hbm>>) target(%arg11 : memref<64x128xf32, #tpu.memory_space<vmem>>) offsets(%dma_start3A_240 : memref<64xi32, #tpu.memory_space<vmem>>) semaphore(%arg17 : memref<!tpu.dma_semaphore, #tpu.memory_space<semaphore_mem>>)
      %scan3A_244 = arith.constant 1 : i32
      %dma_wait3A_245 = arith.constant 256 : i32
      %dma_wait3A_246 = tpu.memref_slice %arg5[%dma_wait3A_245] : memref<2048xi32, #tpu.memory_space<vmem>> -> memref<64xi32, #tpu.memory_space<vmem>>
      %dma_wait3A_247 = arith.constant 0 : i32
      %dma_wait3A_248 = arith.constant 0 : i32
      %dma_wait3A_249 = tpu.memref_slice %arg2[%dma_wait3A_247, %dma_wait3A_248] : memref<10000x128xf32, #tpu.memory_space<hbm>> -> memref<10000x128xf32, #tpu.memory_space<hbm>>
      tpu.wait_indirect_dma semaphore(%arg14 : memref<!tpu.dma_semaphore, #tpu.memory_space<semaphore_mem>>) src(%dma_wait3A_249 : memref<10000x128xf32, #tpu.memory_space<hbm>>) dst(%arg8 : memref<64x128xf32, #tpu.memory_space<vmem>>)
      %run_scoped3A_250 = arith.constant 4 : i32
      "tpu.region"() ({
        %run_scoped3A_269 = tpu.sem_alloc : memref<!tpu.dma_semaphore, #tpu.memory_space<semaphore_mem>>
        %dma_start3A_270 = arith.constant 0 : i32
        %dma_start3A_271 = tpu.memref_slice %arg7[%run_scoped3A_250, %dma_start3A_270] : memref<32x64xi32, #tpu.memory_space<vmem>> -> memref<1x64xi32, #tpu.memory_space<vmem>>
        %dma_start3A_272 = tpu.memref_squeeze %dma_start3A_271 : memref<1x64xi32, #tpu.memory_space<vmem>> -> memref<64xi32, #tpu.memory_space<vmem>>
        %dma_start3A_273 = arith.constant 0 : i32
        %dma_start3A_274 = arith.constant 0 : i32
        %dma_start3A_275 = tpu.memref_slice %arg13[%dma_start3A_273, %dma_start3A_274] : memref<10240x128xf32, #tpu.memory_space<vmem_shared>> -> memref<10240x128xf32, #tpu.memory_space<vmem_shared>>
        tpu.enqueue_indirect_dma source(%arg8 : memref<64x128xf32, #tpu.memory_space<vmem>>) target(%dma_start3A_275 : memref<10240x128xf32, #tpu.memory_space<vmem_shared>>) offsets(%dma_start3A_272 : memref<64xi32, #tpu.memory_space<vmem>>) semaphore(%run_scoped3A_269 : memref<!tpu.dma_semaphore, #tpu.memory_space<semaphore_mem>>) {add = true}
        %dma_wait3A_276 = arith.constant 0 : i32
        %dma_wait3A_277 = tpu.memref_slice %arg7[%run_scoped3A_250, %dma_wait3A_276] : memref<32x64xi32, #tpu.memory_space<vmem>> -> memref<1x64xi32, #tpu.memory_space<vmem>>
        %dma_wait3A_278 = tpu.memref_squeeze %dma_wait3A_277 : memref<1x64xi32, #tpu.memory_space<vmem>> -> memref<64xi32, #tpu.memory_space<vmem>>
        %dma_wait3A_279 = arith.constant 0 : i32
        %dma_wait3A_280 = arith.constant 0 : i32
        %dma_wait3A_281 = tpu.memref_slice %arg13[%dma_wait3A_279, %dma_wait3A_280] : memref<10240x128xf32, #tpu.memory_space<vmem_shared>> -> memref<10240x128xf32, #tpu.memory_space<vmem_shared>>
        tpu.wait_indirect_dma semaphore(%run_scoped3A_269 : memref<!tpu.dma_semaphore, #tpu.memory_space<semaphore_mem>>) src(%arg8 : memref<64x128xf32, #tpu.memory_space<vmem>>) dst(%dma_wait3A_281 : memref<10240x128xf32, #tpu.memory_space<vmem_shared>>)
        tpu.yield
      }) : () -> ()
      %dma_wait3A_251 = arith.constant 320 : i32
      %dma_wait3A_252 = tpu.memref_slice %arg5[%dma_wait3A_251] : memref<2048xi32, #tpu.memory_space<vmem>> -> memref<64xi32, #tpu.memory_space<vmem>>
      %dma_wait3A_253 = arith.constant 0 : i32
      %dma_wait3A_254 = arith.constant 0 : i32
      %dma_wait3A_255 = tpu.memref_slice %arg2[%dma_wait3A_253, %dma_wait3A_254] : memref<10000x128xf32, #tpu.memory_space<hbm>> -> memref<10000x128xf32, #tpu.memory_space<hbm>>
      tpu.wait_indirect_dma semaphore(%arg15 : memref<!tpu.dma_semaphore, #tpu.memory_space<semaphore_mem>>) src(%dma_wait3A_255 : memref<10000x128xf32, #tpu.memory_space<hbm>>) dst(%arg9 : memref<64x128xf32, #tpu.memory_space<vmem>>)
      %run_scoped3A_256 = arith.constant 5 : i32
      "tpu.region"() ({
        %run_scoped3A_269 = tpu.sem_alloc : memref<!tpu.dma_semaphore, #tpu.memory_space<semaphore_mem>>
        %dma_start3A_270 = arith.constant 0 : i32
        %dma_start3A_271 = tpu.memref_slice %arg7[%run_scoped3A_256, %dma_start3A_270] : memref<32x64xi32, #tpu.memory_space<vmem>> -> memref<1x64xi32, #tpu.memory_space<vmem>>
        %dma_start3A_272 = tpu.memref_squeeze %dma_start3A_271 : memref<1x64xi32, #tpu.memory_space<vmem>> -> memref<64xi32, #tpu.memory_space<vmem>>
        %dma_start3A_273 = arith.constant 0 : i32
        %dma_start3A_274 = arith.constant 0 : i32
        %dma_start3A_275 = tpu.memref_slice %arg13[%dma_start3A_273, %dma_start3A_274] : memref<10240x128xf32, #tpu.memory_space<vmem_shared>> -> memref<10240x128xf32, #tpu.memory_space<vmem_shared>>
        tpu.enqueue_indirect_dma source(%arg9 : memref<64x128xf32, #tpu.memory_space<vmem>>) target(%dma_start3A_275 : memref<10240x128xf32, #tpu.memory_space<vmem_shared>>) offsets(%dma_start3A_272 : memref<64xi32, #tpu.memory_space<vmem>>) semaphore(%run_scoped3A_269 : memref<!tpu.dma_semaphore, #tpu.memory_space<semaphore_mem>>) {add = true}
        %dma_wait3A_276 = arith.constant 0 : i32
        %dma_wait3A_277 = tpu.memref_slice %arg7[%run_scoped3A_256, %dma_wait3A_276] : memref<32x64xi32, #tpu.memory_space<vmem>> -> memref<1x64xi32, #tpu.memory_space<vmem>>
        %dma_wait3A_278 = tpu.memref_squeeze %dma_wait3A_277 : memref<1x64xi32, #tpu.memory_space<vmem>> -> memref<64xi32, #tpu.memory_space<vmem>>
        %dma_wait3A_279 = arith.constant 0 : i32
        %dma_wait3A_280 = arith.constant 0 : i32
        %dma_wait3A_281 = tpu.memref_slice %arg13[%dma_wait3A_279, %dma_wait3A_280] : memref<10240x128xf32, #tpu.memory_space<vmem_shared>> -> memref<10240x128xf32, #tpu.memory_space<vmem_shared>>
        tpu.wait_indirect_dma semaphore(%run_scoped3A_269 : memref<!tpu.dma_semaphore, #tpu.memory_space<semaphore_mem>>) src(%arg9 : memref<64x128xf32, #tpu.memory_space<vmem>>) dst(%dma_wait3A_281 : memref<10240x128xf32, #tpu.memory_space<vmem_shared>>)
        tpu.yield
      }) : () -> ()
      %dma_wait3A_257 = arith.constant 384 : i32
      %dma_wait3A_258 = tpu.memref_slice %arg5[%dma_wait3A_257] : memref<2048xi32, #tpu.memory_space<vmem>> -> memref<64xi32, #tpu.memory_space<vmem>>
      %dma_wait3A_259 = arith.constant 0 : i32
      %dma_wait3A_260 = arith.constant 0 : i32
      %dma_wait3A_261 = tpu.memref_slice %arg2[%dma_wait3A_259, %dma_wait3A_260] : memref<10000x128xf32, #tpu.memory_space<hbm>> -> memref<10000x128xf32, #tpu.memory_space<hbm>>
      tpu.wait_indirect_dma semaphore(%arg16 : memref<!tpu.dma_semaphore, #tpu.memory_space<semaphore_mem>>) src(%dma_wait3A_261 : memref<10000x128xf32, #tpu.memory_space<hbm>>) dst(%arg10 : memref<64x128xf32, #tpu.memory_space<vmem>>)
      %run_scoped3A_262 = arith.constant 6 : i32
      "tpu.region"() ({
        %run_scoped3A_269 = tpu.sem_alloc : memref<!tpu.dma_semaphore, #tpu.memory_space<semaphore_mem>>
        %dma_start3A_270 = arith.constant 0 : i32
        %dma_start3A_271 = tpu.memref_slice %arg7[%run_scoped3A_262, %dma_start3A_270] : memref<32x64xi32, #tpu.memory_space<vmem>> -> memref<1x64xi32, #tpu.memory_space<vmem>>
        %dma_start3A_272 = tpu.memref_squeeze %dma_start3A_271 : memref<1x64xi32, #tpu.memory_space<vmem>> -> memref<64xi32, #tpu.memory_space<vmem>>
        %dma_start3A_273 = arith.constant 0 : i32
        %dma_start3A_274 = arith.constant 0 : i32
        %dma_start3A_275 = tpu.memref_slice %arg13[%dma_start3A_273, %dma_start3A_274] : memref<10240x128xf32, #tpu.memory_space<vmem_shared>> -> memref<10240x128xf32, #tpu.memory_space<vmem_shared>>
        tpu.enqueue_indirect_dma source(%arg10 : memref<64x128xf32, #tpu.memory_space<vmem>>) target(%dma_start3A_275 : memref<10240x128xf32, #tpu.memory_space<vmem_shared>>) offsets(%dma_start3A_272 : memref<64xi32, #tpu.memory_space<vmem>>) semaphore(%run_scoped3A_269 : memref<!tpu.dma_semaphore, #tpu.memory_space<semaphore_mem>>) {add = true}
        %dma_wait3A_276 = arith.constant 0 : i32
        %dma_wait3A_277 = tpu.memref_slice %arg7[%run_scoped3A_262, %dma_wait3A_276] : memref<32x64xi32, #tpu.memory_space<vmem>> -> memref<1x64xi32, #tpu.memory_space<vmem>>
        %dma_wait3A_278 = tpu.memref_squeeze %dma_wait3A_277 : memref<1x64xi32, #tpu.memory_space<vmem>> -> memref<64xi32, #tpu.memory_space<vmem>>
        %dma_wait3A_279 = arith.constant 0 : i32
        %dma_wait3A_280 = arith.constant 0 : i32
        %dma_wait3A_281 = tpu.memref_slice %arg13[%dma_wait3A_279, %dma_wait3A_280] : memref<10240x128xf32, #tpu.memory_space<vmem_shared>> -> memref<10240x128xf32, #tpu.memory_space<vmem_shared>>
        tpu.wait_indirect_dma semaphore(%run_scoped3A_269 : memref<!tpu.dma_semaphore, #tpu.memory_space<semaphore_mem>>) src(%arg10 : memref<64x128xf32, #tpu.memory_space<vmem>>) dst(%dma_wait3A_281 : memref<10240x128xf32, #tpu.memory_space<vmem_shared>>)
        tpu.yield
      }) : () -> ()
      %dma_wait3A_263 = arith.constant 448 : i32
      %dma_wait3A_264 = tpu.memref_slice %arg5[%dma_wait3A_263] : memref<2048xi32, #tpu.memory_space<vmem>> -> memref<64xi32, #tpu.memory_space<vmem>>
      %dma_wait3A_265 = arith.constant 0 : i32
      %dma_wait3A_266 = arith.constant 0 : i32
      %dma_wait3A_267 = tpu.memref_slice %arg2[%dma_wait3A_265, %dma_wait3A_266] : memref<10000x128xf32, #tpu.memory_space<hbm>> -> memref<10000x128xf32, #tpu.memory_space<hbm>>
      tpu.wait_indirect_dma semaphore(%arg17 : memref<!tpu.dma_semaphore, #tpu.memory_space<semaphore_mem>>) src(%dma_wait3A_267 : memref<10000x128xf32, #tpu.memory_space<hbm>>) dst(%arg11 : memref<64x128xf32, #tpu.memory_space<vmem>>)
      %run_scoped3A_268 = arith.constant 7 : i32
      "tpu.region"() ({
        %run_scoped3A_269 = tpu.sem_alloc : memref<!tpu.dma_semaphore, #tpu.memory_space<semaphore_mem>>
        %dma_start3A_270 = arith.constant 0 : i32
        %dma_start3A_271 = tpu.memref_slice %arg7[%run_scoped3A_268, %dma_start3A_270] : memref<32x64xi32, #tpu.memory_space<vmem>> -> memref<1x64xi32, #tpu.memory_space<vmem>>
        %dma_start3A_272 = tpu.memref_squeeze %dma_start3A_271 : memref<1x64xi32, #tpu.memory_space<vmem>> -> memref<64xi32, #tpu.memory_space<vmem>>
        %dma_start3A_273 = arith.constant 0 : i32
        %dma_start3A_274 = arith.constant 0 : i32
        %dma_start3A_275 = tpu.memref_slice %arg13[%dma_start3A_273, %dma_start3A_274] : memref<10240x128xf32, #tpu.memory_space<vmem_shared>> -> memref<10240x128xf32, #tpu.memory_space<vmem_shared>>
        tpu.enqueue_indirect_dma source(%arg11 : memref<64x128xf32, #tpu.memory_space<vmem>>) target(%dma_start3A_275 : memref<10240x128xf32, #tpu.memory_space<vmem_shared>>) offsets(%dma_start3A_272 : memref<64xi32, #tpu.memory_space<vmem>>) semaphore(%run_scoped3A_269 : memref<!tpu.dma_semaphore, #tpu.memory_space<semaphore_mem>>) {add = true}
        %dma_wait3A_276 = arith.constant 0 : i32
        %dma_wait3A_277 = tpu.memref_slice %arg7[%run_scoped3A_268, %dma_wait3A_276] : memref<32x64xi32, #tpu.memory_space<vmem>> -> memref<1x64xi32, #tpu.memory_space<vmem>>
        %dma_wait3A_278 = tpu.memref_squeeze %dma_wait3A_277 : memref<1x64xi32, #tpu.memory_space<vmem>> -> memref<64xi32, #tpu.memory_space<vmem>>
        %dma_wait3A_279 = arith.constant 0 : i32
        %dma_wait3A_280 = arith.constant 0 : i32
        %dma_wait3A_281 = tpu.memref_slice %arg13[%dma_wait3A_279, %dma_wait3A_280] : memref<10240x128xf32, #tpu.memory_space<vmem_shared>> -> memref<10240x128xf32, #tpu.memory_space<vmem_shared>>
        tpu.wait_indirect_dma semaphore(%run_scoped3A_269 : memref<!tpu.dma_semaphore, #tpu.memory_space<semaphore_mem>>) src(%arg11 : memref<64x128xf32, #tpu.memory_space<vmem>>) dst(%dma_wait3A_281 : memref<10240x128xf32, #tpu.memory_space<vmem_shared>>)
        tpu.yield
      }) : () -> ()
    } else {
    }
    "tpu.trace_stop"() : () -> ()
    "tpu.trace_start"() <{level = 10 : i32, message = "readout"}> : () -> ()
    %barrier3A_52 = arith.constant 0 : index
    tpu.barrier barrier_id(%barrier3A_52)
    %mul3A_53 = arith.constant 640 : i32
    %mul3A_54 = arith.muli %arg1, %mul3A_53 : i32
    %add3A_55 = arith.constant 0 : i32
    %add3A_56 = arith.addi %mul3A_54, %add3A_55 : i32
    "tpu.region"() ({
      %run_scoped3A = tpu.sem_alloc : memref<!tpu.dma_semaphore, #tpu.memory_space<semaphore_mem>>
      %dma_start3A = arith.constant 0 : i32
      %dma_start3A_93 = tpu.memref_slice %arg13[%add3A_56, %dma_start3A] : memref<10240x128xf32, #tpu.memory_space<vmem_shared>> -> memref<64x128xf32, #tpu.memory_space<vmem_shared>>
      %dma_start3A_94 = arith.constant 0 : i32
      %dma_start3A_95 = tpu.memref_slice %arg13[%add3A_56, %dma_start3A_94] : memref<10240x128xf32, #tpu.memory_space<vmem_shared>> -> memref<64x128xf32, #tpu.memory_space<vmem_shared>>
      tpu.enqueue_dma source(%dma_start3A_95 : memref<64x128xf32, #tpu.memory_space<vmem_shared>>) target(%arg12 : memref<64x128xf32, #tpu.memory_space<vmem>>) target_semaphore(%run_scoped3A : memref<!tpu.dma_semaphore, #tpu.memory_space<semaphore_mem>>)
      %dma_wait3A = arith.constant 0 : i32
      %dma_wait3A_96 = tpu.memref_slice %arg13[%add3A_56, %dma_wait3A] : memref<10240x128xf32, #tpu.memory_space<vmem_shared>> -> memref<64x128xf32, #tpu.memory_space<vmem_shared>>
      %dma_wait3A_97 = arith.constant 0 : i32
      %dma_wait3A_98 = tpu.memref_slice %arg13[%add3A_56, %dma_wait3A_97] : memref<10240x128xf32, #tpu.memory_space<vmem_shared>> -> memref<64x128xf32, #tpu.memory_space<vmem_shared>>
      tpu.wait_dma2 semaphore(%run_scoped3A : memref<!tpu.dma_semaphore, #tpu.memory_space<semaphore_mem>>) src(%dma_wait3A_98 : memref<64x128xf32, #tpu.memory_space<vmem_shared>>) dst(%arg12 : memref<64x128xf32, #tpu.memory_space<vmem>>)
      tpu.yield
    }) : () -> ()
    "tpu.region"() ({
      %run_scoped3A = tpu.sem_alloc : memref<!tpu.dma_semaphore, #tpu.memory_space<semaphore_mem>>
      %dma_start3A = arith.constant 0 : i32
      %dma_start3A_93 = arith.constant 0 : i32
      %dma_start3A_94 = tpu.memref_slice %arg4[%arg0, %dma_start3A, %dma_start3A_93] : memref<2x10240x128xf32, #tpu.memory_space<hbm>> -> memref<1x10240x128xf32, #tpu.memory_space<hbm>>
      %dma_start3A_95 = tpu.memref_squeeze %dma_start3A_94 : memref<1x10240x128xf32, #tpu.memory_space<hbm>> -> memref<10240x128xf32, #tpu.memory_space<hbm>>
      %dma_start3A_96 = arith.constant 0 : i32
      %dma_start3A_97 = tpu.memref_slice %dma_start3A_95[%add3A_56, %dma_start3A_96] : memref<10240x128xf32, #tpu.memory_space<hbm>> -> memref<64x128xf32, #tpu.memory_space<hbm>>
      %dma_start3A_98 = arith.constant 0 : i32
      %dma_start3A_99 = arith.constant 0 : i32
      %dma_start3A_100 = tpu.memref_slice %arg4[%arg0, %dma_start3A_98, %dma_start3A_99] : memref<2x10240x128xf32, #tpu.memory_space<hbm>> -> memref<1x10240x128xf32, #tpu.memory_space<hbm>>
      %dma_start3A_101 = tpu.memref_squeeze %dma_start3A_100 : memref<1x10240x128xf32, #tpu.memory_space<hbm>> -> memref<10240x128xf32, #tpu.memory_space<hbm>>
      %dma_start3A_102 = arith.constant 0 : i32
      %dma_start3A_103 = tpu.memref_slice %dma_start3A_101[%add3A_56, %dma_start3A_102] : memref<10240x128xf32, #tpu.memory_space<hbm>> -> memref<64x128xf32, #tpu.memory_space<hbm>>
      tpu.enqueue_dma source(%arg12 : memref<64x128xf32, #tpu.memory_space<vmem>>) target(%dma_start3A_103 : memref<64x128xf32, #tpu.memory_space<hbm>>) target_semaphore(%run_scoped3A : memref<!tpu.dma_semaphore, #tpu.memory_space<semaphore_mem>>)
      %dma_wait3A = arith.constant 0 : i32
      %dma_wait3A_104 = arith.constant 0 : i32
      %dma_wait3A_105 = tpu.memref_slice %arg4[%arg0, %dma_wait3A, %dma_wait3A_104] : memref<2x10240x128xf32, #tpu.memory_space<hbm>> -> memref<1x10240x128xf32, #tpu.memory_space<hbm>>
      %dma_wait3A_106 = tpu.memref_squeeze %dma_wait3A_105 : memref<1x10240x128xf32, #tpu.memory_space<hbm>> -> memref<10240x128xf32, #tpu.memory_space<hbm>>
      %dma_wait3A_107 = arith.constant 0 : i32
      %dma_wait3A_108 = tpu.memref_slice %dma_wait3A_106[%add3A_56, %dma_wait3A_107] : memref<10240x128xf32, #tpu.memory_space<hbm>> -> memref<64x128xf32, #tpu.memory_space<hbm>>
      %dma_wait3A_109 = arith.constant 0 : i32
      %dma_wait3A_110 = arith.constant 0 : i32
      %dma_wait3A_111 = tpu.memref_slice %arg4[%arg0, %dma_wait3A_109, %dma_wait3A_110] : memref<2x10240x128xf32, #tpu.memory_space<hbm>> -> memref<1x10240x128xf32, #tpu.memory_space<hbm>>
      %dma_wait3A_112 = tpu.memref_squeeze %dma_wait3A_111 : memref<1x10240x128xf32, #tpu.memory_space<hbm>> -> memref<10240x128xf32, #tpu.memory_space<hbm>>
      %dma_wait3A_113 = arith.constant 0 : i32
      %dma_wait3A_114 = tpu.memref_slice %dma_wait3A_112[%add3A_56, %dma_wait3A_113] : memref<10240x128xf32, #tpu.memory_space<hbm>> -> memref<64x128xf32, #tpu.memory_space<hbm>>
      tpu.wait_dma2 semaphore(%run_scoped3A : memref<!tpu.dma_semaphore, #tpu.memory_space<semaphore_mem>>) src(%arg12 : memref<64x128xf32, #tpu.memory_space<vmem>>) dst(%dma_wait3A_114 : memref<64x128xf32, #tpu.memory_space<hbm>>)
      tpu.yield
    }) : () -> ()
    %mul3A_57 = arith.constant 640 : i32
    %mul3A_58 = arith.muli %arg1, %mul3A_57 : i32
    %add3A_59 = arith.constant 64 : i32
    %add3A_60 = arith.addi %mul3A_58, %add3A_59 : i32
    "tpu.region"() ({
      %run_scoped3A = tpu.sem_alloc : memref<!tpu.dma_semaphore, #tpu.memory_space<semaphore_mem>>
      %dma_start3A = arith.constant 0 : i32
      %dma_start3A_93 = tpu.memref_slice %arg13[%add3A_60, %dma_start3A] : memref<10240x128xf32, #tpu.memory_space<vmem_shared>> -> memref<64x128xf32, #tpu.memory_space<vmem_shared>>
      %dma_start3A_94 = arith.constant 0 : i32
      %dma_start3A_95 = tpu.memref_slice %arg13[%add3A_60, %dma_start3A_94] : memref<10240x128xf32, #tpu.memory_space<vmem_shared>> -> memref<64x128xf32, #tpu.memory_space<vmem_shared>>
      tpu.enqueue_dma source(%dma_start3A_95 : memref<64x128xf32, #tpu.memory_space<vmem_shared>>) target(%arg12 : memref<64x128xf32, #tpu.memory_space<vmem>>) target_semaphore(%run_scoped3A : memref<!tpu.dma_semaphore, #tpu.memory_space<semaphore_mem>>)
      %dma_wait3A = arith.constant 0 : i32
      %dma_wait3A_96 = tpu.memref_slice %arg13[%add3A_60, %dma_wait3A] : memref<10240x128xf32, #tpu.memory_space<vmem_shared>> -> memref<64x128xf32, #tpu.memory_space<vmem_shared>>
      %dma_wait3A_97 = arith.constant 0 : i32
      %dma_wait3A_98 = tpu.memref_slice %arg13[%add3A_60, %dma_wait3A_97] : memref<10240x128xf32, #tpu.memory_space<vmem_shared>> -> memref<64x128xf32, #tpu.memory_space<vmem_shared>>
      tpu.wait_dma2 semaphore(%run_scoped3A : memref<!tpu.dma_semaphore, #tpu.memory_space<semaphore_mem>>) src(%dma_wait3A_98 : memref<64x128xf32, #tpu.memory_space<vmem_shared>>) dst(%arg12 : memref<64x128xf32, #tpu.memory_space<vmem>>)
      tpu.yield
    }) : () -> ()
    "tpu.region"() ({
      %run_scoped3A = tpu.sem_alloc : memref<!tpu.dma_semaphore, #tpu.memory_space<semaphore_mem>>
      %dma_start3A = arith.constant 0 : i32
      %dma_start3A_93 = arith.constant 0 : i32
      %dma_start3A_94 = tpu.memref_slice %arg4[%arg0, %dma_start3A, %dma_start3A_93] : memref<2x10240x128xf32, #tpu.memory_space<hbm>> -> memref<1x10240x128xf32, #tpu.memory_space<hbm>>
      %dma_start3A_95 = tpu.memref_squeeze %dma_start3A_94 : memref<1x10240x128xf32, #tpu.memory_space<hbm>> -> memref<10240x128xf32, #tpu.memory_space<hbm>>
      %dma_start3A_96 = arith.constant 0 : i32
      %dma_start3A_97 = tpu.memref_slice %dma_start3A_95[%add3A_60, %dma_start3A_96] : memref<10240x128xf32, #tpu.memory_space<hbm>> -> memref<64x128xf32, #tpu.memory_space<hbm>>
      %dma_start3A_98 = arith.constant 0 : i32
      %dma_start3A_99 = arith.constant 0 : i32
      %dma_start3A_100 = tpu.memref_slice %arg4[%arg0, %dma_start3A_98, %dma_start3A_99] : memref<2x10240x128xf32, #tpu.memory_space<hbm>> -> memref<1x10240x128xf32, #tpu.memory_space<hbm>>
      %dma_start3A_101 = tpu.memref_squeeze %dma_start3A_100 : memref<1x10240x128xf32, #tpu.memory_space<hbm>> -> memref<10240x128xf32, #tpu.memory_space<hbm>>
      %dma_start3A_102 = arith.constant 0 : i32
      %dma_start3A_103 = tpu.memref_slice %dma_start3A_101[%add3A_60, %dma_start3A_102] : memref<10240x128xf32, #tpu.memory_space<hbm>> -> memref<64x128xf32, #tpu.memory_space<hbm>>
      tpu.enqueue_dma source(%arg12 : memref<64x128xf32, #tpu.memory_space<vmem>>) target(%dma_start3A_103 : memref<64x128xf32, #tpu.memory_space<hbm>>) target_semaphore(%run_scoped3A : memref<!tpu.dma_semaphore, #tpu.memory_space<semaphore_mem>>)
      %dma_wait3A = arith.constant 0 : i32
      %dma_wait3A_104 = arith.constant 0 : i32
      %dma_wait3A_105 = tpu.memref_slice %arg4[%arg0, %dma_wait3A, %dma_wait3A_104] : memref<2x10240x128xf32, #tpu.memory_space<hbm>> -> memref<1x10240x128xf32, #tpu.memory_space<hbm>>
      %dma_wait3A_106 = tpu.memref_squeeze %dma_wait3A_105 : memref<1x10240x128xf32, #tpu.memory_space<hbm>> -> memref<10240x128xf32, #tpu.memory_space<hbm>>
      %dma_wait3A_107 = arith.constant 0 : i32
      %dma_wait3A_108 = tpu.memref_slice %dma_wait3A_106[%add3A_60, %dma_wait3A_107] : memref<10240x128xf32, #tpu.memory_space<hbm>> -> memref<64x128xf32, #tpu.memory_space<hbm>>
      %dma_wait3A_109 = arith.constant 0 : i32
      %dma_wait3A_110 = arith.constant 0 : i32
      %dma_wait3A_111 = tpu.memref_slice %arg4[%arg0, %dma_wait3A_109, %dma_wait3A_110] : memref<2x10240x128xf32, #tpu.memory_space<hbm>> -> memref<1x10240x128xf32, #tpu.memory_space<hbm>>
      %dma_wait3A_112 = tpu.memref_squeeze %dma_wait3A_111 : memref<1x10240x128xf32, #tpu.memory_space<hbm>> -> memref<10240x128xf32, #tpu.memory_space<hbm>>
      %dma_wait3A_113 = arith.constant 0 : i32
      %dma_wait3A_114 = tpu.memref_slice %dma_wait3A_112[%add3A_60, %dma_wait3A_113] : memref<10240x128xf32, #tpu.memory_space<hbm>> -> memref<64x128xf32, #tpu.memory_space<hbm>>
      tpu.wait_dma2 semaphore(%run_scoped3A : memref<!tpu.dma_semaphore, #tpu.memory_space<semaphore_mem>>) src(%arg12 : memref<64x128xf32, #tpu.memory_space<vmem>>) dst(%dma_wait3A_114 : memref<64x128xf32, #tpu.memory_space<hbm>>)
      tpu.yield
    }) : () -> ()
    %mul3A_61 = arith.constant 640 : i32
    %mul3A_62 = arith.muli %arg1, %mul3A_61 : i32
    %add3A_63 = arith.constant 128 : i32
    %add3A_64 = arith.addi %mul3A_62, %add3A_63 : i32
    "tpu.region"() ({
      %run_scoped3A = tpu.sem_alloc : memref<!tpu.dma_semaphore, #tpu.memory_space<semaphore_mem>>
      %dma_start3A = arith.constant 0 : i32
      %dma_start3A_93 = tpu.memref_slice %arg13[%add3A_64, %dma_start3A] : memref<10240x128xf32, #tpu.memory_space<vmem_shared>> -> memref<64x128xf32, #tpu.memory_space<vmem_shared>>
      %dma_start3A_94 = arith.constant 0 : i32
      %dma_start3A_95 = tpu.memref_slice %arg13[%add3A_64, %dma_start3A_94] : memref<10240x128xf32, #tpu.memory_space<vmem_shared>> -> memref<64x128xf32, #tpu.memory_space<vmem_shared>>
      tpu.enqueue_dma source(%dma_start3A_95 : memref<64x128xf32, #tpu.memory_space<vmem_shared>>) target(%arg12 : memref<64x128xf32, #tpu.memory_space<vmem>>) target_semaphore(%run_scoped3A : memref<!tpu.dma_semaphore, #tpu.memory_space<semaphore_mem>>)
      %dma_wait3A = arith.constant 0 : i32
      %dma_wait3A_96 = tpu.memref_slice %arg13[%add3A_64, %dma_wait3A] : memref<10240x128xf32, #tpu.memory_space<vmem_shared>> -> memref<64x128xf32, #tpu.memory_space<vmem_shared>>
      %dma_wait3A_97 = arith.constant 0 : i32
      %dma_wait3A_98 = tpu.memref_slice %arg13[%add3A_64, %dma_wait3A_97] : memref<10240x128xf32, #tpu.memory_space<vmem_shared>> -> memref<64x128xf32, #tpu.memory_space<vmem_shared>>
      tpu.wait_dma2 semaphore(%run_scoped3A : memref<!tpu.dma_semaphore, #tpu.memory_space<semaphore_mem>>) src(%dma_wait3A_98 : memref<64x128xf32, #tpu.memory_space<vmem_shared>>) dst(%arg12 : memref<64x128xf32, #tpu.memory_space<vmem>>)
      tpu.yield
    }) : () -> ()
    "tpu.region"() ({
      %run_scoped3A = tpu.sem_alloc : memref<!tpu.dma_semaphore, #tpu.memory_space<semaphore_mem>>
      %dma_start3A = arith.constant 0 : i32
      %dma_start3A_93 = arith.constant 0 : i32
      %dma_start3A_94 = tpu.memref_slice %arg4[%arg0, %dma_start3A, %dma_start3A_93] : memref<2x10240x128xf32, #tpu.memory_space<hbm>> -> memref<1x10240x128xf32, #tpu.memory_space<hbm>>
      %dma_start3A_95 = tpu.memref_squeeze %dma_start3A_94 : memref<1x10240x128xf32, #tpu.memory_space<hbm>> -> memref<10240x128xf32, #tpu.memory_space<hbm>>
      %dma_start3A_96 = arith.constant 0 : i32
      %dma_start3A_97 = tpu.memref_slice %dma_start3A_95[%add3A_64, %dma_start3A_96] : memref<10240x128xf32, #tpu.memory_space<hbm>> -> memref<64x128xf32, #tpu.memory_space<hbm>>
      %dma_start3A_98 = arith.constant 0 : i32
      %dma_start3A_99 = arith.constant 0 : i32
      %dma_start3A_100 = tpu.memref_slice %arg4[%arg0, %dma_start3A_98, %dma_start3A_99] : memref<2x10240x128xf32, #tpu.memory_space<hbm>> -> memref<1x10240x128xf32, #tpu.memory_space<hbm>>
      %dma_start3A_101 = tpu.memref_squeeze %dma_start3A_100 : memref<1x10240x128xf32, #tpu.memory_space<hbm>> -> memref<10240x128xf32, #tpu.memory_space<hbm>>
      %dma_start3A_102 = arith.constant 0 : i32
      %dma_start3A_103 = tpu.memref_slice %dma_start3A_101[%add3A_64, %dma_start3A_102] : memref<10240x128xf32, #tpu.memory_space<hbm>> -> memref<64x128xf32, #tpu.memory_space<hbm>>
      tpu.enqueue_dma source(%arg12 : memref<64x128xf32, #tpu.memory_space<vmem>>) target(%dma_start3A_103 : memref<64x128xf32, #tpu.memory_space<hbm>>) target_semaphore(%run_scoped3A : memref<!tpu.dma_semaphore, #tpu.memory_space<semaphore_mem>>)
      %dma_wait3A = arith.constant 0 : i32
      %dma_wait3A_104 = arith.constant 0 : i32
      %dma_wait3A_105 = tpu.memref_slice %arg4[%arg0, %dma_wait3A, %dma_wait3A_104] : memref<2x10240x128xf32, #tpu.memory_space<hbm>> -> memref<1x10240x128xf32, #tpu.memory_space<hbm>>
      %dma_wait3A_106 = tpu.memref_squeeze %dma_wait3A_105 : memref<1x10240x128xf32, #tpu.memory_space<hbm>> -> memref<10240x128xf32, #tpu.memory_space<hbm>>
      %dma_wait3A_107 = arith.constant 0 : i32
      %dma_wait3A_108 = tpu.memref_slice %dma_wait3A_106[%add3A_64, %dma_wait3A_107] : memref<10240x128xf32, #tpu.memory_space<hbm>> -> memref<64x128xf32, #tpu.memory_space<hbm>>
      %dma_wait3A_109 = arith.constant 0 : i32
      %dma_wait3A_110 = arith.constant 0 : i32
      %dma_wait3A_111 = tpu.memref_slice %arg4[%arg0, %dma_wait3A_109, %dma_wait3A_110] : memref<2x10240x128xf32, #tpu.memory_space<hbm>> -> memref<1x10240x128xf32, #tpu.memory_space<hbm>>
      %dma_wait3A_112 = tpu.memref_squeeze %dma_wait3A_111 : memref<1x10240x128xf32, #tpu.memory_space<hbm>> -> memref<10240x128xf32, #tpu.memory_space<hbm>>
      %dma_wait3A_113 = arith.constant 0 : i32
      %dma_wait3A_114 = tpu.memref_slice %dma_wait3A_112[%add3A_64, %dma_wait3A_113] : memref<10240x128xf32, #tpu.memory_space<hbm>> -> memref<64x128xf32, #tpu.memory_space<hbm>>
      tpu.wait_dma2 semaphore(%run_scoped3A : memref<!tpu.dma_semaphore, #tpu.memory_space<semaphore_mem>>) src(%arg12 : memref<64x128xf32, #tpu.memory_space<vmem>>) dst(%dma_wait3A_114 : memref<64x128xf32, #tpu.memory_space<hbm>>)
      tpu.yield
    }) : () -> ()
    %mul3A_65 = arith.constant 640 : i32
    %mul3A_66 = arith.muli %arg1, %mul3A_65 : i32
    %add3A_67 = arith.constant 192 : i32
    %add3A_68 = arith.addi %mul3A_66, %add3A_67 : i32
    "tpu.region"() ({
      %run_scoped3A = tpu.sem_alloc : memref<!tpu.dma_semaphore, #tpu.memory_space<semaphore_mem>>
      %dma_start3A = arith.constant 0 : i32
      %dma_start3A_93 = tpu.memref_slice %arg13[%add3A_68, %dma_start3A] : memref<10240x128xf32, #tpu.memory_space<vmem_shared>> -> memref<64x128xf32, #tpu.memory_space<vmem_shared>>
      %dma_start3A_94 = arith.constant 0 : i32
      %dma_start3A_95 = tpu.memref_slice %arg13[%add3A_68, %dma_start3A_94] : memref<10240x128xf32, #tpu.memory_space<vmem_shared>> -> memref<64x128xf32, #tpu.memory_space<vmem_shared>>
      tpu.enqueue_dma source(%dma_start3A_95 : memref<64x128xf32, #tpu.memory_space<vmem_shared>>) target(%arg12 : memref<64x128xf32, #tpu.memory_space<vmem>>) target_semaphore(%run_scoped3A : memref<!tpu.dma_semaphore, #tpu.memory_space<semaphore_mem>>)
      %dma_wait3A = arith.constant 0 : i32
      %dma_wait3A_96 = tpu.memref_slice %arg13[%add3A_68, %dma_wait3A] : memref<10240x128xf32, #tpu.memory_space<vmem_shared>> -> memref<64x128xf32, #tpu.memory_space<vmem_shared>>
      %dma_wait3A_97 = arith.constant 0 : i32
      %dma_wait3A_98 = tpu.memref_slice %arg13[%add3A_68, %dma_wait3A_97] : memref<10240x128xf32, #tpu.memory_space<vmem_shared>> -> memref<64x128xf32, #tpu.memory_space<vmem_shared>>
      tpu.wait_dma2 semaphore(%run_scoped3A : memref<!tpu.dma_semaphore, #tpu.memory_space<semaphore_mem>>) src(%dma_wait3A_98 : memref<64x128xf32, #tpu.memory_space<vmem_shared>>) dst(%arg12 : memref<64x128xf32, #tpu.memory_space<vmem>>)
      tpu.yield
    }) : () -> ()
    "tpu.region"() ({
      %run_scoped3A = tpu.sem_alloc : memref<!tpu.dma_semaphore, #tpu.memory_space<semaphore_mem>>
      %dma_start3A = arith.constant 0 : i32
      %dma_start3A_93 = arith.constant 0 : i32
      %dma_start3A_94 = tpu.memref_slice %arg4[%arg0, %dma_start3A, %dma_start3A_93] : memref<2x10240x128xf32, #tpu.memory_space<hbm>> -> memref<1x10240x128xf32, #tpu.memory_space<hbm>>
      %dma_start3A_95 = tpu.memref_squeeze %dma_start3A_94 : memref<1x10240x128xf32, #tpu.memory_space<hbm>> -> memref<10240x128xf32, #tpu.memory_space<hbm>>
      %dma_start3A_96 = arith.constant 0 : i32
      %dma_start3A_97 = tpu.memref_slice %dma_start3A_95[%add3A_68, %dma_start3A_96] : memref<10240x128xf32, #tpu.memory_space<hbm>> -> memref<64x128xf32, #tpu.memory_space<hbm>>
      %dma_start3A_98 = arith.constant 0 : i32
      %dma_start3A_99 = arith.constant 0 : i32
      %dma_start3A_100 = tpu.memref_slice %arg4[%arg0, %dma_start3A_98, %dma_start3A_99] : memref<2x10240x128xf32, #tpu.memory_space<hbm>> -> memref<1x10240x128xf32, #tpu.memory_space<hbm>>
      %dma_start3A_101 = tpu.memref_squeeze %dma_start3A_100 : memref<1x10240x128xf32, #tpu.memory_space<hbm>> -> memref<10240x128xf32, #tpu.memory_space<hbm>>
      %dma_start3A_102 = arith.constant 0 : i32
      %dma_start3A_103 = tpu.memref_slice %dma_start3A_101[%add3A_68, %dma_start3A_102] : memref<10240x128xf32, #tpu.memory_space<hbm>> -> memref<64x128xf32, #tpu.memory_space<hbm>>
      tpu.enqueue_dma source(%arg12 : memref<64x128xf32, #tpu.memory_space<vmem>>) target(%dma_start3A_103 : memref<64x128xf32, #tpu.memory_space<hbm>>) target_semaphore(%run_scoped3A : memref<!tpu.dma_semaphore, #tpu.memory_space<semaphore_mem>>)
      %dma_wait3A = arith.constant 0 : i32
      %dma_wait3A_104 = arith.constant 0 : i32
      %dma_wait3A_105 = tpu.memref_slice %arg4[%arg0, %dma_wait3A, %dma_wait3A_104] : memref<2x10240x128xf32, #tpu.memory_space<hbm>> -> memref<1x10240x128xf32, #tpu.memory_space<hbm>>
      %dma_wait3A_106 = tpu.memref_squeeze %dma_wait3A_105 : memref<1x10240x128xf32, #tpu.memory_space<hbm>> -> memref<10240x128xf32, #tpu.memory_space<hbm>>
      %dma_wait3A_107 = arith.constant 0 : i32
      %dma_wait3A_108 = tpu.memref_slice %dma_wait3A_106[%add3A_68, %dma_wait3A_107] : memref<10240x128xf32, #tpu.memory_space<hbm>> -> memref<64x128xf32, #tpu.memory_space<hbm>>
      %dma_wait3A_109 = arith.constant 0 : i32
      %dma_wait3A_110 = arith.constant 0 : i32
      %dma_wait3A_111 = tpu.memref_slice %arg4[%arg0, %dma_wait3A_109, %dma_wait3A_110] : memref<2x10240x128xf32, #tpu.memory_space<hbm>> -> memref<1x10240x128xf32, #tpu.memory_space<hbm>>
      %dma_wait3A_112 = tpu.memref_squeeze %dma_wait3A_111 : memref<1x10240x128xf32, #tpu.memory_space<hbm>> -> memref<10240x128xf32, #tpu.memory_space<hbm>>
      %dma_wait3A_113 = arith.constant 0 : i32
      %dma_wait3A_114 = tpu.memref_slice %dma_wait3A_112[%add3A_68, %dma_wait3A_113] : memref<10240x128xf32, #tpu.memory_space<hbm>> -> memref<64x128xf32, #tpu.memory_space<hbm>>
      tpu.wait_dma2 semaphore(%run_scoped3A : memref<!tpu.dma_semaphore, #tpu.memory_space<semaphore_mem>>) src(%arg12 : memref<64x128xf32, #tpu.memory_space<vmem>>) dst(%dma_wait3A_114 : memref<64x128xf32, #tpu.memory_space<hbm>>)
      tpu.yield
    }) : () -> ()
    %mul3A_69 = arith.constant 640 : i32
    %mul3A_70 = arith.muli %arg1, %mul3A_69 : i32
    %add3A_71 = arith.constant 256 : i32
    %add3A_72 = arith.addi %mul3A_70, %add3A_71 : i32
    "tpu.region"() ({
      %run_scoped3A = tpu.sem_alloc : memref<!tpu.dma_semaphore, #tpu.memory_space<semaphore_mem>>
      %dma_start3A = arith.constant 0 : i32
      %dma_start3A_93 = tpu.memref_slice %arg13[%add3A_72, %dma_start3A] : memref<10240x128xf32, #tpu.memory_space<vmem_shared>> -> memref<64x128xf32, #tpu.memory_space<vmem_shared>>
      %dma_start3A_94 = arith.constant 0 : i32
      %dma_start3A_95 = tpu.memref_slice %arg13[%add3A_72, %dma_start3A_94] : memref<10240x128xf32, #tpu.memory_space<vmem_shared>> -> memref<64x128xf32, #tpu.memory_space<vmem_shared>>
      tpu.enqueue_dma source(%dma_start3A_95 : memref<64x128xf32, #tpu.memory_space<vmem_shared>>) target(%arg12 : memref<64x128xf32, #tpu.memory_space<vmem>>) target_semaphore(%run_scoped3A : memref<!tpu.dma_semaphore, #tpu.memory_space<semaphore_mem>>)
      %dma_wait3A = arith.constant 0 : i32
      %dma_wait3A_96 = tpu.memref_slice %arg13[%add3A_72, %dma_wait3A] : memref<10240x128xf32, #tpu.memory_space<vmem_shared>> -> memref<64x128xf32, #tpu.memory_space<vmem_shared>>
      %dma_wait3A_97 = arith.constant 0 : i32
      %dma_wait3A_98 = tpu.memref_slice %arg13[%add3A_72, %dma_wait3A_97] : memref<10240x128xf32, #tpu.memory_space<vmem_shared>> -> memref<64x128xf32, #tpu.memory_space<vmem_shared>>
      tpu.wait_dma2 semaphore(%run_scoped3A : memref<!tpu.dma_semaphore, #tpu.memory_space<semaphore_mem>>) src(%dma_wait3A_98 : memref<64x128xf32, #tpu.memory_space<vmem_shared>>) dst(%arg12 : memref<64x128xf32, #tpu.memory_space<vmem>>)
      tpu.yield
    }) : () -> ()
    "tpu.region"() ({
      %run_scoped3A = tpu.sem_alloc : memref<!tpu.dma_semaphore, #tpu.memory_space<semaphore_mem>>
      %dma_start3A = arith.constant 0 : i32
      %dma_start3A_93 = arith.constant 0 : i32
      %dma_start3A_94 = tpu.memref_slice %arg4[%arg0, %dma_start3A, %dma_start3A_93] : memref<2x10240x128xf32, #tpu.memory_space<hbm>> -> memref<1x10240x128xf32, #tpu.memory_space<hbm>>
      %dma_start3A_95 = tpu.memref_squeeze %dma_start3A_94 : memref<1x10240x128xf32, #tpu.memory_space<hbm>> -> memref<10240x128xf32, #tpu.memory_space<hbm>>
      %dma_start3A_96 = arith.constant 0 : i32
      %dma_start3A_97 = tpu.memref_slice %dma_start3A_95[%add3A_72, %dma_start3A_96] : memref<10240x128xf32, #tpu.memory_space<hbm>> -> memref<64x128xf32, #tpu.memory_space<hbm>>
      %dma_start3A_98 = arith.constant 0 : i32
      %dma_start3A_99 = arith.constant 0 : i32
      %dma_start3A_100 = tpu.memref_slice %arg4[%arg0, %dma_start3A_98, %dma_start3A_99] : memref<2x10240x128xf32, #tpu.memory_space<hbm>> -> memref<1x10240x128xf32, #tpu.memory_space<hbm>>
      %dma_start3A_101 = tpu.memref_squeeze %dma_start3A_100 : memref<1x10240x128xf32, #tpu.memory_space<hbm>> -> memref<10240x128xf32, #tpu.memory_space<hbm>>
      %dma_start3A_102 = arith.constant 0 : i32
      %dma_start3A_103 = tpu.memref_slice %dma_start3A_101[%add3A_72, %dma_start3A_102] : memref<10240x128xf32, #tpu.memory_space<hbm>> -> memref<64x128xf32, #tpu.memory_space<hbm>>
      tpu.enqueue_dma source(%arg12 : memref<64x128xf32, #tpu.memory_space<vmem>>) target(%dma_start3A_103 : memref<64x128xf32, #tpu.memory_space<hbm>>) target_semaphore(%run_scoped3A : memref<!tpu.dma_semaphore, #tpu.memory_space<semaphore_mem>>)
      %dma_wait3A = arith.constant 0 : i32
      %dma_wait3A_104 = arith.constant 0 : i32
      %dma_wait3A_105 = tpu.memref_slice %arg4[%arg0, %dma_wait3A, %dma_wait3A_104] : memref<2x10240x128xf32, #tpu.memory_space<hbm>> -> memref<1x10240x128xf32, #tpu.memory_space<hbm>>
      %dma_wait3A_106 = tpu.memref_squeeze %dma_wait3A_105 : memref<1x10240x128xf32, #tpu.memory_space<hbm>> -> memref<10240x128xf32, #tpu.memory_space<hbm>>
      %dma_wait3A_107 = arith.constant 0 : i32
      %dma_wait3A_108 = tpu.memref_slice %dma_wait3A_106[%add3A_72, %dma_wait3A_107] : memref<10240x128xf32, #tpu.memory_space<hbm>> -> memref<64x128xf32, #tpu.memory_space<hbm>>
      %dma_wait3A_109 = arith.constant 0 : i32
      %dma_wait3A_110 = arith.constant 0 : i32
      %dma_wait3A_111 = tpu.memref_slice %arg4[%arg0, %dma_wait3A_109, %dma_wait3A_110] : memref<2x10240x128xf32, #tpu.memory_space<hbm>> -> memref<1x10240x128xf32, #tpu.memory_space<hbm>>
      %dma_wait3A_112 = tpu.memref_squeeze %dma_wait3A_111 : memref<1x10240x128xf32, #tpu.memory_space<hbm>> -> memref<10240x128xf32, #tpu.memory_space<hbm>>
      %dma_wait3A_113 = arith.constant 0 : i32
      %dma_wait3A_114 = tpu.memref_slice %dma_wait3A_112[%add3A_72, %dma_wait3A_113] : memref<10240x128xf32, #tpu.memory_space<hbm>> -> memref<64x128xf32, #tpu.memory_space<hbm>>
      tpu.wait_dma2 semaphore(%run_scoped3A : memref<!tpu.dma_semaphore, #tpu.memory_space<semaphore_mem>>) src(%arg12 : memref<64x128xf32, #tpu.memory_space<vmem>>) dst(%dma_wait3A_114 : memref<64x128xf32, #tpu.memory_space<hbm>>)
      tpu.yield
    }) : () -> ()
    %mul3A_73 = arith.constant 640 : i32
    %mul3A_74 = arith.muli %arg1, %mul3A_73 : i32
    %add3A_75 = arith.constant 320 : i32
    %add3A_76 = arith.addi %mul3A_74, %add3A_75 : i32
    "tpu.region"() ({
      %run_scoped3A = tpu.sem_alloc : memref<!tpu.dma_semaphore, #tpu.memory_space<semaphore_mem>>
      %dma_start3A = arith.constant 0 : i32
      %dma_start3A_93 = tpu.memref_slice %arg13[%add3A_76, %dma_start3A] : memref<10240x128xf32, #tpu.memory_space<vmem_shared>> -> memref<64x128xf32, #tpu.memory_space<vmem_shared>>
      %dma_start3A_94 = arith.constant 0 : i32
      %dma_start3A_95 = tpu.memref_slice %arg13[%add3A_76, %dma_start3A_94] : memref<10240x128xf32, #tpu.memory_space<vmem_shared>> -> memref<64x128xf32, #tpu.memory_space<vmem_shared>>
      tpu.enqueue_dma source(%dma_start3A_95 : memref<64x128xf32, #tpu.memory_space<vmem_shared>>) target(%arg12 : memref<64x128xf32, #tpu.memory_space<vmem>>) target_semaphore(%run_scoped3A : memref<!tpu.dma_semaphore, #tpu.memory_space<semaphore_mem>>)
      %dma_wait3A = arith.constant 0 : i32
      %dma_wait3A_96 = tpu.memref_slice %arg13[%add3A_76, %dma_wait3A] : memref<10240x128xf32, #tpu.memory_space<vmem_shared>> -> memref<64x128xf32, #tpu.memory_space<vmem_shared>>
      %dma_wait3A_97 = arith.constant 0 : i32
      %dma_wait3A_98 = tpu.memref_slice %arg13[%add3A_76, %dma_wait3A_97] : memref<10240x128xf32, #tpu.memory_space<vmem_shared>> -> memref<64x128xf32, #tpu.memory_space<vmem_shared>>
      tpu.wait_dma2 semaphore(%run_scoped3A : memref<!tpu.dma_semaphore, #tpu.memory_space<semaphore_mem>>) src(%dma_wait3A_98 : memref<64x128xf32, #tpu.memory_space<vmem_shared>>) dst(%arg12 : memref<64x128xf32, #tpu.memory_space<vmem>>)
      tpu.yield
    }) : () -> ()
    "tpu.region"() ({
      %run_scoped3A = tpu.sem_alloc : memref<!tpu.dma_semaphore, #tpu.memory_space<semaphore_mem>>
      %dma_start3A = arith.constant 0 : i32
      %dma_start3A_93 = arith.constant 0 : i32
      %dma_start3A_94 = tpu.memref_slice %arg4[%arg0, %dma_start3A, %dma_start3A_93] : memref<2x10240x128xf32, #tpu.memory_space<hbm>> -> memref<1x10240x128xf32, #tpu.memory_space<hbm>>
      %dma_start3A_95 = tpu.memref_squeeze %dma_start3A_94 : memref<1x10240x128xf32, #tpu.memory_space<hbm>> -> memref<10240x128xf32, #tpu.memory_space<hbm>>
      %dma_start3A_96 = arith.constant 0 : i32
      %dma_start3A_97 = tpu.memref_slice %dma_start3A_95[%add3A_76, %dma_start3A_96] : memref<10240x128xf32, #tpu.memory_space<hbm>> -> memref<64x128xf32, #tpu.memory_space<hbm>>
      %dma_start3A_98 = arith.constant 0 : i32
      %dma_start3A_99 = arith.constant 0 : i32
      %dma_start3A_100 = tpu.memref_slice %arg4[%arg0, %dma_start3A_98, %dma_start3A_99] : memref<2x10240x128xf32, #tpu.memory_space<hbm>> -> memref<1x10240x128xf32, #tpu.memory_space<hbm>>
      %dma_start3A_101 = tpu.memref_squeeze %dma_start3A_100 : memref<1x10240x128xf32, #tpu.memory_space<hbm>> -> memref<10240x128xf32, #tpu.memory_space<hbm>>
      %dma_start3A_102 = arith.constant 0 : i32
      %dma_start3A_103 = tpu.memref_slice %dma_start3A_101[%add3A_76, %dma_start3A_102] : memref<10240x128xf32, #tpu.memory_space<hbm>> -> memref<64x128xf32, #tpu.memory_space<hbm>>
      tpu.enqueue_dma source(%arg12 : memref<64x128xf32, #tpu.memory_space<vmem>>) target(%dma_start3A_103 : memref<64x128xf32, #tpu.memory_space<hbm>>) target_semaphore(%run_scoped3A : memref<!tpu.dma_semaphore, #tpu.memory_space<semaphore_mem>>)
      %dma_wait3A = arith.constant 0 : i32
      %dma_wait3A_104 = arith.constant 0 : i32
      %dma_wait3A_105 = tpu.memref_slice %arg4[%arg0, %dma_wait3A, %dma_wait3A_104] : memref<2x10240x128xf32, #tpu.memory_space<hbm>> -> memref<1x10240x128xf32, #tpu.memory_space<hbm>>
      %dma_wait3A_106 = tpu.memref_squeeze %dma_wait3A_105 : memref<1x10240x128xf32, #tpu.memory_space<hbm>> -> memref<10240x128xf32, #tpu.memory_space<hbm>>
      %dma_wait3A_107 = arith.constant 0 : i32
      %dma_wait3A_108 = tpu.memref_slice %dma_wait3A_106[%add3A_76, %dma_wait3A_107] : memref<10240x128xf32, #tpu.memory_space<hbm>> -> memref<64x128xf32, #tpu.memory_space<hbm>>
      %dma_wait3A_109 = arith.constant 0 : i32
      %dma_wait3A_110 = arith.constant 0 : i32
      %dma_wait3A_111 = tpu.memref_slice %arg4[%arg0, %dma_wait3A_109, %dma_wait3A_110] : memref<2x10240x128xf32, #tpu.memory_space<hbm>> -> memref<1x10240x128xf32, #tpu.memory_space<hbm>>
      %dma_wait3A_112 = tpu.memref_squeeze %dma_wait3A_111 : memref<1x10240x128xf32, #tpu.memory_space<hbm>> -> memref<10240x128xf32, #tpu.memory_space<hbm>>
      %dma_wait3A_113 = arith.constant 0 : i32
      %dma_wait3A_114 = tpu.memref_slice %dma_wait3A_112[%add3A_76, %dma_wait3A_113] : memref<10240x128xf32, #tpu.memory_space<hbm>> -> memref<64x128xf32, #tpu.memory_space<hbm>>
      tpu.wait_dma2 semaphore(%run_scoped3A : memref<!tpu.dma_semaphore, #tpu.memory_space<semaphore_mem>>) src(%arg12 : memref<64x128xf32, #tpu.memory_space<vmem>>) dst(%dma_wait3A_114 : memref<64x128xf32, #tpu.memory_space<hbm>>)
      tpu.yield
    }) : () -> ()
    %mul3A_77 = arith.constant 640 : i32
    %mul3A_78 = arith.muli %arg1, %mul3A_77 : i32
    %add3A_79 = arith.constant 384 : i32
    %add3A_80 = arith.addi %mul3A_78, %add3A_79 : i32
    "tpu.region"() ({
      %run_scoped3A = tpu.sem_alloc : memref<!tpu.dma_semaphore, #tpu.memory_space<semaphore_mem>>
      %dma_start3A = arith.constant 0 : i32
      %dma_start3A_93 = tpu.memref_slice %arg13[%add3A_80, %dma_start3A] : memref<10240x128xf32, #tpu.memory_space<vmem_shared>> -> memref<64x128xf32, #tpu.memory_space<vmem_shared>>
      %dma_start3A_94 = arith.constant 0 : i32
      %dma_start3A_95 = tpu.memref_slice %arg13[%add3A_80, %dma_start3A_94] : memref<10240x128xf32, #tpu.memory_space<vmem_shared>> -> memref<64x128xf32, #tpu.memory_space<vmem_shared>>
      tpu.enqueue_dma source(%dma_start3A_95 : memref<64x128xf32, #tpu.memory_space<vmem_shared>>) target(%arg12 : memref<64x128xf32, #tpu.memory_space<vmem>>) target_semaphore(%run_scoped3A : memref<!tpu.dma_semaphore, #tpu.memory_space<semaphore_mem>>)
      %dma_wait3A = arith.constant 0 : i32
      %dma_wait3A_96 = tpu.memref_slice %arg13[%add3A_80, %dma_wait3A] : memref<10240x128xf32, #tpu.memory_space<vmem_shared>> -> memref<64x128xf32, #tpu.memory_space<vmem_shared>>
      %dma_wait3A_97 = arith.constant 0 : i32
      %dma_wait3A_98 = tpu.memref_slice %arg13[%add3A_80, %dma_wait3A_97] : memref<10240x128xf32, #tpu.memory_space<vmem_shared>> -> memref<64x128xf32, #tpu.memory_space<vmem_shared>>
      tpu.wait_dma2 semaphore(%run_scoped3A : memref<!tpu.dma_semaphore, #tpu.memory_space<semaphore_mem>>) src(%dma_wait3A_98 : memref<64x128xf32, #tpu.memory_space<vmem_shared>>) dst(%arg12 : memref<64x128xf32, #tpu.memory_space<vmem>>)
      tpu.yield
    }) : () -> ()
    "tpu.region"() ({
      %run_scoped3A = tpu.sem_alloc : memref<!tpu.dma_semaphore, #tpu.memory_space<semaphore_mem>>
      %dma_start3A = arith.constant 0 : i32
      %dma_start3A_93 = arith.constant 0 : i32
      %dma_start3A_94 = tpu.memref_slice %arg4[%arg0, %dma_start3A, %dma_start3A_93] : memref<2x10240x128xf32, #tpu.memory_space<hbm>> -> memref<1x10240x128xf32, #tpu.memory_space<hbm>>
      %dma_start3A_95 = tpu.memref_squeeze %dma_start3A_94 : memref<1x10240x128xf32, #tpu.memory_space<hbm>> -> memref<10240x128xf32, #tpu.memory_space<hbm>>
      %dma_start3A_96 = arith.constant 0 : i32
      %dma_start3A_97 = tpu.memref_slice %dma_start3A_95[%add3A_80, %dma_start3A_96] : memref<10240x128xf32, #tpu.memory_space<hbm>> -> memref<64x128xf32, #tpu.memory_space<hbm>>
      %dma_start3A_98 = arith.constant 0 : i32
      %dma_start3A_99 = arith.constant 0 : i32
      %dma_start3A_100 = tpu.memref_slice %arg4[%arg0, %dma_start3A_98, %dma_start3A_99] : memref<2x10240x128xf32, #tpu.memory_space<hbm>> -> memref<1x10240x128xf32, #tpu.memory_space<hbm>>
      %dma_start3A_101 = tpu.memref_squeeze %dma_start3A_100 : memref<1x10240x128xf32, #tpu.memory_space<hbm>> -> memref<10240x128xf32, #tpu.memory_space<hbm>>
      %dma_start3A_102 = arith.constant 0 : i32
      %dma_start3A_103 = tpu.memref_slice %dma_start3A_101[%add3A_80, %dma_start3A_102] : memref<10240x128xf32, #tpu.memory_space<hbm>> -> memref<64x128xf32, #tpu.memory_space<hbm>>
      tpu.enqueue_dma source(%arg12 : memref<64x128xf32, #tpu.memory_space<vmem>>) target(%dma_start3A_103 : memref<64x128xf32, #tpu.memory_space<hbm>>) target_semaphore(%run_scoped3A : memref<!tpu.dma_semaphore, #tpu.memory_space<semaphore_mem>>)
      %dma_wait3A = arith.constant 0 : i32
      %dma_wait3A_104 = arith.constant 0 : i32
      %dma_wait3A_105 = tpu.memref_slice %arg4[%arg0, %dma_wait3A, %dma_wait3A_104] : memref<2x10240x128xf32, #tpu.memory_space<hbm>> -> memref<1x10240x128xf32, #tpu.memory_space<hbm>>
      %dma_wait3A_106 = tpu.memref_squeeze %dma_wait3A_105 : memref<1x10240x128xf32, #tpu.memory_space<hbm>> -> memref<10240x128xf32, #tpu.memory_space<hbm>>
      %dma_wait3A_107 = arith.constant 0 : i32
      %dma_wait3A_108 = tpu.memref_slice %dma_wait3A_106[%add3A_80, %dma_wait3A_107] : memref<10240x128xf32, #tpu.memory_space<hbm>> -> memref<64x128xf32, #tpu.memory_space<hbm>>
      %dma_wait3A_109 = arith.constant 0 : i32
      %dma_wait3A_110 = arith.constant 0 : i32
      %dma_wait3A_111 = tpu.memref_slice %arg4[%arg0, %dma_wait3A_109, %dma_wait3A_110] : memref<2x10240x128xf32, #tpu.memory_space<hbm>> -> memref<1x10240x128xf32, #tpu.memory_space<hbm>>
      %dma_wait3A_112 = tpu.memref_squeeze %dma_wait3A_111 : memref<1x10240x128xf32, #tpu.memory_space<hbm>> -> memref<10240x128xf32, #tpu.memory_space<hbm>>
      %dma_wait3A_113 = arith.constant 0 : i32
      %dma_wait3A_114 = tpu.memref_slice %dma_wait3A_112[%add3A_80, %dma_wait3A_113] : memref<10240x128xf32, #tpu.memory_space<hbm>> -> memref<64x128xf32, #tpu.memory_space<hbm>>
      tpu.wait_dma2 semaphore(%run_scoped3A : memref<!tpu.dma_semaphore, #tpu.memory_space<semaphore_mem>>) src(%arg12 : memref<64x128xf32, #tpu.memory_space<vmem>>) dst(%dma_wait3A_114 : memref<64x128xf32, #tpu.memory_space<hbm>>)
      tpu.yield
    }) : () -> ()
    %mul3A_81 = arith.constant 640 : i32
    %mul3A_82 = arith.muli %arg1, %mul3A_81 : i32
    %add3A_83 = arith.constant 448 : i32
    %add3A_84 = arith.addi %mul3A_82, %add3A_83 : i32
    "tpu.region"() ({
      %run_scoped3A = tpu.sem_alloc : memref<!tpu.dma_semaphore, #tpu.memory_space<semaphore_mem>>
      %dma_start3A = arith.constant 0 : i32
      %dma_start3A_93 = tpu.memref_slice %arg13[%add3A_84, %dma_start3A] : memref<10240x128xf32, #tpu.memory_space<vmem_shared>> -> memref<64x128xf32, #tpu.memory_space<vmem_shared>>
      %dma_start3A_94 = arith.constant 0 : i32
      %dma_start3A_95 = tpu.memref_slice %arg13[%add3A_84, %dma_start3A_94] : memref<10240x128xf32, #tpu.memory_space<vmem_shared>> -> memref<64x128xf32, #tpu.memory_space<vmem_shared>>
      tpu.enqueue_dma source(%dma_start3A_95 : memref<64x128xf32, #tpu.memory_space<vmem_shared>>) target(%arg12 : memref<64x128xf32, #tpu.memory_space<vmem>>) target_semaphore(%run_scoped3A : memref<!tpu.dma_semaphore, #tpu.memory_space<semaphore_mem>>)
      %dma_wait3A = arith.constant 0 : i32
      %dma_wait3A_96 = tpu.memref_slice %arg13[%add3A_84, %dma_wait3A] : memref<10240x128xf32, #tpu.memory_space<vmem_shared>> -> memref<64x128xf32, #tpu.memory_space<vmem_shared>>
      %dma_wait3A_97 = arith.constant 0 : i32
      %dma_wait3A_98 = tpu.memref_slice %arg13[%add3A_84, %dma_wait3A_97] : memref<10240x128xf32, #tpu.memory_space<vmem_shared>> -> memref<64x128xf32, #tpu.memory_space<vmem_shared>>
      tpu.wait_dma2 semaphore(%run_scoped3A : memref<!tpu.dma_semaphore, #tpu.memory_space<semaphore_mem>>) src(%dma_wait3A_98 : memref<64x128xf32, #tpu.memory_space<vmem_shared>>) dst(%arg12 : memref<64x128xf32, #tpu.memory_space<vmem>>)
      tpu.yield
    }) : () -> ()
    "tpu.region"() ({
      %run_scoped3A = tpu.sem_alloc : memref<!tpu.dma_semaphore, #tpu.memory_space<semaphore_mem>>
      %dma_start3A = arith.constant 0 : i32
      %dma_start3A_93 = arith.constant 0 : i32
      %dma_start3A_94 = tpu.memref_slice %arg4[%arg0, %dma_start3A, %dma_start3A_93] : memref<2x10240x128xf32, #tpu.memory_space<hbm>> -> memref<1x10240x128xf32, #tpu.memory_space<hbm>>
      %dma_start3A_95 = tpu.memref_squeeze %dma_start3A_94 : memref<1x10240x128xf32, #tpu.memory_space<hbm>> -> memref<10240x128xf32, #tpu.memory_space<hbm>>
      %dma_start3A_96 = arith.constant 0 : i32
      %dma_start3A_97 = tpu.memref_slice %dma_start3A_95[%add3A_84, %dma_start3A_96] : memref<10240x128xf32, #tpu.memory_space<hbm>> -> memref<64x128xf32, #tpu.memory_space<hbm>>
      %dma_start3A_98 = arith.constant 0 : i32
      %dma_start3A_99 = arith.constant 0 : i32
      %dma_start3A_100 = tpu.memref_slice %arg4[%arg0, %dma_start3A_98, %dma_start3A_99] : memref<2x10240x128xf32, #tpu.memory_space<hbm>> -> memref<1x10240x128xf32, #tpu.memory_space<hbm>>
      %dma_start3A_101 = tpu.memref_squeeze %dma_start3A_100 : memref<1x10240x128xf32, #tpu.memory_space<hbm>> -> memref<10240x128xf32, #tpu.memory_space<hbm>>
      %dma_start3A_102 = arith.constant 0 : i32
      %dma_start3A_103 = tpu.memref_slice %dma_start3A_101[%add3A_84, %dma_start3A_102] : memref<10240x128xf32, #tpu.memory_space<hbm>> -> memref<64x128xf32, #tpu.memory_space<hbm>>
      tpu.enqueue_dma source(%arg12 : memref<64x128xf32, #tpu.memory_space<vmem>>) target(%dma_start3A_103 : memref<64x128xf32, #tpu.memory_space<hbm>>) target_semaphore(%run_scoped3A : memref<!tpu.dma_semaphore, #tpu.memory_space<semaphore_mem>>)
      %dma_wait3A = arith.constant 0 : i32
      %dma_wait3A_104 = arith.constant 0 : i32
      %dma_wait3A_105 = tpu.memref_slice %arg4[%arg0, %dma_wait3A, %dma_wait3A_104] : memref<2x10240x128xf32, #tpu.memory_space<hbm>> -> memref<1x10240x128xf32, #tpu.memory_space<hbm>>
      %dma_wait3A_106 = tpu.memref_squeeze %dma_wait3A_105 : memref<1x10240x128xf32, #tpu.memory_space<hbm>> -> memref<10240x128xf32, #tpu.memory_space<hbm>>
      %dma_wait3A_107 = arith.constant 0 : i32
      %dma_wait3A_108 = tpu.memref_slice %dma_wait3A_106[%add3A_84, %dma_wait3A_107] : memref<10240x128xf32, #tpu.memory_space<hbm>> -> memref<64x128xf32, #tpu.memory_space<hbm>>
      %dma_wait3A_109 = arith.constant 0 : i32
      %dma_wait3A_110 = arith.constant 0 : i32
      %dma_wait3A_111 = tpu.memref_slice %arg4[%arg0, %dma_wait3A_109, %dma_wait3A_110] : memref<2x10240x128xf32, #tpu.memory_space<hbm>> -> memref<1x10240x128xf32, #tpu.memory_space<hbm>>
      %dma_wait3A_112 = tpu.memref_squeeze %dma_wait3A_111 : memref<1x10240x128xf32, #tpu.memory_space<hbm>> -> memref<10240x128xf32, #tpu.memory_space<hbm>>
      %dma_wait3A_113 = arith.constant 0 : i32
      %dma_wait3A_114 = tpu.memref_slice %dma_wait3A_112[%add3A_84, %dma_wait3A_113] : memref<10240x128xf32, #tpu.memory_space<hbm>> -> memref<64x128xf32, #tpu.memory_space<hbm>>
      tpu.wait_dma2 semaphore(%run_scoped3A : memref<!tpu.dma_semaphore, #tpu.memory_space<semaphore_mem>>) src(%arg12 : memref<64x128xf32, #tpu.memory_space<vmem>>) dst(%dma_wait3A_114 : memref<64x128xf32, #tpu.memory_space<hbm>>)
      tpu.yield
    }) : () -> ()
    %mul3A_85 = arith.constant 640 : i32
    %mul3A_86 = arith.muli %arg1, %mul3A_85 : i32
    %add3A_87 = arith.constant 512 : i32
    %add3A_88 = arith.addi %mul3A_86, %add3A_87 : i32
    "tpu.region"() ({
      %run_scoped3A = tpu.sem_alloc : memref<!tpu.dma_semaphore, #tpu.memory_space<semaphore_mem>>
      %dma_start3A = arith.constant 0 : i32
      %dma_start3A_93 = tpu.memref_slice %arg13[%add3A_88, %dma_start3A] : memref<10240x128xf32, #tpu.memory_space<vmem_shared>> -> memref<64x128xf32, #tpu.memory_space<vmem_shared>>
      %dma_start3A_94 = arith.constant 0 : i32
      %dma_start3A_95 = tpu.memref_slice %arg13[%add3A_88, %dma_start3A_94] : memref<10240x128xf32, #tpu.memory_space<vmem_shared>> -> memref<64x128xf32, #tpu.memory_space<vmem_shared>>
      tpu.enqueue_dma source(%dma_start3A_95 : memref<64x128xf32, #tpu.memory_space<vmem_shared>>) target(%arg12 : memref<64x128xf32, #tpu.memory_space<vmem>>) target_semaphore(%run_scoped3A : memref<!tpu.dma_semaphore, #tpu.memory_space<semaphore_mem>>)
      %dma_wait3A = arith.constant 0 : i32
      %dma_wait3A_96 = tpu.memref_slice %arg13[%add3A_88, %dma_wait3A] : memref<10240x128xf32, #tpu.memory_space<vmem_shared>> -> memref<64x128xf32, #tpu.memory_space<vmem_shared>>
      %dma_wait3A_97 = arith.constant 0 : i32
      %dma_wait3A_98 = tpu.memref_slice %arg13[%add3A_88, %dma_wait3A_97] : memref<10240x128xf32, #tpu.memory_space<vmem_shared>> -> memref<64x128xf32, #tpu.memory_space<vmem_shared>>
      tpu.wait_dma2 semaphore(%run_scoped3A : memref<!tpu.dma_semaphore, #tpu.memory_space<semaphore_mem>>) src(%dma_wait3A_98 : memref<64x128xf32, #tpu.memory_space<vmem_shared>>) dst(%arg12 : memref<64x128xf32, #tpu.memory_space<vmem>>)
      tpu.yield
    }) : () -> ()
    "tpu.region"() ({
      %run_scoped3A = tpu.sem_alloc : memref<!tpu.dma_semaphore, #tpu.memory_space<semaphore_mem>>
      %dma_start3A = arith.constant 0 : i32
      %dma_start3A_93 = arith.constant 0 : i32
      %dma_start3A_94 = tpu.memref_slice %arg4[%arg0, %dma_start3A, %dma_start3A_93] : memref<2x10240x128xf32, #tpu.memory_space<hbm>> -> memref<1x10240x128xf32, #tpu.memory_space<hbm>>
      %dma_start3A_95 = tpu.memref_squeeze %dma_start3A_94 : memref<1x10240x128xf32, #tpu.memory_space<hbm>> -> memref<10240x128xf32, #tpu.memory_space<hbm>>
      %dma_start3A_96 = arith.constant 0 : i32
      %dma_start3A_97 = tpu.memref_slice %dma_start3A_95[%add3A_88, %dma_start3A_96] : memref<10240x128xf32, #tpu.memory_space<hbm>> -> memref<64x128xf32, #tpu.memory_space<hbm>>
      %dma_start3A_98 = arith.constant 0 : i32
      %dma_start3A_99 = arith.constant 0 : i32
      %dma_start3A_100 = tpu.memref_slice %arg4[%arg0, %dma_start3A_98, %dma_start3A_99] : memref<2x10240x128xf32, #tpu.memory_space<hbm>> -> memref<1x10240x128xf32, #tpu.memory_space<hbm>>
      %dma_start3A_101 = tpu.memref_squeeze %dma_start3A_100 : memref<1x10240x128xf32, #tpu.memory_space<hbm>> -> memref<10240x128xf32, #tpu.memory_space<hbm>>
      %dma_start3A_102 = arith.constant 0 : i32
      %dma_start3A_103 = tpu.memref_slice %dma_start3A_101[%add3A_88, %dma_start3A_102] : memref<10240x128xf32, #tpu.memory_space<hbm>> -> memref<64x128xf32, #tpu.memory_space<hbm>>
      tpu.enqueue_dma source(%arg12 : memref<64x128xf32, #tpu.memory_space<vmem>>) target(%dma_start3A_103 : memref<64x128xf32, #tpu.memory_space<hbm>>) target_semaphore(%run_scoped3A : memref<!tpu.dma_semaphore, #tpu.memory_space<semaphore_mem>>)
      %dma_wait3A = arith.constant 0 : i32
      %dma_wait3A_104 = arith.constant 0 : i32
      %dma_wait3A_105 = tpu.memref_slice %arg4[%arg0, %dma_wait3A, %dma_wait3A_104] : memref<2x10240x128xf32, #tpu.memory_space<hbm>> -> memref<1x10240x128xf32, #tpu.memory_space<hbm>>
      %dma_wait3A_106 = tpu.memref_squeeze %dma_wait3A_105 : memref<1x10240x128xf32, #tpu.memory_space<hbm>> -> memref<10240x128xf32, #tpu.memory_space<hbm>>
      %dma_wait3A_107 = arith.constant 0 : i32
      %dma_wait3A_108 = tpu.memref_slice %dma_wait3A_106[%add3A_88, %dma_wait3A_107] : memref<10240x128xf32, #tpu.memory_space<hbm>> -> memref<64x128xf32, #tpu.memory_space<hbm>>
      %dma_wait3A_109 = arith.constant 0 : i32
      %dma_wait3A_110 = arith.constant 0 : i32
      %dma_wait3A_111 = tpu.memref_slice %arg4[%arg0, %dma_wait3A_109, %dma_wait3A_110] : memref<2x10240x128xf32, #tpu.memory_space<hbm>> -> memref<1x10240x128xf32, #tpu.memory_space<hbm>>
      %dma_wait3A_112 = tpu.memref_squeeze %dma_wait3A_111 : memref<1x10240x128xf32, #tpu.memory_space<hbm>> -> memref<10240x128xf32, #tpu.memory_space<hbm>>
      %dma_wait3A_113 = arith.constant 0 : i32
      %dma_wait3A_114 = tpu.memref_slice %dma_wait3A_112[%add3A_88, %dma_wait3A_113] : memref<10240x128xf32, #tpu.memory_space<hbm>> -> memref<64x128xf32, #tpu.memory_space<hbm>>
      tpu.wait_dma2 semaphore(%run_scoped3A : memref<!tpu.dma_semaphore, #tpu.memory_space<semaphore_mem>>) src(%arg12 : memref<64x128xf32, #tpu.memory_space<vmem>>) dst(%dma_wait3A_114 : memref<64x128xf32, #tpu.memory_space<hbm>>)
      tpu.yield
    }) : () -> ()
    %mul3A_89 = arith.constant 640 : i32
    %mul3A_90 = arith.muli %arg1, %mul3A_89 : i32
    %add3A_91 = arith.constant 576 : i32
    %add3A_92 = arith.addi %mul3A_90, %add3A_91 : i32
    "tpu.region"() ({
      %run_scoped3A = tpu.sem_alloc : memref<!tpu.dma_semaphore, #tpu.memory_space<semaphore_mem>>
      %dma_start3A = arith.constant 0 : i32
      %dma_start3A_93 = tpu.memref_slice %arg13[%add3A_92, %dma_start3A] : memref<10240x128xf32, #tpu.memory_space<vmem_shared>> -> memref<64x128xf32, #tpu.memory_space<vmem_shared>>
      %dma_start3A_94 = arith.constant 0 : i32
      %dma_start3A_95 = tpu.memref_slice %arg13[%add3A_92, %dma_start3A_94] : memref<10240x128xf32, #tpu.memory_space<vmem_shared>> -> memref<64x128xf32, #tpu.memory_space<vmem_shared>>
      tpu.enqueue_dma source(%dma_start3A_95 : memref<64x128xf32, #tpu.memory_space<vmem_shared>>) target(%arg12 : memref<64x128xf32, #tpu.memory_space<vmem>>) target_semaphore(%run_scoped3A : memref<!tpu.dma_semaphore, #tpu.memory_space<semaphore_mem>>)
      %dma_wait3A = arith.constant 0 : i32
      %dma_wait3A_96 = tpu.memref_slice %arg13[%add3A_92, %dma_wait3A] : memref<10240x128xf32, #tpu.memory_space<vmem_shared>> -> memref<64x128xf32, #tpu.memory_space<vmem_shared>>
      %dma_wait3A_97 = arith.constant 0 : i32
      %dma_wait3A_98 = tpu.memref_slice %arg13[%add3A_92, %dma_wait3A_97] : memref<10240x128xf32, #tpu.memory_space<vmem_shared>> -> memref<64x128xf32, #tpu.memory_space<vmem_shared>>
      tpu.wait_dma2 semaphore(%run_scoped3A : memref<!tpu.dma_semaphore, #tpu.memory_space<semaphore_mem>>) src(%dma_wait3A_98 : memref<64x128xf32, #tpu.memory_space<vmem_shared>>) dst(%arg12 : memref<64x128xf32, #tpu.memory_space<vmem>>)
      tpu.yield
    }) : () -> ()
    "tpu.region"() ({
      %run_scoped3A = tpu.sem_alloc : memref<!tpu.dma_semaphore, #tpu.memory_space<semaphore_mem>>
      %dma_start3A = arith.constant 0 : i32
      %dma_start3A_93 = arith.constant 0 : i32
      %dma_start3A_94 = tpu.memref_slice %arg4[%arg0, %dma_start3A, %dma_start3A_93] : memref<2x10240x128xf32, #tpu.memory_space<hbm>> -> memref<1x10240x128xf32, #tpu.memory_space<hbm>>
      %dma_start3A_95 = tpu.memref_squeeze %dma_start3A_94 : memref<1x10240x128xf32, #tpu.memory_space<hbm>> -> memref<10240x128xf32, #tpu.memory_space<hbm>>
      %dma_start3A_96 = arith.constant 0 : i32
      %dma_start3A_97 = tpu.memref_slice %dma_start3A_95[%add3A_92, %dma_start3A_96] : memref<10240x128xf32, #tpu.memory_space<hbm>> -> memref<64x128xf32, #tpu.memory_space<hbm>>
      %dma_start3A_98 = arith.constant 0 : i32
      %dma_start3A_99 = arith.constant 0 : i32
      %dma_start3A_100 = tpu.memref_slice %arg4[%arg0, %dma_start3A_98, %dma_start3A_99] : memref<2x10240x128xf32, #tpu.memory_space<hbm>> -> memref<1x10240x128xf32, #tpu.memory_space<hbm>>
      %dma_start3A_101 = tpu.memref_squeeze %dma_start3A_100 : memref<1x10240x128xf32, #tpu.memory_space<hbm>> -> memref<10240x128xf32, #tpu.memory_space<hbm>>
      %dma_start3A_102 = arith.constant 0 : i32
      %dma_start3A_103 = tpu.memref_slice %dma_start3A_101[%add3A_92, %dma_start3A_102] : memref<10240x128xf32, #tpu.memory_space<hbm>> -> memref<64x128xf32, #tpu.memory_space<hbm>>
      tpu.enqueue_dma source(%arg12 : memref<64x128xf32, #tpu.memory_space<vmem>>) target(%dma_start3A_103 : memref<64x128xf32, #tpu.memory_space<hbm>>) target_semaphore(%run_scoped3A : memref<!tpu.dma_semaphore, #tpu.memory_space<semaphore_mem>>)
      %dma_wait3A = arith.constant 0 : i32
      %dma_wait3A_104 = arith.constant 0 : i32
      %dma_wait3A_105 = tpu.memref_slice %arg4[%arg0, %dma_wait3A, %dma_wait3A_104] : memref<2x10240x128xf32, #tpu.memory_space<hbm>> -> memref<1x10240x128xf32, #tpu.memory_space<hbm>>
      %dma_wait3A_106 = tpu.memref_squeeze %dma_wait3A_105 : memref<1x10240x128xf32, #tpu.memory_space<hbm>> -> memref<10240x128xf32, #tpu.memory_space<hbm>>
      %dma_wait3A_107 = arith.constant 0 : i32
      %dma_wait3A_108 = tpu.memref_slice %dma_wait3A_106[%add3A_92, %dma_wait3A_107] : memref<10240x128xf32, #tpu.memory_space<hbm>> -> memref<64x128xf32, #tpu.memory_space<hbm>>
      %dma_wait3A_109 = arith.constant 0 : i32
      %dma_wait3A_110 = arith.constant 0 : i32
      %dma_wait3A_111 = tpu.memref_slice %arg4[%arg0, %dma_wait3A_109, %dma_wait3A_110] : memref<2x10240x128xf32, #tpu.memory_space<hbm>> -> memref<1x10240x128xf32, #tpu.memory_space<hbm>>
      %dma_wait3A_112 = tpu.memref_squeeze %dma_wait3A_111 : memref<1x10240x128xf32, #tpu.memory_space<hbm>> -> memref<10240x128xf32, #tpu.memory_space<hbm>>
      %dma_wait3A_113 = arith.constant 0 : i32
      %dma_wait3A_114 = tpu.memref_slice %dma_wait3A_112[%add3A_92, %dma_wait3A_113] : memref<10240x128xf32, #tpu.memory_space<hbm>> -> memref<64x128xf32, #tpu.memory_space<hbm>>
      tpu.wait_dma2 semaphore(%run_scoped3A : memref<!tpu.dma_semaphore, #tpu.memory_space<semaphore_mem>>) src(%arg12 : memref<64x128xf32, #tpu.memory_space<vmem>>) dst(%dma_wait3A_114 : memref<64x128xf32, #tpu.memory_space<hbm>>)
      tpu.yield
    }) : () -> ()
    "tpu.trace_stop"() : () -> ()
    return
  }
}

module attributes {stable_mosaic.version = 14 : i64} {
  func.func @_tc_body(%arg0: i32, %arg1: memref<1x2000x128xf32, #tpu.memory_space<vmem>>, %arg2: memref<1x2000x128xf32, #tpu.memory_space<vmem>>, %arg3: memref<128x128xf32, #tpu.memory_space<vmem>>, %arg4: memref<1x128xf32, #tpu.memory_space<vmem>>, %arg5: memref<2000x128xf32, #tpu.memory_space<vmem>>) attributes {dimension_semantics = [#tpu.dimension_semantics<arbitrary>], iteration_bounds = array<i64: 5>, scalar_prefetch = 0 : i64, scratch_operands = 0 : i64, tpu.core_type = #tpu.core_type<tc>, window_params = [{transform_indices = @transform_0, window_bounds = array<i64: 1, 2000, 128>}, {transform_indices = @transform_1, window_bounds = array<i64: 1, 2000, 128>}, {pipeline_mode = #tpu.pipeline_mode<synchronous>, transform_indices = @transform_2, window_bounds = array<i64: 128, 128>}, {pipeline_mode = #tpu.pipeline_mode<synchronous>, transform_indices = @transform_3, window_bounds = array<i64: 1, 128>}, {transform_indices = @transform_4, window_bounds = array<i64: 2000, 128>}]} {
    %get3A = arith.constant 0 : index
    %get3A_0 = arith.constant 0 : index
    %get3A_1 = arith.constant 0 : index
    %get3A_2 = vector.load %arg1[%get3A, %get3A_0, %get3A_1] : memref<1x2000x128xf32, #tpu.memory_space<vmem>>, vector<1x2000x128xf32>
    %get3A_3 = vector.shape_cast %get3A_2 : vector<1x2000x128xf32> to vector<2000x128xf32>
    %get3A_4 = arith.constant 0 : index
    %get3A_5 = arith.constant 0 : index
    %get3A_6 = arith.constant 0 : index
    %get3A_7 = vector.load %arg2[%get3A_4, %get3A_5, %get3A_6] : memref<1x2000x128xf32, #tpu.memory_space<vmem>>, vector<1x2000x128xf32>
    %get3A_8 = vector.shape_cast %get3A_7 : vector<1x2000x128xf32> to vector<2000x128xf32>
    %add3A = arith.addf %get3A_3, %get3A_8 : vector<2000x128xf32>
    %get3A_9 = arith.constant 0 : index
    %get3A_10 = arith.constant 0 : index
    %get3A_11 = vector.load %arg3[%get3A_9, %get3A_10] : memref<128x128xf32, #tpu.memory_space<vmem>>, vector<128x128xf32>
    %dot_general3A = arith.constant dense<0.000000e+00> : vector<2000x128xf32>
    %dot_general3A_12 = tpu.matmul %add3A, %get3A_11, %dot_general3A {dimension_numbers = #tpu.dot_dimension_numbers<[1], [1], [0], [0], [0, 0, 1, 0], [], []>, transpose_lhs_hint = false} : vector<2000x128xf32>, vector<128x128xf32>, vector<2000x128xf32> -> vector<2000x128xf32>
    %get3A_13 = arith.constant 0 : index
    %get3A_14 = arith.constant 0 : index
    %get3A_15 = vector.load %arg4[%get3A_13, %get3A_14] : memref<1x128xf32, #tpu.memory_space<vmem>>, vector<1x128xf32>
    %add3A_16 = vector.broadcast %get3A_15 : vector<1x128xf32> to vector<2000x128xf32>
    %add3A_17 = arith.addf %dot_general3A_12, %add3A_16 : vector<2000x128xf32>
    %max3A = arith.constant 0.000000e+00 : f32
    %max3A_18 = vector.broadcast %max3A : f32 to vector<2000x128xf32>
    %max3A_19 = arith.maximumf %add3A_17, %max3A_18 : vector<2000x128xf32>
    %swap3A = arith.constant 0 : index
    %swap3A_20 = arith.constant 0 : index
    %swap3A_21 = vector.load %arg5[%swap3A, %swap3A_20] : memref<2000x128xf32, #tpu.memory_space<vmem>>, vector<2000x128xf32>
    tpu.vector_store %arg5[%swap3A, %swap3A_20], %max3A_19 {strides = array<i32>} : memref<2000x128xf32, #tpu.memory_space<vmem>>, vector<2000x128xf32>,
    return
  }
  func.func @transform_0(%arg0: i32) -> (i32, i32, i32) {
    %c0_i32 = arith.constant 0 : i32
    %c0_i32_0 = arith.constant 0 : i32
    %c0_i32_1 = arith.constant 0 : i32
    return %c0_i32, %arg0, %c0_i32_0 : i32, i32, i32
  }
  func.func @transform_1(%arg0: i32) -> (i32, i32, i32) {
    %c1_i32 = arith.constant 1 : i32
    %c0_i32 = arith.constant 0 : i32
    %c0_i32_0 = arith.constant 0 : i32
    return %c1_i32, %arg0, %c0_i32 : i32, i32, i32
  }
  func.func @transform_2(%arg0: i32) -> (i32, i32) {
    %c0_i32 = arith.constant 0 : i32
    %c0_i32_0 = arith.constant 0 : i32
    %c0_i32_1 = arith.constant 0 : i32
    return %c0_i32, %c0_i32_0 : i32, i32
  }
  func.func @transform_3(%arg0: i32) -> (i32, i32) {
    %c0_i32 = arith.constant 0 : i32
    %c0_i32_0 = arith.constant 0 : i32
    %c0_i32_1 = arith.constant 0 : i32
    return %c0_i32, %c0_i32_0 : i32, i32
  }
  func.func @transform_4(%arg0: i32) -> (i32, i32) {
    %c0_i32 = arith.constant 0 : i32
    %c0_i32_0 = arith.constant 0 : i32
    return %arg0, %c0_i32 : i32, i32
  }
}

</mosaic_0001>

<sc_bundles>
// kernel: kernel.4.cloned.1.call-start
scs
__scs_entry_jumppad:
0x0: {  	(pc) =	sbr.rel $0x88, $3  }
0x1: {  	(tag) =	ssettag $0x0;
	lr =	simm.s32 $0x1  }
0x2: {  	[smem:$0x3F9D] =	sst lr;
	_ =	strace $0xD0000000  }
0x3: {  	_ = 	snop  }
0x4: {  	_ = 	snop  }
0x5: {  	_ = 	snop  }
0x6: {  	_ = 	snop  }
0x7: {  	_ = 	snop  }
__scs_overlays_trampoline_lowered:
0x8: {  	[smem:$0x3FAC] =	sst s0  }
0x9: {  	[smem:$0x3FAD] =	sst s1  }
0xa: {  	[smem:$0x3FAE] =	sst s2  }
0xb: {  	[smem:$0x3FAF] =	sst s3  }
0xc: {  	[smem:$0x3FB0] =	sst s4  }
0xd: {  	[smem:$0x3FB1] =	sst s5  }
0xe: {  	[smem:$0x3FB2] =	sst s6  }
0xf: {  	[smem:$0x3FB3] =	sst s7  }
0x10: {  	[smem:$0x3FB4] =	sst s8  }
0x11: {  	[smem:$0x3FB5] =	sst s9;
	s0 =	simm.s32 @!p0 $0x0  }
0x12: {  	s1 =	sld [smem:$0x3F9B];
	s0 =	simm.s32 @p0 $0x1  }
0x13: {  	[smem:$0x3FB6] =	sst s0;
	s0 =	simm.s32 @!p1 $0x0  }
0x14: {  	s2 =	sld [smem:$0x3F9A];
	s0 =	simm.s32 @p1 $0x1  }
0x15: {  	[smem:$0x3FB7] =	sst s0;
	s0 =	simm.s32 @!p2 $0x0  }
0x16: {  	s3 =	sld [smem:$0x3FDB];
	s0 =	simm.s32 @p2 $0x1  }
0x17: {  	s4 =	simm.s32 $0x1BF5;
	[smem:$0x3FB9] =	sst s0  }
0x18: {  	s0 =	sld [smem:$0x3F9C];
	_ =	swait.ge [sflag:s4], $0x0  }
0x19: {  	s7 =	sld [smem:$0x3F9D]  }
0x1a: {  	s8 =	sadd.s32 $0xFFFFE003, lr  }
0x1b: {  	s9 =	sadd.s32 $0xFFFFFEF7, lr;
	s5 =	simm.s32 $0xFFFFFFFF;
	p2 =	slt.u32 s8, $0xFFFFF086  }
0x1c: {  	p1 =	slt.u32 s9, $0xF7A;
	s5 =	simm.s32 @!p2 $0x0  }
0x1d: {  	s5 =	simm.s32 @p1 $0x1;
	p0 =	seq.s32 s7, s2  }
0x1e: {  	s7 =	smul.u32 @!p0 $0xF7A, s2;
	p2 =	seq.s32 @!p0 s5, $0x0  }
0x1f: {  	s9 =	smul.u32 $0xF7A, s1;
	s8 =	simm.s32 @!p0 $0x1BF5;
	p2 =	por !p2, p0  }
0x20: {  	[sflag:s8] =	ssyncset.s32 @!p0 $0xFFFFF086;
	s6 =	sadd.s32 @!p0 s3, s7;
	s7 =	simm.s32 @!p0 $0x108  }
0x21: {  	s3 =	sadd.s32 s3, s9;
	s6 =	sadd.s32 @!p0 $0x88, s6;
	s7 =	simm.s32 @p2 $0x1082  }
0x22: {  	[simem:s7], [sflag:s8] =	dma.local @!p0 [hbm:s6], $0xF7A  }
0x23: {  	s9 =	sor.u32 $0xD0000000, s2;
	s6 =	simm.s32 $0x108;
	_ =	swait.ge @!p0 [sflag:s8], $0x0  }
0x24: {  	s3 =	sadd.s32 $0x88, s3;
	s6 =	simm.s32 @!p1 $0x1082;
	[sflag:s4] =	ssyncset.s32 $0xFFFFF086  }
0x25: {  	[simem:s6], [sflag:s4] =	dma.local [hbm:s3], $0xF7A  }
0x26: {  	[smem:$0x3F9D] =	sst s1;
	(tag) =	ssettag s2;
	_ =	strace s9  }
0x27: {  	s1 =	sld [smem:$0x3FAD]  }
0x28: {  	s2 =	sld [smem:$0x3FAE]  }
0x29: {  	s4 =	sld [smem:$0x3FB0]  }
0x2a: {  	p0 =	seq.s32 s5, $0x0;
	s5 =	sld [smem:$0x3FB1]  }
0x2b: {  	s6 =	sld [smem:$0x3FB2]  }
0x2c: {  	s7 =	sld [smem:$0x3FB3]  }
0x2d: {  	s3 =	simm.s32 $0x108;
	s8 =	sld [smem:$0x3FB4]  }
0x2e: {  	s3 =	simm.s32 @!p0 $0x1082;
	s9 =	sld [smem:$0x3FB5]  }
0x2f: {  	lr =	sadd.s32 s0, s3;
	s0 =	sld [smem:$0x3FAC]  }
0x30: {  	s3 =	sld [smem:$0x3FAF]  }
0x31: {  	[smem:$0x3FB8] =	sst s10  }
0x32: {  	s10 =	sld [smem:$0x3FB6];
	_ =	sdelay $0x3  }
0x33: {  	p0 =	seq.s32 s10, $0x1;
	s10 =	sld [smem:$0x3FB8];
	_ =	sdelay $0x3  }
0x34: {  	[smem:$0x3FB8] =	sst s10  }
0x35: {  	s10 =	sld [smem:$0x3FB7];
	_ =	sdelay $0x3  }
0x36: {  	p1 =	seq.s32 s10, $0x1;
	s10 =	sld [smem:$0x3FB8];
	_ =	sdelay $0x3  }
0x37: {  	[smem:$0x3FB8] =	sst s10  }
0x38: {  	s10 =	sld [smem:$0x3FB9]  }
0x39: {  	_ = 	snop;
	(pc) =	sbr.ind lr, $3  }
0x3a: {  	_ = 	snop  }
0x3b: {  	_ = 	snop  }
0x3c: {  	p2 =	seq.s32 s10, $0x1;
	s10 =	sld [smem:$0x3FB8]  }
0x3d: {  	_ =	shalt  }
0x3e: {  	_ =	shalt  }
0x3f: {  	_ =	shalt  }
0x40: {  	_ =	shalt  }
0x41: {  	_ =	shalt  }
0x42: {  	_ =	shalt  }
0x43: {  	_ =	shalt  }
0x44: {  	_ =	shalt  }
0x45: {  	_ =	shalt  }
0x46: {  	_ =	shalt  }
0x47: {  	_ =	shalt  }
0x48: {  	_ =	shalt  }
0x49: {  	_ =	shalt  }
0x4a: {  	_ =	shalt  }
0x4b: {  	_ =	shalt  }
0x4c: {  	_ =	shalt  }
0x4d: {  	_ =	shalt  }
0x4e: {  	_ =	shalt  }
0x4f: {  	_ =	shalt  }
0x50: {  	_ =	shalt  }
0x51: {  	_ =	shalt  }
0x52: {  	_ =	shalt  }
0x53: {  	_ =	shalt  }
0x54: {  	_ =	shalt  }
0x55: {  	_ =	shalt  }
0x56: {  	_ =	shalt  }
0x57: {  	_ =	shalt  }
0x58: {  	_ =	shalt  }
0x59: {  	_ =	shalt  }
0x5a: {  	_ =	shalt  }
0x5b: {  	_ =	shalt  }
0x5c: {  	_ =	shalt  }
0x5d: {  	_ =	shalt  }
0x5e: {  	_ =	shalt  }
0x5f: {  	_ =	shalt  }
0x60: {  	_ =	shalt  }
0x61: {  	_ =	shalt  }
0x62: {  	_ =	shalt  }
0x63: {  	_ =	shalt  }
0x64: {  	_ =	shalt  }
0x65: {  	_ =	shalt  }
0x66: {  	_ =	shalt  }
0x67: {  	_ =	shalt  }
0x68: {  	_ =	shalt  }
0x69: {  	_ =	shalt  }
0x6a: {  	_ =	shalt  }
0x6b: {  	_ =	shalt  }
0x6c: {  	_ =	shalt  }
0x6d: {  	_ =	shalt  }
0x6e: {  	_ =	shalt  }
0x6f: {  	_ =	shalt  }
0x70: {  	_ =	shalt  }
0x71: {  	_ =	shalt  }
0x72: {  	_ =	shalt  }
0x73: {  	_ =	shalt  }
0x74: {  	_ =	shalt  }
0x75: {  	_ =	shalt  }
0x76: {  	_ =	shalt  }
0x77: {  	_ =	shalt  }
0x78: {  	_ =	shalt  }
0x79: {  	_ =	shalt  }
0x7a: {  	_ =	shalt  }
0x7b: {  	_ =	shalt  }
0x7c: {  	_ =	shalt  }
0x7d: {  	_ =	shalt  }
0x7e: {  	_ =	shalt  }
0x7f: {  	_ =	shalt  }
0x80: {  	_ =	shalt  }
0x81: {  	_ =	shalt  }
0x82: {  	_ =	shalt  }
0x83: {  	_ =	shalt  }
0x84: {  	_ =	shalt  }
0x85: {  	_ =	shalt  }
0x86: {  	_ =	shalt  }
0x87: {  	_ =	shalt  }
.Lfunc_end0:
.L_simem_size_0:
called_computation_lowered:
.L_overlay_start_0:
0x88: {  	s2 =	sld [smem:$0x3FD9]  }
0x89: {  	s3 =	sld [smem:$0x3FFE];
	_ =	sdelay $0x1  }
0x8a: {  	s1 =	srdreg.scid  }
0x8b: {  	s0 =	sand.u32 $0x1, s1  }
0x8c: {  	s17 =	sshll.u32 s0, $0xA;
	s2 =	sadd.s32 s3, s2  }
0x8d: {  	s2 =	sadd.s32 s2, s17  }
0x8e: {  	[smem:$0x3FC4] =	sst s2  }
0x8f: {  	_ = 	snop  }
0x90: {  	s2 =	sld [smem:$0x3FC9]  }
0x91: {  	s18 =	sld [smem:$0x3FC8];
	(tm) =	ssettm $0x1  }
0x92: {  	s4 =	sld [smem:$0x3FFB];
	_ =	sdelay $0x3  }
0x93: {  	_ =	strace s4  }
0x94: {  	s4 =	sld [smem:$0x3FFC];
	_ =	sdelay $0x3  }
0x95: {  	_ =	strace s4  }
0x96: {  	s4 =	sld [smem:$0x3FFD];
	_ =	sdelay $0x3  }
0x97: {  	_ =	strace s4  }
0x98: {  	_ =	strace $0x8FFFFFFF  }
0x99: {  	s19 =	sld [smem:$0x3FDB];
	_ =	sdelay $0x1  }
0x9a: {  	s5 =	simm.s32 $_scs_section_size  }
0x9b: {  	s6 =	simm.s32 $_size__tile_overlayer_lowered;
	s7 =	simm.s32 $_tile_overlayer_lowered  }
0x9c: {  	s22 =	simm.s32 $0x1BFF;
	s21 =	sshll.u32 s7, $0x1;
	s4 =	sadd.s32 s5, s19  }
0x9d: {  	s8 =	simm.s32 $0x0;
	s20 =	sshll.u32 s6, $0x1;
	s6 =	sadd.s32 s21, s4  }
0x9e: {  	[timem:s8], [sflag:s22] =	dma.local [hbm:s6], s20  }
0x9f: {  	_ =	swait.ge [sflag:s22], s20  }
0xa0: {  	s5 =	ssub.s32 $0x0, s20;
	[sflag:s22] =	ssyncset.done $0x0  }
0xa1: {  	[sflag:s22] =	ssyncadd.s32 s5;
	_ =	sdelay $0x1  }
0xa2: {  	s23 =	simm.s32 $0x1B8B  }
0xa3: {  	_ =	swait.ge [sflag:s23], $0x1  }
0xa4: {  	[sflag:s23] =	ssyncset.done $0x0  }
0xa5: {  	s25 =	simm.s32 $0x1B8E;
	s24 =	sld [smem:$0x3FFE];
	[sflag:s23] =	ssyncadd.s32 $0xFFFFFFFF  }
0xa6: {  	s26 =	simm.s32 $execute0_lowered;
	[smem:$0x3FD2] =	sst s25  }
0xa7: {  	s6 =	sshll.u32 s26, $0x1;
	_ =	strace $0x80000046;
	[dreg:$0x1] =	wrdreg $0xFFFFFFFF  }
0xa8: {  	s28 =	simm.s32 $_size_execute0_lowered;
	s4 =	sadd.s32 s4, s6;
	[dreg:$0x0] =	wrdreg $0x0  }
0xa9: {  	s6 =	sshll.u32 s28, $0x1;
	[dreg:$0x2] =	wrdreg s4  }
0xaa: {  	[dreg:$0x3] =	wrdreg s6  }
0xab: {  	[dreg:$0x4] =	wrdreg $0xC0  }
0xac: {  	_ =	task [dreg:s8], $0x5FFFF  }
0xad: {  	[dreg:$0x1] =	wrdreg $0xFFFFFFFF  }
0xae: {  	[dreg:$0x0] =	wrdreg $0x60  }
0xaf: {  	[dreg:$0x2] =	wrdreg s2  }
0xb0: {  	[dreg:$0x3] =	wrdreg s18  }
0xb1: {  	[dreg:$0x4] =	wrdreg s24  }
0xb2: {  	[dreg:$0x5] =	wrdreg $0xC0000  }
0xb3: {  	[dreg:$0x6] =	wrdreg $0x9  }
0xb4: {  	_ =	task.clear_ibuf [dreg:s8], $0x7FFFF;
	_ =	strace $0x90000046  }
0xb5: {  	s29 =	simm.s32 $0x9;
	_ =	strace $0x8000004B  }
0xb6: {  	_ =	swait.ge [sflag:s29], $0x1  }
0xb7: {  	[sflag:s29] =	ssyncadd.s32 $0xFFFFFFFF  }
0xb8: {  	_ =	strace $0x9000004B  }
0xb9: {  	_ =	sfence  }
0xba: {  	s30 =	sld [smem:$0x0];
	_ =	sdelay $0x2  }
0xbb: {  	s31 =	sshll.u32 s1, $0xD;
	s1 =	sshrl.u32 s1, $0x2  }
0xbc: {  	s3 =	sand.u32 $0x4000, s31;
	s1 =	sadd.s32 s1, s30  }
0xbd: {  	s0 =	sor.u32 s3, s0;
	s1 =	sshll.u32 s1, $0x11  }
0xbe: {  	s0 =	sor.u32 s1, s0  }
0xbf: {  	s0 =	sadd.s32 $0x8F2B, s0  }
0xc0: {  	[sflag:s0] =	ssyncadd.remote.s32 $0x1  }
0xc1: {  	_ =	sfence.sel $0xFFFF  }
0xc2: {  	[dreg:$0x0] =	wrdreg $0xFFFFFFFF;
	(pc) =	sbr.abs _section_cstart, $3  }
0xc3: {  	[dreg:$0x1] =	wrdreg $0xFFFFFFFF  }
0xc4: {  	_ =	task.clear_ibuf [dreg:s8], $0x2FFFF;
	_ =	strace $0x9FFFFFFF  }
0xc5: {  	(tm) =	ssettm $0x7FFFFFFF  }
tec
execute0_lowered:
.L_overlay_start_1:
0x0: {  	(tag) =	ssettag $0x1  }
0x1: {  	s0 =	rddreg [dreg:$0x0]  }
0x2: {  	s1 =	rddreg [dreg:$0x1]  }
0x3: {  	s4 =	rddreg [dreg:$0x2]  }
0x4: {  	s3 =	srdreg.scid;
	s25 =	stileid.u32  }
0x5: {  	s2 =	rddreg [dreg:$0x3];
	s31 =	simm.s32 $0xA000;
	s9 =	smul.u32 $0x280, s25  }
0x6: {  	s28 =	simm.s32 $0x100;
	s5 =	sand.u32 $0x1, s3;
	s16 =	smul.u32 $0x2800, s25  }
0x7: {  	s30 =	simm.s32 $0x40;
	s3 =	simm.s32 $0x0;
	s6 =	smul.u32 $0x28000, s5  }
0x8: {  	s7 =	ssub.s32 $0x2, s5;
	[smem:$0x7FF] =	sst s3;
	s5 =	sshll.u32 s5, $0x4  }
0x9: {  	s8 =	sshrl.u32 s7, $0x1;
	s10 =	sadd.s32 $0xC0, s9;
	s11 =	sadd.s32 $0x100, s9  }
0xa: {  	s12 =	sadd.s32 $0x140, s9;
	s13 =	sadd.s32 $0x180, s9;
	s14 =	sadd.s32 $0x1C0, s9  }
0xb: {  	s15 =	sadd.s32 $0x200, s9;
	s5 =	sor.u32 s25, s5;
	s6 =	sadd.s32 s6, s4  }
0xc: {  	s4 =	ssub.s32 s7, s8;
	s7 =	sor.u32 $0x40, s9;
	s8 =	sadd.s32 $0x80, s9  }
0xd: {  	s9 =	sadd.s32 $0x240, s9;
	s19 =	sshll.u32 s10, $0x4;
	s20 =	sshll.u32 s11, $0x4  }
0xe: {  	s21 =	sshll.u32 s12, $0x4;
	s22 =	sshll.u32 s13, $0x4;
	s23 =	sshll.u32 s14, $0x4  }
0xf: {  	s24 =	sshll.u32 s15, $0x4;
	s10 =	sshll.u32 s10, $0x7;
	s11 =	sshll.u32 s11, $0x7  }
0x10: {  	s12 =	sshll.u32 s12, $0x7;
	s13 =	sshll.u32 s13, $0x7;
	s14 =	sshll.u32 s14, $0x7  }
0x11: {  	p0 =	seq.s32 s5, $0x1F;
	s6 =	sadd.s32 $0xA00, s6;
	s17 =	sshll.u32 s7, $0x4  }
0x12: {  	s18 =	sshll.u32 s8, $0x4;
	s7 =	sshll.u32 s7, $0x7;
	s16 =	sadd.s32 s16, s6  }
0x13: {  	s8 =	sshll.u32 s8, $0x7;
	s17 =	sadd.s32 s17, s6;
	[dreg:$0x5] =	wrdreg s16  }
0x14: {  	s26 =	sadd.s32 s18, s6;
	s18 =	sadd.s32 s20, s6;
	[dreg:$0x6] =	wrdreg s17  }
0x15: {  	s20 =	sadd.s32 s22, s6;
	s22 =	sadd.s32 s24, s6;
	[dreg:$0x7] =	wrdreg s26  }
0x16: {  	s24 =	sshll.u32 s9, $0x4;
	s17 =	sadd.s32 s19, s6;
	[dreg:$0x9] =	wrdreg s18  }
0x17: {  	s19 =	sadd.s32 s21, s6;
	[dreg:$0xb] =	wrdreg s20;
	s21 =	sadd.s32 s23, s6  }
0x18: {  	[dreg:$0xd] =	wrdreg s22;
	s23 =	smul.u32 $0x50000, s25;
	s6 =	sadd.s32 s24, s6  }
0x19: {  	s18 =	sadd.s32 s10, s2;
	s20 =	sadd.s32 s12, s2;
	[dreg:$0x8] =	wrdreg s17  }
0x1a: {  	s16 =	smul.u32 $0x5000, s5;
	s22 =	sadd.s32 s14, s2;
	[dreg:$0xa] =	wrdreg s19  }
0x1b: {  	s25 =	sshll.u32 s15, $0x7;
	s5 =	smul.u32 $0xA00, s5;
	[dreg:$0xc] =	wrdreg s21  }
0x1c: {  	[dreg:$0xe] =	wrdreg s6;
	s6 =	sadd.s32 s7, s2;
	s17 =	sadd.s32 s8, s2  }
0x1d: {  	s19 =	sadd.s32 s11, s2;
	s21 =	sadd.s32 s13, s2;
	s11 =	sadd.s32 $0x10, s1  }
0x1e: {  	s8 =	simm.s32 $0x8000;
	_ =	strace $0x80000047;
	[dreg:$0xf] =	wrdreg s6  }
0x1f: {  	s26 =	sshrl.u32 s23, $0x2;
	s23 =	sadd.s32 s25, s2;
	[dreg:$0x10] =	wrdreg s5  }
0x20: {  	s5 =	sadd.s32 s1, s5;
	s25 =	sadd.s32 $0x13600, s1;
	s29 =	sadd.s32 s26, s2  }
0x21: {  	s26 =	sshll.u32 s9, $0x7;
	s9 =	sshrl.u32 s16, $0x3;
	[dreg:$0x15] =	wrdreg s5  }
0x22: {  	[dreg:$0x1a] =	wrdreg s25;
	s25 =	simm.s32 $0x5;
	s7 =	sadd.s32 $0x200, s9  }
0x23: {  	s5 =	simm.s32 $0x4000;
	s10 =	sadd.s32 $0x400, s9;
	[dreg:$0x11] =	wrdreg s7  }
0x24: {  	s24 =	sadd.s32 s26, s2;
	s12 =	sadd.s32 $0x600, s9;
	[dreg:$0x12] =	wrdreg s10  }
0x25: {  	s6 =	sadd.s32 $0x800, s9;
	s26 =	smax.u32 s4, $0x1;
	[dreg:$0x13] =	wrdreg s12  }
0x26: {  	s4 =	simm.s32 $0x2000;
	s9 =	simm.s32 $0x1;
	[dreg:$0x14] =	wrdreg s6  }
0x27: {  	s13 =	sadd.s32 s1, s7;
	s14 =	sadd.s32 s1, s10;
	[dreg:$0x1c] =	wrdreg s26  }
.Ltmp0:
0x28: {  	s15 =	sadd.s32 s1, s12;
	[dreg:$0x16] =	wrdreg s13;
	(pc) =	sbr.rel .LBB2_1-.Ltmp0, $4  }
0x29: {  	s16 =	sadd.s32 s1, s6;
	s1 =	sadd.s32 $0x13800, s1;
	[dreg:$0x17] =	wrdreg s14  }
0x2a: {  	s26 =	simm.s32 $0x80;
	s6 =	simm.s32 $0x6000;
	[dreg:$0x18] =	wrdreg s15  }
0x2b: {  	s10 =	simm.s32 $0x2;
	s12 =	simm.s32 $0x3;
	[dreg:$0x19] =	wrdreg s16  }
0x2c: {  	v0 =	vimm.f32 $0.0e+00;
	[dreg:$0x1b] =	wrdreg s1;
	s13 =	simm.s32 $0x4;
	s14 =	simm.s32 $0x0  }
.LBB2_24:
0x2d: {  	[tilespmem:s8], [sflag:$0x4] =	stream.indirect.gather [hbm4b:s0+s30], $0x80, s7, s30, $0x2000b8;
	v63 =	vld [tilespmem:$0x0]  }
0x2e: {  	s1 =	simm.s32 $0x1F80  }
0x2f: {  	s7 =	simm.s32 $0x1F00;
	s29 =	simm.s32 $0x1E80;
	s15 =	simm.s32 $0x1E00  }
.LBB2_30:
0x30: {  	_ =	swait.ge [sflag:s9], $0x2000  }
0x31: {  	[sflag:s9] =	ssyncset.done $0x0  }
0x32: {  	[sflag:s9] =	ssyncadd.s32 $0xFFFFE000  }
0x33: {  	[spmem:s2] =	stream.indirect.scatter.add.f32 [tilespmem:s4], [sflag:$0x5], $0x80, s15, s30, $0x2000b8;
	v63 =	vld [tilespmem:$0x0]  }
0x34: {  	_ =	swait.ge [sflag:s25], $0x2000  }
0x35: {  	[sflag:s25] =	ssyncset.done $0x0  }
0x36: {  	[sflag:s25] =	ssyncadd.s32 $0xFFFFE000  }
0x37: {  	_ =	swait.ge [sflag:s10], $0x2000  }
0x38: {  	[sflag:s10] =	ssyncset.done $0x0  }
0x39: {  	[sflag:s10] =	ssyncadd.s32 $0xFFFFE000  }
0x3a: {  	[spmem:s2] =	stream.indirect.scatter.add.f32 [tilespmem:s5], [sflag:$0x5], $0x80, s29, s30, $0x2000b8;
	v63 =	vld [tilespmem:$0x0]  }
0x3b: {  	_ =	swait.ge [sflag:s25], $0x2000  }
0x3c: {  	[sflag:s25] =	ssyncset.done $0x0  }
0x3d: {  	[sflag:s25] =	ssyncadd.s32 $0xFFFFE000  }
0x3e: {  	_ =	swait.ge [sflag:s12], $0x2000  }
0x3f: {  	[sflag:s12] =	ssyncset.done $0x0  }
0x40: {  	[sflag:s12] =	ssyncadd.s32 $0xFFFFE000  }
0x41: {  	[spmem:s2] =	stream.indirect.scatter.add.f32 [tilespmem:s6], [sflag:$0x5], $0x80, s7, s30, $0x2000b8;
	v63 =	vld [tilespmem:$0x0]  }
0x42: {  	_ =	swait.ge [sflag:s25], $0x2000  }
0x43: {  	[sflag:s25] =	ssyncset.done $0x0  }
0x44: {  	[sflag:s25] =	ssyncadd.s32 $0xFFFFE000  }
0x45: {  	_ =	swait.ge [sflag:s13], $0x2000  }
0x46: {  	[sflag:s13] =	ssyncset.done $0x0  }
0x47: {  	[sflag:s13] =	ssyncadd.s32 $0xFFFFE000  }
0x48: {  	[spmem:s2] =	stream.indirect.scatter.add.f32 [tilespmem:s8], [sflag:$0x5], $0x80, s1, s30, $0x2000b8;
	v63 =	vld [tilespmem:$0x0]  }
0x49: {  	_ =	swait.ge [sflag:s25], $0x2000  }
0x4a: {  	[sflag:s25] =	ssyncset.done $0x0  }
0x4b: {  	[sflag:s25] =	ssyncadd.s32 $0xFFFFE000  }
0x4c: {  	_ =	strace $0x90000049  }
0x4d: {  	_ =	strace $0x8000004A  }
0x4e: {  	[bflag:$0x0] =	sbarrier.arrive $0xFFFF  }
0x4f: {  	[tilespmem:s31], [sflag:$0x5] =	stream.linear.gather [spmem:s16], $0x2000, $0x200038;
	v63 =	vld [tilespmem:$0x0]  }
0x50: {  	_ =	swait.ge [sflag:s25], $0x2000  }
0x51: {  	[sflag:s25] =	ssyncset.done $0x0  }
0x52: {  	s7 =	rddreg [dreg:$0x5];
	[sflag:s25] =	ssyncadd.s32 $0xFFFFE000  }
0x53: {  	[hbm4b:s7+s3] =	stream.linear.scatter [tilespmem:s31], [sflag:$0x5], $0x2000, $0x200038;
	v63 =	vld [tilespmem:$0x0]  }
0x54: {  	_ =	swait.ge [sflag:s25], $0x2000  }
0x55: {  	[sflag:s25] =	ssyncset.done $0x0  }
0x56: {  	s15 =	rddreg [dreg:$0xf];
	[sflag:s25] =	ssyncadd.s32 $0xFFFFE000  }
0x57: {  	[tilespmem:s31], [sflag:$0x5] =	stream.linear.gather [spmem:s15], $0x2000, $0x200038;
	v63 =	vld [tilespmem:$0x0]  }
0x58: {  	_ =	swait.ge [sflag:s25], $0x2000  }
0x59: {  	[sflag:s25] =	ssyncset.done $0x0  }
0x5a: {  	s29 =	smov.u32 s16;
	s16 =	rddreg [dreg:$0x6];
	[sflag:s25] =	ssyncadd.s32 $0xFFFFE000  }
0x5b: {  	[hbm4b:s16+s3] =	stream.linear.scatter [tilespmem:s31], [sflag:$0x5], $0x2000, $0x200038;
	v63 =	vld [tilespmem:$0x0]  }
0x5c: {  	_ =	swait.ge [sflag:s25], $0x2000  }
0x5d: {  	[sflag:s25] =	ssyncset.done $0x0  }
0x5e: {  	[sflag:s25] =	ssyncadd.s32 $0xFFFFE000  }
0x5f: {  	[tilespmem:s31], [sflag:$0x5] =	stream.linear.gather [spmem:s17], $0x2000, $0x200038;
	v63 =	vld [tilespmem:$0x0]  }
0x60: {  	_ =	swait.ge [sflag:s25], $0x2000  }
0x61: {  	[sflag:s25] =	ssyncset.done $0x0  }
0x62: {  	s7 =	rddreg [dreg:$0x7];
	[sflag:s25] =	ssyncadd.s32 $0xFFFFE000  }
0x63: {  	[hbm4b:s7+s3] =	stream.linear.scatter [tilespmem:s31], [sflag:$0x5], $0x2000, $0x200038;
	v63 =	vld [tilespmem:$0x0]  }
0x64: {  	_ =	swait.ge [sflag:s25], $0x2000  }
0x65: {  	[sflag:s25] =	ssyncset.done $0x0  }
0x66: {  	[sflag:s25] =	ssyncadd.s32 $0xFFFFE000  }
0x67: {  	[tilespmem:s31], [sflag:$0x5] =	stream.linear.gather [spmem:s18], $0x2000, $0x200038;
	v63 =	vld [tilespmem:$0x0]  }
0x68: {  	_ =	swait.ge [sflag:s25], $0x2000  }
0x69: {  	[sflag:s25] =	ssyncset.done $0x0  }
0x6a: {  	s15 =	rddreg [dreg:$0x8];
	[sflag:s25] =	ssyncadd.s32 $0xFFFFE000  }
0x6b: {  	[hbm4b:s15+s3] =	stream.linear.scatter [tilespmem:s31], [sflag:$0x5], $0x2000, $0x200038;
	v63 =	vld [tilespmem:$0x0]  }
0x6c: {  	_ =	swait.ge [sflag:s25], $0x2000  }
0x6d: {  	[sflag:s25] =	ssyncset.done $0x0  }
0x6e: {  	[sflag:s25] =	ssyncadd.s32 $0xFFFFE000  }
0x6f: {  	[tilespmem:s31], [sflag:$0x5] =	stream.linear.gather [spmem:s19], $0x2000, $0x200038;
	v63 =	vld [tilespmem:$0x0]  }
0x70: {  	_ =	swait.ge [sflag:s25], $0x2000  }
0x71: {  	[sflag:s25] =	ssyncset.done $0x0  }
0x72: {  	s16 =	rddreg [dreg:$0x9];
	[sflag:s25] =	ssyncadd.s32 $0xFFFFE000  }
0x73: {  	[hbm4b:s16+s3] =	stream.linear.scatter [tilespmem:s31], [sflag:$0x5], $0x2000, $0x200038;
	v63 =	vld [tilespmem:$0x0]  }
0x74: {  	_ =	swait.ge [sflag:s25], $0x2000  }
0x75: {  	[sflag:s25] =	ssyncset.done $0x0  }
0x76: {  	[sflag:s25] =	ssyncadd.s32 $0xFFFFE000  }
0x77: {  	[tilespmem:s31], [sflag:$0x5] =	stream.linear.gather [spmem:s20], $0x2000, $0x200038;
	v63 =	vld [tilespmem:$0x0]  }
0x78: {  	_ =	swait.ge [sflag:s25], $0x2000  }
0x79: {  	[sflag:s25] =	ssyncset.done $0x0  }
0x7a: {  	s7 =	rddreg [dreg:$0xa];
	[sflag:s25] =	ssyncadd.s32 $0xFFFFE000  }
0x7b: {  	[hbm4b:s7+s3] =	stream.linear.scatter [tilespmem:s31], [sflag:$0x5], $0x2000, $0x200038;
	v63 =	vld [tilespmem:$0x0]  }
0x7c: {  	_ =	swait.ge [sflag:s25], $0x2000  }
0x7d: {  	[sflag:s25] =	ssyncset.done $0x0  }
0x7e: {  	[sflag:s25] =	ssyncadd.s32 $0xFFFFE000  }
0x7f: {  	[tilespmem:s31], [sflag:$0x5] =	stream.linear.gather [spmem:s21], $0x2000, $0x200038;
	v63 =	vld [tilespmem:$0x0]  }
0x80: {  	_ =	swait.ge [sflag:s25], $0x2000  }
0x81: {  	[sflag:s25] =	ssyncset.done $0x0  }
0x82: {  	s15 =	rddreg [dreg:$0xb];
	[sflag:s25] =	ssyncadd.s32 $0xFFFFE000  }
0x83: {  	[hbm4b:s15+s3] =	stream.linear.scatter [tilespmem:s31], [sflag:$0x5], $0x2000, $0x200038;
	v63 =	vld [tilespmem:$0x0]  }
0x84: {  	_ =	swait.ge [sflag:s25], $0x2000  }
0x85: {  	[sflag:s25] =	ssyncset.done $0x0  }
0x86: {  	[sflag:s25] =	ssyncadd.s32 $0xFFFFE000  }
0x87: {  	[tilespmem:s31], [sflag:$0x5] =	stream.linear.gather [spmem:s22], $0x2000, $0x200038;
	v63 =	vld [tilespmem:$0x0]  }
0x88: {  	_ =	swait.ge [sflag:s25], $0x2000  }
0x89: {  	[sflag:s25] =	ssyncset.done $0x0  }
0x8a: {  	s16 =	rddreg [dreg:$0xc];
	[sflag:s25] =	ssyncadd.s32 $0xFFFFE000  }
0x8b: {  	[hbm4b:s16+s3] =	stream.linear.scatter [tilespmem:s31], [sflag:$0x5], $0x2000, $0x200038;
	v63 =	vld [tilespmem:$0x0]  }
0x8c: {  	_ =	swait.ge [sflag:s25], $0x2000  }
0x8d: {  	[sflag:s25] =	ssyncset.done $0x0  }
0x8e: {  	[sflag:s25] =	ssyncadd.s32 $0xFFFFE000  }
0x8f: {  	[tilespmem:s31], [sflag:$0x5] =	stream.linear.gather [spmem:s23], $0x2000, $0x200038;
	v63 =	vld [tilespmem:$0x0]  }
0x90: {  	_ =	swait.ge [sflag:s25], $0x2000  }
0x91: {  	[sflag:s25] =	ssyncset.done $0x0  }
0x92: {  	s7 =	rddreg [dreg:$0xd];
	[sflag:s25] =	ssyncadd.s32 $0xFFFFE000  }
0x93: {  	[hbm4b:s7+s3] =	stream.linear.scatter [tilespmem:s31], [sflag:$0x5], $0x2000, $0x200038;
	v63 =	vld [tilespmem:$0x0]  }
0x94: {  	_ =	swait.ge [sflag:s25], $0x2000  }
0x95: {  	[sflag:s25] =	ssyncset.done $0x0  }
0x96: {  	[sflag:s25] =	ssyncadd.s32 $0xFFFFE000  }
0x97: {  	[tilespmem:s31], [sflag:$0x5] =	stream.linear.gather [spmem:s24], $0x2000, $0x200038;
	v63 =	vld [tilespmem:$0x0]  }
0x98: {  	_ =	swait.ge [sflag:s25], $0x2000  }
0x99: {  	[sflag:s25] =	ssyncset.done $0x0  }
0x9a: {  	s15 =	rddreg [dreg:$0xe];
	[sflag:s25] =	ssyncadd.s32 $0xFFFFE000  }
0x9b: {  	[hbm4b:s15+s3] =	stream.linear.scatter [tilespmem:s31], [sflag:$0x5], $0x2000, $0x200038;
	v63 =	vld [tilespmem:$0x0]  }
0x9c: {  	_ =	swait.ge [sflag:s25], $0x2000  }
0x9d: {  	s14 =	sadd.s32 $0x1, s14;
	s16 =	rddreg [dreg:$0x1c]  }
0x9e: {  	p1 =	sne.s32 s14, s16  }
.Ltmp1:
0x9f: {  	_ = 	snop;
	(pc) =	sbr.rel @!p1 .LBB2_31-.Ltmp1, $4  }
0xa0: {  	_ = 	snop  }
0xa1: {  	[sflag:s25] =	ssyncset.done $0x0  }
0xa2: {  	[sflag:s25] =	ssyncadd.s32 $0xFFFFE000  }
0xa3: {  	_ =	strace $0x9000004A  }
.LBB2_1:
0xa4: {  	_ =	strace $0x80000048;
	s1 =	simm.s32 $0x0;
	s7 =	simm.s32 $0x200  }
.LBB2_2:
0xa5: {  	p1 =	sne.s32 s7, $0x7E00;
	[tilespmem:s1+$0xA070] =	vst v0  }
0xa6: {  	[tilespmem:s1+$0xA000] =	vst v0  }
0xa7: {  	[tilespmem:s1+$0xA010] =	vst v0  }
.Ltmp2:
0xa8: {  	[tilespmem:s1+$0xA020] =	vst v0;
	(pc) =	sbr.rel @p1 .LBB2_2-.Ltmp2, $4  }
0xa9: {  	[tilespmem:s1+$0xA030] =	vst v0  }
0xaa: {  	[tilespmem:s1+$0xA040] =	vst v0  }
0xab: {  	[tilespmem:s1+$0xA050] =	vst v0  }
0xac: {  	[tilespmem:s1+$0xA060] =	vst v0;
	s1 =	sshra.s32 s7, $0x2;
	s7 =	sadd.s32 $0x200, s7  }
0xad: {  	[tilespmem:s1+$0xA070] =	vst v0  }
0xae: {  	[tilespmem:s1+$0xA000] =	vst v0  }
0xaf: {  	[tilespmem:s1+$0xA010] =	vst v0  }
0xb0: {  	[tilespmem:s1+$0xA020] =	vst v0  }
0xb1: {  	[tilespmem:s1+$0xA030] =	vst v0  }
0xb2: {  	[tilespmem:s1+$0xA040] =	vst v0  }
0xb3: {  	[tilespmem:s1+$0xA050] =	vst v0  }
0xb4: {  	[tilespmem:s1+$0xA060] =	vst v0  }
0xb5: {  	[spmem:s29] =	stream.linear.scatter [tilespmem:s31], [sflag:$0x5], $0x2000, $0x200038;
	v63 =	vld [tilespmem:$0x0]  }
0xb6: {  	_ =	swait.ge [sflag:s25], $0x2000  }
0xb7: {  	[sflag:s25] =	ssyncset.done $0x0  }
0xb8: {  	s16 =	smov.u32 s29;
	s29 =	rddreg [dreg:$0xf];
	[sflag:s25] =	ssyncadd.s32 $0xFFFFE000  }
0xb9: {  	[spmem:s29] =	stream.linear.scatter [tilespmem:s31], [sflag:$0x5], $0x2000, $0x200038;
	v63 =	vld [tilespmem:$0x0]  }
0xba: {  	_ =	swait.ge [sflag:s25], $0x2000  }
0xbb: {  	[sflag:s25] =	ssyncset.done $0x0  }
0xbc: {  	[sflag:s25] =	ssyncadd.s32 $0xFFFFE000  }
0xbd: {  	[spmem:s17] =	stream.linear.scatter [tilespmem:s31], [sflag:$0x5], $0x2000, $0x200038;
	v63 =	vld [tilespmem:$0x0]  }
0xbe: {  	_ =	swait.ge [sflag:s25], $0x2000  }
0xbf: {  	[sflag:s25] =	ssyncset.done $0x0  }
0xc0: {  	[sflag:s25] =	ssyncadd.s32 $0xFFFFE000  }
0xc1: {  	[spmem:s18] =	stream.linear.scatter [tilespmem:s31], [sflag:$0x5], $0x2000, $0x200038;
	v63 =	vld [tilespmem:$0x0]  }
0xc2: {  	_ =	swait.ge [sflag:s25], $0x2000  }
0xc3: {  	[sflag:s25] =	ssyncset.done $0x0  }
0xc4: {  	[sflag:s25] =	ssyncadd.s32 $0xFFFFE000  }
0xc5: {  	[spmem:s19] =	stream.linear.scatter [tilespmem:s31], [sflag:$0x5], $0x2000, $0x200038;
	v63 =	vld [tilespmem:$0x0]  }
0xc6: {  	_ =	swait.ge [sflag:s25], $0x2000  }
0xc7: {  	[sflag:s25] =	ssyncset.done $0x0  }
0xc8: {  	[sflag:s25] =	ssyncadd.s32 $0xFFFFE000  }
0xc9: {  	[spmem:s20] =	stream.linear.scatter [tilespmem:s31], [sflag:$0x5], $0x2000, $0x200038;
	v63 =	vld [tilespmem:$0x0]  }
0xca: {  	_ =	swait.ge [sflag:s25], $0x2000  }
0xcb: {  	[sflag:s25] =	ssyncset.done $0x0  }
0xcc: {  	[sflag:s25] =	ssyncadd.s32 $0xFFFFE000  }
0xcd: {  	[spmem:s21] =	stream.linear.scatter [tilespmem:s31], [sflag:$0x5], $0x2000, $0x200038;
	v63 =	vld [tilespmem:$0x0]  }
0xce: {  	_ =	swait.ge [sflag:s25], $0x2000  }
0xcf: {  	[sflag:s25] =	ssyncset.done $0x0  }
0xd0: {  	[sflag:s25] =	ssyncadd.s32 $0xFFFFE000  }
0xd1: {  	[spmem:s22] =	stream.linear.scatter [tilespmem:s31], [sflag:$0x5], $0x2000, $0x200038;
	v63 =	vld [tilespmem:$0x0]  }
0xd2: {  	_ =	swait.ge [sflag:s25], $0x2000  }
0xd3: {  	[sflag:s25] =	ssyncset.done $0x0  }
0xd4: {  	[sflag:s25] =	ssyncadd.s32 $0xFFFFE000  }
0xd5: {  	[spmem:s23] =	stream.linear.scatter [tilespmem:s31], [sflag:$0x5], $0x2000, $0x200038;
	v63 =	vld [tilespmem:$0x0]  }
0xd6: {  	_ =	swait.ge [sflag:s25], $0x2000  }
0xd7: {  	[sflag:s25] =	ssyncset.done $0x0  }
0xd8: {  	[sflag:s25] =	ssyncadd.s32 $0xFFFFE000  }
0xd9: {  	[spmem:s24] =	stream.linear.scatter [tilespmem:s31], [sflag:$0x5], $0x2000, $0x200038;
	v63 =	vld [tilespmem:$0x0]  }
0xda: {  	_ =	swait.ge [sflag:s25], $0x2000  }
.Ltmp3:
0xdb: {  	[sflag:s25] =	ssyncset.done $0x0;
	(pc) =	sbr.rel @!p0 .LBB2_4-.Ltmp3, $4  }
0xdc: {  	[sflag:s25] =	ssyncadd.s32 $0xFFFFE000  }
0xdd: {  	[bflag:$0x0] =	sbarrier.arrive $0xFFFF  }
0xde: {  	_ =	strace $0x90000048  }
0xdf: {  	s1 =	simm.s32 $0x0;
	_ =	strace $0x80000049  }
0xe0: {  	s7 =	rddreg [dreg:$0x1a]  }
0xe1: {  	[tilespmem:s1], [sflag:$0x5] =	stream.strided.gather [hbm4b:s7+s26], $0x800, s28, s26, $0x200038;
	v63 =	vld [tilespmem:$0x0]  }
0xe2: {  	_ =	swait.ge [sflag:s25], $0x800  }
0xe3: {  	[sflag:s25] =	ssyncset.done $0x0  }
0xe4: {  	s15 =	simm.s32 $0x800;
	s7 =	sadd.s32 $0x13600, s11;
	[sflag:s25] =	ssyncadd.s32 $0xFFFFF800  }
0xe5: {  	[tilespmem:s15], [sflag:$0x5] =	stream.strided.gather [hbm4b:s7+s26], $0x800, s28, s26, $0x200038;
	v63 =	vld [tilespmem:$0x0]  }
0xe6: {  	_ =	swait.ge [sflag:s25], $0x800  }
0xe7: {  	[sflag:s25] =	ssyncset.done $0x0  }
0xe8: {  	s15 =	simm.s32 $0x0;
	[sflag:s25] =	ssyncadd.s32 $0xFFFFF800  }
0xe9: {  	v1 =	vld [tilespmem:s15+$0x800];
	_ =	sdelay $0x3  }
0xea: {  	s1 =	simm.s32 $0x1020  }
0xeb: {  	[tilespmem:s1+$0xFFFFFFE0] =	vst v1  }
0xec: {  	v1 =	vld [tilespmem:s15+$0x810];
	_ =	sdelay $0x4  }
0xed: {  	[tilespmem:s1+$0xFFFFFFF0] =	vst v1  }
0xee: {  	v1 =	vld [tilespmem:s15+$0x820];
	_ =	sdelay $0x4  }
0xef: {  	[tilespmem:s1+$0x0] =	vst v1  }
0xf0: {  	v1 =	vld [tilespmem:s15+$0x830];
	_ =	sdelay $0x4  }
0xf1: {  	s29 =	simm.s32 $0x40;
	s7 =	simm.s32 $0x200;
	[tilespmem:s1+$0x10] =	vst v1  }
.LBB2_26:
0xf2: {  	p1 =	sne.s32 s7, $0x1F00;
	v1 =	vld [tilespmem:s29+$0x800];
	_ =	sdelay $0x3  }
0xf3: {  	s1 =	sadd.s32 $0x80, s1  }
0xf4: {  	[tilespmem:s1+$0xFFFFFFE0] =	vst v1  }
0xf5: {  	v1 =	vld [tilespmem:s29+$0x810];
	_ =	sdelay $0x4  }
0xf6: {  	[tilespmem:s1+$0xFFFFFFF0] =	vst v1  }
0xf7: {  	v1 =	vld [tilespmem:s29+$0x820];
	_ =	sdelay $0x4  }
0xf8: {  	[tilespmem:s1+$0x0] =	vst v1  }
0xf9: {  	v1 =	vld [tilespmem:s29+$0x830]  }
.Ltmp4:
0xfa: {  	(pc) =	sbr.rel @p1 .LBB2_26-.Ltmp4, $2  }
0xfb: {  	_ =	sdelay $0x2  }
0xfc: {  	s29 =	sshra.s32 s7, $0x2;
	s7 =	sadd.s32 $0x100, s7;
	[tilespmem:s1+$0x10] =	vst v1  }
0xfd: {  	v1 =	vld [tilespmem:s29+$0x800];
	_ =	sdelay $0x3  }
0xfe: {  	s1 =	sadd.s32 $0x80, s1  }
0xff: {  	[tilespmem:s1+$0xFFFFFFE0] =	vst v1  }
0x100: {  	v1 =	vld [tilespmem:s29+$0x810];
	_ =	sdelay $0x4  }
0x101: {  	[tilespmem:s1+$0xFFFFFFF0] =	vst v1  }
0x102: {  	v1 =	vld [tilespmem:s29+$0x820];
	_ =	sdelay $0x4  }
0x103: {  	[tilespmem:s1+$0x0] =	vst v1  }
0x104: {  	v1 =	vld [tilespmem:s29+$0x830];
	_ =	sdelay $0x4  }
0x105: {  	s15 =	simm.s32 $0x0;
	[tilespmem:s1+$0x10] =	vst v1  }
0x106: {  	[tilespmem:s4], [sflag:$0x1] =	stream.indirect.gather [hbm4b:s0+s30], $0x80, s15, s30, $0x2000b8;
	v63 =	vld [tilespmem:$0x0]  }
0x107: {  	_ = 	snop  }
0x108: {  	[tilespmem:s5], [sflag:$0x2] =	stream.indirect.gather [hbm4b:s0+s30], $0x80, s30, s30, $0x2000b8;
	v63 =	vld [tilespmem:$0x0]  }
0x109: {  	_ = 	snop  }
0x10a: {  	[tilespmem:s6], [sflag:$0x3] =	stream.indirect.gather [hbm4b:s0+s30], $0x80, s26, s30, $0x2000b8;
	v63 =	vld [tilespmem:$0x0]  }
0x10b: {  	s7 =	simm.s32 $0xC0  }
0x10c: {  	[tilespmem:s8], [sflag:$0x4] =	stream.indirect.gather [hbm4b:s0+s30], $0x80, s7, s30, $0x2000b8;
	v63 =	vld [tilespmem:$0x0]  }
0x10d: {  	_ =	swait.ge [sflag:s9], $0x2000  }
0x10e: {  	[sflag:s9] =	ssyncset.done $0x0  }
0x10f: {  	s15 =	simm.s32 $0x1000;
	[sflag:s9] =	ssyncadd.s32 $0xFFFFE000  }
0x110: {  	[spmem:s2] =	stream.indirect.scatter.add.f32 [tilespmem:s4], [sflag:$0x5], $0x80, s15, s30, $0x2000b8;
	v63 =	vld [tilespmem:$0x0]  }
0x111: {  	_ =	swait.ge [sflag:s25], $0x2000  }
0x112: {  	[sflag:s25] =	ssyncset.done $0x0  }
0x113: {  	s7 =	simm.s32 $0x100;
	[sflag:s25] =	ssyncadd.s32 $0xFFFFE000  }
0x114: {  	[tilespmem:s4], [sflag:$0x1] =	stream.indirect.gather [hbm4b:s0+s30], $0x80, s7, s30, $0x2000b8;
	v63 =	vld [tilespmem:$0x0]  }
0x115: {  	_ =	swait.ge [sflag:s10], $0x2000  }
0x116: {  	[sflag:s10] =	ssyncset.done $0x0  }
0x117: {  	s15 =	simm.s32 $0x1080;
	[sflag:s10] =	ssyncadd.s32 $0xFFFFE000  }
0x118: {  	[spmem:s2] =	stream.indirect.scatter.add.f32 [tilespmem:s5], [sflag:$0x5], $0x80, s15, s30, $0x2000b8;
	v63 =	vld [tilespmem:$0x0]  }
0x119: {  	_ =	swait.ge [sflag:s25], $0x2000  }
0x11a: {  	[sflag:s25] =	ssyncset.done $0x0  }
0x11b: {  	s7 =	simm.s32 $0x140;
	[sflag:s25] =	ssyncadd.s32 $0xFFFFE000  }
0x11c: {  	[tilespmem:s5], [sflag:$0x2] =	stream.indirect.gather [hbm4b:s0+s30], $0x80, s7, s30, $0x2000b8;
	v63 =	vld [tilespmem:$0x0]  }
0x11d: {  	_ =	swait.ge [sflag:s12], $0x2000  }
0x11e: {  	[sflag:s12] =	ssyncset.done $0x0  }
0x11f: {  	s15 =	simm.s32 $0x1100;
	[sflag:s12] =	ssyncadd.s32 $0xFFFFE000  }
0x120: {  	[spmem:s2] =	stream.indirect.scatter.add.f32 [tilespmem:s6], [sflag:$0x5], $0x80, s15, s30, $0x2000b8;
	v63 =	vld [tilespmem:$0x0]  }
0x121: {  	_ =	swait.ge [sflag:s25], $0x2000  }
0x122: {  	[sflag:s25] =	ssyncset.done $0x0  }
0x123: {  	s7 =	simm.s32 $0x180;
	[sflag:s25] =	ssyncadd.s32 $0xFFFFE000  }
0x124: {  	[tilespmem:s6], [sflag:$0x3] =	stream.indirect.gather [hbm4b:s0+s30], $0x80, s7, s30, $0x2000b8;
	v63 =	vld [tilespmem:$0x0]  }
0x125: {  	_ =	swait.ge [sflag:s13], $0x2000  }
0x126: {  	[sflag:s13] =	ssyncset.done $0x0  }
0x127: {  	s15 =	simm.s32 $0x1180;
	[sflag:s13] =	ssyncadd.s32 $0xFFFFE000  }
0x128: {  	[spmem:s2] =	stream.indirect.scatter.add.f32 [tilespmem:s8], [sflag:$0x5], $0x80, s15, s30, $0x2000b8;
	v63 =	vld [tilespmem:$0x0]  }
0x129: {  	_ =	swait.ge [sflag:s25], $0x2000  }
0x12a: {  	s29 =	simm.s32 $0x1380;
	[sflag:s25] =	ssyncset.done $0x0  }
0x12b: {  	s1 =	simm.s32 $0x400;
	s7 =	simm.s32 $0x1C0;
	[sflag:s25] =	ssyncadd.s32 $0xFFFFE000  }
.LBB2_28:
0x12c: {  	[tilespmem:s8], [sflag:$0x4] =	stream.indirect.gather [hbm4b:s0+s30], $0x80, s7, s30, $0x2000b8;
	v63 =	vld [tilespmem:$0x0]  }
0x12d: {  	s7 =	smov.u32 s1  }
0x12e: {  	p1 =	sne.s32 s1, $0x1800;
	s1 =	sadd.s32 $0x400, s1;
	_ =	swait.ge [sflag:s9], $0x2000  }
0x12f: {  	[sflag:s9] =	ssyncset.done $0x0  }
0x130: {  	s15 =	sadd.s32 $0xFFFFFE80, s29;
	[sflag:s9] =	ssyncadd.s32 $0xFFFFE000  }
0x131: {  	[spmem:s2] =	stream.indirect.scatter.add.f32 [tilespmem:s4], [sflag:$0x5], $0x80, s15, s30, $0x2000b8;
	v63 =	vld [tilespmem:$0x0]  }
0x132: {  	_ =	swait.ge [sflag:s25], $0x2000  }
0x133: {  	s7 =	sshra.s32 s7, $0x2;
	[sflag:s25] =	ssyncset.done $0x0  }
0x134: {  	s15 =	sadd.s32 $0x100, s7;
	[sflag:s25] =	ssyncadd.s32 $0xFFFFE000  }
0x135: {  	[tilespmem:s4], [sflag:$0x1] =	stream.indirect.gather [hbm4b:s0+s30], $0x80, s15, s30, $0x2000b8;
	v63 =	vld [tilespmem:$0x0]  }
0x136: {  	_ =	swait.ge [sflag:s10], $0x2000  }
0x137: {  	[sflag:s10] =	ssyncset.done $0x0  }
0x138: {  	s15 =	sadd.s32 $0xFFFFFF00, s29;
	[sflag:s10] =	ssyncadd.s32 $0xFFFFE000  }
0x139: {  	[spmem:s2] =	stream.indirect.scatter.add.f32 [tilespmem:s5], [sflag:$0x5], $0x80, s15, s30, $0x2000b8;
	v63 =	vld [tilespmem:$0x0]  }
0x13a: {  	_ =	swait.ge [sflag:s25], $0x2000  }
0x13b: {  	[sflag:s25] =	ssyncset.done $0x0  }
0x13c: {  	s15 =	sadd.s32 $0x140, s7;
	[sflag:s25] =	ssyncadd.s32 $0xFFFFE000  }
0x13d: {  	[tilespmem:s5], [sflag:$0x2] =	stream.indirect.gather [hbm4b:s0+s30], $0x80, s15, s30, $0x2000b8;
	v63 =	vld [tilespmem:$0x0]  }
0x13e: {  	_ =	swait.ge [sflag:s12], $0x2000  }
0x13f: {  	[sflag:s12] =	ssyncset.done $0x0  }
0x140: {  	s15 =	sadd.s32 $0xFFFFFF80, s29;
	[sflag:s12] =	ssyncadd.s32 $0xFFFFE000  }
0x141: {  	[spmem:s2] =	stream.indirect.scatter.add.f32 [tilespmem:s6], [sflag:$0x5], $0x80, s15, s30, $0x2000b8;
	v63 =	vld [tilespmem:$0x0]  }
0x142: {  	_ =	swait.ge [sflag:s25], $0x2000  }
0x143: {  	[sflag:s25] =	ssyncset.done $0x0  }
0x144: {  	s15 =	sadd.s32 $0x180, s7;
	[sflag:s25] =	ssyncadd.s32 $0xFFFFE000  }
0x145: {  	[tilespmem:s6], [sflag:$0x3] =	stream.indirect.gather [hbm4b:s0+s30], $0x80, s15, s30, $0x2000b8;
	v63 =	vld [tilespmem:$0x0]  }
0x146: {  	_ =	swait.ge [sflag:s13], $0x2000  }
0x147: {  	[sflag:s13] =	ssyncset.done $0x0  }
.Ltmp5:
0x148: {  	[sflag:s13] =	ssyncadd.s32 $0xFFFFE000;
	(pc) =	sbr.rel @p1 .LBB2_28-.Ltmp5, $4  }
0x149: {  	[spmem:s2] =	stream.indirect.scatter.add.f32 [tilespmem:s8], [sflag:$0x5], $0x80, s29, s30, $0x2000b8;
	v63 =	vld [tilespmem:$0x0]  }
0x14a: {  	_ =	swait.ge [sflag:s25], $0x2000  }
0x14b: {  	[sflag:s25] =	ssyncset.done $0x0  }
0x14c: {  	s7 =	sadd.s32 $0x1C0, s7;
	s29 =	sadd.s32 $0x200, s29;
	[sflag:s25] =	ssyncadd.s32 $0xFFFFE000  }
0x14d: {  	[tilespmem:s8], [sflag:$0x4] =	stream.indirect.gather [hbm4b:s0+s30], $0x80, s7, s30, $0x2000b8;
	v63 =	vld [tilespmem:$0x0]  }
0x14e: {  	_ =	swait.ge [sflag:s9], $0x2000  }
0x14f: {  	[sflag:s9] =	ssyncset.done $0x0  }
0x150: {  	s1 =	simm.s32 $0x1E00;
	[sflag:s9] =	ssyncadd.s32 $0xFFFFE000  }
0x151: {  	[spmem:s2] =	stream.indirect.scatter.add.f32 [tilespmem:s4], [sflag:$0x5], $0x80, s1, s30, $0x2000b8;
	v63 =	vld [tilespmem:$0x0]  }
0x152: {  	_ =	swait.ge [sflag:s25], $0x2000  }
0x153: {  	[sflag:s25] =	ssyncset.done $0x0  }
0x154: {  	[sflag:s25] =	ssyncadd.s32 $0xFFFFE000  }
0x155: {  	_ =	swait.ge [sflag:s10], $0x2000  }
0x156: {  	[sflag:s10] =	ssyncset.done $0x0  }
0x157: {  	s7 =	simm.s32 $0x1E80;
	[sflag:s10] =	ssyncadd.s32 $0xFFFFE000  }
0x158: {  	[spmem:s2] =	stream.indirect.scatter.add.f32 [tilespmem:s5], [sflag:$0x5], $0x80, s7, s30, $0x2000b8;
	v63 =	vld [tilespmem:$0x0]  }
0x159: {  	_ =	swait.ge [sflag:s25], $0x2000  }
0x15a: {  	[sflag:s25] =	ssyncset.done $0x0  }
0x15b: {  	[sflag:s25] =	ssyncadd.s32 $0xFFFFE000  }
0x15c: {  	_ =	swait.ge [sflag:s12], $0x2000  }
0x15d: {  	[sflag:s12] =	ssyncset.done $0x0  }
0x15e: {  	s15 =	simm.s32 $0x1F00;
	[sflag:s12] =	ssyncadd.s32 $0xFFFFE000  }
0x15f: {  	[spmem:s2] =	stream.indirect.scatter.add.f32 [tilespmem:s6], [sflag:$0x5], $0x80, s15, s30, $0x2000b8;
	v63 =	vld [tilespmem:$0x0]  }
0x160: {  	_ =	swait.ge [sflag:s25], $0x2000  }
0x161: {  	[sflag:s25] =	ssyncset.done $0x0  }
0x162: {  	[sflag:s25] =	ssyncadd.s32 $0xFFFFE000  }
0x163: {  	_ =	swait.ge [sflag:s13], $0x2000  }
0x164: {  	[sflag:s13] =	ssyncset.done $0x0  }
0x165: {  	s7 =	simm.s32 $0x1F80;
	[sflag:s13] =	ssyncadd.s32 $0xFFFFE000  }
0x166: {  	[spmem:s2] =	stream.indirect.scatter.add.f32 [tilespmem:s8], [sflag:$0x5], $0x80, s7, s30, $0x2000b8;
	v63 =	vld [tilespmem:$0x0]  }
0x167: {  	_ =	swait.ge [sflag:s25], $0x2000  }
0x168: {  	[sflag:s25] =	ssyncset.done $0x0  }
0x169: {  	s15 =	rddreg [dreg:$0x1b];
	[sflag:s25] =	ssyncadd.s32 $0xFFFFE000  }
0x16a: {  	[tilespmem:s3], [sflag:$0x5] =	stream.strided.gather [hbm4b:s15+s26], $0x200, s28, s26, $0x200038;
	v63 =	vld [tilespmem:$0x0]  }
0x16b: {  	_ =	swait.ge [sflag:s25], $0x200  }
0x16c: {  	[sflag:s25] =	ssyncset.done $0x0  }
0x16d: {  	s7 =	sadd.s32 $0x13800, s11;
	s15 =	simm.s32 $0x800;
	[sflag:s25] =	ssyncadd.s32 $0xFFFFFE00  }
0x16e: {  	[tilespmem:s15], [sflag:$0x5] =	stream.strided.gather [hbm4b:s7+s26], $0x200, s28, s26, $0x200038;
	v63 =	vld [tilespmem:$0x0]  }
0x16f: {  	_ =	swait.ge [sflag:s25], $0x200  }
0x170: {  	[sflag:s25] =	ssyncset.done $0x0  }
0x171: {  	[sflag:s25] =	ssyncadd.s32 $0xFFFFFE00  }
0x172: {  	v1 =	vld [tilespmem:$0x800]  }
0x173: {  	v2 =	vld [tilespmem:$0x810]  }
0x174: {  	v3 =	vld [tilespmem:$0x820]  }
0x175: {  	v4 =	vld [tilespmem:$0x830]  }
0x176: {  	v5 =	vld [tilespmem:$0x840]  }
0x177: {  	[tilespmem:$0x1000] =	vst v1;
	v1 =	vld [tilespmem:$0x850]  }
0x178: {  	[tilespmem:$0x1010] =	vst v2;
	v2 =	vld [tilespmem:$0x860]  }
0x179: {  	v53 =	vld [tilespmem:$0x880];
	[tilespmem:$0x1020] =	vst v3  }
0x17a: {  	v54 =	vld [tilespmem:$0x890];
	[tilespmem:$0x1030] =	vst v4  }
0x17b: {  	v3 =	vld [tilespmem:$0x870];
	[tilespmem:$0x1080] =	vst v5  }
0x17c: {  	[tilespmem:$0x1090] =	vst v1;
	v1 =	vld [tilespmem:$0x8A0]  }
0x17d: {  	[tilespmem:$0x10A0] =	vst v2;
	v2 =	vld [tilespmem:$0x8B0]  }
0x17e: {  	v55 =	vld [tilespmem:$0x8D0];
	[tilespmem:$0x1100] =	vst v53  }
0x17f: {  	v56 =	vld [tilespmem:$0x8E0];
	[tilespmem:$0x1110] =	vst v54  }
0x180: {  	[tilespmem:$0x10B0] =	vst v3;
	v3 =	vld [tilespmem:$0x8C0]  }
0x181: {  	[tilespmem:$0x1120] =	vst v1;
	v1 =	vld [tilespmem:$0x8F0]  }
0x182: {  	[tilespmem:$0x1130] =	vst v2;
	v2 =	vld [tilespmem:$0x900]  }
0x183: {  	v57 =	vld [tilespmem:$0x920];
	[tilespmem:$0x1190] =	vst v55  }
0x184: {  	v58 =	vld [tilespmem:$0x930];
	[tilespmem:$0x11A0] =	vst v56  }
0x185: {  	[tilespmem:$0x1180] =	vst v3;
	v3 =	vld [tilespmem:$0x910]  }
0x186: {  	[tilespmem:$0x11B0] =	vst v1;
	v1 =	vld [tilespmem:$0x940]  }
0x187: {  	[tilespmem:$0x1200] =	vst v2;
	v2 =	vld [tilespmem:$0x950]  }
0x188: {  	v59 =	vld [tilespmem:$0x970];
	[tilespmem:$0x1220] =	vst v57  }
0x189: {  	v60 =	vld [tilespmem:$0x980];
	[tilespmem:$0x1230] =	vst v58  }
0x18a: {  	[tilespmem:$0x1210] =	vst v3;
	v3 =	vld [tilespmem:$0x960]  }
0x18b: {  	[tilespmem:$0x1280] =	vst v1;
	v1 =	vld [tilespmem:$0x990]  }
0x18c: {  	[tilespmem:$0x1290] =	vst v2;
	v2 =	vld [tilespmem:$0x9A0]  }
0x18d: {  	v61 =	vld [tilespmem:$0x9C0];
	[tilespmem:$0x12B0] =	vst v59  }
0x18e: {  	v62 =	vld [tilespmem:$0x9D0];
	[tilespmem:$0x1300] =	vst v60  }
0x18f: {  	[tilespmem:$0x12A0] =	vst v3;
	v3 =	vld [tilespmem:$0x9B0]  }
0x190: {  	[tilespmem:$0x1310] =	vst v1;
	v1 =	vld [tilespmem:$0x9E0]  }
0x191: {  	[tilespmem:$0x1320] =	vst v2;
	v2 =	vld [tilespmem:$0x9F0]  }
0x192: {  	[tilespmem:$0x1380] =	vst v61  }
0x193: {  	[tilespmem:$0x1390] =	vst v62  }
0x194: {  	[tilespmem:$0x1330] =	vst v3  }
0x195: {  	[tilespmem:$0x13A0] =	vst v1  }
0x196: {  	[tilespmem:$0x13B0] =	vst v2  }
0x197: {  	[tilespmem:s4], [sflag:$0x1] =	stream.indirect.gather [hbm4b:s0+s30], $0x80, s3, s30, $0x2000b8;
	v63 =	vld [tilespmem:$0x0]  }
0x198: {  	_ = 	snop  }
0x199: {  	[tilespmem:s5], [sflag:$0x2] =	stream.indirect.gather [hbm4b:s0+s30], $0x80, s30, s30, $0x2000b8;
	v63 =	vld [tilespmem:$0x0]  }
0x19a: {  	_ = 	snop  }
0x19b: {  	[tilespmem:s6], [sflag:$0x3] =	stream.indirect.gather [hbm4b:s0+s30], $0x80, s26, s30, $0x2000b8;
	v63 =	vld [tilespmem:$0x0]  }
0x19c: {  	s7 =	simm.s32 $0xC0  }
0x19d: {  	[tilespmem:s8], [sflag:$0x4] =	stream.indirect.gather [hbm4b:s0+s30], $0x80, s7, s30, $0x2000b8;
	v63 =	vld [tilespmem:$0x0]  }
0x19e: {  	_ =	swait.ge [sflag:s9], $0x2000  }
0x19f: {  	[sflag:s9] =	ssyncset.done $0x0  }
0x1a0: {  	s15 =	simm.s32 $0x1000;
	[sflag:s9] =	ssyncadd.s32 $0xFFFFE000  }
0x1a1: {  	[spmem:s2] =	stream.indirect.scatter.add.f32 [tilespmem:s4], [sflag:$0x5], $0x80, s15, s30, $0x2000b8;
	v63 =	vld [tilespmem:$0x0]  }
0x1a2: {  	_ =	swait.ge [sflag:s25], $0x2000  }
0x1a3: {  	[sflag:s25] =	ssyncset.done $0x0  }
0x1a4: {  	[sflag:s25] =	ssyncadd.s32 $0xFFFFE000  }
0x1a5: {  	[tilespmem:s4], [sflag:$0x1] =	stream.indirect.gather [hbm4b:s0+s30], $0x80, s28, s30, $0x2000b8;
	v63 =	vld [tilespmem:$0x0]  }
0x1a6: {  	_ =	swait.ge [sflag:s10], $0x2000  }
0x1a7: {  	[sflag:s10] =	ssyncset.done $0x0  }
0x1a8: {  	s7 =	simm.s32 $0x1080;
	[sflag:s10] =	ssyncadd.s32 $0xFFFFE000  }
0x1a9: {  	[spmem:s2] =	stream.indirect.scatter.add.f32 [tilespmem:s5], [sflag:$0x5], $0x80, s7, s30, $0x2000b8;
	v63 =	vld [tilespmem:$0x0]  }
0x1aa: {  	_ =	swait.ge [sflag:s25], $0x2000  }
0x1ab: {  	[sflag:s25] =	ssyncset.done $0x0  }
0x1ac: {  	s15 =	simm.s32 $0x140;
	[sflag:s25] =	ssyncadd.s32 $0xFFFFE000  }
0x1ad: {  	[tilespmem:s5], [sflag:$0x2] =	stream.indirect.gather [hbm4b:s0+s30], $0x80, s15, s30, $0x2000b8;
	v63 =	vld [tilespmem:$0x0]  }
0x1ae: {  	_ =	swait.ge [sflag:s12], $0x2000  }
0x1af: {  	[sflag:s12] =	ssyncset.done $0x0  }
0x1b0: {  	s7 =	simm.s32 $0x1100;
	[sflag:s12] =	ssyncadd.s32 $0xFFFFE000  }
0x1b1: {  	[spmem:s2] =	stream.indirect.scatter.add.f32 [tilespmem:s6], [sflag:$0x5], $0x80, s7, s30, $0x2000b8;
	v63 =	vld [tilespmem:$0x0]  }
0x1b2: {  	_ =	swait.ge [sflag:s25], $0x2000  }
0x1b3: {  	[sflag:s25] =	ssyncset.done $0x0  }
0x1b4: {  	s15 =	simm.s32 $0x180;
	[sflag:s25] =	ssyncadd.s32 $0xFFFFE000  }
0x1b5: {  	[tilespmem:s6], [sflag:$0x3] =	stream.indirect.gather [hbm4b:s0+s30], $0x80, s15, s30, $0x2000b8;
	v63 =	vld [tilespmem:$0x0]  }
0x1b6: {  	_ =	swait.ge [sflag:s13], $0x2000  }
0x1b7: {  	[sflag:s13] =	ssyncset.done $0x0  }
0x1b8: {  	s7 =	simm.s32 $0x1180;
	[sflag:s13] =	ssyncadd.s32 $0xFFFFE000  }
0x1b9: {  	[spmem:s2] =	stream.indirect.scatter.add.f32 [tilespmem:s8], [sflag:$0x5], $0x80, s7, s30, $0x2000b8;
	v63 =	vld [tilespmem:$0x0]  }
.Ltmp6:
0x1ba: {  	_ =	swait.ge [sflag:s25], $0x2000;
	(pc) =	sbr.rel .LBB2_30-.Ltmp6, $4  }
0x1bb: {  	[sflag:s25] =	ssyncset.done $0x0  }
0x1bc: {  	s29 =	simm.s32 $0x1280;
	s15 =	simm.s32 $0x1C0;
	[sflag:s25] =	ssyncadd.s32 $0xFFFFE000  }
0x1bd: {  	[tilespmem:s8], [sflag:$0x4] =	stream.indirect.gather [hbm4b:s0+s30], $0x80, s15, s30, $0x2000b8;
	v63 =	vld [tilespmem:$0x0]  }
0x1be: {  	s1 =	simm.s32 $0x1380;
	s7 =	simm.s32 $0x1300;
	s15 =	simm.s32 $0x1200  }
.LBB2_4:
0x1bf: {  	s7 =	rddreg [dreg:$0x15]  }
0x1c0: {  	[tilespmem:s1], [sflag:$0x5] =	stream.strided.gather [hbm4b:s7+s26], $0x800, s28, s26, $0x200038;
	v63 =	vld [tilespmem:$0x0]  }
0x1c1: {  	_ =	swait.ge [sflag:s25], $0x800  }
0x1c2: {  	[sflag:s25] =	ssyncset.done $0x0;
	s7 =	rddreg [dreg:$0x10]  }
0x1c3: {  	s15 =	simm.s32 $0x800;
	[sflag:s25] =	ssyncadd.s32 $0xFFFFF800;
	s1 =	sadd.s32 s7, s11  }
0x1c4: {  	[tilespmem:s15], [sflag:$0x5] =	stream.strided.gather [hbm4b:s1+s26], $0x800, s28, s26, $0x200038;
	v63 =	vld [tilespmem:$0x0]  }
0x1c5: {  	_ =	swait.ge [sflag:s25], $0x800  }
0x1c6: {  	[sflag:s25] =	ssyncset.done $0x0  }
0x1c7: {  	s15 =	simm.s32 $0x0;
	[sflag:s25] =	ssyncadd.s32 $0xFFFFF800  }
0x1c8: {  	v1 =	vld [tilespmem:s15+$0x800];
	_ =	sdelay $0x3  }
0x1c9: {  	s1 =	simm.s32 $0x1020  }
0x1ca: {  	[tilespmem:s1+$0xFFFFFFE0] =	vst v1  }
0x1cb: {  	v1 =	vld [tilespmem:s15+$0x810];
	_ =	sdelay $0x4  }
0x1cc: {  	[tilespmem:s1+$0xFFFFFFF0] =	vst v1  }
0x1cd: {  	v1 =	vld [tilespmem:s15+$0x820];
	_ =	sdelay $0x4  }
0x1ce: {  	[tilespmem:s1+$0x0] =	vst v1  }
0x1cf: {  	v1 =	vld [tilespmem:s15+$0x830];
	_ =	sdelay $0x4  }
0x1d0: {  	s29 =	simm.s32 $0x40;
	s7 =	simm.s32 $0x200;
	[tilespmem:s1+$0x10] =	vst v1  }
.LBB2_5:
0x1d1: {  	p1 =	sne.s32 s7, $0x1F00;
	v1 =	vld [tilespmem:s29+$0x800];
	_ =	sdelay $0x3  }
0x1d2: {  	s1 =	sadd.s32 $0x80, s1  }
0x1d3: {  	[tilespmem:s1+$0xFFFFFFE0] =	vst v1  }
0x1d4: {  	v1 =	vld [tilespmem:s29+$0x810];
	_ =	sdelay $0x4  }
0x1d5: {  	[tilespmem:s1+$0xFFFFFFF0] =	vst v1  }
0x1d6: {  	v1 =	vld [tilespmem:s29+$0x820];
	_ =	sdelay $0x4  }
0x1d7: {  	[tilespmem:s1+$0x0] =	vst v1  }
0x1d8: {  	v1 =	vld [tilespmem:s29+$0x830]  }
.Ltmp7:
0x1d9: {  	(pc) =	sbr.rel @p1 .LBB2_5-.Ltmp7, $2  }
0x1da: {  	_ =	sdelay $0x2  }
0x1db: {  	s29 =	sshra.s32 s7, $0x2;
	s7 =	sadd.s32 $0x100, s7;
	[tilespmem:s1+$0x10] =	vst v1  }
0x1dc: {  	v1 =	vld [tilespmem:s29+$0x800];
	_ =	sdelay $0x3  }
0x1dd: {  	s1 =	sadd.s32 $0x80, s1  }
0x1de: {  	[tilespmem:s1+$0xFFFFFFE0] =	vst v1  }
0x1df: {  	v1 =	vld [tilespmem:s29+$0x810];
	_ =	sdelay $0x4  }
0x1e0: {  	[tilespmem:s1+$0xFFFFFFF0] =	vst v1  }
0x1e1: {  	v1 =	vld [tilespmem:s29+$0x820];
	_ =	sdelay $0x4  }
0x1e2: {  	[tilespmem:s1+$0x0] =	vst v1  }
0x1e3: {  	v1 =	vld [tilespmem:s29+$0x830];
	_ =	sdelay $0x4  }
0x1e4: {  	s15 =	simm.s32 $0x0;
	[tilespmem:s1+$0x10] =	vst v1  }
0x1e5: {  	[tilespmem:s4], [sflag:$0x1] =	stream.indirect.gather [hbm4b:s0+s30], $0x80, s15, s30, $0x2000b8;
	v63 =	vld [tilespmem:$0x0]  }
0x1e6: {  	_ = 	snop  }
0x1e7: {  	[tilespmem:s5], [sflag:$0x2] =	stream.indirect.gather [hbm4b:s0+s30], $0x80, s30, s30, $0x2000b8;
	v63 =	vld [tilespmem:$0x0]  }
0x1e8: {  	_ = 	snop  }
0x1e9: {  	[tilespmem:s6], [sflag:$0x3] =	stream.indirect.gather [hbm4b:s0+s30], $0x80, s26, s30, $0x2000b8;
	v63 =	vld [tilespmem:$0x0]  }
0x1ea: {  	s7 =	simm.s32 $0xC0  }
0x1eb: {  	[tilespmem:s8], [sflag:$0x4] =	stream.indirect.gather [hbm4b:s0+s30], $0x80, s7, s30, $0x2000b8;
	v63 =	vld [tilespmem:$0x0]  }
0x1ec: {  	_ =	swait.ge [sflag:s9], $0x2000  }
0x1ed: {  	[sflag:s9] =	ssyncset.done $0x0  }
0x1ee: {  	s15 =	simm.s32 $0x1000;
	[sflag:s9] =	ssyncadd.s32 $0xFFFFE000  }
0x1ef: {  	[spmem:s2] =	stream.indirect.scatter.add.f32 [tilespmem:s4], [sflag:$0x5], $0x80, s15, s30, $0x2000b8;
	v63 =	vld [tilespmem:$0x0]  }
0x1f0: {  	_ =	swait.ge [sflag:s25], $0x2000  }
0x1f1: {  	[sflag:s25] =	ssyncset.done $0x0  }
0x1f2: {  	s7 =	simm.s32 $0x100;
	[sflag:s25] =	ssyncadd.s32 $0xFFFFE000  }
0x1f3: {  	[tilespmem:s4], [sflag:$0x1] =	stream.indirect.gather [hbm4b:s0+s30], $0x80, s7, s30, $0x2000b8;
	v63 =	vld [tilespmem:$0x0]  }
0x1f4: {  	_ =	swait.ge [sflag:s10], $0x2000  }
0x1f5: {  	[sflag:s10] =	ssyncset.done $0x0  }
0x1f6: {  	s15 =	simm.s32 $0x1080;
	[sflag:s10] =	ssyncadd.s32 $0xFFFFE000  }
0x1f7: {  	[spmem:s2] =	stream.indirect.scatter.add.f32 [tilespmem:s5], [sflag:$0x5], $0x80, s15, s30, $0x2000b8;
	v63 =	vld [tilespmem:$0x0]  }
0x1f8: {  	_ =	swait.ge [sflag:s25], $0x2000  }
0x1f9: {  	[sflag:s25] =	ssyncset.done $0x0  }
0x1fa: {  	s7 =	simm.s32 $0x140;
	[sflag:s25] =	ssyncadd.s32 $0xFFFFE000  }
0x1fb: {  	[tilespmem:s5], [sflag:$0x2] =	stream.indirect.gather [hbm4b:s0+s30], $0x80, s7, s30, $0x2000b8;
	v63 =	vld [tilespmem:$0x0]  }
0x1fc: {  	_ =	swait.ge [sflag:s12], $0x2000  }
0x1fd: {  	[sflag:s12] =	ssyncset.done $0x0  }
0x1fe: {  	s15 =	simm.s32 $0x1100;
	[sflag:s12] =	ssyncadd.s32 $0xFFFFE000  }
0x1ff: {  	[spmem:s2] =	stream.indirect.scatter.add.f32 [tilespmem:s6], [sflag:$0x5], $0x80, s15, s30, $0x2000b8;
	v63 =	vld [tilespmem:$0x0]  }
0x200: {  	_ =	swait.ge [sflag:s25], $0x2000  }
0x201: {  	[sflag:s25] =	ssyncset.done $0x0  }
0x202: {  	s7 =	simm.s32 $0x180;
	[sflag:s25] =	ssyncadd.s32 $0xFFFFE000  }
0x203: {  	[tilespmem:s6], [sflag:$0x3] =	stream.indirect.gather [hbm4b:s0+s30], $0x80, s7, s30, $0x2000b8;
	v63 =	vld [tilespmem:$0x0]  }
0x204: {  	_ =	swait.ge [sflag:s13], $0x2000  }
0x205: {  	[sflag:s13] =	ssyncset.done $0x0  }
0x206: {  	s15 =	simm.s32 $0x1180;
	[sflag:s13] =	ssyncadd.s32 $0xFFFFE000  }
0x207: {  	[spmem:s2] =	stream.indirect.scatter.add.f32 [tilespmem:s8], [sflag:$0x5], $0x80, s15, s30, $0x2000b8;
	v63 =	vld [tilespmem:$0x0]  }
0x208: {  	_ =	swait.ge [sflag:s25], $0x2000  }
0x209: {  	s29 =	simm.s32 $0x1380;
	[sflag:s25] =	ssyncset.done $0x0  }
0x20a: {  	s1 =	simm.s32 $0x400;
	s7 =	simm.s32 $0x1C0;
	[sflag:s25] =	ssyncadd.s32 $0xFFFFE000  }
.LBB2_7:
0x20b: {  	[tilespmem:s8], [sflag:$0x4] =	stream.indirect.gather [hbm4b:s0+s30], $0x80, s7, s30, $0x2000b8;
	v63 =	vld [tilespmem:$0x0]  }
0x20c: {  	s7 =	smov.u32 s1  }
0x20d: {  	p1 =	sne.s32 s1, $0x1800;
	s1 =	sadd.s32 $0x400, s1;
	_ =	swait.ge [sflag:s9], $0x2000  }
0x20e: {  	[sflag:s9] =	ssyncset.done $0x0  }
0x20f: {  	s15 =	sadd.s32 $0xFFFFFE80, s29;
	[sflag:s9] =	ssyncadd.s32 $0xFFFFE000  }
0x210: {  	[spmem:s2] =	stream.indirect.scatter.add.f32 [tilespmem:s4], [sflag:$0x5], $0x80, s15, s30, $0x2000b8;
	v63 =	vld [tilespmem:$0x0]  }
0x211: {  	_ =	swait.ge [sflag:s25], $0x2000  }
0x212: {  	s7 =	sshra.s32 s7, $0x2;
	[sflag:s25] =	ssyncset.done $0x0  }
0x213: {  	s15 =	sadd.s32 $0x100, s7;
	[sflag:s25] =	ssyncadd.s32 $0xFFFFE000  }
0x214: {  	[tilespmem:s4], [sflag:$0x1] =	stream.indirect.gather [hbm4b:s0+s30], $0x80, s15, s30, $0x2000b8;
	v63 =	vld [tilespmem:$0x0]  }
0x215: {  	_ =	swait.ge [sflag:s10], $0x2000  }
0x216: {  	[sflag:s10] =	ssyncset.done $0x0  }
0x217: {  	s15 =	sadd.s32 $0xFFFFFF00, s29;
	[sflag:s10] =	ssyncadd.s32 $0xFFFFE000  }
0x218: {  	[spmem:s2] =	stream.indirect.scatter.add.f32 [tilespmem:s5], [sflag:$0x5], $0x80, s15, s30, $0x2000b8;
	v63 =	vld [tilespmem:$0x0]  }
0x219: {  	_ =	swait.ge [sflag:s25], $0x2000  }
0x21a: {  	[sflag:s25] =	ssyncset.done $0x0  }
0x21b: {  	s15 =	sadd.s32 $0x140, s7;
	[sflag:s25] =	ssyncadd.s32 $0xFFFFE000  }
0x21c: {  	[tilespmem:s5], [sflag:$0x2] =	stream.indirect.gather [hbm4b:s0+s30], $0x80, s15, s30, $0x2000b8;
	v63 =	vld [tilespmem:$0x0]  }
0x21d: {  	_ =	swait.ge [sflag:s12], $0x2000  }
0x21e: {  	[sflag:s12] =	ssyncset.done $0x0  }
0x21f: {  	s15 =	sadd.s32 $0xFFFFFF80, s29;
	[sflag:s12] =	ssyncadd.s32 $0xFFFFE000  }
0x220: {  	[spmem:s2] =	stream.indirect.scatter.add.f32 [tilespmem:s6], [sflag:$0x5], $0x80, s15, s30, $0x2000b8;
	v63 =	vld [tilespmem:$0x0]  }
0x221: {  	_ =	swait.ge [sflag:s25], $0x2000  }
0x222: {  	[sflag:s25] =	ssyncset.done $0x0  }
0x223: {  	s15 =	sadd.s32 $0x180, s7;
	[sflag:s25] =	ssyncadd.s32 $0xFFFFE000  }
0x224: {  	[tilespmem:s6], [sflag:$0x3] =	stream.indirect.gather [hbm4b:s0+s30], $0x80, s15, s30, $0x2000b8;
	v63 =	vld [tilespmem:$0x0]  }
0x225: {  	_ =	swait.ge [sflag:s13], $0x2000  }
0x226: {  	[sflag:s13] =	ssyncset.done $0x0  }
.Ltmp8:
0x227: {  	[sflag:s13] =	ssyncadd.s32 $0xFFFFE000;
	(pc) =	sbr.rel @p1 .LBB2_7-.Ltmp8, $4  }
0x228: {  	[spmem:s2] =	stream.indirect.scatter.add.f32 [tilespmem:s8], [sflag:$0x5], $0x80, s29, s30, $0x2000b8;
	v63 =	vld [tilespmem:$0x0]  }
0x229: {  	_ =	swait.ge [sflag:s25], $0x2000  }
0x22a: {  	[sflag:s25] =	ssyncset.done $0x0  }
0x22b: {  	s7 =	sadd.s32 $0x1C0, s7;
	s29 =	sadd.s32 $0x200, s29;
	[sflag:s25] =	ssyncadd.s32 $0xFFFFE000  }
0x22c: {  	[tilespmem:s8], [sflag:$0x4] =	stream.indirect.gather [hbm4b:s0+s30], $0x80, s7, s30, $0x2000b8;
	v63 =	vld [tilespmem:$0x0]  }
0x22d: {  	_ =	swait.ge [sflag:s9], $0x2000  }
0x22e: {  	[sflag:s9] =	ssyncset.done $0x0  }
0x22f: {  	s1 =	simm.s32 $0x1E00;
	[sflag:s9] =	ssyncadd.s32 $0xFFFFE000  }
0x230: {  	[spmem:s2] =	stream.indirect.scatter.add.f32 [tilespmem:s4], [sflag:$0x5], $0x80, s1, s30, $0x2000b8;
	v63 =	vld [tilespmem:$0x0]  }
0x231: {  	_ =	swait.ge [sflag:s25], $0x2000  }
0x232: {  	[sflag:s25] =	ssyncset.done $0x0  }
0x233: {  	[sflag:s25] =	ssyncadd.s32 $0xFFFFE000  }
0x234: {  	_ =	swait.ge [sflag:s10], $0x2000  }
0x235: {  	[sflag:s10] =	ssyncset.done $0x0  }
0x236: {  	s15 =	simm.s32 $0x1E80;
	[sflag:s10] =	ssyncadd.s32 $0xFFFFE000  }
0x237: {  	[spmem:s2] =	stream.indirect.scatter.add.f32 [tilespmem:s5], [sflag:$0x5], $0x80, s15, s30, $0x2000b8;
	v63 =	vld [tilespmem:$0x0]  }
0x238: {  	_ =	swait.ge [sflag:s25], $0x2000  }
0x239: {  	[sflag:s25] =	ssyncset.done $0x0  }
0x23a: {  	[sflag:s25] =	ssyncadd.s32 $0xFFFFE000  }
0x23b: {  	_ =	swait.ge [sflag:s12], $0x2000  }
0x23c: {  	[sflag:s12] =	ssyncset.done $0x0  }
0x23d: {  	s7 =	simm.s32 $0x1F00;
	[sflag:s12] =	ssyncadd.s32 $0xFFFFE000  }
0x23e: {  	[spmem:s2] =	stream.indirect.scatter.add.f32 [tilespmem:s6], [sflag:$0x5], $0x80, s7, s30, $0x2000b8;
	v63 =	vld [tilespmem:$0x0]  }
0x23f: {  	_ =	swait.ge [sflag:s25], $0x2000  }
0x240: {  	[sflag:s25] =	ssyncset.done $0x0  }
0x241: {  	[sflag:s25] =	ssyncadd.s32 $0xFFFFE000  }
0x242: {  	_ =	swait.ge [sflag:s13], $0x2000  }
0x243: {  	[sflag:s13] =	ssyncset.done $0x0  }
0x244: {  	s15 =	simm.s32 $0x1F80;
	[sflag:s13] =	ssyncadd.s32 $0xFFFFE000  }
0x245: {  	[spmem:s2] =	stream.indirect.scatter.add.f32 [tilespmem:s8], [sflag:$0x5], $0x80, s15, s30, $0x2000b8;
	v63 =	vld [tilespmem:$0x0]  }
0x246: {  	_ =	swait.ge [sflag:s25], $0x2000  }
0x247: {  	[sflag:s25] =	ssyncset.done $0x0  }
0x248: {  	s7 =	simm.s32 $0x0;
	s15 =	rddreg [dreg:$0x16];
	[sflag:s25] =	ssyncadd.s32 $0xFFFFE000  }
0x249: {  	[tilespmem:s7], [sflag:$0x5] =	stream.strided.gather [hbm4b:s15+s26], $0x800, s28, s26, $0x200038;
	v63 =	vld [tilespmem:$0x0]  }
0x24a: {  	_ =	swait.ge [sflag:s25], $0x800  }
0x24b: {  	[sflag:s25] =	ssyncset.done $0x0;
	s7 =	rddreg [dreg:$0x11]  }
0x24c: {  	s15 =	simm.s32 $0x800;
	[sflag:s25] =	ssyncadd.s32 $0xFFFFF800;
	s1 =	sadd.s32 s7, s11  }
0x24d: {  	[tilespmem:s15], [sflag:$0x5] =	stream.strided.gather [hbm4b:s1+s26], $0x800, s28, s26, $0x200038;
	v63 =	vld [tilespmem:$0x0]  }
0x24e: {  	_ =	swait.ge [sflag:s25], $0x800  }
0x24f: {  	[sflag:s25] =	ssyncset.done $0x0  }
0x250: {  	s15 =	simm.s32 $0x0;
	[sflag:s25] =	ssyncadd.s32 $0xFFFFF800  }
0x251: {  	v1 =	vld [tilespmem:s15+$0x800];
	_ =	sdelay $0x3  }
0x252: {  	s1 =	simm.s32 $0x1020  }
0x253: {  	[tilespmem:s1+$0xFFFFFFE0] =	vst v1  }
0x254: {  	v1 =	vld [tilespmem:s15+$0x810];
	_ =	sdelay $0x4  }
0x255: {  	[tilespmem:s1+$0xFFFFFFF0] =	vst v1  }
0x256: {  	v1 =	vld [tilespmem:s15+$0x820];
	_ =	sdelay $0x4  }
0x257: {  	[tilespmem:s1+$0x0] =	vst v1  }
0x258: {  	v1 =	vld [tilespmem:s15+$0x830];
	_ =	sdelay $0x4  }
0x259: {  	s29 =	simm.s32 $0x40;
	s7 =	simm.s32 $0x200;
	[tilespmem:s1+$0x10] =	vst v1  }
.LBB2_9:
0x25a: {  	p1 =	sne.s32 s7, $0x1F00;
	v1 =	vld [tilespmem:s29+$0x800];
	_ =	sdelay $0x3  }
0x25b: {  	s1 =	sadd.s32 $0x80, s1  }
0x25c: {  	[tilespmem:s1+$0xFFFFFFE0] =	vst v1  }
0x25d: {  	v1 =	vld [tilespmem:s29+$0x810];
	_ =	sdelay $0x4  }
0x25e: {  	[tilespmem:s1+$0xFFFFFFF0] =	vst v1  }
0x25f: {  	v1 =	vld [tilespmem:s29+$0x820];
	_ =	sdelay $0x4  }
0x260: {  	[tilespmem:s1+$0x0] =	vst v1  }
0x261: {  	v1 =	vld [tilespmem:s29+$0x830]  }
.Ltmp9:
0x262: {  	(pc) =	sbr.rel @p1 .LBB2_9-.Ltmp9, $2  }
0x263: {  	_ =	sdelay $0x2  }
0x264: {  	s29 =	sshra.s32 s7, $0x2;
	s7 =	sadd.s32 $0x100, s7;
	[tilespmem:s1+$0x10] =	vst v1  }
0x265: {  	v1 =	vld [tilespmem:s29+$0x800];
	_ =	sdelay $0x3  }
0x266: {  	s1 =	sadd.s32 $0x80, s1  }
0x267: {  	[tilespmem:s1+$0xFFFFFFE0] =	vst v1  }
0x268: {  	v1 =	vld [tilespmem:s29+$0x810];
	_ =	sdelay $0x4  }
0x269: {  	[tilespmem:s1+$0xFFFFFFF0] =	vst v1  }
0x26a: {  	v1 =	vld [tilespmem:s29+$0x820];
	_ =	sdelay $0x4  }
0x26b: {  	[tilespmem:s1+$0x0] =	vst v1  }
0x26c: {  	v1 =	vld [tilespmem:s29+$0x830];
	_ =	sdelay $0x4  }
0x26d: {  	s15 =	simm.s32 $0x0;
	[tilespmem:s1+$0x10] =	vst v1  }
0x26e: {  	[tilespmem:s4], [sflag:$0x1] =	stream.indirect.gather [hbm4b:s0+s30], $0x80, s15, s30, $0x2000b8;
	v63 =	vld [tilespmem:$0x0]  }
0x26f: {  	_ = 	snop  }
0x270: {  	[tilespmem:s5], [sflag:$0x2] =	stream.indirect.gather [hbm4b:s0+s30], $0x80, s30, s30, $0x2000b8;
	v63 =	vld [tilespmem:$0x0]  }
0x271: {  	_ = 	snop  }
0x272: {  	[tilespmem:s6], [sflag:$0x3] =	stream.indirect.gather [hbm4b:s0+s30], $0x80, s26, s30, $0x2000b8;
	v63 =	vld [tilespmem:$0x0]  }
0x273: {  	s7 =	simm.s32 $0xC0  }
0x274: {  	[tilespmem:s8], [sflag:$0x4] =	stream.indirect.gather [hbm4b:s0+s30], $0x80, s7, s30, $0x2000b8;
	v63 =	vld [tilespmem:$0x0]  }
0x275: {  	_ =	swait.ge [sflag:s9], $0x2000  }
0x276: {  	[sflag:s9] =	ssyncset.done $0x0  }
0x277: {  	s15 =	simm.s32 $0x1000;
	[sflag:s9] =	ssyncadd.s32 $0xFFFFE000  }
0x278: {  	[spmem:s2] =	stream.indirect.scatter.add.f32 [tilespmem:s4], [sflag:$0x5], $0x80, s15, s30, $0x2000b8;
	v63 =	vld [tilespmem:$0x0]  }
0x279: {  	_ =	swait.ge [sflag:s25], $0x2000  }
0x27a: {  	[sflag:s25] =	ssyncset.done $0x0  }
0x27b: {  	s7 =	simm.s32 $0x100;
	[sflag:s25] =	ssyncadd.s32 $0xFFFFE000  }
0x27c: {  	[tilespmem:s4], [sflag:$0x1] =	stream.indirect.gather [hbm4b:s0+s30], $0x80, s7, s30, $0x2000b8;
	v63 =	vld [tilespmem:$0x0]  }
0x27d: {  	_ =	swait.ge [sflag:s10], $0x2000  }
0x27e: {  	[sflag:s10] =	ssyncset.done $0x0  }
0x27f: {  	s15 =	simm.s32 $0x1080;
	[sflag:s10] =	ssyncadd.s32 $0xFFFFE000  }
0x280: {  	[spmem:s2] =	stream.indirect.scatter.add.f32 [tilespmem:s5], [sflag:$0x5], $0x80, s15, s30, $0x2000b8;
	v63 =	vld [tilespmem:$0x0]  }
0x281: {  	_ =	swait.ge [sflag:s25], $0x2000  }
0x282: {  	[sflag:s25] =	ssyncset.done $0x0  }
0x283: {  	s7 =	simm.s32 $0x140;
	[sflag:s25] =	ssyncadd.s32 $0xFFFFE000  }
0x284: {  	[tilespmem:s5], [sflag:$0x2] =	stream.indirect.gather [hbm4b:s0+s30], $0x80, s7, s30, $0x2000b8;
	v63 =	vld [tilespmem:$0x0]  }
0x285: {  	_ =	swait.ge [sflag:s12], $0x2000  }
0x286: {  	[sflag:s12] =	ssyncset.done $0x0  }
0x287: {  	s15 =	simm.s32 $0x1100;
	[sflag:s12] =	ssyncadd.s32 $0xFFFFE000  }
0x288: {  	[spmem:s2] =	stream.indirect.scatter.add.f32 [tilespmem:s6], [sflag:$0x5], $0x80, s15, s30, $0x2000b8;
	v63 =	vld [tilespmem:$0x0]  }
0x289: {  	_ =	swait.ge [sflag:s25], $0x2000  }
0x28a: {  	[sflag:s25] =	ssyncset.done $0x0  }
0x28b: {  	s7 =	simm.s32 $0x180;
	[sflag:s25] =	ssyncadd.s32 $0xFFFFE000  }
0x28c: {  	[tilespmem:s6], [sflag:$0x3] =	stream.indirect.gather [hbm4b:s0+s30], $0x80, s7, s30, $0x2000b8;
	v63 =	vld [tilespmem:$0x0]  }
0x28d: {  	_ =	swait.ge [sflag:s13], $0x2000  }
0x28e: {  	[sflag:s13] =	ssyncset.done $0x0  }
0x28f: {  	s15 =	simm.s32 $0x1180;
	[sflag:s13] =	ssyncadd.s32 $0xFFFFE000  }
0x290: {  	[spmem:s2] =	stream.indirect.scatter.add.f32 [tilespmem:s8], [sflag:$0x5], $0x80, s15, s30, $0x2000b8;
	v63 =	vld [tilespmem:$0x0]  }
0x291: {  	_ =	swait.ge [sflag:s25], $0x2000  }
0x292: {  	s29 =	simm.s32 $0x1380;
	[sflag:s25] =	ssyncset.done $0x0  }
0x293: {  	s1 =	simm.s32 $0x400;
	s7 =	simm.s32 $0x1C0;
	[sflag:s25] =	ssyncadd.s32 $0xFFFFE000  }
.LBB2_11:
0x294: {  	[tilespmem:s8], [sflag:$0x4] =	stream.indirect.gather [hbm4b:s0+s30], $0x80, s7, s30, $0x2000b8;
	v63 =	vld [tilespmem:$0x0]  }
0x295: {  	s7 =	smov.u32 s1  }
0x296: {  	p1 =	sne.s32 s1, $0x1800;
	s1 =	sadd.s32 $0x400, s1;
	_ =	swait.ge [sflag:s9], $0x2000  }
0x297: {  	[sflag:s9] =	ssyncset.done $0x0  }
0x298: {  	s15 =	sadd.s32 $0xFFFFFE80, s29;
	[sflag:s9] =	ssyncadd.s32 $0xFFFFE000  }
0x299: {  	[spmem:s2] =	stream.indirect.scatter.add.f32 [tilespmem:s4], [sflag:$0x5], $0x80, s15, s30, $0x2000b8;
	v63 =	vld [tilespmem:$0x0]  }
0x29a: {  	_ =	swait.ge [sflag:s25], $0x2000  }
0x29b: {  	s7 =	sshra.s32 s7, $0x2;
	[sflag:s25] =	ssyncset.done $0x0  }
0x29c: {  	s15 =	sadd.s32 $0x100, s7;
	[sflag:s25] =	ssyncadd.s32 $0xFFFFE000  }
0x29d: {  	[tilespmem:s4], [sflag:$0x1] =	stream.indirect.gather [hbm4b:s0+s30], $0x80, s15, s30, $0x2000b8;
	v63 =	vld [tilespmem:$0x0]  }
0x29e: {  	_ =	swait.ge [sflag:s10], $0x2000  }
0x29f: {  	[sflag:s10] =	ssyncset.done $0x0  }
0x2a0: {  	s15 =	sadd.s32 $0xFFFFFF00, s29;
	[sflag:s10] =	ssyncadd.s32 $0xFFFFE000  }
0x2a1: {  	[spmem:s2] =	stream.indirect.scatter.add.f32 [tilespmem:s5], [sflag:$0x5], $0x80, s15, s30, $0x2000b8;
	v63 =	vld [tilespmem:$0x0]  }
0x2a2: {  	_ =	swait.ge [sflag:s25], $0x2000  }
0x2a3: {  	[sflag:s25] =	ssyncset.done $0x0  }
0x2a4: {  	s15 =	sadd.s32 $0x140, s7;
	[sflag:s25] =	ssyncadd.s32 $0xFFFFE000  }
0x2a5: {  	[tilespmem:s5], [sflag:$0x2] =	stream.indirect.gather [hbm4b:s0+s30], $0x80, s15, s30, $0x2000b8;
	v63 =	vld [tilespmem:$0x0]  }
0x2a6: {  	_ =	swait.ge [sflag:s12], $0x2000  }
0x2a7: {  	[sflag:s12] =	ssyncset.done $0x0  }
0x2a8: {  	s15 =	sadd.s32 $0xFFFFFF80, s29;
	[sflag:s12] =	ssyncadd.s32 $0xFFFFE000  }
0x2a9: {  	[spmem:s2] =	stream.indirect.scatter.add.f32 [tilespmem:s6], [sflag:$0x5], $0x80, s15, s30, $0x2000b8;
	v63 =	vld [tilespmem:$0x0]  }
0x2aa: {  	_ =	swait.ge [sflag:s25], $0x2000  }
0x2ab: {  	[sflag:s25] =	ssyncset.done $0x0  }
0x2ac: {  	s15 =	sadd.s32 $0x180, s7;
	[sflag:s25] =	ssyncadd.s32 $0xFFFFE000  }
0x2ad: {  	[tilespmem:s6], [sflag:$0x3] =	stream.indirect.gather [hbm4b:s0+s30], $0x80, s15, s30, $0x2000b8;
	v63 =	vld [tilespmem:$0x0]  }
0x2ae: {  	_ =	swait.ge [sflag:s13], $0x2000  }
0x2af: {  	[sflag:s13] =	ssyncset.done $0x0  }
.Ltmp10:
0x2b0: {  	[sflag:s13] =	ssyncadd.s32 $0xFFFFE000;
	(pc) =	sbr.rel @p1 .LBB2_11-.Ltmp10, $4  }
0x2b1: {  	[spmem:s2] =	stream.indirect.scatter.add.f32 [tilespmem:s8], [sflag:$0x5], $0x80, s29, s30, $0x2000b8;
	v63 =	vld [tilespmem:$0x0]  }
0x2b2: {  	_ =	swait.ge [sflag:s25], $0x2000  }
0x2b3: {  	[sflag:s25] =	ssyncset.done $0x0  }
0x2b4: {  	s7 =	sadd.s32 $0x1C0, s7;
	s29 =	sadd.s32 $0x200, s29;
	[sflag:s25] =	ssyncadd.s32 $0xFFFFE000  }
0x2b5: {  	[tilespmem:s8], [sflag:$0x4] =	stream.indirect.gather [hbm4b:s0+s30], $0x80, s7, s30, $0x2000b8;
	v63 =	vld [tilespmem:$0x0]  }
0x2b6: {  	_ =	swait.ge [sflag:s9], $0x2000  }
0x2b7: {  	[sflag:s9] =	ssyncset.done $0x0  }
0x2b8: {  	s1 =	simm.s32 $0x1E00;
	[sflag:s9] =	ssyncadd.s32 $0xFFFFE000  }
0x2b9: {  	[spmem:s2] =	stream.indirect.scatter.add.f32 [tilespmem:s4], [sflag:$0x5], $0x80, s1, s30, $0x2000b8;
	v63 =	vld [tilespmem:$0x0]  }
0x2ba: {  	_ =	swait.ge [sflag:s25], $0x2000  }
0x2bb: {  	[sflag:s25] =	ssyncset.done $0x0  }
0x2bc: {  	[sflag:s25] =	ssyncadd.s32 $0xFFFFE000  }
0x2bd: {  	_ =	swait.ge [sflag:s10], $0x2000  }
0x2be: {  	[sflag:s10] =	ssyncset.done $0x0  }
0x2bf: {  	s15 =	simm.s32 $0x1E80;
	[sflag:s10] =	ssyncadd.s32 $0xFFFFE000  }
0x2c0: {  	[spmem:s2] =	stream.indirect.scatter.add.f32 [tilespmem:s5], [sflag:$0x5], $0x80, s15, s30, $0x2000b8;
	v63 =	vld [tilespmem:$0x0]  }
0x2c1: {  	_ =	swait.ge [sflag:s25], $0x2000  }
0x2c2: {  	[sflag:s25] =	ssyncset.done $0x0  }
0x2c3: {  	[sflag:s25] =	ssyncadd.s32 $0xFFFFE000  }
0x2c4: {  	_ =	swait.ge [sflag:s12], $0x2000  }
0x2c5: {  	[sflag:s12] =	ssyncset.done $0x0  }
0x2c6: {  	s7 =	simm.s32 $0x1F00;
	[sflag:s12] =	ssyncadd.s32 $0xFFFFE000  }
0x2c7: {  	[spmem:s2] =	stream.indirect.scatter.add.f32 [tilespmem:s6], [sflag:$0x5], $0x80, s7, s30, $0x2000b8;
	v63 =	vld [tilespmem:$0x0]  }
0x2c8: {  	_ =	swait.ge [sflag:s25], $0x2000  }
0x2c9: {  	[sflag:s25] =	ssyncset.done $0x0  }
0x2ca: {  	[sflag:s25] =	ssyncadd.s32 $0xFFFFE000  }
0x2cb: {  	_ =	swait.ge [sflag:s13], $0x2000  }
0x2cc: {  	[sflag:s13] =	ssyncset.done $0x0  }
0x2cd: {  	s15 =	simm.s32 $0x1F80;
	[sflag:s13] =	ssyncadd.s32 $0xFFFFE000  }
0x2ce: {  	[spmem:s2] =	stream.indirect.scatter.add.f32 [tilespmem:s8], [sflag:$0x5], $0x80, s15, s30, $0x2000b8;
	v63 =	vld [tilespmem:$0x0]  }
0x2cf: {  	_ =	swait.ge [sflag:s25], $0x2000  }
0x2d0: {  	[sflag:s25] =	ssyncset.done $0x0  }
0x2d1: {  	s7 =	simm.s32 $0x0;
	s15 =	rddreg [dreg:$0x17];
	[sflag:s25] =	ssyncadd.s32 $0xFFFFE000  }
0x2d2: {  	[tilespmem:s7], [sflag:$0x5] =	stream.strided.gather [hbm4b:s15+s26], $0x800, s28, s26, $0x200038;
	v63 =	vld [tilespmem:$0x0]  }
0x2d3: {  	_ =	swait.ge [sflag:s25], $0x800  }
0x2d4: {  	[sflag:s25] =	ssyncset.done $0x0;
	s7 =	rddreg [dreg:$0x12]  }
0x2d5: {  	s15 =	simm.s32 $0x800;
	[sflag:s25] =	ssyncadd.s32 $0xFFFFF800;
	s1 =	sadd.s32 s7, s11  }
0x2d6: {  	[tilespmem:s15], [sflag:$0x5] =	stream.strided.gather [hbm4b:s1+s26], $0x800, s28, s26, $0x200038;
	v63 =	vld [tilespmem:$0x0]  }
0x2d7: {  	_ =	swait.ge [sflag:s25], $0x800  }
0x2d8: {  	[sflag:s25] =	ssyncset.done $0x0  }
0x2d9: {  	s15 =	simm.s32 $0x0;
	[sflag:s25] =	ssyncadd.s32 $0xFFFFF800  }
0x2da: {  	v1 =	vld [tilespmem:s15+$0x800];
	_ =	sdelay $0x3  }
0x2db: {  	s1 =	simm.s32 $0x1020  }
0x2dc: {  	[tilespmem:s1+$0xFFFFFFE0] =	vst v1  }
0x2dd: {  	v1 =	vld [tilespmem:s15+$0x810];
	_ =	sdelay $0x4  }
0x2de: {  	[tilespmem:s1+$0xFFFFFFF0] =	vst v1  }
0x2df: {  	v1 =	vld [tilespmem:s15+$0x820];
	_ =	sdelay $0x4  }
0x2e0: {  	[tilespmem:s1+$0x0] =	vst v1  }
0x2e1: {  	v1 =	vld [tilespmem:s15+$0x830];
	_ =	sdelay $0x4  }
0x2e2: {  	s29 =	simm.s32 $0x40;
	s7 =	simm.s32 $0x200;
	[tilespmem:s1+$0x10] =	vst v1  }
.LBB2_13:
0x2e3: {  	p1 =	sne.s32 s7, $0x1F00;
	v1 =	vld [tilespmem:s29+$0x800];
	_ =	sdelay $0x3  }
0x2e4: {  	s1 =	sadd.s32 $0x80, s1  }
0x2e5: {  	[tilespmem:s1+$0xFFFFFFE0] =	vst v1  }
0x2e6: {  	v1 =	vld [tilespmem:s29+$0x810];
	_ =	sdelay $0x4  }
0x2e7: {  	[tilespmem:s1+$0xFFFFFFF0] =	vst v1  }
0x2e8: {  	v1 =	vld [tilespmem:s29+$0x820];
	_ =	sdelay $0x4  }
0x2e9: {  	[tilespmem:s1+$0x0] =	vst v1  }
0x2ea: {  	v1 =	vld [tilespmem:s29+$0x830]  }
.Ltmp11:
0x2eb: {  	(pc) =	sbr.rel @p1 .LBB2_13-.Ltmp11, $2  }
0x2ec: {  	_ =	sdelay $0x2  }
0x2ed: {  	s29 =	sshra.s32 s7, $0x2;
	s7 =	sadd.s32 $0x100, s7;
	[tilespmem:s1+$0x10] =	vst v1  }
0x2ee: {  	v1 =	vld [tilespmem:s29+$0x800];
	_ =	sdelay $0x3  }
0x2ef: {  	s1 =	sadd.s32 $0x80, s1  }
0x2f0: {  	[tilespmem:s1+$0xFFFFFFE0] =	vst v1  }
0x2f1: {  	v1 =	vld [tilespmem:s29+$0x810];
	_ =	sdelay $0x4  }
0x2f2: {  	[tilespmem:s1+$0xFFFFFFF0] =	vst v1  }
0x2f3: {  	v1 =	vld [tilespmem:s29+$0x820];
	_ =	sdelay $0x4  }
0x2f4: {  	[tilespmem:s1+$0x0] =	vst v1  }
0x2f5: {  	v1 =	vld [tilespmem:s29+$0x830];
	_ =	sdelay $0x4  }
0x2f6: {  	s15 =	simm.s32 $0x0;
	[tilespmem:s1+$0x10] =	vst v1  }
0x2f7: {  	[tilespmem:s4], [sflag:$0x1] =	stream.indirect.gather [hbm4b:s0+s30], $0x80, s15, s30, $0x2000b8;
	v63 =	vld [tilespmem:$0x0]  }
0x2f8: {  	_ = 	snop  }
0x2f9: {  	[tilespmem:s5], [sflag:$0x2] =	stream.indirect.gather [hbm4b:s0+s30], $0x80, s30, s30, $0x2000b8;
	v63 =	vld [tilespmem:$0x0]  }
0x2fa: {  	_ = 	snop  }
0x2fb: {  	[tilespmem:s6], [sflag:$0x3] =	stream.indirect.gather [hbm4b:s0+s30], $0x80, s26, s30, $0x2000b8;
	v63 =	vld [tilespmem:$0x0]  }
0x2fc: {  	s7 =	simm.s32 $0xC0  }
0x2fd: {  	[tilespmem:s8], [sflag:$0x4] =	stream.indirect.gather [hbm4b:s0+s30], $0x80, s7, s30, $0x2000b8;
	v63 =	vld [tilespmem:$0x0]  }
0x2fe: {  	_ =	swait.ge [sflag:s9], $0x2000  }
0x2ff: {  	[sflag:s9] =	ssyncset.done $0x0  }
0x300: {  	s15 =	simm.s32 $0x1000;
	[sflag:s9] =	ssyncadd.s32 $0xFFFFE000  }
0x301: {  	[spmem:s2] =	stream.indirect.scatter.add.f32 [tilespmem:s4], [sflag:$0x5], $0x80, s15, s30, $0x2000b8;
	v63 =	vld [tilespmem:$0x0]  }
0x302: {  	_ =	swait.ge [sflag:s25], $0x2000  }
0x303: {  	[sflag:s25] =	ssyncset.done $0x0  }
0x304: {  	s7 =	simm.s32 $0x100;
	[sflag:s25] =	ssyncadd.s32 $0xFFFFE000  }
0x305: {  	[tilespmem:s4], [sflag:$0x1] =	stream.indirect.gather [hbm4b:s0+s30], $0x80, s7, s30, $0x2000b8;
	v63 =	vld [tilespmem:$0x0]  }
0x306: {  	_ =	swait.ge [sflag:s10], $0x2000  }
0x307: {  	[sflag:s10] =	ssyncset.done $0x0  }
0x308: {  	s15 =	simm.s32 $0x1080;
	[sflag:s10] =	ssyncadd.s32 $0xFFFFE000  }
0x309: {  	[spmem:s2] =	stream.indirect.scatter.add.f32 [tilespmem:s5], [sflag:$0x5], $0x80, s15, s30, $0x2000b8;
	v63 =	vld [tilespmem:$0x0]  }
0x30a: {  	_ =	swait.ge [sflag:s25], $0x2000  }
0x30b: {  	[sflag:s25] =	ssyncset.done $0x0  }
0x30c: {  	s7 =	simm.s32 $0x140;
	[sflag:s25] =	ssyncadd.s32 $0xFFFFE000  }
0x30d: {  	[tilespmem:s5], [sflag:$0x2] =	stream.indirect.gather [hbm4b:s0+s30], $0x80, s7, s30, $0x2000b8;
	v63 =	vld [tilespmem:$0x0]  }
0x30e: {  	_ =	swait.ge [sflag:s12], $0x2000  }
0x30f: {  	[sflag:s12] =	ssyncset.done $0x0  }
0x310: {  	s15 =	simm.s32 $0x1100;
	[sflag:s12] =	ssyncadd.s32 $0xFFFFE000  }
0x311: {  	[spmem:s2] =	stream.indirect.scatter.add.f32 [tilespmem:s6], [sflag:$0x5], $0x80, s15, s30, $0x2000b8;
	v63 =	vld [tilespmem:$0x0]  }
0x312: {  	_ =	swait.ge [sflag:s25], $0x2000  }
0x313: {  	[sflag:s25] =	ssyncset.done $0x0  }
0x314: {  	s7 =	simm.s32 $0x180;
	[sflag:s25] =	ssyncadd.s32 $0xFFFFE000  }
0x315: {  	[tilespmem:s6], [sflag:$0x3] =	stream.indirect.gather [hbm4b:s0+s30], $0x80, s7, s30, $0x2000b8;
	v63 =	vld [tilespmem:$0x0]  }
0x316: {  	_ =	swait.ge [sflag:s13], $0x2000  }
0x317: {  	[sflag:s13] =	ssyncset.done $0x0  }
0x318: {  	s15 =	simm.s32 $0x1180;
	[sflag:s13] =	ssyncadd.s32 $0xFFFFE000  }
0x319: {  	[spmem:s2] =	stream.indirect.scatter.add.f32 [tilespmem:s8], [sflag:$0x5], $0x80, s15, s30, $0x2000b8;
	v63 =	vld [tilespmem:$0x0]  }
0x31a: {  	_ =	swait.ge [sflag:s25], $0x2000  }
0x31b: {  	s29 =	simm.s32 $0x1380;
	[sflag:s25] =	ssyncset.done $0x0  }
0x31c: {  	s1 =	simm.s32 $0x400;
	s7 =	simm.s32 $0x1C0;
	[sflag:s25] =	ssyncadd.s32 $0xFFFFE000  }
.LBB2_15:
0x31d: {  	[tilespmem:s8], [sflag:$0x4] =	stream.indirect.gather [hbm4b:s0+s30], $0x80, s7, s30, $0x2000b8;
	v63 =	vld [tilespmem:$0x0]  }
0x31e: {  	s7 =	smov.u32 s1  }
0x31f: {  	p1 =	sne.s32 s1, $0x1800;
	s1 =	sadd.s32 $0x400, s1;
	_ =	swait.ge [sflag:s9], $0x2000  }
0x320: {  	[sflag:s9] =	ssyncset.done $0x0  }
0x321: {  	s15 =	sadd.s32 $0xFFFFFE80, s29;
	[sflag:s9] =	ssyncadd.s32 $0xFFFFE000  }
0x322: {  	[spmem:s2] =	stream.indirect.scatter.add.f32 [tilespmem:s4], [sflag:$0x5], $0x80, s15, s30, $0x2000b8;
	v63 =	vld [tilespmem:$0x0]  }
0x323: {  	_ =	swait.ge [sflag:s25], $0x2000  }
0x324: {  	s7 =	sshra.s32 s7, $0x2;
	[sflag:s25] =	ssyncset.done $0x0  }
0x325: {  	s15 =	sadd.s32 $0x100, s7;
	[sflag:s25] =	ssyncadd.s32 $0xFFFFE000  }
0x326: {  	[tilespmem:s4], [sflag:$0x1] =	stream.indirect.gather [hbm4b:s0+s30], $0x80, s15, s30, $0x2000b8;
	v63 =	vld [tilespmem:$0x0]  }
0x327: {  	_ =	swait.ge [sflag:s10], $0x2000  }
0x328: {  	[sflag:s10] =	ssyncset.done $0x0  }
0x329: {  	s15 =	sadd.s32 $0xFFFFFF00, s29;
	[sflag:s10] =	ssyncadd.s32 $0xFFFFE000  }
0x32a: {  	[spmem:s2] =	stream.indirect.scatter.add.f32 [tilespmem:s5], [sflag:$0x5], $0x80, s15, s30, $0x2000b8;
	v63 =	vld [tilespmem:$0x0]  }
0x32b: {  	_ =	swait.ge [sflag:s25], $0x2000  }
0x32c: {  	[sflag:s25] =	ssyncset.done $0x0  }
0x32d: {  	s15 =	sadd.s32 $0x140, s7;
	[sflag:s25] =	ssyncadd.s32 $0xFFFFE000  }
0x32e: {  	[tilespmem:s5], [sflag:$0x2] =	stream.indirect.gather [hbm4b:s0+s30], $0x80, s15, s30, $0x2000b8;
	v63 =	vld [tilespmem:$0x0]  }
0x32f: {  	_ =	swait.ge [sflag:s12], $0x2000  }
0x330: {  	[sflag:s12] =	ssyncset.done $0x0  }
0x331: {  	s15 =	sadd.s32 $0xFFFFFF80, s29;
	[sflag:s12] =	ssyncadd.s32 $0xFFFFE000  }
0x332: {  	[spmem:s2] =	stream.indirect.scatter.add.f32 [tilespmem:s6], [sflag:$0x5], $0x80, s15, s30, $0x2000b8;
	v63 =	vld [tilespmem:$0x0]  }
0x333: {  	_ =	swait.ge [sflag:s25], $0x2000  }
0x334: {  	[sflag:s25] =	ssyncset.done $0x0  }
0x335: {  	s15 =	sadd.s32 $0x180, s7;
	[sflag:s25] =	ssyncadd.s32 $0xFFFFE000  }
0x336: {  	[tilespmem:s6], [sflag:$0x3] =	stream.indirect.gather [hbm4b:s0+s30], $0x80, s15, s30, $0x2000b8;
	v63 =	vld [tilespmem:$0x0]  }
0x337: {  	_ =	swait.ge [sflag:s13], $0x2000  }
0x338: {  	[sflag:s13] =	ssyncset.done $0x0  }
.Ltmp12:
0x339: {  	[sflag:s13] =	ssyncadd.s32 $0xFFFFE000;
	(pc) =	sbr.rel @p1 .LBB2_15-.Ltmp12, $4  }
0x33a: {  	[spmem:s2] =	stream.indirect.scatter.add.f32 [tilespmem:s8], [sflag:$0x5], $0x80, s29, s30, $0x2000b8;
	v63 =	vld [tilespmem:$0x0]  }
0x33b: {  	_ =	swait.ge [sflag:s25], $0x2000  }
0x33c: {  	[sflag:s25] =	ssyncset.done $0x0  }
0x33d: {  	s7 =	sadd.s32 $0x1C0, s7;
	s29 =	sadd.s32 $0x200, s29;
	[sflag:s25] =	ssyncadd.s32 $0xFFFFE000  }
0x33e: {  	[tilespmem:s8], [sflag:$0x4] =	stream.indirect.gather [hbm4b:s0+s30], $0x80, s7, s30, $0x2000b8;
	v63 =	vld [tilespmem:$0x0]  }
0x33f: {  	_ =	swait.ge [sflag:s9], $0x2000  }
0x340: {  	[sflag:s9] =	ssyncset.done $0x0  }
0x341: {  	s1 =	simm.s32 $0x1E00;
	[sflag:s9] =	ssyncadd.s32 $0xFFFFE000  }
0x342: {  	[spmem:s2] =	stream.indirect.scatter.add.f32 [tilespmem:s4], [sflag:$0x5], $0x80, s1, s30, $0x2000b8;
	v63 =	vld [tilespmem:$0x0]  }
0x343: {  	_ =	swait.ge [sflag:s25], $0x2000  }
0x344: {  	[sflag:s25] =	ssyncset.done $0x0  }
0x345: {  	[sflag:s25] =	ssyncadd.s32 $0xFFFFE000  }
0x346: {  	_ =	swait.ge [sflag:s10], $0x2000  }
0x347: {  	[sflag:s10] =	ssyncset.done $0x0  }
0x348: {  	s15 =	simm.s32 $0x1E80;
	[sflag:s10] =	ssyncadd.s32 $0xFFFFE000  }
0x349: {  	[spmem:s2] =	stream.indirect.scatter.add.f32 [tilespmem:s5], [sflag:$0x5], $0x80, s15, s30, $0x2000b8;
	v63 =	vld [tilespmem:$0x0]  }
0x34a: {  	_ =	swait.ge [sflag:s25], $0x2000  }
0x34b: {  	[sflag:s25] =	ssyncset.done $0x0  }
0x34c: {  	[sflag:s25] =	ssyncadd.s32 $0xFFFFE000  }
0x34d: {  	_ =	swait.ge [sflag:s12], $0x2000  }
0x34e: {  	[sflag:s12] =	ssyncset.done $0x0  }
0x34f: {  	s7 =	simm.s32 $0x1F00;
	[sflag:s12] =	ssyncadd.s32 $0xFFFFE000  }
0x350: {  	[spmem:s2] =	stream.indirect.scatter.add.f32 [tilespmem:s6], [sflag:$0x5], $0x80, s7, s30, $0x2000b8;
	v63 =	vld [tilespmem:$0x0]  }
0x351: {  	_ =	swait.ge [sflag:s25], $0x2000  }
0x352: {  	[sflag:s25] =	ssyncset.done $0x0  }
0x353: {  	[sflag:s25] =	ssyncadd.s32 $0xFFFFE000  }
0x354: {  	_ =	swait.ge [sflag:s13], $0x2000  }
0x355: {  	[sflag:s13] =	ssyncset.done $0x0  }
0x356: {  	s15 =	simm.s32 $0x1F80;
	[sflag:s13] =	ssyncadd.s32 $0xFFFFE000  }
0x357: {  	[spmem:s2] =	stream.indirect.scatter.add.f32 [tilespmem:s8], [sflag:$0x5], $0x80, s15, s30, $0x2000b8;
	v63 =	vld [tilespmem:$0x0]  }
0x358: {  	_ =	swait.ge [sflag:s25], $0x2000  }
0x359: {  	[sflag:s25] =	ssyncset.done $0x0  }
0x35a: {  	s7 =	simm.s32 $0x0;
	s15 =	rddreg [dreg:$0x18];
	[sflag:s25] =	ssyncadd.s32 $0xFFFFE000  }
0x35b: {  	[tilespmem:s7], [sflag:$0x5] =	stream.strided.gather [hbm4b:s15+s26], $0x800, s28, s26, $0x200038;
	v63 =	vld [tilespmem:$0x0]  }
0x35c: {  	_ =	swait.ge [sflag:s25], $0x800  }
0x35d: {  	[sflag:s25] =	ssyncset.done $0x0;
	s7 =	rddreg [dreg:$0x13]  }
0x35e: {  	s15 =	simm.s32 $0x800;
	[sflag:s25] =	ssyncadd.s32 $0xFFFFF800;
	s1 =	sadd.s32 s7, s11  }
0x35f: {  	[tilespmem:s15], [sflag:$0x5] =	stream.strided.gather [hbm4b:s1+s26], $0x800, s28, s26, $0x200038;
	v63 =	vld [tilespmem:$0x0]  }
0x360: {  	_ =	swait.ge [sflag:s25], $0x800  }
0x361: {  	[sflag:s25] =	ssyncset.done $0x0  }
0x362: {  	s15 =	simm.s32 $0x0;
	[sflag:s25] =	ssyncadd.s32 $0xFFFFF800  }
0x363: {  	v1 =	vld [tilespmem:s15+$0x800];
	_ =	sdelay $0x3  }
0x364: {  	s1 =	simm.s32 $0x1020  }
0x365: {  	[tilespmem:s1+$0xFFFFFFE0] =	vst v1  }
0x366: {  	v1 =	vld [tilespmem:s15+$0x810];
	_ =	sdelay $0x4  }
0x367: {  	[tilespmem:s1+$0xFFFFFFF0] =	vst v1  }
0x368: {  	v1 =	vld [tilespmem:s15+$0x820];
	_ =	sdelay $0x4  }
0x369: {  	[tilespmem:s1+$0x0] =	vst v1  }
0x36a: {  	v1 =	vld [tilespmem:s15+$0x830];
	_ =	sdelay $0x4  }
0x36b: {  	s29 =	simm.s32 $0x40;
	s7 =	simm.s32 $0x200;
	[tilespmem:s1+$0x10] =	vst v1  }
.LBB2_17:
0x36c: {  	p1 =	sne.s32 s7, $0x1F00;
	v1 =	vld [tilespmem:s29+$0x800];
	_ =	sdelay $0x3  }
0x36d: {  	s1 =	sadd.s32 $0x80, s1  }
0x36e: {  	[tilespmem:s1+$0xFFFFFFE0] =	vst v1  }
0x36f: {  	v1 =	vld [tilespmem:s29+$0x810];
	_ =	sdelay $0x4  }
0x370: {  	[tilespmem:s1+$0xFFFFFFF0] =	vst v1  }
0x371: {  	v1 =	vld [tilespmem:s29+$0x820];
	_ =	sdelay $0x4  }
0x372: {  	[tilespmem:s1+$0x0] =	vst v1  }
0x373: {  	v1 =	vld [tilespmem:s29+$0x830]  }
.Ltmp13:
0x374: {  	(pc) =	sbr.rel @p1 .LBB2_17-.Ltmp13, $2  }
0x375: {  	_ =	sdelay $0x2  }
0x376: {  	s29 =	sshra.s32 s7, $0x2;
	s7 =	sadd.s32 $0x100, s7;
	[tilespmem:s1+$0x10] =	vst v1  }
0x377: {  	v1 =	vld [tilespmem:s29+$0x800];
	_ =	sdelay $0x3  }
0x378: {  	s1 =	sadd.s32 $0x80, s1  }
0x379: {  	[tilespmem:s1+$0xFFFFFFE0] =	vst v1  }
0x37a: {  	v1 =	vld [tilespmem:s29+$0x810];
	_ =	sdelay $0x4  }
0x37b: {  	[tilespmem:s1+$0xFFFFFFF0] =	vst v1  }
0x37c: {  	v1 =	vld [tilespmem:s29+$0x820];
	_ =	sdelay $0x4  }
0x37d: {  	[tilespmem:s1+$0x0] =	vst v1  }
0x37e: {  	v1 =	vld [tilespmem:s29+$0x830];
	_ =	sdelay $0x4  }
0x37f: {  	s15 =	simm.s32 $0x0;
	[tilespmem:s1+$0x10] =	vst v1  }
0x380: {  	[tilespmem:s4], [sflag:$0x1] =	stream.indirect.gather [hbm4b:s0+s30], $0x80, s15, s30, $0x2000b8;
	v63 =	vld [tilespmem:$0x0]  }
0x381: {  	_ = 	snop  }
0x382: {  	[tilespmem:s5], [sflag:$0x2] =	stream.indirect.gather [hbm4b:s0+s30], $0x80, s30, s30, $0x2000b8;
	v63 =	vld [tilespmem:$0x0]  }
0x383: {  	_ = 	snop  }
0x384: {  	[tilespmem:s6], [sflag:$0x3] =	stream.indirect.gather [hbm4b:s0+s30], $0x80, s26, s30, $0x2000b8;
	v63 =	vld [tilespmem:$0x0]  }
0x385: {  	s7 =	simm.s32 $0xC0  }
0x386: {  	[tilespmem:s8], [sflag:$0x4] =	stream.indirect.gather [hbm4b:s0+s30], $0x80, s7, s30, $0x2000b8;
	v63 =	vld [tilespmem:$0x0]  }
0x387: {  	_ =	swait.ge [sflag:s9], $0x2000  }
0x388: {  	[sflag:s9] =	ssyncset.done $0x0  }
0x389: {  	s15 =	simm.s32 $0x1000;
	[sflag:s9] =	ssyncadd.s32 $0xFFFFE000  }
0x38a: {  	[spmem:s2] =	stream.indirect.scatter.add.f32 [tilespmem:s4], [sflag:$0x5], $0x80, s15, s30, $0x2000b8;
	v63 =	vld [tilespmem:$0x0]  }
0x38b: {  	_ =	swait.ge [sflag:s25], $0x2000  }
0x38c: {  	[sflag:s25] =	ssyncset.done $0x0  }
0x38d: {  	s7 =	simm.s32 $0x100;
	[sflag:s25] =	ssyncadd.s32 $0xFFFFE000  }
0x38e: {  	[tilespmem:s4], [sflag:$0x1] =	stream.indirect.gather [hbm4b:s0+s30], $0x80, s7, s30, $0x2000b8;
	v63 =	vld [tilespmem:$0x0]  }
0x38f: {  	_ =	swait.ge [sflag:s10], $0x2000  }
0x390: {  	[sflag:s10] =	ssyncset.done $0x0  }
0x391: {  	s15 =	simm.s32 $0x1080;
	[sflag:s10] =	ssyncadd.s32 $0xFFFFE000  }
0x392: {  	[spmem:s2] =	stream.indirect.scatter.add.f32 [tilespmem:s5], [sflag:$0x5], $0x80, s15, s30, $0x2000b8;
	v63 =	vld [tilespmem:$0x0]  }
0x393: {  	_ =	swait.ge [sflag:s25], $0x2000  }
0x394: {  	[sflag:s25] =	ssyncset.done $0x0  }
0x395: {  	s7 =	simm.s32 $0x140;
	[sflag:s25] =	ssyncadd.s32 $0xFFFFE000  }
0x396: {  	[tilespmem:s5], [sflag:$0x2] =	stream.indirect.gather [hbm4b:s0+s30], $0x80, s7, s30, $0x2000b8;
	v63 =	vld [tilespmem:$0x0]  }
0x397: {  	_ =	swait.ge [sflag:s12], $0x2000  }
0x398: {  	[sflag:s12] =	ssyncset.done $0x0  }
0x399: {  	s15 =	simm.s32 $0x1100;
	[sflag:s12] =	ssyncadd.s32 $0xFFFFE000  }
0x39a: {  	[spmem:s2] =	stream.indirect.scatter.add.f32 [tilespmem:s6], [sflag:$0x5], $0x80, s15, s30, $0x2000b8;
	v63 =	vld [tilespmem:$0x0]  }
0x39b: {  	_ =	swait.ge [sflag:s25], $0x2000  }
0x39c: {  	[sflag:s25] =	ssyncset.done $0x0  }
0x39d: {  	s7 =	simm.s32 $0x180;
	[sflag:s25] =	ssyncadd.s32 $0xFFFFE000  }
0x39e: {  	[tilespmem:s6], [sflag:$0x3] =	stream.indirect.gather [hbm4b:s0+s30], $0x80, s7, s30, $0x2000b8;
	v63 =	vld [tilespmem:$0x0]  }
0x39f: {  	_ =	swait.ge [sflag:s13], $0x2000  }
0x3a0: {  	[sflag:s13] =	ssyncset.done $0x0  }
0x3a1: {  	s15 =	simm.s32 $0x1180;
	[sflag:s13] =	ssyncadd.s32 $0xFFFFE000  }
0x3a2: {  	[spmem:s2] =	stream.indirect.scatter.add.f32 [tilespmem:s8], [sflag:$0x5], $0x80, s15, s30, $0x2000b8;
	v63 =	vld [tilespmem:$0x0]  }
0x3a3: {  	_ =	swait.ge [sflag:s25], $0x2000  }
0x3a4: {  	s29 =	simm.s32 $0x1380;
	[sflag:s25] =	ssyncset.done $0x0  }
0x3a5: {  	s1 =	simm.s32 $0x400;
	s7 =	simm.s32 $0x1C0;
	[sflag:s25] =	ssyncadd.s32 $0xFFFFE000  }
.LBB2_19:
0x3a6: {  	[tilespmem:s8], [sflag:$0x4] =	stream.indirect.gather [hbm4b:s0+s30], $0x80, s7, s30, $0x2000b8;
	v63 =	vld [tilespmem:$0x0]  }
0x3a7: {  	s7 =	smov.u32 s1  }
0x3a8: {  	p1 =	sne.s32 s1, $0x1800;
	s1 =	sadd.s32 $0x400, s1;
	_ =	swait.ge [sflag:s9], $0x2000  }
0x3a9: {  	[sflag:s9] =	ssyncset.done $0x0  }
0x3aa: {  	s15 =	sadd.s32 $0xFFFFFE80, s29;
	[sflag:s9] =	ssyncadd.s32 $0xFFFFE000  }
0x3ab: {  	[spmem:s2] =	stream.indirect.scatter.add.f32 [tilespmem:s4], [sflag:$0x5], $0x80, s15, s30, $0x2000b8;
	v63 =	vld [tilespmem:$0x0]  }
0x3ac: {  	_ =	swait.ge [sflag:s25], $0x2000  }
0x3ad: {  	s7 =	sshra.s32 s7, $0x2;
	[sflag:s25] =	ssyncset.done $0x0  }
0x3ae: {  	s15 =	sadd.s32 $0x100, s7;
	[sflag:s25] =	ssyncadd.s32 $0xFFFFE000  }
0x3af: {  	[tilespmem:s4], [sflag:$0x1] =	stream.indirect.gather [hbm4b:s0+s30], $0x80, s15, s30, $0x2000b8;
	v63 =	vld [tilespmem:$0x0]  }
0x3b0: {  	_ =	swait.ge [sflag:s10], $0x2000  }
0x3b1: {  	[sflag:s10] =	ssyncset.done $0x0  }
0x3b2: {  	s15 =	sadd.s32 $0xFFFFFF00, s29;
	[sflag:s10] =	ssyncadd.s32 $0xFFFFE000  }
0x3b3: {  	[spmem:s2] =	stream.indirect.scatter.add.f32 [tilespmem:s5], [sflag:$0x5], $0x80, s15, s30, $0x2000b8;
	v63 =	vld [tilespmem:$0x0]  }
0x3b4: {  	_ =	swait.ge [sflag:s25], $0x2000  }
0x3b5: {  	[sflag:s25] =	ssyncset.done $0x0  }
0x3b6: {  	s15 =	sadd.s32 $0x140, s7;
	[sflag:s25] =	ssyncadd.s32 $0xFFFFE000  }
0x3b7: {  	[tilespmem:s5], [sflag:$0x2] =	stream.indirect.gather [hbm4b:s0+s30], $0x80, s15, s30, $0x2000b8;
	v63 =	vld [tilespmem:$0x0]  }
0x3b8: {  	_ =	swait.ge [sflag:s12], $0x2000  }
0x3b9: {  	[sflag:s12] =	ssyncset.done $0x0  }
0x3ba: {  	s15 =	sadd.s32 $0xFFFFFF80, s29;
	[sflag:s12] =	ssyncadd.s32 $0xFFFFE000  }
0x3bb: {  	[spmem:s2] =	stream.indirect.scatter.add.f32 [tilespmem:s6], [sflag:$0x5], $0x80, s15, s30, $0x2000b8;
	v63 =	vld [tilespmem:$0x0]  }
0x3bc: {  	_ =	swait.ge [sflag:s25], $0x2000  }
0x3bd: {  	[sflag:s25] =	ssyncset.done $0x0  }
0x3be: {  	s15 =	sadd.s32 $0x180, s7;
	[sflag:s25] =	ssyncadd.s32 $0xFFFFE000  }
0x3bf: {  	[tilespmem:s6], [sflag:$0x3] =	stream.indirect.gather [hbm4b:s0+s30], $0x80, s15, s30, $0x2000b8;
	v63 =	vld [tilespmem:$0x0]  }
0x3c0: {  	_ =	swait.ge [sflag:s13], $0x2000  }
0x3c1: {  	[sflag:s13] =	ssyncset.done $0x0  }
.Ltmp14:
0x3c2: {  	[sflag:s13] =	ssyncadd.s32 $0xFFFFE000;
	(pc) =	sbr.rel @p1 .LBB2_19-.Ltmp14, $4  }
0x3c3: {  	[spmem:s2] =	stream.indirect.scatter.add.f32 [tilespmem:s8], [sflag:$0x5], $0x80, s29, s30, $0x2000b8;
	v63 =	vld [tilespmem:$0x0]  }
0x3c4: {  	_ =	swait.ge [sflag:s25], $0x2000  }
0x3c5: {  	[sflag:s25] =	ssyncset.done $0x0  }
0x3c6: {  	s7 =	sadd.s32 $0x1C0, s7;
	s29 =	sadd.s32 $0x200, s29;
	[sflag:s25] =	ssyncadd.s32 $0xFFFFE000  }
0x3c7: {  	[tilespmem:s8], [sflag:$0x4] =	stream.indirect.gather [hbm4b:s0+s30], $0x80, s7, s30, $0x2000b8;
	v63 =	vld [tilespmem:$0x0]  }
0x3c8: {  	_ =	swait.ge [sflag:s9], $0x2000  }
0x3c9: {  	[sflag:s9] =	ssyncset.done $0x0  }
0x3ca: {  	s1 =	simm.s32 $0x1E00;
	[sflag:s9] =	ssyncadd.s32 $0xFFFFE000  }
0x3cb: {  	[spmem:s2] =	stream.indirect.scatter.add.f32 [tilespmem:s4], [sflag:$0x5], $0x80, s1, s30, $0x2000b8;
	v63 =	vld [tilespmem:$0x0]  }
0x3cc: {  	_ =	swait.ge [sflag:s25], $0x2000  }
0x3cd: {  	[sflag:s25] =	ssyncset.done $0x0  }
0x3ce: {  	[sflag:s25] =	ssyncadd.s32 $0xFFFFE000  }
0x3cf: {  	_ =	swait.ge [sflag:s10], $0x2000  }
0x3d0: {  	[sflag:s10] =	ssyncset.done $0x0  }
0x3d1: {  	s15 =	simm.s32 $0x1E80;
	[sflag:s10] =	ssyncadd.s32 $0xFFFFE000  }
0x3d2: {  	[spmem:s2] =	stream.indirect.scatter.add.f32 [tilespmem:s5], [sflag:$0x5], $0x80, s15, s30, $0x2000b8;
	v63 =	vld [tilespmem:$0x0]  }
0x3d3: {  	_ =	swait.ge [sflag:s25], $0x2000  }
0x3d4: {  	[sflag:s25] =	ssyncset.done $0x0  }
0x3d5: {  	[sflag:s25] =	ssyncadd.s32 $0xFFFFE000  }
0x3d6: {  	_ =	swait.ge [sflag:s12], $0x2000  }
0x3d7: {  	[sflag:s12] =	ssyncset.done $0x0  }
0x3d8: {  	s7 =	simm.s32 $0x1F00;
	[sflag:s12] =	ssyncadd.s32 $0xFFFFE000  }
0x3d9: {  	[spmem:s2] =	stream.indirect.scatter.add.f32 [tilespmem:s6], [sflag:$0x5], $0x80, s7, s30, $0x2000b8;
	v63 =	vld [tilespmem:$0x0]  }
0x3da: {  	_ =	swait.ge [sflag:s25], $0x2000  }
0x3db: {  	[sflag:s25] =	ssyncset.done $0x0  }
0x3dc: {  	[sflag:s25] =	ssyncadd.s32 $0xFFFFE000  }
0x3dd: {  	_ =	swait.ge [sflag:s13], $0x2000  }
0x3de: {  	[sflag:s13] =	ssyncset.done $0x0  }
0x3df: {  	s15 =	simm.s32 $0x1F80;
	[sflag:s13] =	ssyncadd.s32 $0xFFFFE000  }
0x3e0: {  	[spmem:s2] =	stream.indirect.scatter.add.f32 [tilespmem:s8], [sflag:$0x5], $0x80, s15, s30, $0x2000b8;
	v63 =	vld [tilespmem:$0x0]  }
0x3e1: {  	_ =	swait.ge [sflag:s25], $0x2000  }
0x3e2: {  	[sflag:s25] =	ssyncset.done $0x0  }
0x3e3: {  	s7 =	simm.s32 $0x0;
	s15 =	rddreg [dreg:$0x19];
	[sflag:s25] =	ssyncadd.s32 $0xFFFFE000  }
0x3e4: {  	[tilespmem:s7], [sflag:$0x5] =	stream.strided.gather [hbm4b:s15+s26], $0x800, s28, s26, $0x200038;
	v63 =	vld [tilespmem:$0x0]  }
0x3e5: {  	_ =	swait.ge [sflag:s25], $0x800  }
0x3e6: {  	[sflag:s25] =	ssyncset.done $0x0;
	s7 =	rddreg [dreg:$0x14]  }
0x3e7: {  	s15 =	simm.s32 $0x800;
	[sflag:s25] =	ssyncadd.s32 $0xFFFFF800;
	s1 =	sadd.s32 s7, s11  }
0x3e8: {  	[tilespmem:s15], [sflag:$0x5] =	stream.strided.gather [hbm4b:s1+s26], $0x800, s28, s26, $0x200038;
	v63 =	vld [tilespmem:$0x0]  }
0x3e9: {  	_ =	swait.ge [sflag:s25], $0x800  }
0x3ea: {  	[sflag:s25] =	ssyncset.done $0x0  }
0x3eb: {  	s15 =	simm.s32 $0x0;
	[sflag:s25] =	ssyncadd.s32 $0xFFFFF800  }
0x3ec: {  	v1 =	vld [tilespmem:s15+$0x800];
	_ =	sdelay $0x3  }
0x3ed: {  	s1 =	simm.s32 $0x1020  }
0x3ee: {  	[tilespmem:s1+$0xFFFFFFE0] =	vst v1  }
0x3ef: {  	v1 =	vld [tilespmem:s15+$0x810];
	_ =	sdelay $0x4  }
0x3f0: {  	[tilespmem:s1+$0xFFFFFFF0] =	vst v1  }
0x3f1: {  	v1 =	vld [tilespmem:s15+$0x820];
	_ =	sdelay $0x4  }
0x3f2: {  	[tilespmem:s1+$0x0] =	vst v1  }
0x3f3: {  	v1 =	vld [tilespmem:s15+$0x830];
	_ =	sdelay $0x4  }
0x3f4: {  	s29 =	simm.s32 $0x40;
	s7 =	simm.s32 $0x200;
	[tilespmem:s1+$0x10] =	vst v1  }
.LBB2_21:
0x3f5: {  	p1 =	sne.s32 s7, $0x1F00;
	v1 =	vld [tilespmem:s29+$0x800];
	_ =	sdelay $0x3  }
0x3f6: {  	s1 =	sadd.s32 $0x80, s1  }
0x3f7: {  	[tilespmem:s1+$0xFFFFFFE0] =	vst v1  }
0x3f8: {  	v1 =	vld [tilespmem:s29+$0x810];
	_ =	sdelay $0x4  }
0x3f9: {  	[tilespmem:s1+$0xFFFFFFF0] =	vst v1  }
0x3fa: {  	v1 =	vld [tilespmem:s29+$0x820];
	_ =	sdelay $0x4  }
0x3fb: {  	[tilespmem:s1+$0x0] =	vst v1  }
0x3fc: {  	v1 =	vld [tilespmem:s29+$0x830]  }
.Ltmp15:
0x3fd: {  	(pc) =	sbr.rel @p1 .LBB2_21-.Ltmp15, $2  }
0x3fe: {  	_ =	sdelay $0x2  }
0x3ff: {  	s29 =	sshra.s32 s7, $0x2;
	s7 =	sadd.s32 $0x100, s7;
	[tilespmem:s1+$0x10] =	vst v1  }
0x400: {  	v1 =	vld [tilespmem:s29+$0x800];
	_ =	sdelay $0x3  }
0x401: {  	s1 =	sadd.s32 $0x80, s1  }
0x402: {  	[tilespmem:s1+$0xFFFFFFE0] =	vst v1  }
0x403: {  	v1 =	vld [tilespmem:s29+$0x810];
	_ =	sdelay $0x4  }
0x404: {  	[tilespmem:s1+$0xFFFFFFF0] =	vst v1  }
0x405: {  	v1 =	vld [tilespmem:s29+$0x820];
	_ =	sdelay $0x4  }
0x406: {  	[tilespmem:s1+$0x0] =	vst v1  }
0x407: {  	v1 =	vld [tilespmem:s29+$0x830];
	_ =	sdelay $0x4  }
0x408: {  	s15 =	simm.s32 $0x0;
	[tilespmem:s1+$0x10] =	vst v1  }
0x409: {  	[tilespmem:s4], [sflag:$0x1] =	stream.indirect.gather [hbm4b:s0+s30], $0x80, s15, s30, $0x2000b8;
	v63 =	vld [tilespmem:$0x0]  }
0x40a: {  	_ = 	snop  }
0x40b: {  	[tilespmem:s5], [sflag:$0x2] =	stream.indirect.gather [hbm4b:s0+s30], $0x80, s30, s30, $0x2000b8;
	v63 =	vld [tilespmem:$0x0]  }
0x40c: {  	_ = 	snop  }
0x40d: {  	[tilespmem:s6], [sflag:$0x3] =	stream.indirect.gather [hbm4b:s0+s30], $0x80, s26, s30, $0x2000b8;
	v63 =	vld [tilespmem:$0x0]  }
0x40e: {  	s7 =	simm.s32 $0xC0  }
0x40f: {  	[tilespmem:s8], [sflag:$0x4] =	stream.indirect.gather [hbm4b:s0+s30], $0x80, s7, s30, $0x2000b8;
	v63 =	vld [tilespmem:$0x0]  }
0x410: {  	_ =	swait.ge [sflag:s9], $0x2000  }
0x411: {  	[sflag:s9] =	ssyncset.done $0x0  }
0x412: {  	s15 =	simm.s32 $0x1000;
	[sflag:s9] =	ssyncadd.s32 $0xFFFFE000  }
0x413: {  	[spmem:s2] =	stream.indirect.scatter.add.f32 [tilespmem:s4], [sflag:$0x5], $0x80, s15, s30, $0x2000b8;
	v63 =	vld [tilespmem:$0x0]  }
0x414: {  	_ =	swait.ge [sflag:s25], $0x2000  }
0x415: {  	[sflag:s25] =	ssyncset.done $0x0  }
0x416: {  	s7 =	simm.s32 $0x100;
	[sflag:s25] =	ssyncadd.s32 $0xFFFFE000  }
0x417: {  	[tilespmem:s4], [sflag:$0x1] =	stream.indirect.gather [hbm4b:s0+s30], $0x80, s7, s30, $0x2000b8;
	v63 =	vld [tilespmem:$0x0]  }
0x418: {  	_ =	swait.ge [sflag:s10], $0x2000  }
0x419: {  	[sflag:s10] =	ssyncset.done $0x0  }
0x41a: {  	s15 =	simm.s32 $0x1080;
	[sflag:s10] =	ssyncadd.s32 $0xFFFFE000  }
0x41b: {  	[spmem:s2] =	stream.indirect.scatter.add.f32 [tilespmem:s5], [sflag:$0x5], $0x80, s15, s30, $0x2000b8;
	v63 =	vld [tilespmem:$0x0]  }
0x41c: {  	_ =	swait.ge [sflag:s25], $0x2000  }
0x41d: {  	[sflag:s25] =	ssyncset.done $0x0  }
0x41e: {  	s7 =	simm.s32 $0x140;
	[sflag:s25] =	ssyncadd.s32 $0xFFFFE000  }
0x41f: {  	[tilespmem:s5], [sflag:$0x2] =	stream.indirect.gather [hbm4b:s0+s30], $0x80, s7, s30, $0x2000b8;
	v63 =	vld [tilespmem:$0x0]  }
0x420: {  	_ =	swait.ge [sflag:s12], $0x2000  }
0x421: {  	[sflag:s12] =	ssyncset.done $0x0  }
0x422: {  	s15 =	simm.s32 $0x1100;
	[sflag:s12] =	ssyncadd.s32 $0xFFFFE000  }
0x423: {  	[spmem:s2] =	stream.indirect.scatter.add.f32 [tilespmem:s6], [sflag:$0x5], $0x80, s15, s30, $0x2000b8;
	v63 =	vld [tilespmem:$0x0]  }
0x424: {  	_ =	swait.ge [sflag:s25], $0x2000  }
0x425: {  	[sflag:s25] =	ssyncset.done $0x0  }
0x426: {  	s7 =	simm.s32 $0x180;
	[sflag:s25] =	ssyncadd.s32 $0xFFFFE000  }
0x427: {  	[tilespmem:s6], [sflag:$0x3] =	stream.indirect.gather [hbm4b:s0+s30], $0x80, s7, s30, $0x2000b8;
	v63 =	vld [tilespmem:$0x0]  }
0x428: {  	_ =	swait.ge [sflag:s13], $0x2000  }
0x429: {  	p1 =	por $0x0, $0x0;
	[sflag:s13] =	ssyncset.done $0x0  }
.Ltmp16:
0x42a: {  	s15 =	simm.s32 $0x1180;
	[sflag:s13] =	ssyncadd.s32 $0xFFFFE000;
	(pc) =	sbr.rel @p1 .LBB2_24-.Ltmp16, $4  }
0x42b: {  	[spmem:s2] =	stream.indirect.scatter.add.f32 [tilespmem:s8], [sflag:$0x5], $0x80, s15, s30, $0x2000b8;
	v63 =	vld [tilespmem:$0x0]  }
0x42c: {  	_ =	swait.ge [sflag:s25], $0x2000  }
0x42d: {  	s29 =	simm.s32 $0x1380;
	[sflag:s25] =	ssyncset.done $0x0  }
0x42e: {  	s1 =	simm.s32 $0x400;
	s7 =	simm.s32 $0x1C0;
	[sflag:s25] =	ssyncadd.s32 $0xFFFFE000  }
.LBB2_23:
0x42f: {  	[tilespmem:s8], [sflag:$0x4] =	stream.indirect.gather [hbm4b:s0+s30], $0x80, s7, s30, $0x2000b8;
	v63 =	vld [tilespmem:$0x0]  }
0x430: {  	s7 =	smov.u32 s1  }
0x431: {  	p1 =	seq.s32 s1, $0x1800;
	s1 =	sadd.s32 $0x400, s1;
	_ =	swait.ge [sflag:s9], $0x2000  }
0x432: {  	[sflag:s9] =	ssyncset.done $0x0  }
0x433: {  	s15 =	sadd.s32 $0xFFFFFE80, s29;
	[sflag:s9] =	ssyncadd.s32 $0xFFFFE000  }
0x434: {  	[spmem:s2] =	stream.indirect.scatter.add.f32 [tilespmem:s4], [sflag:$0x5], $0x80, s15, s30, $0x2000b8;
	v63 =	vld [tilespmem:$0x0]  }
0x435: {  	_ =	swait.ge [sflag:s25], $0x2000  }
0x436: {  	s7 =	sshra.s32 s7, $0x2;
	[sflag:s25] =	ssyncset.done $0x0  }
0x437: {  	s15 =	sadd.s32 $0x100, s7;
	[sflag:s25] =	ssyncadd.s32 $0xFFFFE000  }
0x438: {  	[tilespmem:s4], [sflag:$0x1] =	stream.indirect.gather [hbm4b:s0+s30], $0x80, s15, s30, $0x2000b8;
	v63 =	vld [tilespmem:$0x0]  }
0x439: {  	_ =	swait.ge [sflag:s10], $0x2000  }
0x43a: {  	[sflag:s10] =	ssyncset.done $0x0  }
0x43b: {  	s15 =	sadd.s32 $0xFFFFFF00, s29;
	[sflag:s10] =	ssyncadd.s32 $0xFFFFE000  }
0x43c: {  	[spmem:s2] =	stream.indirect.scatter.add.f32 [tilespmem:s5], [sflag:$0x5], $0x80, s15, s30, $0x2000b8;
	v63 =	vld [tilespmem:$0x0]  }
0x43d: {  	_ =	swait.ge [sflag:s25], $0x2000  }
0x43e: {  	[sflag:s25] =	ssyncset.done $0x0  }
0x43f: {  	s15 =	sadd.s32 $0x140, s7;
	[sflag:s25] =	ssyncadd.s32 $0xFFFFE000  }
0x440: {  	[tilespmem:s5], [sflag:$0x2] =	stream.indirect.gather [hbm4b:s0+s30], $0x80, s15, s30, $0x2000b8;
	v63 =	vld [tilespmem:$0x0]  }
0x441: {  	_ =	swait.ge [sflag:s12], $0x2000  }
0x442: {  	[sflag:s12] =	ssyncset.done $0x0  }
0x443: {  	s15 =	sadd.s32 $0xFFFFFF80, s29;
	[sflag:s12] =	ssyncadd.s32 $0xFFFFE000  }
0x444: {  	[spmem:s2] =	stream.indirect.scatter.add.f32 [tilespmem:s6], [sflag:$0x5], $0x80, s15, s30, $0x2000b8;
	v63 =	vld [tilespmem:$0x0]  }
0x445: {  	_ =	swait.ge [sflag:s25], $0x2000  }
0x446: {  	[sflag:s25] =	ssyncset.done $0x0  }
0x447: {  	s15 =	sadd.s32 $0x180, s7;
	[sflag:s25] =	ssyncadd.s32 $0xFFFFE000  }
0x448: {  	[tilespmem:s6], [sflag:$0x3] =	stream.indirect.gather [hbm4b:s0+s30], $0x80, s15, s30, $0x2000b8;
	v63 =	vld [tilespmem:$0x0]  }
0x449: {  	_ =	swait.ge [sflag:s13], $0x2000  }
0x44a: {  	[sflag:s13] =	ssyncset.done $0x0  }
.Ltmp17:
0x44b: {  	[sflag:s13] =	ssyncadd.s32 $0xFFFFE000;
	(pc) =	sbr.rel @!p1 .LBB2_23-.Ltmp17, $4  }
0x44c: {  	[spmem:s2] =	stream.indirect.scatter.add.f32 [tilespmem:s8], [sflag:$0x5], $0x80, s29, s30, $0x2000b8;
	v63 =	vld [tilespmem:$0x0]  }
0x44d: {  	_ =	swait.ge [sflag:s25], $0x2000  }
0x44e: {  	[sflag:s25] =	ssyncset.done $0x0  }
0x44f: {  	s7 =	sadd.s32 $0x1C0, s7;
	s29 =	sadd.s32 $0x200, s29;
	[sflag:s25] =	ssyncadd.s32 $0xFFFFE000  }
.Ltmp18:
0x450: {  	_ = 	snop;
	(pc) =	sbr.rel .LBB2_24-.Ltmp18, $1  }
0x451: {  	_ =	sdelay $0x3  }
.LBB2_31:
0x452: {  	_ =	sfence.sel $0x180000  }
0x453: {  	[bflag:$0x0] =	sbarrier.arrive $0xFFFF  }
0x454: {  	_ =	strace $0x90000047  }
0x455: {  	s0 =	stileid.u32;
	[bflag:$0x2] =	sbarrier.arrive $0xFFFF  }
0x456: {  	p0 =	sne.s32 s0, $0x0;
	s0 =	rddreg [dreg:$0x4]  }
0x457: {  	s0 =	sadd.s32 @!p0 $0x100000, s0  }
0x458: {  	[sflag:s0] =	ssyncadd.tile.s32 @!p0 $0x1;
	_ =	shalt  }
.Lfunc_end2:
_tile_overlayer_lowered:
.L_overlay_start_2:
0x459: {  	(tag) =	ssettag $0x2  }
0x45a: {  	s0 =	rddreg [dreg:$0x0];
	s2 =	stileid.u32  }
0x45b: {  	s1 =	rddreg [dreg:$0x1];
	p0 =	sne.s32 s2, $0x0  }
0x45c: {  	s3 =	rddreg [dreg:$0x2];
	[bflag:$0x3] =	sbarrier.arrive $0xFFFF;
	s2 =	simm.s32 @!p0 $0x1C05  }
0x45d: {  	[timem:s3], [sflag:s2] =	dma.local @!p0 [hbm:s0], s1  }
0x45e: {  	s0 =	simm.s32 @!p0 $0x5  }
0x45f: {  	_ =	swait.ge @!p0 [sflag:s0], s1  }
0x460: {  	s1 =	ssub.s32 @!p0 $0x0, s1;
	[sflag:s0] =	ssyncset.done @!p0 $0x0  }
0x461: {  	[sflag:s0] =	ssyncadd.s32 @!p0 s1  }
0x462: {  	[bflag:$0x3] =	sbarrier.arrive $0xFFFF  }
0x463: {  	_ =	shalt  }

</sc_bundles>
